<compile_context>
chip_gen: v7x
topology: tpu7x:2x2x1
jax: 0.10.2.dev20260603
libtpu: 0.0.44.dev20260713+nightly
codegen_flags: <defaults>
</compile_context>

<pallas_src>
import functools

import jax
import jax.numpy as jnp
from jax import lax
from jax.experimental import pallas as pl
from jax.experimental.pallas import tpu as pltpu
from jax.experimental.pallas import tpu_sc as plsc

N_FACTORS = 32
_LANES = 128
_RING = 8

_info = plsc.get_sparse_core_info()
_NC, _NS, _L = _info.num_cores, _info.num_subcores, _info.num_lanes
_NW = _NC * _NS


@functools.partial(jax.jit, static_argnames=("batch", "n_rows"))
def _run(uidx, midx, user_t, movie_t, utail, mtail, batch, n_rows):
    b_per_w = batch // _NW
    n_groups = b_per_w // _L
    last_blk = ((n_rows - _LANES) // _LANES) * _LANES
    tail_lo = last_blk + _LANES
    tail_start = n_rows - _LANES

    mesh = plsc.VectorSubcoreMesh(core_axis_name="c", subcore_axis_name="s")

    @functools.partial(
        pl.kernel,
        mesh=mesh,
        out_type=jax.ShapeDtypeStruct((batch,), jnp.float32),
        compiler_params=pltpu.CompilerParams(needs_layout_passes=False),
        scratch_types=[
            pltpu.VMEM((b_per_w,), jnp.int32),
            pltpu.VMEM((b_per_w,), jnp.int32),
            pltpu.VMEM((N_FACTORS, _RING * _LANES), jnp.float32),
            pltpu.VMEM((N_FACTORS, _RING * _LANES), jnp.float32),
            pltpu.VMEM((N_FACTORS, _LANES), jnp.float32),
            pltpu.VMEM((N_FACTORS, _LANES), jnp.float32),
            pltpu.VMEM((b_per_w,), jnp.float32),
            pltpu.VMEM((_L * _L,), jnp.float32),
            [pltpu.SemaphoreType.DMA] * _RING,
        ],
    )
    def mf_kernel(uidx_hbm, midx_hbm, user_hbm, movie_hbm,
                  utail_hbm, mtail_hbm, out_hbm,
                  uid_v, mid_v, utile_v, mtile_v, utail_v, mtail_v,
                  out_v, g_v, sems):
        cid = lax.axis_index("c")
        sid = lax.axis_index("s")
        base = pl.multiple_of(sid * (_NC * b_per_w) + cid * b_per_w, _LANES)

        pltpu.sync_copy(uidx_hbm.at[pl.ds(base, b_per_w)], uid_v)
        pltpu.sync_copy(midx_hbm.at[pl.ds(base, b_per_w)], mid_v)
        pltpu.sync_copy(utail_hbm, utail_v)
        pltpu.sync_copy(mtail_hbm, mtail_v)

        lane = lax.iota(jnp.int32, _L)
        blk_mask = jnp.full((_L,), ~(_LANES - 1), jnp.int32)
        blk_max = jnp.full((_L,), last_blk, jnp.int32)

        def blocks_of(p16):
            uids = uid_v[pl.ds(p16, _L)]
            mids = mid_v[pl.ds(p16, _L)]
            ublk = jnp.minimum(uids & blk_mask, blk_max)
            mblk = jnp.minimum(mids & blk_mask, blk_max)
            return uids, mids, ublk, mblk

        def fire_one(ublk_k, mblk_k, slot):
            dst = slot * _LANES
            pltpu.async_copy(
                user_hbm.at[:, pl.ds(pl.multiple_of(ublk_k, _LANES), _LANES)],
                utile_v.at[:, pl.ds(dst, _LANES)], sems[slot])
            pltpu.async_copy(
                movie_hbm.at[:, pl.ds(pl.multiple_of(mblk_k, _LANES), _LANES)],
                mtile_v.at[:, pl.ds(dst, _LANES)], sems[slot])

        def drain(slot):
            off = slot * _LANES
            pltpu.make_async_copy(
                user_hbm.at[:, pl.ds(0, _LANES)],
                utile_v.at[:, pl.ds(off, _LANES)], sems[slot]).wait()
            pltpu.make_async_copy(
                movie_hbm.at[:, pl.ds(0, _LANES)],
                mtile_v.at[:, pl.ds(off, _LANES)], sems[slot]).wait()

        _, _, ub0, mb0 = blocks_of(0)
        for s in range(_RING):
            fire_one(ub0[s], mb0[s], s)

        lo16 = lax.iota(jnp.int32, _L)
        hi16 = lo16 + _L

        def dot_cols(tile_ref, tail_ref, col, tail_col, is_tail):
            sel = jnp.full((_L,), is_tail, jnp.int32) > 0
            a0 = plsc.load_gather(tile_ref, [lo16, col])
            a1 = plsc.load_gather(tile_ref, [hi16, col])
            t0 = plsc.load_gather(tail_ref, [lo16, tail_col])
            t1 = plsc.load_gather(tail_ref, [hi16, tail_col])
            return jnp.where(sel, t0, a0), jnp.where(sel, t1, a1)

        def group(p16, last):
            uids, mids, ublk, mblk = blocks_of(p16)
            ulane = jnp.minimum(uids - ublk, _LANES - 1)
            mlane = jnp.minimum(mids - mblk, _LANES - 1)
            utailc = jnp.maximum(uids - tail_start, 0)
            mtailc = jnp.maximum(mids - tail_start, 0)
            utl = (uids >= tail_lo).astype(jnp.int32)
            mtl = (mids >= tail_lo).astype(jnp.int32)
            nblk = [None, None]
            if last:
                nblk[0], nblk[1] = ublk, mblk
            for j in range(_L):
                slot = j % _RING
                if slot == 0 and not last:
                    _, _, nblk[0], nblk[1] = blocks_of(p16 + j + _RING)
                drain(slot)
                ucol = jnp.full((_L,), slot * _LANES + ulane[j], jnp.int32)
                mcol = jnp.full((_L,), slot * _LANES + mlane[j], jnp.int32)
                utc = jnp.full((_L,), utailc[j], jnp.int32)
                mtc = jnp.full((_L,), mtailc[j], jnp.int32)
                u0, u1 = dot_cols(utile_v, utail_v, ucol, utc, utl[j])
                m0, m1 = dot_cols(mtile_v, mtail_v, mcol, mtc, mtl[j])
                g_v[pl.ds(j * _L, _L)] = u0 * m0 + u1 * m1
                if not last:
                    fire_one(nblk[0][slot], nblk[1][slot], slot)
                elif j < _RING:
                    fire_one(nblk[0][_RING + j], nblk[1][_RING + j], slot)

            acc = jnp.zeros((_L,), jnp.float32)
            for c in range(_L):
                acc = acc + plsc.load_gather(g_v, [lane * _L + c])
            out_v[pl.ds(p16, _L)] = acc

        def body(i, carry):
            group(i * _L, last=False)
            return carry

        lax.fori_loop(0, n_groups - 1, body, 0)
        group(b_per_w - _L, last=True)
        pltpu.sync_copy(out_v, out_hbm.at[pl.ds(base, b_per_w)])

    return mf_kernel(uidx, midx, user_t, movie_t, utail, mtail)


def kernel(x, user_emb, movie_emb):
    n_rows = user_emb.shape[0]
    user_t = user_emb.T
    movie_t = movie_emb.T
    utail = user_t[:, n_rows - _LANES:]
    mtail = movie_t[:, n_rows - _LANES:]
    return _run(x[0], x[1], user_t, movie_t, utail, mtail,
                x.shape[1], n_rows)

# --- scband reference (transcript-rebuilt; emitter-appended) ---
"""Pipeline reference for scband-matrix-factorization-44659069944451 (READ-ONLY COPY).

The authoritative reference and input builder live on the scoring server;
editing this copy changes nothing except your own understanding.
"""

import jax, jax.numpy as jnp
import numpy as np

NUM_USERS = 1000000
NUM_MOVIES = 1000000
N_FACTORS = 32
BATCH = 16384

def setup_inputs(seed: int = 0) -> dict:
    key = jax.random.key(seed)
    k1, k2, k3 = jax.random.split(key, 3)
    x = jax.random.randint(k1, (2, BATCH), 0, NUM_USERS, dtype=jnp.int64 if jax.config.jax_enable_x64 else jnp.int32).astype(jnp.int32)
    user_emb = jax.random.normal(k2, (NUM_USERS, N_FACTORS), dtype=jnp.float32)
    movie_emb = jax.random.normal(k3, (NUM_MOVIES, N_FACTORS), dtype=jnp.float32)
    return {"x": x, "user_emb": user_emb, "movie_emb": movie_emb}

def reference(x, user_emb, movie_emb):
    user = x[0]
    movie = x[1]
    u = jnp.take(user_emb, user, axis=0)
    m = jnp.take(movie_emb, movie, axis=0)
    return (u * m).sum(1)

if __name__ == "__main__":
    import jax
    _d = setup_inputs()
    print(jax.jit(kernel)(*tuple(_d.values())))

</pallas_src>

<mosaic_0001>
#map = affine_map<(d0, d1) -> (0)>
#map1 = affine_map<(d0, d1) -> (0, 0)>
module attributes {stable_mosaic.version = 14 : i64} {
  func.func @mf_kernel(%arg0: i32, %arg1: i32, %arg2: memref<16384xi32, #tpu.memory_space<hbm>>, %arg3: memref<16384xi32, #tpu.memory_space<hbm>>, %arg4: memref<32x1000000xf32, #tpu.memory_space<hbm>>, %arg5: memref<32x1000000xf32, #tpu.memory_space<hbm>>, %arg6: memref<32x128xf32, #tpu.memory_space<hbm>>, %arg7: memref<32x128xf32, #tpu.memory_space<hbm>>, %arg8: memref<16384xf32, #tpu.memory_space<hbm>>, %arg9: memref<512xi32, #tpu.memory_space<vmem>>, %arg10: memref<512xi32, #tpu.memory_space<vmem>>, %arg11: memref<32x1024xf32, #tpu.memory_space<vmem>>, %arg12: memref<32x1024xf32, #tpu.memory_space<vmem>>, %arg13: memref<32x128xf32, #tpu.memory_space<vmem>>, %arg14: memref<32x128xf32, #tpu.memory_space<vmem>>, %arg15: memref<512xf32, #tpu.memory_space<vmem>>, %arg16: memref<256xf32, #tpu.memory_space<vmem>>, %arg17: memref<!tpu.dma_semaphore, #tpu.memory_space<semaphore_mem>>, %arg18: memref<!tpu.dma_semaphore, #tpu.memory_space<semaphore_mem>>, %arg19: memref<!tpu.dma_semaphore, #tpu.memory_space<semaphore_mem>>, %arg20: memref<!tpu.dma_semaphore, #tpu.memory_space<semaphore_mem>>, %arg21: memref<!tpu.dma_semaphore, #tpu.memory_space<semaphore_mem>>, %arg22: memref<!tpu.dma_semaphore, #tpu.memory_space<semaphore_mem>>, %arg23: memref<!tpu.dma_semaphore, #tpu.memory_space<semaphore_mem>>, %arg24: memref<!tpu.dma_semaphore, #tpu.memory_space<semaphore_mem>>) attributes {dimension_semantics = [#tpu.dimension_semantics<core_parallel>, #tpu.dimension_semantics<subcore_parallel>], iteration_bounds = array<i64: 2, 16>, scalar_prefetch = 0 : i64, scratch_operands = 16 : i64, tpu.core_type = #tpu.core_type<sc_vector_subcore>, window_params = [{transform_indices = #map}, {transform_indices = #map}, {transform_indices = #map1}, {transform_indices = #map1}, {transform_indices = #map1}, {transform_indices = #map1}, {transform_indices = #map}]} {
    %mul3A = arith.constant 1024 : i32
    %mul3A_0 = arith.muli %arg1, %mul3A : i32
    %mul3A_1 = arith.constant 512 : i32
    %mul3A_2 = arith.muli %arg0, %mul3A_1 : i32
    %add3A = arith.addi %mul3A_0, %mul3A_2 : i32
    %multiple_of3A = tpu.assume_multiple %add3A, 128 : i32
    "tpu.region"() ({
      %run_scoped3A = tpu.sem_alloc : memref<!tpu.dma_semaphore, #tpu.memory_space<semaphore_mem>>
      %dma_start3A_1696 = tpu.memref_slice %arg2[%multiple_of3A] : memref<16384xi32, #tpu.memory_space<hbm>> -> memref<512xi32, #tpu.memory_space<hbm>>
      %dma_start3A_1697 = tpu.memref_slice %arg2[%multiple_of3A] : memref<16384xi32, #tpu.memory_space<hbm>> -> memref<512xi32, #tpu.memory_space<hbm>>
      tpu.enqueue_dma source(%dma_start3A_1697 : memref<512xi32, #tpu.memory_space<hbm>>) target(%arg9 : memref<512xi32, #tpu.memory_space<vmem>>) target_semaphore(%run_scoped3A : memref<!tpu.dma_semaphore, #tpu.memory_space<semaphore_mem>>)
      %dma_wait3A_1698 = tpu.memref_slice %arg2[%multiple_of3A] : memref<16384xi32, #tpu.memory_space<hbm>> -> memref<512xi32, #tpu.memory_space<hbm>>
      %dma_wait3A_1699 = tpu.memref_slice %arg2[%multiple_of3A] : memref<16384xi32, #tpu.memory_space<hbm>> -> memref<512xi32, #tpu.memory_space<hbm>>
      tpu.wait_dma2 semaphore(%run_scoped3A : memref<!tpu.dma_semaphore, #tpu.memory_space<semaphore_mem>>) src(%dma_wait3A_1699 : memref<512xi32, #tpu.memory_space<hbm>>) dst(%arg9 : memref<512xi32, #tpu.memory_space<vmem>>)
      tpu.yield
    }) : () -> ()
    "tpu.region"() ({
      %run_scoped3A = tpu.sem_alloc : memref<!tpu.dma_semaphore, #tpu.memory_space<semaphore_mem>>
      %dma_start3A_1696 = tpu.memref_slice %arg3[%multiple_of3A] : memref<16384xi32, #tpu.memory_space<hbm>> -> memref<512xi32, #tpu.memory_space<hbm>>
      %dma_start3A_1697 = tpu.memref_slice %arg3[%multiple_of3A] : memref<16384xi32, #tpu.memory_space<hbm>> -> memref<512xi32, #tpu.memory_space<hbm>>
      tpu.enqueue_dma source(%dma_start3A_1697 : memref<512xi32, #tpu.memory_space<hbm>>) target(%arg10 : memref<512xi32, #tpu.memory_space<vmem>>) target_semaphore(%run_scoped3A : memref<!tpu.dma_semaphore, #tpu.memory_space<semaphore_mem>>)
      %dma_wait3A_1698 = tpu.memref_slice %arg3[%multiple_of3A] : memref<16384xi32, #tpu.memory_space<hbm>> -> memref<512xi32, #tpu.memory_space<hbm>>
      %dma_wait3A_1699 = tpu.memref_slice %arg3[%multiple_of3A] : memref<16384xi32, #tpu.memory_space<hbm>> -> memref<512xi32, #tpu.memory_space<hbm>>
      tpu.wait_dma2 semaphore(%run_scoped3A : memref<!tpu.dma_semaphore, #tpu.memory_space<semaphore_mem>>) src(%dma_wait3A_1699 : memref<512xi32, #tpu.memory_space<hbm>>) dst(%arg10 : memref<512xi32, #tpu.memory_space<vmem>>)
      tpu.yield
    }) : () -> ()
    "tpu.region"() ({
      %run_scoped3A = tpu.sem_alloc : memref<!tpu.dma_semaphore, #tpu.memory_space<semaphore_mem>>
      tpu.enqueue_dma source(%arg6 : memref<32x128xf32, #tpu.memory_space<hbm>>) target(%arg13 : memref<32x128xf32, #tpu.memory_space<vmem>>) target_semaphore(%run_scoped3A : memref<!tpu.dma_semaphore, #tpu.memory_space<semaphore_mem>>)
      tpu.wait_dma2 semaphore(%run_scoped3A : memref<!tpu.dma_semaphore, #tpu.memory_space<semaphore_mem>>) src(%arg6 : memref<32x128xf32, #tpu.memory_space<hbm>>) dst(%arg13 : memref<32x128xf32, #tpu.memory_space<vmem>>)
      tpu.yield
    }) : () -> ()
    "tpu.region"() ({
      %run_scoped3A = tpu.sem_alloc : memref<!tpu.dma_semaphore, #tpu.memory_space<semaphore_mem>>
      tpu.enqueue_dma source(%arg7 : memref<32x128xf32, #tpu.memory_space<hbm>>) target(%arg14 : memref<32x128xf32, #tpu.memory_space<vmem>>) target_semaphore(%run_scoped3A : memref<!tpu.dma_semaphore, #tpu.memory_space<semaphore_mem>>)
      tpu.wait_dma2 semaphore(%run_scoped3A : memref<!tpu.dma_semaphore, #tpu.memory_space<semaphore_mem>>) src(%arg7 : memref<32x128xf32, #tpu.memory_space<hbm>>) dst(%arg14 : memref<32x128xf32, #tpu.memory_space<vmem>>)
      tpu.yield
    }) : () -> ()
    %iota3A = tpu.iota {dimensions = array<i32: 0>} : vector<16xi32>
    %broadcast_in_dim3A = arith.constant -128 : i32
    %broadcast_in_dim3A_3 = vector.broadcast %broadcast_in_dim3A : i32 to vector<16xi32>
    %broadcast_in_dim3A_4 = arith.constant 999808 : i32
    %broadcast_in_dim3A_5 = vector.broadcast %broadcast_in_dim3A_4 : i32 to vector<16xi32>
    %get3A = arith.constant 0 : index
    %get3A_6 = tpu.vector_load %arg9[%get3A] {strides = array<i32>} : memref<512xi32, #tpu.memory_space<vmem>>, vector<16xi32>,
    %get3A_7 = arith.constant 0 : index
    %get3A_8 = tpu.vector_load %arg10[%get3A_7] {strides = array<i32>} : memref<512xi32, #tpu.memory_space<vmem>>, vector<16xi32>,
    %and3A = arith.andi %get3A_6, %broadcast_in_dim3A_3 : vector<16xi32>
    %min3A = arith.minsi %and3A, %broadcast_in_dim3A_5 : vector<16xi32>
    %and3A_9 = arith.andi %get3A_8, %broadcast_in_dim3A_3 : vector<16xi32>
    %min3A_10 = arith.minsi %and3A_9, %broadcast_in_dim3A_5 : vector<16xi32>
    %slice3A = vector.extract_strided_slice %min3A {offsets = [0], sizes = [1], strides = [1]} : vector<16xi32> to vector<1xi32>
    %squeeze3A = vector.extract %slice3A[0] : i32 from vector<1xi32>
    %slice3A_11 = vector.extract_strided_slice %min3A_10 {offsets = [0], sizes = [1], strides = [1]} : vector<16xi32> to vector<1xi32>
    %squeeze3A_12 = vector.extract %slice3A_11[0] : i32 from vector<1xi32>
    %multiple_of3A_13 = tpu.assume_multiple %squeeze3A, 128 : i32
    %dma_start3A = arith.constant 0 : i32
    %dma_start3A_14 = arith.constant 0 : i32
    %dma_start3A_15 = tpu.memref_slice %arg11[%dma_start3A, %dma_start3A_14] : memref<32x1024xf32, #tpu.memory_space<vmem>> -> memref<32x128xf32, #tpu.memory_space<vmem>>
    %dma_start3A_16 = arith.constant 0 : i32
    %dma_start3A_17 = tpu.memref_slice %arg4[%dma_start3A_16, %multiple_of3A_13] : memref<32x1000000xf32, #tpu.memory_space<hbm>> -> memref<32x128xf32, #tpu.memory_space<hbm>>
    %dma_start3A_18 = arith.constant 0 : i32
    %dma_start3A_19 = arith.constant 0 : i32
    %dma_start3A_20 = tpu.memref_slice %arg11[%dma_start3A_18, %dma_start3A_19] : memref<32x1024xf32, #tpu.memory_space<vmem>> -> memref<32x128xf32, #tpu.memory_space<vmem>>
    %dma_start3A_21 = arith.constant 0 : i32
    %dma_start3A_22 = tpu.memref_slice %arg4[%dma_start3A_21, %multiple_of3A_13] : memref<32x1000000xf32, #tpu.memory_space<hbm>> -> memref<32x128xf32, #tpu.memory_space<hbm>>
    tpu.enqueue_dma source(%dma_start3A_22 : memref<32x128xf32, #tpu.memory_space<hbm>>) target(%dma_start3A_20 : memref<32x128xf32, #tpu.memory_space<vmem>>) target_semaphore(%arg17 : memref<!tpu.dma_semaphore, #tpu.memory_space<semaphore_mem>>)
    %multiple_of3A_23 = tpu.assume_multiple %squeeze3A_12, 128 : i32
    %dma_start3A_24 = arith.constant 0 : i32
    %dma_start3A_25 = arith.constant 0 : i32
    %dma_start3A_26 = tpu.memref_slice %arg12[%dma_start3A_24, %dma_start3A_25] : memref<32x1024xf32, #tpu.memory_space<vmem>> -> memref<32x128xf32, #tpu.memory_space<vmem>>
    %dma_start3A_27 = arith.constant 0 : i32
    %dma_start3A_28 = tpu.memref_slice %arg5[%dma_start3A_27, %multiple_of3A_23] : memref<32x1000000xf32, #tpu.memory_space<hbm>> -> memref<32x128xf32, #tpu.memory_space<hbm>>
    %dma_start3A_29 = arith.constant 0 : i32
    %dma_start3A_30 = arith.constant 0 : i32
    %dma_start3A_31 = tpu.memref_slice %arg12[%dma_start3A_29, %dma_start3A_30] : memref<32x1024xf32, #tpu.memory_space<vmem>> -> memref<32x128xf32, #tpu.memory_space<vmem>>
    %dma_start3A_32 = arith.constant 0 : i32
    %dma_start3A_33 = tpu.memref_slice %arg5[%dma_start3A_32, %multiple_of3A_23] : memref<32x1000000xf32, #tpu.memory_space<hbm>> -> memref<32x128xf32, #tpu.memory_space<hbm>>
    tpu.enqueue_dma source(%dma_start3A_33 : memref<32x128xf32, #tpu.memory_space<hbm>>) target(%dma_start3A_31 : memref<32x128xf32, #tpu.memory_space<vmem>>) target_semaphore(%arg17 : memref<!tpu.dma_semaphore, #tpu.memory_space<semaphore_mem>>)
    %slice3A_34 = vector.extract_strided_slice %min3A {offsets = [1], sizes = [1], strides = [1]} : vector<16xi32> to vector<1xi32>
    %squeeze3A_35 = vector.extract %slice3A_34[0] : i32 from vector<1xi32>
    %slice3A_36 = vector.extract_strided_slice %min3A_10 {offsets = [1], sizes = [1], strides = [1]} : vector<16xi32> to vector<1xi32>
    %squeeze3A_37 = vector.extract %slice3A_36[0] : i32 from vector<1xi32>
    %multiple_of3A_38 = tpu.assume_multiple %squeeze3A_35, 128 : i32
    %dma_start3A_39 = arith.constant 0 : i32
    %dma_start3A_40 = arith.constant 128 : i32
    %dma_start3A_41 = tpu.memref_slice %arg11[%dma_start3A_39, %dma_start3A_40] : memref<32x1024xf32, #tpu.memory_space<vmem>> -> memref<32x128xf32, #tpu.memory_space<vmem>>
    %dma_start3A_42 = arith.constant 0 : i32
    %dma_start3A_43 = tpu.memref_slice %arg4[%dma_start3A_42, %multiple_of3A_38] : memref<32x1000000xf32, #tpu.memory_space<hbm>> -> memref<32x128xf32, #tpu.memory_space<hbm>>
    %dma_start3A_44 = arith.constant 0 : i32
    %dma_start3A_45 = arith.constant 128 : i32
    %dma_start3A_46 = tpu.memref_slice %arg11[%dma_start3A_44, %dma_start3A_45] : memref<32x1024xf32, #tpu.memory_space<vmem>> -> memref<32x128xf32, #tpu.memory_space<vmem>>
    %dma_start3A_47 = arith.constant 0 : i32
    %dma_start3A_48 = tpu.memref_slice %arg4[%dma_start3A_47, %multiple_of3A_38] : memref<32x1000000xf32, #tpu.memory_space<hbm>> -> memref<32x128xf32, #tpu.memory_space<hbm>>
    tpu.enqueue_dma source(%dma_start3A_48 : memref<32x128xf32, #tpu.memory_space<hbm>>) target(%dma_start3A_46 : memref<32x128xf32, #tpu.memory_space<vmem>>) target_semaphore(%arg18 : memref<!tpu.dma_semaphore, #tpu.memory_space<semaphore_mem>>)
    %multiple_of3A_49 = tpu.assume_multiple %squeeze3A_37, 128 : i32
    %dma_start3A_50 = arith.constant 0 : i32
    %dma_start3A_51 = arith.constant 128 : i32
    %dma_start3A_52 = tpu.memref_slice %arg12[%dma_start3A_50, %dma_start3A_51] : memref<32x1024xf32, #tpu.memory_space<vmem>> -> memref<32x128xf32, #tpu.memory_space<vmem>>
    %dma_start3A_53 = arith.constant 0 : i32
    %dma_start3A_54 = tpu.memref_slice %arg5[%dma_start3A_53, %multiple_of3A_49] : memref<32x1000000xf32, #tpu.memory_space<hbm>> -> memref<32x128xf32, #tpu.memory_space<hbm>>
    %dma_start3A_55 = arith.constant 0 : i32
    %dma_start3A_56 = arith.constant 128 : i32
    %dma_start3A_57 = tpu.memref_slice %arg12[%dma_start3A_55, %dma_start3A_56] : memref<32x1024xf32, #tpu.memory_space<vmem>> -> memref<32x128xf32, #tpu.memory_space<vmem>>
    %dma_start3A_58 = arith.constant 0 : i32
    %dma_start3A_59 = tpu.memref_slice %arg5[%dma_start3A_58, %multiple_of3A_49] : memref<32x1000000xf32, #tpu.memory_space<hbm>> -> memref<32x128xf32, #tpu.memory_space<hbm>>
    tpu.enqueue_dma source(%dma_start3A_59 : memref<32x128xf32, #tpu.memory_space<hbm>>) target(%dma_start3A_57 : memref<32x128xf32, #tpu.memory_space<vmem>>) target_semaphore(%arg18 : memref<!tpu.dma_semaphore, #tpu.memory_space<semaphore_mem>>)
    %slice3A_60 = vector.extract_strided_slice %min3A {offsets = [2], sizes = [1], strides = [1]} : vector<16xi32> to vector<1xi32>
    %squeeze3A_61 = vector.extract %slice3A_60[0] : i32 from vector<1xi32>
    %slice3A_62 = vector.extract_strided_slice %min3A_10 {offsets = [2], sizes = [1], strides = [1]} : vector<16xi32> to vector<1xi32>
    %squeeze3A_63 = vector.extract %slice3A_62[0] : i32 from vector<1xi32>
    %multiple_of3A_64 = tpu.assume_multiple %squeeze3A_61, 128 : i32
    %dma_start3A_65 = arith.constant 0 : i32
    %dma_start3A_66 = arith.constant 256 : i32
    %dma_start3A_67 = tpu.memref_slice %arg11[%dma_start3A_65, %dma_start3A_66] : memref<32x1024xf32, #tpu.memory_space<vmem>> -> memref<32x128xf32, #tpu.memory_space<vmem>>
    %dma_start3A_68 = arith.constant 0 : i32
    %dma_start3A_69 = tpu.memref_slice %arg4[%dma_start3A_68, %multiple_of3A_64] : memref<32x1000000xf32, #tpu.memory_space<hbm>> -> memref<32x128xf32, #tpu.memory_space<hbm>>
    %dma_start3A_70 = arith.constant 0 : i32
    %dma_start3A_71 = arith.constant 256 : i32
    %dma_start3A_72 = tpu.memref_slice %arg11[%dma_start3A_70, %dma_start3A_71] : memref<32x1024xf32, #tpu.memory_space<vmem>> -> memref<32x128xf32, #tpu.memory_space<vmem>>
    %dma_start3A_73 = arith.constant 0 : i32
    %dma_start3A_74 = tpu.memref_slice %arg4[%dma_start3A_73, %multiple_of3A_64] : memref<32x1000000xf32, #tpu.memory_space<hbm>> -> memref<32x128xf32, #tpu.memory_space<hbm>>
    tpu.enqueue_dma source(%dma_start3A_74 : memref<32x128xf32, #tpu.memory_space<hbm>>) target(%dma_start3A_72 : memref<32x128xf32, #tpu.memory_space<vmem>>) target_semaphore(%arg19 : memref<!tpu.dma_semaphore, #tpu.memory_space<semaphore_mem>>)
    %multiple_of3A_75 = tpu.assume_multiple %squeeze3A_63, 128 : i32
    %dma_start3A_76 = arith.constant 0 : i32
    %dma_start3A_77 = arith.constant 256 : i32
    %dma_start3A_78 = tpu.memref_slice %arg12[%dma_start3A_76, %dma_start3A_77] : memref<32x1024xf32, #tpu.memory_space<vmem>> -> memref<32x128xf32, #tpu.memory_space<vmem>>
    %dma_start3A_79 = arith.constant 0 : i32
    %dma_start3A_80 = tpu.memref_slice %arg5[%dma_start3A_79, %multiple_of3A_75] : memref<32x1000000xf32, #tpu.memory_space<hbm>> -> memref<32x128xf32, #tpu.memory_space<hbm>>
    %dma_start3A_81 = arith.constant 0 : i32
    %dma_start3A_82 = arith.constant 256 : i32
    %dma_start3A_83 = tpu.memref_slice %arg12[%dma_start3A_81, %dma_start3A_82] : memref<32x1024xf32, #tpu.memory_space<vmem>> -> memref<32x128xf32, #tpu.memory_space<vmem>>
    %dma_start3A_84 = arith.constant 0 : i32
    %dma_start3A_85 = tpu.memref_slice %arg5[%dma_start3A_84, %multiple_of3A_75] : memref<32x1000000xf32, #tpu.memory_space<hbm>> -> memref<32x128xf32, #tpu.memory_space<hbm>>
    tpu.enqueue_dma source(%dma_start3A_85 : memref<32x128xf32, #tpu.memory_space<hbm>>) target(%dma_start3A_83 : memref<32x128xf32, #tpu.memory_space<vmem>>) target_semaphore(%arg19 : memref<!tpu.dma_semaphore, #tpu.memory_space<semaphore_mem>>)
    %slice3A_86 = vector.extract_strided_slice %min3A {offsets = [3], sizes = [1], strides = [1]} : vector<16xi32> to vector<1xi32>
    %squeeze3A_87 = vector.extract %slice3A_86[0] : i32 from vector<1xi32>
    %slice3A_88 = vector.extract_strided_slice %min3A_10 {offsets = [3], sizes = [1], strides = [1]} : vector<16xi32> to vector<1xi32>
    %squeeze3A_89 = vector.extract %slice3A_88[0] : i32 from vector<1xi32>
    %multiple_of3A_90 = tpu.assume_multiple %squeeze3A_87, 128 : i32
    %dma_start3A_91 = arith.constant 0 : i32
    %dma_start3A_92 = arith.constant 384 : i32
    %dma_start3A_93 = tpu.memref_slice %arg11[%dma_start3A_91, %dma_start3A_92] : memref<32x1024xf32, #tpu.memory_space<vmem>> -> memref<32x128xf32, #tpu.memory_space<vmem>>
    %dma_start3A_94 = arith.constant 0 : i32
    %dma_start3A_95 = tpu.memref_slice %arg4[%dma_start3A_94, %multiple_of3A_90] : memref<32x1000000xf32, #tpu.memory_space<hbm>> -> memref<32x128xf32, #tpu.memory_space<hbm>>
    %dma_start3A_96 = arith.constant 0 : i32
    %dma_start3A_97 = arith.constant 384 : i32
    %dma_start3A_98 = tpu.memref_slice %arg11[%dma_start3A_96, %dma_start3A_97] : memref<32x1024xf32, #tpu.memory_space<vmem>> -> memref<32x128xf32, #tpu.memory_space<vmem>>
    %dma_start3A_99 = arith.constant 0 : i32
    %dma_start3A_100 = tpu.memref_slice %arg4[%dma_start3A_99, %multiple_of3A_90] : memref<32x1000000xf32, #tpu.memory_space<hbm>> -> memref<32x128xf32, #tpu.memory_space<hbm>>
    tpu.enqueue_dma source(%dma_start3A_100 : memref<32x128xf32, #tpu.memory_space<hbm>>) target(%dma_start3A_98 : memref<32x128xf32, #tpu.memory_space<vmem>>) target_semaphore(%arg20 : memref<!tpu.dma_semaphore, #tpu.memory_space<semaphore_mem>>)
    %multiple_of3A_101 = tpu.assume_multiple %squeeze3A_89, 128 : i32
    %dma_start3A_102 = arith.constant 0 : i32
    %dma_start3A_103 = arith.constant 384 : i32
    %dma_start3A_104 = tpu.memref_slice %arg12[%dma_start3A_102, %dma_start3A_103] : memref<32x1024xf32, #tpu.memory_space<vmem>> -> memref<32x128xf32, #tpu.memory_space<vmem>>
    %dma_start3A_105 = arith.constant 0 : i32
    %dma_start3A_106 = tpu.memref_slice %arg5[%dma_start3A_105, %multiple_of3A_101] : memref<32x1000000xf32, #tpu.memory_space<hbm>> -> memref<32x128xf32, #tpu.memory_space<hbm>>
    %dma_start3A_107 = arith.constant 0 : i32
    %dma_start3A_108 = arith.constant 384 : i32
    %dma_start3A_109 = tpu.memref_slice %arg12[%dma_start3A_107, %dma_start3A_108] : memref<32x1024xf32, #tpu.memory_space<vmem>> -> memref<32x128xf32, #tpu.memory_space<vmem>>
    %dma_start3A_110 = arith.constant 0 : i32
    %dma_start3A_111 = tpu.memref_slice %arg5[%dma_start3A_110, %multiple_of3A_101] : memref<32x1000000xf32, #tpu.memory_space<hbm>> -> memref<32x128xf32, #tpu.memory_space<hbm>>
    tpu.enqueue_dma source(%dma_start3A_111 : memref<32x128xf32, #tpu.memory_space<hbm>>) target(%dma_start3A_109 : memref<32x128xf32, #tpu.memory_space<vmem>>) target_semaphore(%arg20 : memref<!tpu.dma_semaphore, #tpu.memory_space<semaphore_mem>>)
    %slice3A_112 = vector.extract_strided_slice %min3A {offsets = [4], sizes = [1], strides = [1]} : vector<16xi32> to vector<1xi32>
    %squeeze3A_113 = vector.extract %slice3A_112[0] : i32 from vector<1xi32>
    %slice3A_114 = vector.extract_strided_slice %min3A_10 {offsets = [4], sizes = [1], strides = [1]} : vector<16xi32> to vector<1xi32>
    %squeeze3A_115 = vector.extract %slice3A_114[0] : i32 from vector<1xi32>
    %multiple_of3A_116 = tpu.assume_multiple %squeeze3A_113, 128 : i32
    %dma_start3A_117 = arith.constant 0 : i32
    %dma_start3A_118 = arith.constant 512 : i32
    %dma_start3A_119 = tpu.memref_slice %arg11[%dma_start3A_117, %dma_start3A_118] : memref<32x1024xf32, #tpu.memory_space<vmem>> -> memref<32x128xf32, #tpu.memory_space<vmem>>
    %dma_start3A_120 = arith.constant 0 : i32
    %dma_start3A_121 = tpu.memref_slice %arg4[%dma_start3A_120, %multiple_of3A_116] : memref<32x1000000xf32, #tpu.memory_space<hbm>> -> memref<32x128xf32, #tpu.memory_space<hbm>>
    %dma_start3A_122 = arith.constant 0 : i32
    %dma_start3A_123 = arith.constant 512 : i32
    %dma_start3A_124 = tpu.memref_slice %arg11[%dma_start3A_122, %dma_start3A_123] : memref<32x1024xf32, #tpu.memory_space<vmem>> -> memref<32x128xf32, #tpu.memory_space<vmem>>
    %dma_start3A_125 = arith.constant 0 : i32
    %dma_start3A_126 = tpu.memref_slice %arg4[%dma_start3A_125, %multiple_of3A_116] : memref<32x1000000xf32, #tpu.memory_space<hbm>> -> memref<32x128xf32, #tpu.memory_space<hbm>>
    tpu.enqueue_dma source(%dma_start3A_126 : memref<32x128xf32, #tpu.memory_space<hbm>>) target(%dma_start3A_124 : memref<32x128xf32, #tpu.memory_space<vmem>>) target_semaphore(%arg21 : memref<!tpu.dma_semaphore, #tpu.memory_space<semaphore_mem>>)
    %multiple_of3A_127 = tpu.assume_multiple %squeeze3A_115, 128 : i32
    %dma_start3A_128 = arith.constant 0 : i32
    %dma_start3A_129 = arith.constant 512 : i32
    %dma_start3A_130 = tpu.memref_slice %arg12[%dma_start3A_128, %dma_start3A_129] : memref<32x1024xf32, #tpu.memory_space<vmem>> -> memref<32x128xf32, #tpu.memory_space<vmem>>
    %dma_start3A_131 = arith.constant 0 : i32
    %dma_start3A_132 = tpu.memref_slice %arg5[%dma_start3A_131, %multiple_of3A_127] : memref<32x1000000xf32, #tpu.memory_space<hbm>> -> memref<32x128xf32, #tpu.memory_space<hbm>>
    %dma_start3A_133 = arith.constant 0 : i32
    %dma_start3A_134 = arith.constant 512 : i32
    %dma_start3A_135 = tpu.memref_slice %arg12[%dma_start3A_133, %dma_start3A_134] : memref<32x1024xf32, #tpu.memory_space<vmem>> -> memref<32x128xf32, #tpu.memory_space<vmem>>
    %dma_start3A_136 = arith.constant 0 : i32
    %dma_start3A_137 = tpu.memref_slice %arg5[%dma_start3A_136, %multiple_of3A_127] : memref<32x1000000xf32, #tpu.memory_space<hbm>> -> memref<32x128xf32, #tpu.memory_space<hbm>>
    tpu.enqueue_dma source(%dma_start3A_137 : memref<32x128xf32, #tpu.memory_space<hbm>>) target(%dma_start3A_135 : memref<32x128xf32, #tpu.memory_space<vmem>>) target_semaphore(%arg21 : memref<!tpu.dma_semaphore, #tpu.memory_space<semaphore_mem>>)
    %slice3A_138 = vector.extract_strided_slice %min3A {offsets = [5], sizes = [1], strides = [1]} : vector<16xi32> to vector<1xi32>
    %squeeze3A_139 = vector.extract %slice3A_138[0] : i32 from vector<1xi32>
    %slice3A_140 = vector.extract_strided_slice %min3A_10 {offsets = [5], sizes = [1], strides = [1]} : vector<16xi32> to vector<1xi32>
    %squeeze3A_141 = vector.extract %slice3A_140[0] : i32 from vector<1xi32>
    %multiple_of3A_142 = tpu.assume_multiple %squeeze3A_139, 128 : i32
    %dma_start3A_143 = arith.constant 0 : i32
    %dma_start3A_144 = arith.constant 640 : i32
    %dma_start3A_145 = tpu.memref_slice %arg11[%dma_start3A_143, %dma_start3A_144] : memref<32x1024xf32, #tpu.memory_space<vmem>> -> memref<32x128xf32, #tpu.memory_space<vmem>>
    %dma_start3A_146 = arith.constant 0 : i32
    %dma_start3A_147 = tpu.memref_slice %arg4[%dma_start3A_146, %multiple_of3A_142] : memref<32x1000000xf32, #tpu.memory_space<hbm>> -> memref<32x128xf32, #tpu.memory_space<hbm>>
    %dma_start3A_148 = arith.constant 0 : i32
    %dma_start3A_149 = arith.constant 640 : i32
    %dma_start3A_150 = tpu.memref_slice %arg11[%dma_start3A_148, %dma_start3A_149] : memref<32x1024xf32, #tpu.memory_space<vmem>> -> memref<32x128xf32, #tpu.memory_space<vmem>>
    %dma_start3A_151 = arith.constant 0 : i32
    %dma_start3A_152 = tpu.memref_slice %arg4[%dma_start3A_151, %multiple_of3A_142] : memref<32x1000000xf32, #tpu.memory_space<hbm>> -> memref<32x128xf32, #tpu.memory_space<hbm>>
    tpu.enqueue_dma source(%dma_start3A_152 : memref<32x128xf32, #tpu.memory_space<hbm>>) target(%dma_start3A_150 : memref<32x128xf32, #tpu.memory_space<vmem>>) target_semaphore(%arg22 : memref<!tpu.dma_semaphore, #tpu.memory_space<semaphore_mem>>)
    %multiple_of3A_153 = tpu.assume_multiple %squeeze3A_141, 128 : i32
    %dma_start3A_154 = arith.constant 0 : i32
    %dma_start3A_155 = arith.constant 640 : i32
    %dma_start3A_156 = tpu.memref_slice %arg12[%dma_start3A_154, %dma_start3A_155] : memref<32x1024xf32, #tpu.memory_space<vmem>> -> memref<32x128xf32, #tpu.memory_space<vmem>>
    %dma_start3A_157 = arith.constant 0 : i32
    %dma_start3A_158 = tpu.memref_slice %arg5[%dma_start3A_157, %multiple_of3A_153] : memref<32x1000000xf32, #tpu.memory_space<hbm>> -> memref<32x128xf32, #tpu.memory_space<hbm>>
    %dma_start3A_159 = arith.constant 0 : i32
    %dma_start3A_160 = arith.constant 640 : i32
    %dma_start3A_161 = tpu.memref_slice %arg12[%dma_start3A_159, %dma_start3A_160] : memref<32x1024xf32, #tpu.memory_space<vmem>> -> memref<32x128xf32, #tpu.memory_space<vmem>>
    %dma_start3A_162 = arith.constant 0 : i32
    %dma_start3A_163 = tpu.memref_slice %arg5[%dma_start3A_162, %multiple_of3A_153] : memref<32x1000000xf32, #tpu.memory_space<hbm>> -> memref<32x128xf32, #tpu.memory_space<hbm>>
    tpu.enqueue_dma source(%dma_start3A_163 : memref<32x128xf32, #tpu.memory_space<hbm>>) target(%dma_start3A_161 : memref<32x128xf32, #tpu.memory_space<vmem>>) target_semaphore(%arg22 : memref<!tpu.dma_semaphore, #tpu.memory_space<semaphore_mem>>)
    %slice3A_164 = vector.extract_strided_slice %min3A {offsets = [6], sizes = [1], strides = [1]} : vector<16xi32> to vector<1xi32>
    %squeeze3A_165 = vector.extract %slice3A_164[0] : i32 from vector<1xi32>
    %slice3A_166 = vector.extract_strided_slice %min3A_10 {offsets = [6], sizes = [1], strides = [1]} : vector<16xi32> to vector<1xi32>
    %squeeze3A_167 = vector.extract %slice3A_166[0] : i32 from vector<1xi32>
    %multiple_of3A_168 = tpu.assume_multiple %squeeze3A_165, 128 : i32
    %dma_start3A_169 = arith.constant 0 : i32
    %dma_start3A_170 = arith.constant 768 : i32
    %dma_start3A_171 = tpu.memref_slice %arg11[%dma_start3A_169, %dma_start3A_170] : memref<32x1024xf32, #tpu.memory_space<vmem>> -> memref<32x128xf32, #tpu.memory_space<vmem>>
    %dma_start3A_172 = arith.constant 0 : i32
    %dma_start3A_173 = tpu.memref_slice %arg4[%dma_start3A_172, %multiple_of3A_168] : memref<32x1000000xf32, #tpu.memory_space<hbm>> -> memref<32x128xf32, #tpu.memory_space<hbm>>
    %dma_start3A_174 = arith.constant 0 : i32
    %dma_start3A_175 = arith.constant 768 : i32
    %dma_start3A_176 = tpu.memref_slice %arg11[%dma_start3A_174, %dma_start3A_175] : memref<32x1024xf32, #tpu.memory_space<vmem>> -> memref<32x128xf32, #tpu.memory_space<vmem>>
    %dma_start3A_177 = arith.constant 0 : i32
    %dma_start3A_178 = tpu.memref_slice %arg4[%dma_start3A_177, %multiple_of3A_168] : memref<32x1000000xf32, #tpu.memory_space<hbm>> -> memref<32x128xf32, #tpu.memory_space<hbm>>
    tpu.enqueue_dma source(%dma_start3A_178 : memref<32x128xf32, #tpu.memory_space<hbm>>) target(%dma_start3A_176 : memref<32x128xf32, #tpu.memory_space<vmem>>) target_semaphore(%arg23 : memref<!tpu.dma_semaphore, #tpu.memory_space<semaphore_mem>>)
    %multiple_of3A_179 = tpu.assume_multiple %squeeze3A_167, 128 : i32
    %dma_start3A_180 = arith.constant 0 : i32
    %dma_start3A_181 = arith.constant 768 : i32
    %dma_start3A_182 = tpu.memref_slice %arg12[%dma_start3A_180, %dma_start3A_181] : memref<32x1024xf32, #tpu.memory_space<vmem>> -> memref<32x128xf32, #tpu.memory_space<vmem>>
    %dma_start3A_183 = arith.constant 0 : i32
    %dma_start3A_184 = tpu.memref_slice %arg5[%dma_start3A_183, %multiple_of3A_179] : memref<32x1000000xf32, #tpu.memory_space<hbm>> -> memref<32x128xf32, #tpu.memory_space<hbm>>
    %dma_start3A_185 = arith.constant 0 : i32
    %dma_start3A_186 = arith.constant 768 : i32
    %dma_start3A_187 = tpu.memref_slice %arg12[%dma_start3A_185, %dma_start3A_186] : memref<32x1024xf32, #tpu.memory_space<vmem>> -> memref<32x128xf32, #tpu.memory_space<vmem>>
    %dma_start3A_188 = arith.constant 0 : i32
    %dma_start3A_189 = tpu.memref_slice %arg5[%dma_start3A_188, %multiple_of3A_179] : memref<32x1000000xf32, #tpu.memory_space<hbm>> -> memref<32x128xf32, #tpu.memory_space<hbm>>
    tpu.enqueue_dma source(%dma_start3A_189 : memref<32x128xf32, #tpu.memory_space<hbm>>) target(%dma_start3A_187 : memref<32x128xf32, #tpu.memory_space<vmem>>) target_semaphore(%arg23 : memref<!tpu.dma_semaphore, #tpu.memory_space<semaphore_mem>>)
    %slice3A_190 = vector.extract_strided_slice %min3A {offsets = [7], sizes = [1], strides = [1]} : vector<16xi32> to vector<1xi32>
    %squeeze3A_191 = vector.extract %slice3A_190[0] : i32 from vector<1xi32>
    %slice3A_192 = vector.extract_strided_slice %min3A_10 {offsets = [7], sizes = [1], strides = [1]} : vector<16xi32> to vector<1xi32>
    %squeeze3A_193 = vector.extract %slice3A_192[0] : i32 from vector<1xi32>
    %multiple_of3A_194 = tpu.assume_multiple %squeeze3A_191, 128 : i32
    %dma_start3A_195 = arith.constant 0 : i32
    %dma_start3A_196 = arith.constant 896 : i32
    %dma_start3A_197 = tpu.memref_slice %arg11[%dma_start3A_195, %dma_start3A_196] : memref<32x1024xf32, #tpu.memory_space<vmem>> -> memref<32x128xf32, #tpu.memory_space<vmem>>
    %dma_start3A_198 = arith.constant 0 : i32
    %dma_start3A_199 = tpu.memref_slice %arg4[%dma_start3A_198, %multiple_of3A_194] : memref<32x1000000xf32, #tpu.memory_space<hbm>> -> memref<32x128xf32, #tpu.memory_space<hbm>>
    %dma_start3A_200 = arith.constant 0 : i32
    %dma_start3A_201 = arith.constant 896 : i32
    %dma_start3A_202 = tpu.memref_slice %arg11[%dma_start3A_200, %dma_start3A_201] : memref<32x1024xf32, #tpu.memory_space<vmem>> -> memref<32x128xf32, #tpu.memory_space<vmem>>
    %dma_start3A_203 = arith.constant 0 : i32
    %dma_start3A_204 = tpu.memref_slice %arg4[%dma_start3A_203, %multiple_of3A_194] : memref<32x1000000xf32, #tpu.memory_space<hbm>> -> memref<32x128xf32, #tpu.memory_space<hbm>>
    tpu.enqueue_dma source(%dma_start3A_204 : memref<32x128xf32, #tpu.memory_space<hbm>>) target(%dma_start3A_202 : memref<32x128xf32, #tpu.memory_space<vmem>>) target_semaphore(%arg24 : memref<!tpu.dma_semaphore, #tpu.memory_space<semaphore_mem>>)
    %multiple_of3A_205 = tpu.assume_multiple %squeeze3A_193, 128 : i32
    %dma_start3A_206 = arith.constant 0 : i32
    %dma_start3A_207 = arith.constant 896 : i32
    %dma_start3A_208 = tpu.memref_slice %arg12[%dma_start3A_206, %dma_start3A_207] : memref<32x1024xf32, #tpu.memory_space<vmem>> -> memref<32x128xf32, #tpu.memory_space<vmem>>
    %dma_start3A_209 = arith.constant 0 : i32
    %dma_start3A_210 = tpu.memref_slice %arg5[%dma_start3A_209, %multiple_of3A_205] : memref<32x1000000xf32, #tpu.memory_space<hbm>> -> memref<32x128xf32, #tpu.memory_space<hbm>>
    %dma_start3A_211 = arith.constant 0 : i32
    %dma_start3A_212 = arith.constant 896 : i32
    %dma_start3A_213 = tpu.memref_slice %arg12[%dma_start3A_211, %dma_start3A_212] : memref<32x1024xf32, #tpu.memory_space<vmem>> -> memref<32x128xf32, #tpu.memory_space<vmem>>
    %dma_start3A_214 = arith.constant 0 : i32
    %dma_start3A_215 = tpu.memref_slice %arg5[%dma_start3A_214, %multiple_of3A_205] : memref<32x1000000xf32, #tpu.memory_space<hbm>> -> memref<32x128xf32, #tpu.memory_space<hbm>>
    tpu.enqueue_dma source(%dma_start3A_215 : memref<32x128xf32, #tpu.memory_space<hbm>>) target(%dma_start3A_213 : memref<32x128xf32, #tpu.memory_space<vmem>>) target_semaphore(%arg24 : memref<!tpu.dma_semaphore, #tpu.memory_space<semaphore_mem>>)
    %iota3A_216 = tpu.iota {dimensions = array<i32: 0>} : vector<16xi32>
    %add3A_217 = arith.constant 16 : i32
    %add3A_218 = vector.broadcast %add3A_217 : i32 to vector<16xi32>
    %add3A_219 = arith.addi %iota3A_216, %add3A_218 : vector<16xi32>
    %scan3A = arith.constant 0 : i32
    %scan3A_220 = arith.constant 0 : i32
    %scan3A_221 = arith.constant 31 : i32
    %scan3A_222 = arith.addi %scan3A_220, %scan3A_221 : i32
    %scan3A_223 = arith.constant 1 : i32
    scf.for %scan3A_1696 = %scan3A_220 to %scan3A_222 step %scan3A_223  : i32 {
      %mul3A_1697 = arith.constant 16 : i32
      %mul3A_1698 = arith.muli %scan3A_1696, %mul3A_1697 : i32
      %get3A_1699 = arith.index_cast %mul3A_1698 : i32 to index
      %get3A_1700 = tpu.vector_load %arg9[%get3A_1699] {strides = array<i32>} : memref<512xi32, #tpu.memory_space<vmem>>, vector<16xi32>,
      %get3A_1701 = arith.index_cast %mul3A_1698 : i32 to index
      %get3A_1702 = tpu.vector_load %arg10[%get3A_1701] {strides = array<i32>} : memref<512xi32, #tpu.memory_space<vmem>>, vector<16xi32>,
      %and3A_1703 = arith.andi %get3A_1700, %broadcast_in_dim3A_3 : vector<16xi32>
      %min3A_1704 = arith.minsi %and3A_1703, %broadcast_in_dim3A_5 : vector<16xi32>
      %and3A_1705 = arith.andi %get3A_1702, %broadcast_in_dim3A_3 : vector<16xi32>
      %min3A_1706 = arith.minsi %and3A_1705, %broadcast_in_dim3A_5 : vector<16xi32>
      %sub3A_1707 = arith.subi %get3A_1700, %min3A_1704 : vector<16xi32>
      %min3A_1708 = arith.constant 127 : i32
      %min3A_1709 = vector.broadcast %min3A_1708 : i32 to vector<16xi32>
      %min3A_1710 = arith.minsi %sub3A_1707, %min3A_1709 : vector<16xi32>
      %sub3A_1711 = arith.subi %get3A_1702, %min3A_1706 : vector<16xi32>
      %min3A_1712 = arith.constant 127 : i32
      %min3A_1713 = vector.broadcast %min3A_1712 : i32 to vector<16xi32>
      %min3A_1714 = arith.minsi %sub3A_1711, %min3A_1713 : vector<16xi32>
      %sub3A_1715 = arith.constant 999872 : i32
      %sub3A_1716 = vector.broadcast %sub3A_1715 : i32 to vector<16xi32>
      %sub3A_1717 = arith.subi %get3A_1700, %sub3A_1716 : vector<16xi32>
      %max3A_1718 = arith.constant 0 : i32
      %max3A_1719 = vector.broadcast %max3A_1718 : i32 to vector<16xi32>
      %max3A_1720 = arith.maxsi %sub3A_1717, %max3A_1719 : vector<16xi32>
      %sub3A_1721 = arith.constant 999872 : i32
      %sub3A_1722 = vector.broadcast %sub3A_1721 : i32 to vector<16xi32>
      %sub3A_1723 = arith.subi %get3A_1702, %sub3A_1722 : vector<16xi32>
      %max3A_1724 = arith.constant 0 : i32
      %max3A_1725 = vector.broadcast %max3A_1724 : i32 to vector<16xi32>
      %max3A_1726 = arith.maxsi %sub3A_1723, %max3A_1725 : vector<16xi32>
      %ge3A_1727 = arith.constant 999936 : i32
      %ge3A_1728 = vector.broadcast %ge3A_1727 : i32 to vector<16xi32>
      %ge3A_1729 = arith.cmpi sge, %get3A_1700, %ge3A_1728 : vector<16xi32>
      %convert_element_type3A_1730 = arith.extui %ge3A_1729 : vector<16xi1> to vector<16xi32>
      %ge3A_1731 = arith.constant 999936 : i32
      %ge3A_1732 = vector.broadcast %ge3A_1731 : i32 to vector<16xi32>
      %ge3A_1733 = arith.cmpi sge, %get3A_1702, %ge3A_1732 : vector<16xi32>
      %convert_element_type3A_1734 = arith.extui %ge3A_1733 : vector<16xi1> to vector<16xi32>
      %add3A_1735 = arith.constant 0 : i32
      %add3A_1736 = arith.addi %mul3A_1698, %add3A_1735 : i32
      %add3A_1737 = arith.constant 8 : i32
      %add3A_1738 = arith.addi %add3A_1736, %add3A_1737 : i32
      %get3A_1739 = arith.index_cast %add3A_1738 : i32 to index
      %get3A_1740 = tpu.vector_load %arg9[%get3A_1739] {strides = array<i32>} : memref<512xi32, #tpu.memory_space<vmem>>, vector<16xi32>,
      %get3A_1741 = arith.index_cast %add3A_1738 : i32 to index
      %get3A_1742 = tpu.vector_load %arg10[%get3A_1741] {strides = array<i32>} : memref<512xi32, #tpu.memory_space<vmem>>, vector<16xi32>,
      %and3A_1743 = arith.andi %get3A_1740, %broadcast_in_dim3A_3 : vector<16xi32>
      %min3A_1744 = arith.minsi %and3A_1743, %broadcast_in_dim3A_5 : vector<16xi32>
      %and3A_1745 = arith.andi %get3A_1742, %broadcast_in_dim3A_3 : vector<16xi32>
      %min3A_1746 = arith.minsi %and3A_1745, %broadcast_in_dim3A_5 : vector<16xi32>
      %dma_wait3A_1747 = arith.constant 0 : i32
      %dma_wait3A_1748 = arith.constant 0 : i32
      %dma_wait3A_1749 = tpu.memref_slice %arg11[%dma_wait3A_1747, %dma_wait3A_1748] : memref<32x1024xf32, #tpu.memory_space<vmem>> -> memref<32x128xf32, #tpu.memory_space<vmem>>
      %dma_wait3A_1750 = arith.constant 0 : i32
      %dma_wait3A_1751 = arith.constant 0 : i32
      %dma_wait3A_1752 = tpu.memref_slice %arg4[%dma_wait3A_1750, %dma_wait3A_1751] : memref<32x1000000xf32, #tpu.memory_space<hbm>> -> memref<32x128xf32, #tpu.memory_space<hbm>>
      %dma_wait3A_1753 = arith.constant 0 : i32
      %dma_wait3A_1754 = arith.constant 0 : i32
      %dma_wait3A_1755 = tpu.memref_slice %arg11[%dma_wait3A_1753, %dma_wait3A_1754] : memref<32x1024xf32, #tpu.memory_space<vmem>> -> memref<32x128xf32, #tpu.memory_space<vmem>>
      %dma_wait3A_1756 = arith.constant 0 : i32
      %dma_wait3A_1757 = arith.constant 0 : i32
      %dma_wait3A_1758 = tpu.memref_slice %arg4[%dma_wait3A_1756, %dma_wait3A_1757] : memref<32x1000000xf32, #tpu.memory_space<hbm>> -> memref<32x128xf32, #tpu.memory_space<hbm>>
      tpu.wait_dma2 semaphore(%arg17 : memref<!tpu.dma_semaphore, #tpu.memory_space<semaphore_mem>>) src(%dma_wait3A_1758 : memref<32x128xf32, #tpu.memory_space<hbm>>) dst(%dma_wait3A_1755 : memref<32x128xf32, #tpu.memory_space<vmem>>)
      %dma_wait3A_1759 = arith.constant 0 : i32
      %dma_wait3A_1760 = arith.constant 0 : i32
      %dma_wait3A_1761 = tpu.memref_slice %arg12[%dma_wait3A_1759, %dma_wait3A_1760] : memref<32x1024xf32, #tpu.memory_space<vmem>> -> memref<32x128xf32, #tpu.memory_space<vmem>>
      %dma_wait3A_1762 = arith.constant 0 : i32
      %dma_wait3A_1763 = arith.constant 0 : i32
      %dma_wait3A_1764 = tpu.memref_slice %arg5[%dma_wait3A_1762, %dma_wait3A_1763] : memref<32x1000000xf32, #tpu.memory_space<hbm>> -> memref<32x128xf32, #tpu.memory_space<hbm>>
      %dma_wait3A_1765 = arith.constant 0 : i32
      %dma_wait3A_1766 = arith.constant 0 : i32
      %dma_wait3A_1767 = tpu.memref_slice %arg12[%dma_wait3A_1765, %dma_wait3A_1766] : memref<32x1024xf32, #tpu.memory_space<vmem>> -> memref<32x128xf32, #tpu.memory_space<vmem>>
      %dma_wait3A_1768 = arith.constant 0 : i32
      %dma_wait3A_1769 = arith.constant 0 : i32
      %dma_wait3A_1770 = tpu.memref_slice %arg5[%dma_wait3A_1768, %dma_wait3A_1769] : memref<32x1000000xf32, #tpu.memory_space<hbm>> -> memref<32x128xf32, #tpu.memory_space<hbm>>
      tpu.wait_dma2 semaphore(%arg17 : memref<!tpu.dma_semaphore, #tpu.memory_space<semaphore_mem>>) src(%dma_wait3A_1770 : memref<32x128xf32, #tpu.memory_space<hbm>>) dst(%dma_wait3A_1767 : memref<32x128xf32, #tpu.memory_space<vmem>>)
      %slice3A_1771 = vector.extract_strided_slice %min3A_1710 {offsets = [0], sizes = [1], strides = [1]} : vector<16xi32> to vector<1xi32>
      %squeeze3A_1772 = vector.extract %slice3A_1771[0] : i32 from vector<1xi32>
      %add3A_1773 = arith.constant 0 : i32
      %add3A_1774 = arith.addi %add3A_1773, %squeeze3A_1772 : i32
      %broadcast_in_dim3A_1775 = vector.broadcast %add3A_1774 : i32 to vector<16xi32>
      %slice3A_1776 = vector.extract_strided_slice %min3A_1714 {offsets = [0], sizes = [1], strides = [1]} : vector<16xi32> to vector<1xi32>
      %squeeze3A_1777 = vector.extract %slice3A_1776[0] : i32 from vector<1xi32>
      %add3A_1778 = arith.constant 0 : i32
      %add3A_1779 = arith.addi %add3A_1778, %squeeze3A_1777 : i32
      %broadcast_in_dim3A_1780 = vector.broadcast %add3A_1779 : i32 to vector<16xi32>
      %slice3A_1781 = vector.extract_strided_slice %max3A_1720 {offsets = [0], sizes = [1], strides = [1]} : vector<16xi32> to vector<1xi32>
      %squeeze3A_1782 = vector.extract %slice3A_1781[0] : i32 from vector<1xi32>
      %broadcast_in_dim3A_1783 = vector.broadcast %squeeze3A_1782 : i32 to vector<16xi32>
      %slice3A_1784 = vector.extract_strided_slice %max3A_1726 {offsets = [0], sizes = [1], strides = [1]} : vector<16xi32> to vector<1xi32>
      %squeeze3A_1785 = vector.extract %slice3A_1784[0] : i32 from vector<1xi32>
      %broadcast_in_dim3A_1786 = vector.broadcast %squeeze3A_1785 : i32 to vector<16xi32>
      %slice3A_1787 = vector.extract_strided_slice %convert_element_type3A_1730 {offsets = [0], sizes = [1], strides = [1]} : vector<16xi32> to vector<1xi32>
      %squeeze3A_1788 = vector.extract %slice3A_1787[0] : i32 from vector<1xi32>
      %broadcast_in_dim3A_1789 = vector.broadcast %squeeze3A_1788 : i32 to vector<16xi32>
      %gt3A_1790 = arith.constant 0 : i32
      %gt3A_1791 = vector.broadcast %gt3A_1790 : i32 to vector<16xi32>
      %gt3A_1792 = arith.cmpi sgt, %broadcast_in_dim3A_1789, %gt3A_1791 : vector<16xi32>
      %gather3A_1793 = tpu.vector_load_idx %arg11[%iota3A_216, %broadcast_in_dim3A_1775] : memref<32x1024xf32, #tpu.memory_space<vmem>>[vector<16xi32>, vector<16xi32>], vector<16xf32>,
      %gather3A_1794 = tpu.vector_load_idx %arg11[%add3A_219, %broadcast_in_dim3A_1775] : memref<32x1024xf32, #tpu.memory_space<vmem>>[vector<16xi32>, vector<16xi32>], vector<16xf32>,
      %gather3A_1795 = tpu.vector_load_idx %arg13[%iota3A_216, %broadcast_in_dim3A_1783] : memref<32x128xf32, #tpu.memory_space<vmem>>[vector<16xi32>, vector<16xi32>], vector<16xf32>,
      %gather3A_1796 = tpu.vector_load_idx %arg13[%add3A_219, %broadcast_in_dim3A_1783] : memref<32x128xf32, #tpu.memory_space<vmem>>[vector<16xi32>, vector<16xi32>], vector<16xf32>,
      %select_n3A_1797 = arith.select %gt3A_1792, %gather3A_1795, %gather3A_1793 : vector<16xi1>, vector<16xf32>
      %select_n3A_1798 = arith.select %gt3A_1792, %gather3A_1796, %gather3A_1794 : vector<16xi1>, vector<16xf32>
      %slice3A_1799 = vector.extract_strided_slice %convert_element_type3A_1734 {offsets = [0], sizes = [1], strides = [1]} : vector<16xi32> to vector<1xi32>
      %squeeze3A_1800 = vector.extract %slice3A_1799[0] : i32 from vector<1xi32>
      %broadcast_in_dim3A_1801 = vector.broadcast %squeeze3A_1800 : i32 to vector<16xi32>
      %gt3A_1802 = arith.constant 0 : i32
      %gt3A_1803 = vector.broadcast %gt3A_1802 : i32 to vector<16xi32>
      %gt3A_1804 = arith.cmpi sgt, %broadcast_in_dim3A_1801, %gt3A_1803 : vector<16xi32>
      %gather3A_1805 = tpu.vector_load_idx %arg12[%iota3A_216, %broadcast_in_dim3A_1780] : memref<32x1024xf32, #tpu.memory_space<vmem>>[vector<16xi32>, vector<16xi32>], vector<16xf32>,
      %gather3A_1806 = tpu.vector_load_idx %arg12[%add3A_219, %broadcast_in_dim3A_1780] : memref<32x1024xf32, #tpu.memory_space<vmem>>[vector<16xi32>, vector<16xi32>], vector<16xf32>,
      %gather3A_1807 = tpu.vector_load_idx %arg14[%iota3A_216, %broadcast_in_dim3A_1786] : memref<32x128xf32, #tpu.memory_space<vmem>>[vector<16xi32>, vector<16xi32>], vector<16xf32>,
      %gather3A_1808 = tpu.vector_load_idx %arg14[%add3A_219, %broadcast_in_dim3A_1786] : memref<32x128xf32, #tpu.memory_space<vmem>>[vector<16xi32>, vector<16xi32>], vector<16xf32>,
      %select_n3A_1809 = arith.select %gt3A_1804, %gather3A_1807, %gather3A_1805 : vector<16xi1>, vector<16xf32>
      %select_n3A_1810 = arith.select %gt3A_1804, %gather3A_1808, %gather3A_1806 : vector<16xi1>, vector<16xf32>
      %mul3A_1811 = arith.mulf %select_n3A_1797, %select_n3A_1809 : vector<16xf32>
      %mul3A_1812 = arith.mulf %select_n3A_1798, %select_n3A_1810 : vector<16xf32>
      %add3A_1813 = arith.addf %mul3A_1811, %mul3A_1812 : vector<16xf32>
      %swap3A_1814 = arith.constant 0 : index
      %swap3A_1815 = tpu.vector_load %arg16[%swap3A_1814] {strides = array<i32>} : memref<256xf32, #tpu.memory_space<vmem>>, vector<16xf32>,
      tpu.vector_store %arg16[%swap3A_1814], %add3A_1813 {strides = array<i32>} : memref<256xf32, #tpu.memory_space<vmem>>, vector<16xf32>,
      %slice3A_1816 = vector.extract_strided_slice %min3A_1744 {offsets = [0], sizes = [1], strides = [1]} : vector<16xi32> to vector<1xi32>
      %squeeze3A_1817 = vector.extract %slice3A_1816[0] : i32 from vector<1xi32>
      %slice3A_1818 = vector.extract_strided_slice %min3A_1746 {offsets = [0], sizes = [1], strides = [1]} : vector<16xi32> to vector<1xi32>
      %squeeze3A_1819 = vector.extract %slice3A_1818[0] : i32 from vector<1xi32>
      %multiple_of3A_1820 = tpu.assume_multiple %squeeze3A_1817, 128 : i32
      %dma_start3A_1821 = arith.constant 0 : i32
      %dma_start3A_1822 = arith.constant 0 : i32
      %dma_start3A_1823 = tpu.memref_slice %arg11[%dma_start3A_1821, %dma_start3A_1822] : memref<32x1024xf32, #tpu.memory_space<vmem>> -> memref<32x128xf32, #tpu.memory_space<vmem>>
      %dma_start3A_1824 = arith.constant 0 : i32
      %dma_start3A_1825 = tpu.memref_slice %arg4[%dma_start3A_1824, %multiple_of3A_1820] : memref<32x1000000xf32, #tpu.memory_space<hbm>> -> memref<32x128xf32, #tpu.memory_space<hbm>>
      %dma_start3A_1826 = arith.constant 0 : i32
      %dma_start3A_1827 = arith.constant 0 : i32
      %dma_start3A_1828 = tpu.memref_slice %arg11[%dma_start3A_1826, %dma_start3A_1827] : memref<32x1024xf32, #tpu.memory_space<vmem>> -> memref<32x128xf32, #tpu.memory_space<vmem>>
      %dma_start3A_1829 = arith.constant 0 : i32
      %dma_start3A_1830 = tpu.memref_slice %arg4[%dma_start3A_1829, %multiple_of3A_1820] : memref<32x1000000xf32, #tpu.memory_space<hbm>> -> memref<32x128xf32, #tpu.memory_space<hbm>>
      tpu.enqueue_dma source(%dma_start3A_1830 : memref<32x128xf32, #tpu.memory_space<hbm>>) target(%dma_start3A_1828 : memref<32x128xf32, #tpu.memory_space<vmem>>) target_semaphore(%arg17 : memref<!tpu.dma_semaphore, #tpu.memory_space<semaphore_mem>>)
      %multiple_of3A_1831 = tpu.assume_multiple %squeeze3A_1819, 128 : i32
      %dma_start3A_1832 = arith.constant 0 : i32
      %dma_start3A_1833 = arith.constant 0 : i32
      %dma_start3A_1834 = tpu.memref_slice %arg12[%dma_start3A_1832, %dma_start3A_1833] : memref<32x1024xf32, #tpu.memory_space<vmem>> -> memref<32x128xf32, #tpu.memory_space<vmem>>
      %dma_start3A_1835 = arith.constant 0 : i32
      %dma_start3A_1836 = tpu.memref_slice %arg5[%dma_start3A_1835, %multiple_of3A_1831] : memref<32x1000000xf32, #tpu.memory_space<hbm>> -> memref<32x128xf32, #tpu.memory_space<hbm>>
      %dma_start3A_1837 = arith.constant 0 : i32
      %dma_start3A_1838 = arith.constant 0 : i32
      %dma_start3A_1839 = tpu.memref_slice %arg12[%dma_start3A_1837, %dma_start3A_1838] : memref<32x1024xf32, #tpu.memory_space<vmem>> -> memref<32x128xf32, #tpu.memory_space<vmem>>
      %dma_start3A_1840 = arith.constant 0 : i32
      %dma_start3A_1841 = tpu.memref_slice %arg5[%dma_start3A_1840, %multiple_of3A_1831] : memref<32x1000000xf32, #tpu.memory_space<hbm>> -> memref<32x128xf32, #tpu.memory_space<hbm>>
      tpu.enqueue_dma source(%dma_start3A_1841 : memref<32x128xf32, #tpu.memory_space<hbm>>) target(%dma_start3A_1839 : memref<32x128xf32, #tpu.memory_space<vmem>>) target_semaphore(%arg17 : memref<!tpu.dma_semaphore, #tpu.memory_space<semaphore_mem>>)
      %dma_wait3A_1842 = arith.constant 0 : i32
      %dma_wait3A_1843 = arith.constant 128 : i32
      %dma_wait3A_1844 = tpu.memref_slice %arg11[%dma_wait3A_1842, %dma_wait3A_1843] : memref<32x1024xf32, #tpu.memory_space<vmem>> -> memref<32x128xf32, #tpu.memory_space<vmem>>
      %dma_wait3A_1845 = arith.constant 0 : i32
      %dma_wait3A_1846 = arith.constant 0 : i32
      %dma_wait3A_1847 = tpu.memref_slice %arg4[%dma_wait3A_1845, %dma_wait3A_1846] : memref<32x1000000xf32, #tpu.memory_space<hbm>> -> memref<32x128xf32, #tpu.memory_space<hbm>>
      %dma_wait3A_1848 = arith.constant 0 : i32
      %dma_wait3A_1849 = arith.constant 128 : i32
      %dma_wait3A_1850 = tpu.memref_slice %arg11[%dma_wait3A_1848, %dma_wait3A_1849] : memref<32x1024xf32, #tpu.memory_space<vmem>> -> memref<32x128xf32, #tpu.memory_space<vmem>>
      %dma_wait3A_1851 = arith.constant 0 : i32
      %dma_wait3A_1852 = arith.constant 0 : i32
      %dma_wait3A_1853 = tpu.memref_slice %arg4[%dma_wait3A_1851, %dma_wait3A_1852] : memref<32x1000000xf32, #tpu.memory_space<hbm>> -> memref<32x128xf32, #tpu.memory_space<hbm>>
      tpu.wait_dma2 semaphore(%arg18 : memref<!tpu.dma_semaphore, #tpu.memory_space<semaphore_mem>>) src(%dma_wait3A_1853 : memref<32x128xf32, #tpu.memory_space<hbm>>) dst(%dma_wait3A_1850 : memref<32x128xf32, #tpu.memory_space<vmem>>)
      %dma_wait3A_1854 = arith.constant 0 : i32
      %dma_wait3A_1855 = arith.constant 128 : i32
      %dma_wait3A_1856 = tpu.memref_slice %arg12[%dma_wait3A_1854, %dma_wait3A_1855] : memref<32x1024xf32, #tpu.memory_space<vmem>> -> memref<32x128xf32, #tpu.memory_space<vmem>>
      %dma_wait3A_1857 = arith.constant 0 : i32
      %dma_wait3A_1858 = arith.constant 0 : i32
      %dma_wait3A_1859 = tpu.memref_slice %arg5[%dma_wait3A_1857, %dma_wait3A_1858] : memref<32x1000000xf32, #tpu.memory_space<hbm>> -> memref<32x128xf32, #tpu.memory_space<hbm>>
      %dma_wait3A_1860 = arith.constant 0 : i32
      %dma_wait3A_1861 = arith.constant 128 : i32
      %dma_wait3A_1862 = tpu.memref_slice %arg12[%dma_wait3A_1860, %dma_wait3A_1861] : memref<32x1024xf32, #tpu.memory_space<vmem>> -> memref<32x128xf32, #tpu.memory_space<vmem>>
      %dma_wait3A_1863 = arith.constant 0 : i32
      %dma_wait3A_1864 = arith.constant 0 : i32
      %dma_wait3A_1865 = tpu.memref_slice %arg5[%dma_wait3A_1863, %dma_wait3A_1864] : memref<32x1000000xf32, #tpu.memory_space<hbm>> -> memref<32x128xf32, #tpu.memory_space<hbm>>
      tpu.wait_dma2 semaphore(%arg18 : memref<!tpu.dma_semaphore, #tpu.memory_space<semaphore_mem>>) src(%dma_wait3A_1865 : memref<32x128xf32, #tpu.memory_space<hbm>>) dst(%dma_wait3A_1862 : memref<32x128xf32, #tpu.memory_space<vmem>>)
      %slice3A_1866 = vector.extract_strided_slice %min3A_1710 {offsets = [1], sizes = [1], strides = [1]} : vector<16xi32> to vector<1xi32>
      %squeeze3A_1867 = vector.extract %slice3A_1866[0] : i32 from vector<1xi32>
      %add3A_1868 = arith.constant 128 : i32
      %add3A_1869 = arith.addi %add3A_1868, %squeeze3A_1867 : i32
      %broadcast_in_dim3A_1870 = vector.broadcast %add3A_1869 : i32 to vector<16xi32>
      %slice3A_1871 = vector.extract_strided_slice %min3A_1714 {offsets = [1], sizes = [1], strides = [1]} : vector<16xi32> to vector<1xi32>
      %squeeze3A_1872 = vector.extract %slice3A_1871[0] : i32 from vector<1xi32>
      %add3A_1873 = arith.constant 128 : i32
      %add3A_1874 = arith.addi %add3A_1873, %squeeze3A_1872 : i32
      %broadcast_in_dim3A_1875 = vector.broadcast %add3A_1874 : i32 to vector<16xi32>
      %slice3A_1876 = vector.extract_strided_slice %max3A_1720 {offsets = [1], sizes = [1], strides = [1]} : vector<16xi32> to vector<1xi32>
      %squeeze3A_1877 = vector.extract %slice3A_1876[0] : i32 from vector<1xi32>
      %broadcast_in_dim3A_1878 = vector.broadcast %squeeze3A_1877 : i32 to vector<16xi32>
      %slice3A_1879 = vector.extract_strided_slice %max3A_1726 {offsets = [1], sizes = [1], strides = [1]} : vector<16xi32> to vector<1xi32>
      %squeeze3A_1880 = vector.extract %slice3A_1879[0] : i32 from vector<1xi32>
      %broadcast_in_dim3A_1881 = vector.broadcast %squeeze3A_1880 : i32 to vector<16xi32>
      %slice3A_1882 = vector.extract_strided_slice %convert_element_type3A_1730 {offsets = [1], sizes = [1], strides = [1]} : vector<16xi32> to vector<1xi32>
      %squeeze3A_1883 = vector.extract %slice3A_1882[0] : i32 from vector<1xi32>
      %broadcast_in_dim3A_1884 = vector.broadcast %squeeze3A_1883 : i32 to vector<16xi32>
      %gt3A_1885 = arith.constant 0 : i32
      %gt3A_1886 = vector.broadcast %gt3A_1885 : i32 to vector<16xi32>
      %gt3A_1887 = arith.cmpi sgt, %broadcast_in_dim3A_1884, %gt3A_1886 : vector<16xi32>
      %gather3A_1888 = tpu.vector_load_idx %arg11[%iota3A_216, %broadcast_in_dim3A_1870] : memref<32x1024xf32, #tpu.memory_space<vmem>>[vector<16xi32>, vector<16xi32>], vector<16xf32>,
      %gather3A_1889 = tpu.vector_load_idx %arg11[%add3A_219, %broadcast_in_dim3A_1870] : memref<32x1024xf32, #tpu.memory_space<vmem>>[vector<16xi32>, vector<16xi32>], vector<16xf32>,
      %gather3A_1890 = tpu.vector_load_idx %arg13[%iota3A_216, %broadcast_in_dim3A_1878] : memref<32x128xf32, #tpu.memory_space<vmem>>[vector<16xi32>, vector<16xi32>], vector<16xf32>,
      %gather3A_1891 = tpu.vector_load_idx %arg13[%add3A_219, %broadcast_in_dim3A_1878] : memref<32x128xf32, #tpu.memory_space<vmem>>[vector<16xi32>, vector<16xi32>], vector<16xf32>,
      %select_n3A_1892 = arith.select %gt3A_1887, %gather3A_1890, %gather3A_1888 : vector<16xi1>, vector<16xf32>
      %select_n3A_1893 = arith.select %gt3A_1887, %gather3A_1891, %gather3A_1889 : vector<16xi1>, vector<16xf32>
      %slice3A_1894 = vector.extract_strided_slice %convert_element_type3A_1734 {offsets = [1], sizes = [1], strides = [1]} : vector<16xi32> to vector<1xi32>
      %squeeze3A_1895 = vector.extract %slice3A_1894[0] : i32 from vector<1xi32>
      %broadcast_in_dim3A_1896 = vector.broadcast %squeeze3A_1895 : i32 to vector<16xi32>
      %gt3A_1897 = arith.constant 0 : i32
      %gt3A_1898 = vector.broadcast %gt3A_1897 : i32 to vector<16xi32>
      %gt3A_1899 = arith.cmpi sgt, %broadcast_in_dim3A_1896, %gt3A_1898 : vector<16xi32>
      %gather3A_1900 = tpu.vector_load_idx %arg12[%iota3A_216, %broadcast_in_dim3A_1875] : memref<32x1024xf32, #tpu.memory_space<vmem>>[vector<16xi32>, vector<16xi32>], vector<16xf32>,
      %gather3A_1901 = tpu.vector_load_idx %arg12[%add3A_219, %broadcast_in_dim3A_1875] : memref<32x1024xf32, #tpu.memory_space<vmem>>[vector<16xi32>, vector<16xi32>], vector<16xf32>,
      %gather3A_1902 = tpu.vector_load_idx %arg14[%iota3A_216, %broadcast_in_dim3A_1881] : memref<32x128xf32, #tpu.memory_space<vmem>>[vector<16xi32>, vector<16xi32>], vector<16xf32>,
      %gather3A_1903 = tpu.vector_load_idx %arg14[%add3A_219, %broadcast_in_dim3A_1881] : memref<32x128xf32, #tpu.memory_space<vmem>>[vector<16xi32>, vector<16xi32>], vector<16xf32>,
      %select_n3A_1904 = arith.select %gt3A_1899, %gather3A_1902, %gather3A_1900 : vector<16xi1>, vector<16xf32>
      %select_n3A_1905 = arith.select %gt3A_1899, %gather3A_1903, %gather3A_1901 : vector<16xi1>, vector<16xf32>
      %mul3A_1906 = arith.mulf %select_n3A_1892, %select_n3A_1904 : vector<16xf32>
      %mul3A_1907 = arith.mulf %select_n3A_1893, %select_n3A_1905 : vector<16xf32>
      %add3A_1908 = arith.addf %mul3A_1906, %mul3A_1907 : vector<16xf32>
      %swap3A_1909 = arith.constant 16 : index
      %swap3A_1910 = tpu.vector_load %arg16[%swap3A_1909] {strides = array<i32>} : memref<256xf32, #tpu.memory_space<vmem>>, vector<16xf32>,
      tpu.vector_store %arg16[%swap3A_1909], %add3A_1908 {strides = array<i32>} : memref<256xf32, #tpu.memory_space<vmem>>, vector<16xf32>,
      %slice3A_1911 = vector.extract_strided_slice %min3A_1744 {offsets = [1], sizes = [1], strides = [1]} : vector<16xi32> to vector<1xi32>
      %squeeze3A_1912 = vector.extract %slice3A_1911[0] : i32 from vector<1xi32>
      %slice3A_1913 = vector.extract_strided_slice %min3A_1746 {offsets = [1], sizes = [1], strides = [1]} : vector<16xi32> to vector<1xi32>
      %squeeze3A_1914 = vector.extract %slice3A_1913[0] : i32 from vector<1xi32>
      %multiple_of3A_1915 = tpu.assume_multiple %squeeze3A_1912, 128 : i32
      %dma_start3A_1916 = arith.constant 0 : i32
      %dma_start3A_1917 = arith.constant 128 : i32
      %dma_start3A_1918 = tpu.memref_slice %arg11[%dma_start3A_1916, %dma_start3A_1917] : memref<32x1024xf32, #tpu.memory_space<vmem>> -> memref<32x128xf32, #tpu.memory_space<vmem>>
      %dma_start3A_1919 = arith.constant 0 : i32
      %dma_start3A_1920 = tpu.memref_slice %arg4[%dma_start3A_1919, %multiple_of3A_1915] : memref<32x1000000xf32, #tpu.memory_space<hbm>> -> memref<32x128xf32, #tpu.memory_space<hbm>>
      %dma_start3A_1921 = arith.constant 0 : i32
      %dma_start3A_1922 = arith.constant 128 : i32
      %dma_start3A_1923 = tpu.memref_slice %arg11[%dma_start3A_1921, %dma_start3A_1922] : memref<32x1024xf32, #tpu.memory_space<vmem>> -> memref<32x128xf32, #tpu.memory_space<vmem>>
      %dma_start3A_1924 = arith.constant 0 : i32
      %dma_start3A_1925 = tpu.memref_slice %arg4[%dma_start3A_1924, %multiple_of3A_1915] : memref<32x1000000xf32, #tpu.memory_space<hbm>> -> memref<32x128xf32, #tpu.memory_space<hbm>>
      tpu.enqueue_dma source(%dma_start3A_1925 : memref<32x128xf32, #tpu.memory_space<hbm>>) target(%dma_start3A_1923 : memref<32x128xf32, #tpu.memory_space<vmem>>) target_semaphore(%arg18 : memref<!tpu.dma_semaphore, #tpu.memory_space<semaphore_mem>>)
      %multiple_of3A_1926 = tpu.assume_multiple %squeeze3A_1914, 128 : i32
      %dma_start3A_1927 = arith.constant 0 : i32
      %dma_start3A_1928 = arith.constant 128 : i32
      %dma_start3A_1929 = tpu.memref_slice %arg12[%dma_start3A_1927, %dma_start3A_1928] : memref<32x1024xf32, #tpu.memory_space<vmem>> -> memref<32x128xf32, #tpu.memory_space<vmem>>
      %dma_start3A_1930 = arith.constant 0 : i32
      %dma_start3A_1931 = tpu.memref_slice %arg5[%dma_start3A_1930, %multiple_of3A_1926] : memref<32x1000000xf32, #tpu.memory_space<hbm>> -> memref<32x128xf32, #tpu.memory_space<hbm>>
      %dma_start3A_1932 = arith.constant 0 : i32
      %dma_start3A_1933 = arith.constant 128 : i32
      %dma_start3A_1934 = tpu.memref_slice %arg12[%dma_start3A_1932, %dma_start3A_1933] : memref<32x1024xf32, #tpu.memory_space<vmem>> -> memref<32x128xf32, #tpu.memory_space<vmem>>
      %dma_start3A_1935 = arith.constant 0 : i32
      %dma_start3A_1936 = tpu.memref_slice %arg5[%dma_start3A_1935, %multiple_of3A_1926] : memref<32x1000000xf32, #tpu.memory_space<hbm>> -> memref<32x128xf32, #tpu.memory_space<hbm>>
      tpu.enqueue_dma source(%dma_start3A_1936 : memref<32x128xf32, #tpu.memory_space<hbm>>) target(%dma_start3A_1934 : memref<32x128xf32, #tpu.memory_space<vmem>>) target_semaphore(%arg18 : memref<!tpu.dma_semaphore, #tpu.memory_space<semaphore_mem>>)
      %dma_wait3A_1937 = arith.constant 0 : i32
      %dma_wait3A_1938 = arith.constant 256 : i32
      %dma_wait3A_1939 = tpu.memref_slice %arg11[%dma_wait3A_1937, %dma_wait3A_1938] : memref<32x1024xf32, #tpu.memory_space<vmem>> -> memref<32x128xf32, #tpu.memory_space<vmem>>
      %dma_wait3A_1940 = arith.constant 0 : i32
      %dma_wait3A_1941 = arith.constant 0 : i32
      %dma_wait3A_1942 = tpu.memref_slice %arg4[%dma_wait3A_1940, %dma_wait3A_1941] : memref<32x1000000xf32, #tpu.memory_space<hbm>> -> memref<32x128xf32, #tpu.memory_space<hbm>>
      %dma_wait3A_1943 = arith.constant 0 : i32
      %dma_wait3A_1944 = arith.constant 256 : i32
      %dma_wait3A_1945 = tpu.memref_slice %arg11[%dma_wait3A_1943, %dma_wait3A_1944] : memref<32x1024xf32, #tpu.memory_space<vmem>> -> memref<32x128xf32, #tpu.memory_space<vmem>>
      %dma_wait3A_1946 = arith.constant 0 : i32
      %dma_wait3A_1947 = arith.constant 0 : i32
      %dma_wait3A_1948 = tpu.memref_slice %arg4[%dma_wait3A_1946, %dma_wait3A_1947] : memref<32x1000000xf32, #tpu.memory_space<hbm>> -> memref<32x128xf32, #tpu.memory_space<hbm>>
      tpu.wait_dma2 semaphore(%arg19 : memref<!tpu.dma_semaphore, #tpu.memory_space<semaphore_mem>>) src(%dma_wait3A_1948 : memref<32x128xf32, #tpu.memory_space<hbm>>) dst(%dma_wait3A_1945 : memref<32x128xf32, #tpu.memory_space<vmem>>)
      %dma_wait3A_1949 = arith.constant 0 : i32
      %dma_wait3A_1950 = arith.constant 256 : i32
      %dma_wait3A_1951 = tpu.memref_slice %arg12[%dma_wait3A_1949, %dma_wait3A_1950] : memref<32x1024xf32, #tpu.memory_space<vmem>> -> memref<32x128xf32, #tpu.memory_space<vmem>>
      %dma_wait3A_1952 = arith.constant 0 : i32
      %dma_wait3A_1953 = arith.constant 0 : i32
      %dma_wait3A_1954 = tpu.memref_slice %arg5[%dma_wait3A_1952, %dma_wait3A_1953] : memref<32x1000000xf32, #tpu.memory_space<hbm>> -> memref<32x128xf32, #tpu.memory_space<hbm>>
      %dma_wait3A_1955 = arith.constant 0 : i32
      %dma_wait3A_1956 = arith.constant 256 : i32
      %dma_wait3A_1957 = tpu.memref_slice %arg12[%dma_wait3A_1955, %dma_wait3A_1956] : memref<32x1024xf32, #tpu.memory_space<vmem>> -> memref<32x128xf32, #tpu.memory_space<vmem>>
      %dma_wait3A_1958 = arith.constant 0 : i32
      %dma_wait3A_1959 = arith.constant 0 : i32
      %dma_wait3A_1960 = tpu.memref_slice %arg5[%dma_wait3A_1958, %dma_wait3A_1959] : memref<32x1000000xf32, #tpu.memory_space<hbm>> -> memref<32x128xf32, #tpu.memory_space<hbm>>
      tpu.wait_dma2 semaphore(%arg19 : memref<!tpu.dma_semaphore, #tpu.memory_space<semaphore_mem>>) src(%dma_wait3A_1960 : memref<32x128xf32, #tpu.memory_space<hbm>>) dst(%dma_wait3A_1957 : memref<32x128xf32, #tpu.memory_space<vmem>>)
      %slice3A_1961 = vector.extract_strided_slice %min3A_1710 {offsets = [2], sizes = [1], strides = [1]} : vector<16xi32> to vector<1xi32>
      %squeeze3A_1962 = vector.extract %slice3A_1961[0] : i32 from vector<1xi32>
      %add3A_1963 = arith.constant 256 : i32
      %add3A_1964 = arith.addi %add3A_1963, %squeeze3A_1962 : i32
      %broadcast_in_dim3A_1965 = vector.broadcast %add3A_1964 : i32 to vector<16xi32>
      %slice3A_1966 = vector.extract_strided_slice %min3A_1714 {offsets = [2], sizes = [1], strides = [1]} : vector<16xi32> to vector<1xi32>
      %squeeze3A_1967 = vector.extract %slice3A_1966[0] : i32 from vector<1xi32>
      %add3A_1968 = arith.constant 256 : i32
      %add3A_1969 = arith.addi %add3A_1968, %squeeze3A_1967 : i32
      %broadcast_in_dim3A_1970 = vector.broadcast %add3A_1969 : i32 to vector<16xi32>
      %slice3A_1971 = vector.extract_strided_slice %max3A_1720 {offsets = [2], sizes = [1], strides = [1]} : vector<16xi32> to vector<1xi32>
      %squeeze3A_1972 = vector.extract %slice3A_1971[0] : i32 from vector<1xi32>
      %broadcast_in_dim3A_1973 = vector.broadcast %squeeze3A_1972 : i32 to vector<16xi32>
      %slice3A_1974 = vector.extract_strided_slice %max3A_1726 {offsets = [2], sizes = [1], strides = [1]} : vector<16xi32> to vector<1xi32>
      %squeeze3A_1975 = vector.extract %slice3A_1974[0] : i32 from vector<1xi32>
      %broadcast_in_dim3A_1976 = vector.broadcast %squeeze3A_1975 : i32 to vector<16xi32>
      %slice3A_1977 = vector.extract_strided_slice %convert_element_type3A_1730 {offsets = [2], sizes = [1], strides = [1]} : vector<16xi32> to vector<1xi32>
      %squeeze3A_1978 = vector.extract %slice3A_1977[0] : i32 from vector<1xi32>
      %broadcast_in_dim3A_1979 = vector.broadcast %squeeze3A_1978 : i32 to vector<16xi32>
      %gt3A_1980 = arith.constant 0 : i32
      %gt3A_1981 = vector.broadcast %gt3A_1980 : i32 to vector<16xi32>
      %gt3A_1982 = arith.cmpi sgt, %broadcast_in_dim3A_1979, %gt3A_1981 : vector<16xi32>
      %gather3A_1983 = tpu.vector_load_idx %arg11[%iota3A_216, %broadcast_in_dim3A_1965] : memref<32x1024xf32, #tpu.memory_space<vmem>>[vector<16xi32>, vector<16xi32>], vector<16xf32>,
      %gather3A_1984 = tpu.vector_load_idx %arg11[%add3A_219, %broadcast_in_dim3A_1965] : memref<32x1024xf32, #tpu.memory_space<vmem>>[vector<16xi32>, vector<16xi32>], vector<16xf32>,
      %gather3A_1985 = tpu.vector_load_idx %arg13[%iota3A_216, %broadcast_in_dim3A_1973] : memref<32x128xf32, #tpu.memory_space<vmem>>[vector<16xi32>, vector<16xi32>], vector<16xf32>,
      %gather3A_1986 = tpu.vector_load_idx %arg13[%add3A_219, %broadcast_in_dim3A_1973] : memref<32x128xf32, #tpu.memory_space<vmem>>[vector<16xi32>, vector<16xi32>], vector<16xf32>,
      %select_n3A_1987 = arith.select %gt3A_1982, %gather3A_1985, %gather3A_1983 : vector<16xi1>, vector<16xf32>
      %select_n3A_1988 = arith.select %gt3A_1982, %gather3A_1986, %gather3A_1984 : vector<16xi1>, vector<16xf32>
      %slice3A_1989 = vector.extract_strided_slice %convert_element_type3A_1734 {offsets = [2], sizes = [1], strides = [1]} : vector<16xi32> to vector<1xi32>
      %squeeze3A_1990 = vector.extract %slice3A_1989[0] : i32 from vector<1xi32>
      %broadcast_in_dim3A_1991 = vector.broadcast %squeeze3A_1990 : i32 to vector<16xi32>
      %gt3A_1992 = arith.constant 0 : i32
      %gt3A_1993 = vector.broadcast %gt3A_1992 : i32 to vector<16xi32>
      %gt3A_1994 = arith.cmpi sgt, %broadcast_in_dim3A_1991, %gt3A_1993 : vector<16xi32>
      %gather3A_1995 = tpu.vector_load_idx %arg12[%iota3A_216, %broadcast_in_dim3A_1970] : memref<32x1024xf32, #tpu.memory_space<vmem>>[vector<16xi32>, vector<16xi32>], vector<16xf32>,
      %gather3A_1996 = tpu.vector_load_idx %arg12[%add3A_219, %broadcast_in_dim3A_1970] : memref<32x1024xf32, #tpu.memory_space<vmem>>[vector<16xi32>, vector<16xi32>], vector<16xf32>,
      %gather3A_1997 = tpu.vector_load_idx %arg14[%iota3A_216, %broadcast_in_dim3A_1976] : memref<32x128xf32, #tpu.memory_space<vmem>>[vector<16xi32>, vector<16xi32>], vector<16xf32>,
      %gather3A_1998 = tpu.vector_load_idx %arg14[%add3A_219, %broadcast_in_dim3A_1976] : memref<32x128xf32, #tpu.memory_space<vmem>>[vector<16xi32>, vector<16xi32>], vector<16xf32>,
      %select_n3A_1999 = arith.select %gt3A_1994, %gather3A_1997, %gather3A_1995 : vector<16xi1>, vector<16xf32>
      %select_n3A_2000 = arith.select %gt3A_1994, %gather3A_1998, %gather3A_1996 : vector<16xi1>, vector<16xf32>
      %mul3A_2001 = arith.mulf %select_n3A_1987, %select_n3A_1999 : vector<16xf32>
      %mul3A_2002 = arith.mulf %select_n3A_1988, %select_n3A_2000 : vector<16xf32>
      %add3A_2003 = arith.addf %mul3A_2001, %mul3A_2002 : vector<16xf32>
      %swap3A_2004 = arith.constant 32 : index
      %swap3A_2005 = tpu.vector_load %arg16[%swap3A_2004] {strides = array<i32>} : memref<256xf32, #tpu.memory_space<vmem>>, vector<16xf32>,
      tpu.vector_store %arg16[%swap3A_2004], %add3A_2003 {strides = array<i32>} : memref<256xf32, #tpu.memory_space<vmem>>, vector<16xf32>,
      %slice3A_2006 = vector.extract_strided_slice %min3A_1744 {offsets = [2], sizes = [1], strides = [1]} : vector<16xi32> to vector<1xi32>
      %squeeze3A_2007 = vector.extract %slice3A_2006[0] : i32 from vector<1xi32>
      %slice3A_2008 = vector.extract_strided_slice %min3A_1746 {offsets = [2], sizes = [1], strides = [1]} : vector<16xi32> to vector<1xi32>
      %squeeze3A_2009 = vector.extract %slice3A_2008[0] : i32 from vector<1xi32>
      %multiple_of3A_2010 = tpu.assume_multiple %squeeze3A_2007, 128 : i32
      %dma_start3A_2011 = arith.constant 0 : i32
      %dma_start3A_2012 = arith.constant 256 : i32
      %dma_start3A_2013 = tpu.memref_slice %arg11[%dma_start3A_2011, %dma_start3A_2012] : memref<32x1024xf32, #tpu.memory_space<vmem>> -> memref<32x128xf32, #tpu.memory_space<vmem>>
      %dma_start3A_2014 = arith.constant 0 : i32
      %dma_start3A_2015 = tpu.memref_slice %arg4[%dma_start3A_2014, %multiple_of3A_2010] : memref<32x1000000xf32, #tpu.memory_space<hbm>> -> memref<32x128xf32, #tpu.memory_space<hbm>>
      %dma_start3A_2016 = arith.constant 0 : i32
      %dma_start3A_2017 = arith.constant 256 : i32
      %dma_start3A_2018 = tpu.memref_slice %arg11[%dma_start3A_2016, %dma_start3A_2017] : memref<32x1024xf32, #tpu.memory_space<vmem>> -> memref<32x128xf32, #tpu.memory_space<vmem>>
      %dma_start3A_2019 = arith.constant 0 : i32
      %dma_start3A_2020 = tpu.memref_slice %arg4[%dma_start3A_2019, %multiple_of3A_2010] : memref<32x1000000xf32, #tpu.memory_space<hbm>> -> memref<32x128xf32, #tpu.memory_space<hbm>>
      tpu.enqueue_dma source(%dma_start3A_2020 : memref<32x128xf32, #tpu.memory_space<hbm>>) target(%dma_start3A_2018 : memref<32x128xf32, #tpu.memory_space<vmem>>) target_semaphore(%arg19 : memref<!tpu.dma_semaphore, #tpu.memory_space<semaphore_mem>>)
      %multiple_of3A_2021 = tpu.assume_multiple %squeeze3A_2009, 128 : i32
      %dma_start3A_2022 = arith.constant 0 : i32
      %dma_start3A_2023 = arith.constant 256 : i32
      %dma_start3A_2024 = tpu.memref_slice %arg12[%dma_start3A_2022, %dma_start3A_2023] : memref<32x1024xf32, #tpu.memory_space<vmem>> -> memref<32x128xf32, #tpu.memory_space<vmem>>
      %dma_start3A_2025 = arith.constant 0 : i32
      %dma_start3A_2026 = tpu.memref_slice %arg5[%dma_start3A_2025, %multiple_of3A_2021] : memref<32x1000000xf32, #tpu.memory_space<hbm>> -> memref<32x128xf32, #tpu.memory_space<hbm>>
      %dma_start3A_2027 = arith.constant 0 : i32
      %dma_start3A_2028 = arith.constant 256 : i32
      %dma_start3A_2029 = tpu.memref_slice %arg12[%dma_start3A_2027, %dma_start3A_2028] : memref<32x1024xf32, #tpu.memory_space<vmem>> -> memref<32x128xf32, #tpu.memory_space<vmem>>
      %dma_start3A_2030 = arith.constant 0 : i32
      %dma_start3A_2031 = tpu.memref_slice %arg5[%dma_start3A_2030, %multiple_of3A_2021] : memref<32x1000000xf32, #tpu.memory_space<hbm>> -> memref<32x128xf32, #tpu.memory_space<hbm>>
      tpu.enqueue_dma source(%dma_start3A_2031 : memref<32x128xf32, #tpu.memory_space<hbm>>) target(%dma_start3A_2029 : memref<32x128xf32, #tpu.memory_space<vmem>>) target_semaphore(%arg19 : memref<!tpu.dma_semaphore, #tpu.memory_space<semaphore_mem>>)
      %dma_wait3A_2032 = arith.constant 0 : i32
      %dma_wait3A_2033 = arith.constant 384 : i32
      %dma_wait3A_2034 = tpu.memref_slice %arg11[%dma_wait3A_2032, %dma_wait3A_2033] : memref<32x1024xf32, #tpu.memory_space<vmem>> -> memref<32x128xf32, #tpu.memory_space<vmem>>
      %dma_wait3A_2035 = arith.constant 0 : i32
      %dma_wait3A_2036 = arith.constant 0 : i32
      %dma_wait3A_2037 = tpu.memref_slice %arg4[%dma_wait3A_2035, %dma_wait3A_2036] : memref<32x1000000xf32, #tpu.memory_space<hbm>> -> memref<32x128xf32, #tpu.memory_space<hbm>>
      %dma_wait3A_2038 = arith.constant 0 : i32
      %dma_wait3A_2039 = arith.constant 384 : i32
      %dma_wait3A_2040 = tpu.memref_slice %arg11[%dma_wait3A_2038, %dma_wait3A_2039] : memref<32x1024xf32, #tpu.memory_space<vmem>> -> memref<32x128xf32, #tpu.memory_space<vmem>>
      %dma_wait3A_2041 = arith.constant 0 : i32
      %dma_wait3A_2042 = arith.constant 0 : i32
      %dma_wait3A_2043 = tpu.memref_slice %arg4[%dma_wait3A_2041, %dma_wait3A_2042] : memref<32x1000000xf32, #tpu.memory_space<hbm>> -> memref<32x128xf32, #tpu.memory_space<hbm>>
      tpu.wait_dma2 semaphore(%arg20 : memref<!tpu.dma_semaphore, #tpu.memory_space<semaphore_mem>>) src(%dma_wait3A_2043 : memref<32x128xf32, #tpu.memory_space<hbm>>) dst(%dma_wait3A_2040 : memref<32x128xf32, #tpu.memory_space<vmem>>)
      %dma_wait3A_2044 = arith.constant 0 : i32
      %dma_wait3A_2045 = arith.constant 384 : i32
      %dma_wait3A_2046 = tpu.memref_slice %arg12[%dma_wait3A_2044, %dma_wait3A_2045] : memref<32x1024xf32, #tpu.memory_space<vmem>> -> memref<32x128xf32, #tpu.memory_space<vmem>>
      %dma_wait3A_2047 = arith.constant 0 : i32
      %dma_wait3A_2048 = arith.constant 0 : i32
      %dma_wait3A_2049 = tpu.memref_slice %arg5[%dma_wait3A_2047, %dma_wait3A_2048] : memref<32x1000000xf32, #tpu.memory_space<hbm>> -> memref<32x128xf32, #tpu.memory_space<hbm>>
      %dma_wait3A_2050 = arith.constant 0 : i32
      %dma_wait3A_2051 = arith.constant 384 : i32
      %dma_wait3A_2052 = tpu.memref_slice %arg12[%dma_wait3A_2050, %dma_wait3A_2051] : memref<32x1024xf32, #tpu.memory_space<vmem>> -> memref<32x128xf32, #tpu.memory_space<vmem>>
      %dma_wait3A_2053 = arith.constant 0 : i32
      %dma_wait3A_2054 = arith.constant 0 : i32
      %dma_wait3A_2055 = tpu.memref_slice %arg5[%dma_wait3A_2053, %dma_wait3A_2054] : memref<32x1000000xf32, #tpu.memory_space<hbm>> -> memref<32x128xf32, #tpu.memory_space<hbm>>
      tpu.wait_dma2 semaphore(%arg20 : memref<!tpu.dma_semaphore, #tpu.memory_space<semaphore_mem>>) src(%dma_wait3A_2055 : memref<32x128xf32, #tpu.memory_space<hbm>>) dst(%dma_wait3A_2052 : memref<32x128xf32, #tpu.memory_space<vmem>>)
      %slice3A_2056 = vector.extract_strided_slice %min3A_1710 {offsets = [3], sizes = [1], strides = [1]} : vector<16xi32> to vector<1xi32>
      %squeeze3A_2057 = vector.extract %slice3A_2056[0] : i32 from vector<1xi32>
      %add3A_2058 = arith.constant 384 : i32
      %add3A_2059 = arith.addi %add3A_2058, %squeeze3A_2057 : i32
      %broadcast_in_dim3A_2060 = vector.broadcast %add3A_2059 : i32 to vector<16xi32>
      %slice3A_2061 = vector.extract_strided_slice %min3A_1714 {offsets = [3], sizes = [1], strides = [1]} : vector<16xi32> to vector<1xi32>
      %squeeze3A_2062 = vector.extract %slice3A_2061[0] : i32 from vector<1xi32>
      %add3A_2063 = arith.constant 384 : i32
      %add3A_2064 = arith.addi %add3A_2063, %squeeze3A_2062 : i32
      %broadcast_in_dim3A_2065 = vector.broadcast %add3A_2064 : i32 to vector<16xi32>
      %slice3A_2066 = vector.extract_strided_slice %max3A_1720 {offsets = [3], sizes = [1], strides = [1]} : vector<16xi32> to vector<1xi32>
      %squeeze3A_2067 = vector.extract %slice3A_2066[0] : i32 from vector<1xi32>
      %broadcast_in_dim3A_2068 = vector.broadcast %squeeze3A_2067 : i32 to vector<16xi32>
      %slice3A_2069 = vector.extract_strided_slice %max3A_1726 {offsets = [3], sizes = [1], strides = [1]} : vector<16xi32> to vector<1xi32>
      %squeeze3A_2070 = vector.extract %slice3A_2069[0] : i32 from vector<1xi32>
      %broadcast_in_dim3A_2071 = vector.broadcast %squeeze3A_2070 : i32 to vector<16xi32>
      %slice3A_2072 = vector.extract_strided_slice %convert_element_type3A_1730 {offsets = [3], sizes = [1], strides = [1]} : vector<16xi32> to vector<1xi32>
      %squeeze3A_2073 = vector.extract %slice3A_2072[0] : i32 from vector<1xi32>
      %broadcast_in_dim3A_2074 = vector.broadcast %squeeze3A_2073 : i32 to vector<16xi32>
      %gt3A_2075 = arith.constant 0 : i32
      %gt3A_2076 = vector.broadcast %gt3A_2075 : i32 to vector<16xi32>
      %gt3A_2077 = arith.cmpi sgt, %broadcast_in_dim3A_2074, %gt3A_2076 : vector<16xi32>
      %gather3A_2078 = tpu.vector_load_idx %arg11[%iota3A_216, %broadcast_in_dim3A_2060] : memref<32x1024xf32, #tpu.memory_space<vmem>>[vector<16xi32>, vector<16xi32>], vector<16xf32>,
      %gather3A_2079 = tpu.vector_load_idx %arg11[%add3A_219, %broadcast_in_dim3A_2060] : memref<32x1024xf32, #tpu.memory_space<vmem>>[vector<16xi32>, vector<16xi32>], vector<16xf32>,
      %gather3A_2080 = tpu.vector_load_idx %arg13[%iota3A_216, %broadcast_in_dim3A_2068] : memref<32x128xf32, #tpu.memory_space<vmem>>[vector<16xi32>, vector<16xi32>], vector<16xf32>,
      %gather3A_2081 = tpu.vector_load_idx %arg13[%add3A_219, %broadcast_in_dim3A_2068] : memref<32x128xf32, #tpu.memory_space<vmem>>[vector<16xi32>, vector<16xi32>], vector<16xf32>,
      %select_n3A_2082 = arith.select %gt3A_2077, %gather3A_2080, %gather3A_2078 : vector<16xi1>, vector<16xf32>
      %select_n3A_2083 = arith.select %gt3A_2077, %gather3A_2081, %gather3A_2079 : vector<16xi1>, vector<16xf32>
      %slice3A_2084 = vector.extract_strided_slice %convert_element_type3A_1734 {offsets = [3], sizes = [1], strides = [1]} : vector<16xi32> to vector<1xi32>
      %squeeze3A_2085 = vector.extract %slice3A_2084[0] : i32 from vector<1xi32>
      %broadcast_in_dim3A_2086 = vector.broadcast %squeeze3A_2085 : i32 to vector<16xi32>
      %gt3A_2087 = arith.constant 0 : i32
      %gt3A_2088 = vector.broadcast %gt3A_2087 : i32 to vector<16xi32>
      %gt3A_2089 = arith.cmpi sgt, %broadcast_in_dim3A_2086, %gt3A_2088 : vector<16xi32>
      %gather3A_2090 = tpu.vector_load_idx %arg12[%iota3A_216, %broadcast_in_dim3A_2065] : memref<32x1024xf32, #tpu.memory_space<vmem>>[vector<16xi32>, vector<16xi32>], vector<16xf32>,
      %gather3A_2091 = tpu.vector_load_idx %arg12[%add3A_219, %broadcast_in_dim3A_2065] : memref<32x1024xf32, #tpu.memory_space<vmem>>[vector<16xi32>, vector<16xi32>], vector<16xf32>,
      %gather3A_2092 = tpu.vector_load_idx %arg14[%iota3A_216, %broadcast_in_dim3A_2071] : memref<32x128xf32, #tpu.memory_space<vmem>>[vector<16xi32>, vector<16xi32>], vector<16xf32>,
      %gather3A_2093 = tpu.vector_load_idx %arg14[%add3A_219, %broadcast_in_dim3A_2071] : memref<32x128xf32, #tpu.memory_space<vmem>>[vector<16xi32>, vector<16xi32>], vector<16xf32>,
      %select_n3A_2094 = arith.select %gt3A_2089, %gather3A_2092, %gather3A_2090 : vector<16xi1>, vector<16xf32>
      %select_n3A_2095 = arith.select %gt3A_2089, %gather3A_2093, %gather3A_2091 : vector<16xi1>, vector<16xf32>
      %mul3A_2096 = arith.mulf %select_n3A_2082, %select_n3A_2094 : vector<16xf32>
      %mul3A_2097 = arith.mulf %select_n3A_2083, %select_n3A_2095 : vector<16xf32>
      %add3A_2098 = arith.addf %mul3A_2096, %mul3A_2097 : vector<16xf32>
      %swap3A_2099 = arith.constant 48 : index
      %swap3A_2100 = tpu.vector_load %arg16[%swap3A_2099] {strides = array<i32>} : memref<256xf32, #tpu.memory_space<vmem>>, vector<16xf32>,
      tpu.vector_store %arg16[%swap3A_2099], %add3A_2098 {strides = array<i32>} : memref<256xf32, #tpu.memory_space<vmem>>, vector<16xf32>,
      %slice3A_2101 = vector.extract_strided_slice %min3A_1744 {offsets = [3], sizes = [1], strides = [1]} : vector<16xi32> to vector<1xi32>
      %squeeze3A_2102 = vector.extract %slice3A_2101[0] : i32 from vector<1xi32>
      %slice3A_2103 = vector.extract_strided_slice %min3A_1746 {offsets = [3], sizes = [1], strides = [1]} : vector<16xi32> to vector<1xi32>
      %squeeze3A_2104 = vector.extract %slice3A_2103[0] : i32 from vector<1xi32>
      %multiple_of3A_2105 = tpu.assume_multiple %squeeze3A_2102, 128 : i32
      %dma_start3A_2106 = arith.constant 0 : i32
      %dma_start3A_2107 = arith.constant 384 : i32
      %dma_start3A_2108 = tpu.memref_slice %arg11[%dma_start3A_2106, %dma_start3A_2107] : memref<32x1024xf32, #tpu.memory_space<vmem>> -> memref<32x128xf32, #tpu.memory_space<vmem>>
      %dma_start3A_2109 = arith.constant 0 : i32
      %dma_start3A_2110 = tpu.memref_slice %arg4[%dma_start3A_2109, %multiple_of3A_2105] : memref<32x1000000xf32, #tpu.memory_space<hbm>> -> memref<32x128xf32, #tpu.memory_space<hbm>>
      %dma_start3A_2111 = arith.constant 0 : i32
      %dma_start3A_2112 = arith.constant 384 : i32
      %dma_start3A_2113 = tpu.memref_slice %arg11[%dma_start3A_2111, %dma_start3A_2112] : memref<32x1024xf32, #tpu.memory_space<vmem>> -> memref<32x128xf32, #tpu.memory_space<vmem>>
      %dma_start3A_2114 = arith.constant 0 : i32
      %dma_start3A_2115 = tpu.memref_slice %arg4[%dma_start3A_2114, %multiple_of3A_2105] : memref<32x1000000xf32, #tpu.memory_space<hbm>> -> memref<32x128xf32, #tpu.memory_space<hbm>>
      tpu.enqueue_dma source(%dma_start3A_2115 : memref<32x128xf32, #tpu.memory_space<hbm>>) target(%dma_start3A_2113 : memref<32x128xf32, #tpu.memory_space<vmem>>) target_semaphore(%arg20 : memref<!tpu.dma_semaphore, #tpu.memory_space<semaphore_mem>>)
      %multiple_of3A_2116 = tpu.assume_multiple %squeeze3A_2104, 128 : i32
      %dma_start3A_2117 = arith.constant 0 : i32
      %dma_start3A_2118 = arith.constant 384 : i32
      %dma_start3A_2119 = tpu.memref_slice %arg12[%dma_start3A_2117, %dma_start3A_2118] : memref<32x1024xf32, #tpu.memory_space<vmem>> -> memref<32x128xf32, #tpu.memory_space<vmem>>
      %dma_start3A_2120 = arith.constant 0 : i32
      %dma_start3A_2121 = tpu.memref_slice %arg5[%dma_start3A_2120, %multiple_of3A_2116] : memref<32x1000000xf32, #tpu.memory_space<hbm>> -> memref<32x128xf32, #tpu.memory_space<hbm>>
      %dma_start3A_2122 = arith.constant 0 : i32
      %dma_start3A_2123 = arith.constant 384 : i32
      %dma_start3A_2124 = tpu.memref_slice %arg12[%dma_start3A_2122, %dma_start3A_2123] : memref<32x1024xf32, #tpu.memory_space<vmem>> -> memref<32x128xf32, #tpu.memory_space<vmem>>
      %dma_start3A_2125 = arith.constant 0 : i32
      %dma_start3A_2126 = tpu.memref_slice %arg5[%dma_start3A_2125, %multiple_of3A_2116] : memref<32x1000000xf32, #tpu.memory_space<hbm>> -> memref<32x128xf32, #tpu.memory_space<hbm>>
      tpu.enqueue_dma source(%dma_start3A_2126 : memref<32x128xf32, #tpu.memory_space<hbm>>) target(%dma_start3A_2124 : memref<32x128xf32, #tpu.memory_space<vmem>>) target_semaphore(%arg20 : memref<!tpu.dma_semaphore, #tpu.memory_space<semaphore_mem>>)
      %dma_wait3A_2127 = arith.constant 0 : i32
      %dma_wait3A_2128 = arith.constant 512 : i32
      %dma_wait3A_2129 = tpu.memref_slice %arg11[%dma_wait3A_2127, %dma_wait3A_2128] : memref<32x1024xf32, #tpu.memory_space<vmem>> -> memref<32x128xf32, #tpu.memory_space<vmem>>
      %dma_wait3A_2130 = arith.constant 0 : i32
      %dma_wait3A_2131 = arith.constant 0 : i32
      %dma_wait3A_2132 = tpu.memref_slice %arg4[%dma_wait3A_2130, %dma_wait3A_2131] : memref<32x1000000xf32, #tpu.memory_space<hbm>> -> memref<32x128xf32, #tpu.memory_space<hbm>>
      %dma_wait3A_2133 = arith.constant 0 : i32
      %dma_wait3A_2134 = arith.constant 512 : i32
      %dma_wait3A_2135 = tpu.memref_slice %arg11[%dma_wait3A_2133, %dma_wait3A_2134] : memref<32x1024xf32, #tpu.memory_space<vmem>> -> memref<32x128xf32, #tpu.memory_space<vmem>>
      %dma_wait3A_2136 = arith.constant 0 : i32
      %dma_wait3A_2137 = arith.constant 0 : i32
      %dma_wait3A_2138 = tpu.memref_slice %arg4[%dma_wait3A_2136, %dma_wait3A_2137] : memref<32x1000000xf32, #tpu.memory_space<hbm>> -> memref<32x128xf32, #tpu.memory_space<hbm>>
      tpu.wait_dma2 semaphore(%arg21 : memref<!tpu.dma_semaphore, #tpu.memory_space<semaphore_mem>>) src(%dma_wait3A_2138 : memref<32x128xf32, #tpu.memory_space<hbm>>) dst(%dma_wait3A_2135 : memref<32x128xf32, #tpu.memory_space<vmem>>)
      %dma_wait3A_2139 = arith.constant 0 : i32
      %dma_wait3A_2140 = arith.constant 512 : i32
      %dma_wait3A_2141 = tpu.memref_slice %arg12[%dma_wait3A_2139, %dma_wait3A_2140] : memref<32x1024xf32, #tpu.memory_space<vmem>> -> memref<32x128xf32, #tpu.memory_space<vmem>>
      %dma_wait3A_2142 = arith.constant 0 : i32
      %dma_wait3A_2143 = arith.constant 0 : i32
      %dma_wait3A_2144 = tpu.memref_slice %arg5[%dma_wait3A_2142, %dma_wait3A_2143] : memref<32x1000000xf32, #tpu.memory_space<hbm>> -> memref<32x128xf32, #tpu.memory_space<hbm>>
      %dma_wait3A_2145 = arith.constant 0 : i32
      %dma_wait3A_2146 = arith.constant 512 : i32
      %dma_wait3A_2147 = tpu.memref_slice %arg12[%dma_wait3A_2145, %dma_wait3A_2146] : memref<32x1024xf32, #tpu.memory_space<vmem>> -> memref<32x128xf32, #tpu.memory_space<vmem>>
      %dma_wait3A_2148 = arith.constant 0 : i32
      %dma_wait3A_2149 = arith.constant 0 : i32
      %dma_wait3A_2150 = tpu.memref_slice %arg5[%dma_wait3A_2148, %dma_wait3A_2149] : memref<32x1000000xf32, #tpu.memory_space<hbm>> -> memref<32x128xf32, #tpu.memory_space<hbm>>
      tpu.wait_dma2 semaphore(%arg21 : memref<!tpu.dma_semaphore, #tpu.memory_space<semaphore_mem>>) src(%dma_wait3A_2150 : memref<32x128xf32, #tpu.memory_space<hbm>>) dst(%dma_wait3A_2147 : memref<32x128xf32, #tpu.memory_space<vmem>>)
      %slice3A_2151 = vector.extract_strided_slice %min3A_1710 {offsets = [4], sizes = [1], strides = [1]} : vector<16xi32> to vector<1xi32>
      %squeeze3A_2152 = vector.extract %slice3A_2151[0] : i32 from vector<1xi32>
      %add3A_2153 = arith.constant 512 : i32
      %add3A_2154 = arith.addi %add3A_2153, %squeeze3A_2152 : i32
      %broadcast_in_dim3A_2155 = vector.broadcast %add3A_2154 : i32 to vector<16xi32>
      %slice3A_2156 = vector.extract_strided_slice %min3A_1714 {offsets = [4], sizes = [1], strides = [1]} : vector<16xi32> to vector<1xi32>
      %squeeze3A_2157 = vector.extract %slice3A_2156[0] : i32 from vector<1xi32>
      %add3A_2158 = arith.constant 512 : i32
      %add3A_2159 = arith.addi %add3A_2158, %squeeze3A_2157 : i32
      %broadcast_in_dim3A_2160 = vector.broadcast %add3A_2159 : i32 to vector<16xi32>
      %slice3A_2161 = vector.extract_strided_slice %max3A_1720 {offsets = [4], sizes = [1], strides = [1]} : vector<16xi32> to vector<1xi32>
      %squeeze3A_2162 = vector.extract %slice3A_2161[0] : i32 from vector<1xi32>
      %broadcast_in_dim3A_2163 = vector.broadcast %squeeze3A_2162 : i32 to vector<16xi32>
      %slice3A_2164 = vector.extract_strided_slice %max3A_1726 {offsets = [4], sizes = [1], strides = [1]} : vector<16xi32> to vector<1xi32>
      %squeeze3A_2165 = vector.extract %slice3A_2164[0] : i32 from vector<1xi32>
      %broadcast_in_dim3A_2166 = vector.broadcast %squeeze3A_2165 : i32 to vector<16xi32>
      %slice3A_2167 = vector.extract_strided_slice %convert_element_type3A_1730 {offsets = [4], sizes = [1], strides = [1]} : vector<16xi32> to vector<1xi32>
      %squeeze3A_2168 = vector.extract %slice3A_2167[0] : i32 from vector<1xi32>
      %broadcast_in_dim3A_2169 = vector.broadcast %squeeze3A_2168 : i32 to vector<16xi32>
      %gt3A_2170 = arith.constant 0 : i32
      %gt3A_2171 = vector.broadcast %gt3A_2170 : i32 to vector<16xi32>
      %gt3A_2172 = arith.cmpi sgt, %broadcast_in_dim3A_2169, %gt3A_2171 : vector<16xi32>
      %gather3A_2173 = tpu.vector_load_idx %arg11[%iota3A_216, %broadcast_in_dim3A_2155] : memref<32x1024xf32, #tpu.memory_space<vmem>>[vector<16xi32>, vector<16xi32>], vector<16xf32>,
      %gather3A_2174 = tpu.vector_load_idx %arg11[%add3A_219, %broadcast_in_dim3A_2155] : memref<32x1024xf32, #tpu.memory_space<vmem>>[vector<16xi32>, vector<16xi32>], vector<16xf32>,
      %gather3A_2175 = tpu.vector_load_idx %arg13[%iota3A_216, %broadcast_in_dim3A_2163] : memref<32x128xf32, #tpu.memory_space<vmem>>[vector<16xi32>, vector<16xi32>], vector<16xf32>,
      %gather3A_2176 = tpu.vector_load_idx %arg13[%add3A_219, %broadcast_in_dim3A_2163] : memref<32x128xf32, #tpu.memory_space<vmem>>[vector<16xi32>, vector<16xi32>], vector<16xf32>,
      %select_n3A_2177 = arith.select %gt3A_2172, %gather3A_2175, %gather3A_2173 : vector<16xi1>, vector<16xf32>
      %select_n3A_2178 = arith.select %gt3A_2172, %gather3A_2176, %gather3A_2174 : vector<16xi1>, vector<16xf32>
      %slice3A_2179 = vector.extract_strided_slice %convert_element_type3A_1734 {offsets = [4], sizes = [1], strides = [1]} : vector<16xi32> to vector<1xi32>
      %squeeze3A_2180 = vector.extract %slice3A_2179[0] : i32 from vector<1xi32>
      %broadcast_in_dim3A_2181 = vector.broadcast %squeeze3A_2180 : i32 to vector<16xi32>
      %gt3A_2182 = arith.constant 0 : i32
      %gt3A_2183 = vector.broadcast %gt3A_2182 : i32 to vector<16xi32>
      %gt3A_2184 = arith.cmpi sgt, %broadcast_in_dim3A_2181, %gt3A_2183 : vector<16xi32>
      %gather3A_2185 = tpu.vector_load_idx %arg12[%iota3A_216, %broadcast_in_dim3A_2160] : memref<32x1024xf32, #tpu.memory_space<vmem>>[vector<16xi32>, vector<16xi32>], vector<16xf32>,
      %gather3A_2186 = tpu.vector_load_idx %arg12[%add3A_219, %broadcast_in_dim3A_2160] : memref<32x1024xf32, #tpu.memory_space<vmem>>[vector<16xi32>, vector<16xi32>], vector<16xf32>,
      %gather3A_2187 = tpu.vector_load_idx %arg14[%iota3A_216, %broadcast_in_dim3A_2166] : memref<32x128xf32, #tpu.memory_space<vmem>>[vector<16xi32>, vector<16xi32>], vector<16xf32>,
      %gather3A_2188 = tpu.vector_load_idx %arg14[%add3A_219, %broadcast_in_dim3A_2166] : memref<32x128xf32, #tpu.memory_space<vmem>>[vector<16xi32>, vector<16xi32>], vector<16xf32>,
      %select_n3A_2189 = arith.select %gt3A_2184, %gather3A_2187, %gather3A_2185 : vector<16xi1>, vector<16xf32>
      %select_n3A_2190 = arith.select %gt3A_2184, %gather3A_2188, %gather3A_2186 : vector<16xi1>, vector<16xf32>
      %mul3A_2191 = arith.mulf %select_n3A_2177, %select_n3A_2189 : vector<16xf32>
      %mul3A_2192 = arith.mulf %select_n3A_2178, %select_n3A_2190 : vector<16xf32>
      %add3A_2193 = arith.addf %mul3A_2191, %mul3A_2192 : vector<16xf32>
      %swap3A_2194 = arith.constant 64 : index
      %swap3A_2195 = tpu.vector_load %arg16[%swap3A_2194] {strides = array<i32>} : memref<256xf32, #tpu.memory_space<vmem>>, vector<16xf32>,
      tpu.vector_store %arg16[%swap3A_2194], %add3A_2193 {strides = array<i32>} : memref<256xf32, #tpu.memory_space<vmem>>, vector<16xf32>,
      %slice3A_2196 = vector.extract_strided_slice %min3A_1744 {offsets = [4], sizes = [1], strides = [1]} : vector<16xi32> to vector<1xi32>
      %squeeze3A_2197 = vector.extract %slice3A_2196[0] : i32 from vector<1xi32>
      %slice3A_2198 = vector.extract_strided_slice %min3A_1746 {offsets = [4], sizes = [1], strides = [1]} : vector<16xi32> to vector<1xi32>
      %squeeze3A_2199 = vector.extract %slice3A_2198[0] : i32 from vector<1xi32>
      %multiple_of3A_2200 = tpu.assume_multiple %squeeze3A_2197, 128 : i32
      %dma_start3A_2201 = arith.constant 0 : i32
      %dma_start3A_2202 = arith.constant 512 : i32
      %dma_start3A_2203 = tpu.memref_slice %arg11[%dma_start3A_2201, %dma_start3A_2202] : memref<32x1024xf32, #tpu.memory_space<vmem>> -> memref<32x128xf32, #tpu.memory_space<vmem>>
      %dma_start3A_2204 = arith.constant 0 : i32
      %dma_start3A_2205 = tpu.memref_slice %arg4[%dma_start3A_2204, %multiple_of3A_2200] : memref<32x1000000xf32, #tpu.memory_space<hbm>> -> memref<32x128xf32, #tpu.memory_space<hbm>>
      %dma_start3A_2206 = arith.constant 0 : i32
      %dma_start3A_2207 = arith.constant 512 : i32
      %dma_start3A_2208 = tpu.memref_slice %arg11[%dma_start3A_2206, %dma_start3A_2207] : memref<32x1024xf32, #tpu.memory_space<vmem>> -> memref<32x128xf32, #tpu.memory_space<vmem>>
      %dma_start3A_2209 = arith.constant 0 : i32
      %dma_start3A_2210 = tpu.memref_slice %arg4[%dma_start3A_2209, %multiple_of3A_2200] : memref<32x1000000xf32, #tpu.memory_space<hbm>> -> memref<32x128xf32, #tpu.memory_space<hbm>>
      tpu.enqueue_dma source(%dma_start3A_2210 : memref<32x128xf32, #tpu.memory_space<hbm>>) target(%dma_start3A_2208 : memref<32x128xf32, #tpu.memory_space<vmem>>) target_semaphore(%arg21 : memref<!tpu.dma_semaphore, #tpu.memory_space<semaphore_mem>>)
      %multiple_of3A_2211 = tpu.assume_multiple %squeeze3A_2199, 128 : i32
      %dma_start3A_2212 = arith.constant 0 : i32
      %dma_start3A_2213 = arith.constant 512 : i32
      %dma_start3A_2214 = tpu.memref_slice %arg12[%dma_start3A_2212, %dma_start3A_2213] : memref<32x1024xf32, #tpu.memory_space<vmem>> -> memref<32x128xf32, #tpu.memory_space<vmem>>
      %dma_start3A_2215 = arith.constant 0 : i32
      %dma_start3A_2216 = tpu.memref_slice %arg5[%dma_start3A_2215, %multiple_of3A_2211] : memref<32x1000000xf32, #tpu.memory_space<hbm>> -> memref<32x128xf32, #tpu.memory_space<hbm>>
      %dma_start3A_2217 = arith.constant 0 : i32
      %dma_start3A_2218 = arith.constant 512 : i32
      %dma_start3A_2219 = tpu.memref_slice %arg12[%dma_start3A_2217, %dma_start3A_2218] : memref<32x1024xf32, #tpu.memory_space<vmem>> -> memref<32x128xf32, #tpu.memory_space<vmem>>
      %dma_start3A_2220 = arith.constant 0 : i32
      %dma_start3A_2221 = tpu.memref_slice %arg5[%dma_start3A_2220, %multiple_of3A_2211] : memref<32x1000000xf32, #tpu.memory_space<hbm>> -> memref<32x128xf32, #tpu.memory_space<hbm>>
      tpu.enqueue_dma source(%dma_start3A_2221 : memref<32x128xf32, #tpu.memory_space<hbm>>) target(%dma_start3A_2219 : memref<32x128xf32, #tpu.memory_space<vmem>>) target_semaphore(%arg21 : memref<!tpu.dma_semaphore, #tpu.memory_space<semaphore_mem>>)
      %dma_wait3A_2222 = arith.constant 0 : i32
      %dma_wait3A_2223 = arith.constant 640 : i32
      %dma_wait3A_2224 = tpu.memref_slice %arg11[%dma_wait3A_2222, %dma_wait3A_2223] : memref<32x1024xf32, #tpu.memory_space<vmem>> -> memref<32x128xf32, #tpu.memory_space<vmem>>
      %dma_wait3A_2225 = arith.constant 0 : i32
      %dma_wait3A_2226 = arith.constant 0 : i32
      %dma_wait3A_2227 = tpu.memref_slice %arg4[%dma_wait3A_2225, %dma_wait3A_2226] : memref<32x1000000xf32, #tpu.memory_space<hbm>> -> memref<32x128xf32, #tpu.memory_space<hbm>>
      %dma_wait3A_2228 = arith.constant 0 : i32
      %dma_wait3A_2229 = arith.constant 640 : i32
      %dma_wait3A_2230 = tpu.memref_slice %arg11[%dma_wait3A_2228, %dma_wait3A_2229] : memref<32x1024xf32, #tpu.memory_space<vmem>> -> memref<32x128xf32, #tpu.memory_space<vmem>>
      %dma_wait3A_2231 = arith.constant 0 : i32
      %dma_wait3A_2232 = arith.constant 0 : i32
      %dma_wait3A_2233 = tpu.memref_slice %arg4[%dma_wait3A_2231, %dma_wait3A_2232] : memref<32x1000000xf32, #tpu.memory_space<hbm>> -> memref<32x128xf32, #tpu.memory_space<hbm>>
      tpu.wait_dma2 semaphore(%arg22 : memref<!tpu.dma_semaphore, #tpu.memory_space<semaphore_mem>>) src(%dma_wait3A_2233 : memref<32x128xf32, #tpu.memory_space<hbm>>) dst(%dma_wait3A_2230 : memref<32x128xf32, #tpu.memory_space<vmem>>)
      %dma_wait3A_2234 = arith.constant 0 : i32
      %dma_wait3A_2235 = arith.constant 640 : i32
      %dma_wait3A_2236 = tpu.memref_slice %arg12[%dma_wait3A_2234, %dma_wait3A_2235] : memref<32x1024xf32, #tpu.memory_space<vmem>> -> memref<32x128xf32, #tpu.memory_space<vmem>>
      %dma_wait3A_2237 = arith.constant 0 : i32
      %dma_wait3A_2238 = arith.constant 0 : i32
      %dma_wait3A_2239 = tpu.memref_slice %arg5[%dma_wait3A_2237, %dma_wait3A_2238] : memref<32x1000000xf32, #tpu.memory_space<hbm>> -> memref<32x128xf32, #tpu.memory_space<hbm>>
      %dma_wait3A_2240 = arith.constant 0 : i32
      %dma_wait3A_2241 = arith.constant 640 : i32
      %dma_wait3A_2242 = tpu.memref_slice %arg12[%dma_wait3A_2240, %dma_wait3A_2241] : memref<32x1024xf32, #tpu.memory_space<vmem>> -> memref<32x128xf32, #tpu.memory_space<vmem>>
      %dma_wait3A_2243 = arith.constant 0 : i32
      %dma_wait3A_2244 = arith.constant 0 : i32
      %dma_wait3A_2245 = tpu.memref_slice %arg5[%dma_wait3A_2243, %dma_wait3A_2244] : memref<32x1000000xf32, #tpu.memory_space<hbm>> -> memref<32x128xf32, #tpu.memory_space<hbm>>
      tpu.wait_dma2 semaphore(%arg22 : memref<!tpu.dma_semaphore, #tpu.memory_space<semaphore_mem>>) src(%dma_wait3A_2245 : memref<32x128xf32, #tpu.memory_space<hbm>>) dst(%dma_wait3A_2242 : memref<32x128xf32, #tpu.memory_space<vmem>>)
      %slice3A_2246 = vector.extract_strided_slice %min3A_1710 {offsets = [5], sizes = [1], strides = [1]} : vector<16xi32> to vector<1xi32>
      %squeeze3A_2247 = vector.extract %slice3A_2246[0] : i32 from vector<1xi32>
      %add3A_2248 = arith.constant 640 : i32
      %add3A_2249 = arith.addi %add3A_2248, %squeeze3A_2247 : i32
      %broadcast_in_dim3A_2250 = vector.broadcast %add3A_2249 : i32 to vector<16xi32>
      %slice3A_2251 = vector.extract_strided_slice %min3A_1714 {offsets = [5], sizes = [1], strides = [1]} : vector<16xi32> to vector<1xi32>
      %squeeze3A_2252 = vector.extract %slice3A_2251[0] : i32 from vector<1xi32>
      %add3A_2253 = arith.constant 640 : i32
      %add3A_2254 = arith.addi %add3A_2253, %squeeze3A_2252 : i32
      %broadcast_in_dim3A_2255 = vector.broadcast %add3A_2254 : i32 to vector<16xi32>
      %slice3A_2256 = vector.extract_strided_slice %max3A_1720 {offsets = [5], sizes = [1], strides = [1]} : vector<16xi32> to vector<1xi32>
      %squeeze3A_2257 = vector.extract %slice3A_2256[0] : i32 from vector<1xi32>
      %broadcast_in_dim3A_2258 = vector.broadcast %squeeze3A_2257 : i32 to vector<16xi32>
      %slice3A_2259 = vector.extract_strided_slice %max3A_1726 {offsets = [5], sizes = [1], strides = [1]} : vector<16xi32> to vector<1xi32>
      %squeeze3A_2260 = vector.extract %slice3A_2259[0] : i32 from vector<1xi32>
      %broadcast_in_dim3A_2261 = vector.broadcast %squeeze3A_2260 : i32 to vector<16xi32>
      %slice3A_2262 = vector.extract_strided_slice %convert_element_type3A_1730 {offsets = [5], sizes = [1], strides = [1]} : vector<16xi32> to vector<1xi32>
      %squeeze3A_2263 = vector.extract %slice3A_2262[0] : i32 from vector<1xi32>
      %broadcast_in_dim3A_2264 = vector.broadcast %squeeze3A_2263 : i32 to vector<16xi32>
      %gt3A_2265 = arith.constant 0 : i32
      %gt3A_2266 = vector.broadcast %gt3A_2265 : i32 to vector<16xi32>
      %gt3A_2267 = arith.cmpi sgt, %broadcast_in_dim3A_2264, %gt3A_2266 : vector<16xi32>
      %gather3A_2268 = tpu.vector_load_idx %arg11[%iota3A_216, %broadcast_in_dim3A_2250] : memref<32x1024xf32, #tpu.memory_space<vmem>>[vector<16xi32>, vector<16xi32>], vector<16xf32>,
      %gather3A_2269 = tpu.vector_load_idx %arg11[%add3A_219, %broadcast_in_dim3A_2250] : memref<32x1024xf32, #tpu.memory_space<vmem>>[vector<16xi32>, vector<16xi32>], vector<16xf32>,
      %gather3A_2270 = tpu.vector_load_idx %arg13[%iota3A_216, %broadcast_in_dim3A_2258] : memref<32x128xf32, #tpu.memory_space<vmem>>[vector<16xi32>, vector<16xi32>], vector<16xf32>,
      %gather3A_2271 = tpu.vector_load_idx %arg13[%add3A_219, %broadcast_in_dim3A_2258] : memref<32x128xf32, #tpu.memory_space<vmem>>[vector<16xi32>, vector<16xi32>], vector<16xf32>,
      %select_n3A_2272 = arith.select %gt3A_2267, %gather3A_2270, %gather3A_2268 : vector<16xi1>, vector<16xf32>
      %select_n3A_2273 = arith.select %gt3A_2267, %gather3A_2271, %gather3A_2269 : vector<16xi1>, vector<16xf32>
      %slice3A_2274 = vector.extract_strided_slice %convert_element_type3A_1734 {offsets = [5], sizes = [1], strides = [1]} : vector<16xi32> to vector<1xi32>
      %squeeze3A_2275 = vector.extract %slice3A_2274[0] : i32 from vector<1xi32>
      %broadcast_in_dim3A_2276 = vector.broadcast %squeeze3A_2275 : i32 to vector<16xi32>
      %gt3A_2277 = arith.constant 0 : i32
      %gt3A_2278 = vector.broadcast %gt3A_2277 : i32 to vector<16xi32>
      %gt3A_2279 = arith.cmpi sgt, %broadcast_in_dim3A_2276, %gt3A_2278 : vector<16xi32>
      %gather3A_2280 = tpu.vector_load_idx %arg12[%iota3A_216, %broadcast_in_dim3A_2255] : memref<32x1024xf32, #tpu.memory_space<vmem>>[vector<16xi32>, vector<16xi32>], vector<16xf32>,
      %gather3A_2281 = tpu.vector_load_idx %arg12[%add3A_219, %broadcast_in_dim3A_2255] : memref<32x1024xf32, #tpu.memory_space<vmem>>[vector<16xi32>, vector<16xi32>], vector<16xf32>,
      %gather3A_2282 = tpu.vector_load_idx %arg14[%iota3A_216, %broadcast_in_dim3A_2261] : memref<32x128xf32, #tpu.memory_space<vmem>>[vector<16xi32>, vector<16xi32>], vector<16xf32>,
      %gather3A_2283 = tpu.vector_load_idx %arg14[%add3A_219, %broadcast_in_dim3A_2261] : memref<32x128xf32, #tpu.memory_space<vmem>>[vector<16xi32>, vector<16xi32>], vector<16xf32>,
      %select_n3A_2284 = arith.select %gt3A_2279, %gather3A_2282, %gather3A_2280 : vector<16xi1>, vector<16xf32>
      %select_n3A_2285 = arith.select %gt3A_2279, %gather3A_2283, %gather3A_2281 : vector<16xi1>, vector<16xf32>
      %mul3A_2286 = arith.mulf %select_n3A_2272, %select_n3A_2284 : vector<16xf32>
      %mul3A_2287 = arith.mulf %select_n3A_2273, %select_n3A_2285 : vector<16xf32>
      %add3A_2288 = arith.addf %mul3A_2286, %mul3A_2287 : vector<16xf32>
      %swap3A_2289 = arith.constant 80 : index
      %swap3A_2290 = tpu.vector_load %arg16[%swap3A_2289] {strides = array<i32>} : memref<256xf32, #tpu.memory_space<vmem>>, vector<16xf32>,
      tpu.vector_store %arg16[%swap3A_2289], %add3A_2288 {strides = array<i32>} : memref<256xf32, #tpu.memory_space<vmem>>, vector<16xf32>,
      %slice3A_2291 = vector.extract_strided_slice %min3A_1744 {offsets = [5], sizes = [1], strides = [1]} : vector<16xi32> to vector<1xi32>
      %squeeze3A_2292 = vector.extract %slice3A_2291[0] : i32 from vector<1xi32>
      %slice3A_2293 = vector.extract_strided_slice %min3A_1746 {offsets = [5], sizes = [1], strides = [1]} : vector<16xi32> to vector<1xi32>
      %squeeze3A_2294 = vector.extract %slice3A_2293[0] : i32 from vector<1xi32>
      %multiple_of3A_2295 = tpu.assume_multiple %squeeze3A_2292, 128 : i32
      %dma_start3A_2296 = arith.constant 0 : i32
      %dma_start3A_2297 = arith.constant 640 : i32
      %dma_start3A_2298 = tpu.memref_slice %arg11[%dma_start3A_2296, %dma_start3A_2297] : memref<32x1024xf32, #tpu.memory_space<vmem>> -> memref<32x128xf32, #tpu.memory_space<vmem>>
      %dma_start3A_2299 = arith.constant 0 : i32
      %dma_start3A_2300 = tpu.memref_slice %arg4[%dma_start3A_2299, %multiple_of3A_2295] : memref<32x1000000xf32, #tpu.memory_space<hbm>> -> memref<32x128xf32, #tpu.memory_space<hbm>>
      %dma_start3A_2301 = arith.constant 0 : i32
      %dma_start3A_2302 = arith.constant 640 : i32
      %dma_start3A_2303 = tpu.memref_slice %arg11[%dma_start3A_2301, %dma_start3A_2302] : memref<32x1024xf32, #tpu.memory_space<vmem>> -> memref<32x128xf32, #tpu.memory_space<vmem>>
      %dma_start3A_2304 = arith.constant 0 : i32
      %dma_start3A_2305 = tpu.memref_slice %arg4[%dma_start3A_2304, %multiple_of3A_2295] : memref<32x1000000xf32, #tpu.memory_space<hbm>> -> memref<32x128xf32, #tpu.memory_space<hbm>>
      tpu.enqueue_dma source(%dma_start3A_2305 : memref<32x128xf32, #tpu.memory_space<hbm>>) target(%dma_start3A_2303 : memref<32x128xf32, #tpu.memory_space<vmem>>) target_semaphore(%arg22 : memref<!tpu.dma_semaphore, #tpu.memory_space<semaphore_mem>>)
      %multiple_of3A_2306 = tpu.assume_multiple %squeeze3A_2294, 128 : i32
      %dma_start3A_2307 = arith.constant 0 : i32
      %dma_start3A_2308 = arith.constant 640 : i32
      %dma_start3A_2309 = tpu.memref_slice %arg12[%dma_start3A_2307, %dma_start3A_2308] : memref<32x1024xf32, #tpu.memory_space<vmem>> -> memref<32x128xf32, #tpu.memory_space<vmem>>
      %dma_start3A_2310 = arith.constant 0 : i32
      %dma_start3A_2311 = tpu.memref_slice %arg5[%dma_start3A_2310, %multiple_of3A_2306] : memref<32x1000000xf32, #tpu.memory_space<hbm>> -> memref<32x128xf32, #tpu.memory_space<hbm>>
      %dma_start3A_2312 = arith.constant 0 : i32
      %dma_start3A_2313 = arith.constant 640 : i32
      %dma_start3A_2314 = tpu.memref_slice %arg12[%dma_start3A_2312, %dma_start3A_2313] : memref<32x1024xf32, #tpu.memory_space<vmem>> -> memref<32x128xf32, #tpu.memory_space<vmem>>
      %dma_start3A_2315 = arith.constant 0 : i32
      %dma_start3A_2316 = tpu.memref_slice %arg5[%dma_start3A_2315, %multiple_of3A_2306] : memref<32x1000000xf32, #tpu.memory_space<hbm>> -> memref<32x128xf32, #tpu.memory_space<hbm>>
      tpu.enqueue_dma source(%dma_start3A_2316 : memref<32x128xf32, #tpu.memory_space<hbm>>) target(%dma_start3A_2314 : memref<32x128xf32, #tpu.memory_space<vmem>>) target_semaphore(%arg22 : memref<!tpu.dma_semaphore, #tpu.memory_space<semaphore_mem>>)
      %dma_wait3A_2317 = arith.constant 0 : i32
      %dma_wait3A_2318 = arith.constant 768 : i32
      %dma_wait3A_2319 = tpu.memref_slice %arg11[%dma_wait3A_2317, %dma_wait3A_2318] : memref<32x1024xf32, #tpu.memory_space<vmem>> -> memref<32x128xf32, #tpu.memory_space<vmem>>
      %dma_wait3A_2320 = arith.constant 0 : i32
      %dma_wait3A_2321 = arith.constant 0 : i32
      %dma_wait3A_2322 = tpu.memref_slice %arg4[%dma_wait3A_2320, %dma_wait3A_2321] : memref<32x1000000xf32, #tpu.memory_space<hbm>> -> memref<32x128xf32, #tpu.memory_space<hbm>>
      %dma_wait3A_2323 = arith.constant 0 : i32
      %dma_wait3A_2324 = arith.constant 768 : i32
      %dma_wait3A_2325 = tpu.memref_slice %arg11[%dma_wait3A_2323, %dma_wait3A_2324] : memref<32x1024xf32, #tpu.memory_space<vmem>> -> memref<32x128xf32, #tpu.memory_space<vmem>>
      %dma_wait3A_2326 = arith.constant 0 : i32
      %dma_wait3A_2327 = arith.constant 0 : i32
      %dma_wait3A_2328 = tpu.memref_slice %arg4[%dma_wait3A_2326, %dma_wait3A_2327] : memref<32x1000000xf32, #tpu.memory_space<hbm>> -> memref<32x128xf32, #tpu.memory_space<hbm>>
      tpu.wait_dma2 semaphore(%arg23 : memref<!tpu.dma_semaphore, #tpu.memory_space<semaphore_mem>>) src(%dma_wait3A_2328 : memref<32x128xf32, #tpu.memory_space<hbm>>) dst(%dma_wait3A_2325 : memref<32x128xf32, #tpu.memory_space<vmem>>)
      %dma_wait3A_2329 = arith.constant 0 : i32
      %dma_wait3A_2330 = arith.constant 768 : i32
      %dma_wait3A_2331 = tpu.memref_slice %arg12[%dma_wait3A_2329, %dma_wait3A_2330] : memref<32x1024xf32, #tpu.memory_space<vmem>> -> memref<32x128xf32, #tpu.memory_space<vmem>>
      %dma_wait3A_2332 = arith.constant 0 : i32
      %dma_wait3A_2333 = arith.constant 0 : i32
      %dma_wait3A_2334 = tpu.memref_slice %arg5[%dma_wait3A_2332, %dma_wait3A_2333] : memref<32x1000000xf32, #tpu.memory_space<hbm>> -> memref<32x128xf32, #tpu.memory_space<hbm>>
      %dma_wait3A_2335 = arith.constant 0 : i32
      %dma_wait3A_2336 = arith.constant 768 : i32
      %dma_wait3A_2337 = tpu.memref_slice %arg12[%dma_wait3A_2335, %dma_wait3A_2336] : memref<32x1024xf32, #tpu.memory_space<vmem>> -> memref<32x128xf32, #tpu.memory_space<vmem>>
      %dma_wait3A_2338 = arith.constant 0 : i32
      %dma_wait3A_2339 = arith.constant 0 : i32
      %dma_wait3A_2340 = tpu.memref_slice %arg5[%dma_wait3A_2338, %dma_wait3A_2339] : memref<32x1000000xf32, #tpu.memory_space<hbm>> -> memref<32x128xf32, #tpu.memory_space<hbm>>
      tpu.wait_dma2 semaphore(%arg23 : memref<!tpu.dma_semaphore, #tpu.memory_space<semaphore_mem>>) src(%dma_wait3A_2340 : memref<32x128xf32, #tpu.memory_space<hbm>>) dst(%dma_wait3A_2337 : memref<32x128xf32, #tpu.memory_space<vmem>>)
      %slice3A_2341 = vector.extract_strided_slice %min3A_1710 {offsets = [6], sizes = [1], strides = [1]} : vector<16xi32> to vector<1xi32>
      %squeeze3A_2342 = vector.extract %slice3A_2341[0] : i32 from vector<1xi32>
      %add3A_2343 = arith.constant 768 : i32
      %add3A_2344 = arith.addi %add3A_2343, %squeeze3A_2342 : i32
      %broadcast_in_dim3A_2345 = vector.broadcast %add3A_2344 : i32 to vector<16xi32>
      %slice3A_2346 = vector.extract_strided_slice %min3A_1714 {offsets = [6], sizes = [1], strides = [1]} : vector<16xi32> to vector<1xi32>
      %squeeze3A_2347 = vector.extract %slice3A_2346[0] : i32 from vector<1xi32>
      %add3A_2348 = arith.constant 768 : i32
      %add3A_2349 = arith.addi %add3A_2348, %squeeze3A_2347 : i32
      %broadcast_in_dim3A_2350 = vector.broadcast %add3A_2349 : i32 to vector<16xi32>
      %slice3A_2351 = vector.extract_strided_slice %max3A_1720 {offsets = [6], sizes = [1], strides = [1]} : vector<16xi32> to vector<1xi32>
      %squeeze3A_2352 = vector.extract %slice3A_2351[0] : i32 from vector<1xi32>
      %broadcast_in_dim3A_2353 = vector.broadcast %squeeze3A_2352 : i32 to vector<16xi32>
      %slice3A_2354 = vector.extract_strided_slice %max3A_1726 {offsets = [6], sizes = [1], strides = [1]} : vector<16xi32> to vector<1xi32>
      %squeeze3A_2355 = vector.extract %slice3A_2354[0] : i32 from vector<1xi32>
      %broadcast_in_dim3A_2356 = vector.broadcast %squeeze3A_2355 : i32 to vector<16xi32>
      %slice3A_2357 = vector.extract_strided_slice %convert_element_type3A_1730 {offsets = [6], sizes = [1], strides = [1]} : vector<16xi32> to vector<1xi32>
      %squeeze3A_2358 = vector.extract %slice3A_2357[0] : i32 from vector<1xi32>
      %broadcast_in_dim3A_2359 = vector.broadcast %squeeze3A_2358 : i32 to vector<16xi32>
      %gt3A_2360 = arith.constant 0 : i32
      %gt3A_2361 = vector.broadcast %gt3A_2360 : i32 to vector<16xi32>
      %gt3A_2362 = arith.cmpi sgt, %broadcast_in_dim3A_2359, %gt3A_2361 : vector<16xi32>
      %gather3A_2363 = tpu.vector_load_idx %arg11[%iota3A_216, %broadcast_in_dim3A_2345] : memref<32x1024xf32, #tpu.memory_space<vmem>>[vector<16xi32>, vector<16xi32>], vector<16xf32>,
      %gather3A_2364 = tpu.vector_load_idx %arg11[%add3A_219, %broadcast_in_dim3A_2345] : memref<32x1024xf32, #tpu.memory_space<vmem>>[vector<16xi32>, vector<16xi32>], vector<16xf32>,
      %gather3A_2365 = tpu.vector_load_idx %arg13[%iota3A_216, %broadcast_in_dim3A_2353] : memref<32x128xf32, #tpu.memory_space<vmem>>[vector<16xi32>, vector<16xi32>], vector<16xf32>,
      %gather3A_2366 = tpu.vector_load_idx %arg13[%add3A_219, %broadcast_in_dim3A_2353] : memref<32x128xf32, #tpu.memory_space<vmem>>[vector<16xi32>, vector<16xi32>], vector<16xf32>,
      %select_n3A_2367 = arith.select %gt3A_2362, %gather3A_2365, %gather3A_2363 : vector<16xi1>, vector<16xf32>
      %select_n3A_2368 = arith.select %gt3A_2362, %gather3A_2366, %gather3A_2364 : vector<16xi1>, vector<16xf32>
      %slice3A_2369 = vector.extract_strided_slice %convert_element_type3A_1734 {offsets = [6], sizes = [1], strides = [1]} : vector<16xi32> to vector<1xi32>
      %squeeze3A_2370 = vector.extract %slice3A_2369[0] : i32 from vector<1xi32>
      %broadcast_in_dim3A_2371 = vector.broadcast %squeeze3A_2370 : i32 to vector<16xi32>
      %gt3A_2372 = arith.constant 0 : i32
      %gt3A_2373 = vector.broadcast %gt3A_2372 : i32 to vector<16xi32>
      %gt3A_2374 = arith.cmpi sgt, %broadcast_in_dim3A_2371, %gt3A_2373 : vector<16xi32>
      %gather3A_2375 = tpu.vector_load_idx %arg12[%iota3A_216, %broadcast_in_dim3A_2350] : memref<32x1024xf32, #tpu.memory_space<vmem>>[vector<16xi32>, vector<16xi32>], vector<16xf32>,
      %gather3A_2376 = tpu.vector_load_idx %arg12[%add3A_219, %broadcast_in_dim3A_2350] : memref<32x1024xf32, #tpu.memory_space<vmem>>[vector<16xi32>, vector<16xi32>], vector<16xf32>,
      %gather3A_2377 = tpu.vector_load_idx %arg14[%iota3A_216, %broadcast_in_dim3A_2356] : memref<32x128xf32, #tpu.memory_space<vmem>>[vector<16xi32>, vector<16xi32>], vector<16xf32>,
      %gather3A_2378 = tpu.vector_load_idx %arg14[%add3A_219, %broadcast_in_dim3A_2356] : memref<32x128xf32, #tpu.memory_space<vmem>>[vector<16xi32>, vector<16xi32>], vector<16xf32>,
      %select_n3A_2379 = arith.select %gt3A_2374, %gather3A_2377, %gather3A_2375 : vector<16xi1>, vector<16xf32>
      %select_n3A_2380 = arith.select %gt3A_2374, %gather3A_2378, %gather3A_2376 : vector<16xi1>, vector<16xf32>
      %mul3A_2381 = arith.mulf %select_n3A_2367, %select_n3A_2379 : vector<16xf32>
      %mul3A_2382 = arith.mulf %select_n3A_2368, %select_n3A_2380 : vector<16xf32>
      %add3A_2383 = arith.addf %mul3A_2381, %mul3A_2382 : vector<16xf32>
      %swap3A_2384 = arith.constant 96 : index
      %swap3A_2385 = tpu.vector_load %arg16[%swap3A_2384] {strides = array<i32>} : memref<256xf32, #tpu.memory_space<vmem>>, vector<16xf32>,
      tpu.vector_store %arg16[%swap3A_2384], %add3A_2383 {strides = array<i32>} : memref<256xf32, #tpu.memory_space<vmem>>, vector<16xf32>,
      %slice3A_2386 = vector.extract_strided_slice %min3A_1744 {offsets = [6], sizes = [1], strides = [1]} : vector<16xi32> to vector<1xi32>
      %squeeze3A_2387 = vector.extract %slice3A_2386[0] : i32 from vector<1xi32>
      %slice3A_2388 = vector.extract_strided_slice %min3A_1746 {offsets = [6], sizes = [1], strides = [1]} : vector<16xi32> to vector<1xi32>
      %squeeze3A_2389 = vector.extract %slice3A_2388[0] : i32 from vector<1xi32>
      %multiple_of3A_2390 = tpu.assume_multiple %squeeze3A_2387, 128 : i32
      %dma_start3A_2391 = arith.constant 0 : i32
      %dma_start3A_2392 = arith.constant 768 : i32
      %dma_start3A_2393 = tpu.memref_slice %arg11[%dma_start3A_2391, %dma_start3A_2392] : memref<32x1024xf32, #tpu.memory_space<vmem>> -> memref<32x128xf32, #tpu.memory_space<vmem>>
      %dma_start3A_2394 = arith.constant 0 : i32
      %dma_start3A_2395 = tpu.memref_slice %arg4[%dma_start3A_2394, %multiple_of3A_2390] : memref<32x1000000xf32, #tpu.memory_space<hbm>> -> memref<32x128xf32, #tpu.memory_space<hbm>>
      %dma_start3A_2396 = arith.constant 0 : i32
      %dma_start3A_2397 = arith.constant 768 : i32
      %dma_start3A_2398 = tpu.memref_slice %arg11[%dma_start3A_2396, %dma_start3A_2397] : memref<32x1024xf32, #tpu.memory_space<vmem>> -> memref<32x128xf32, #tpu.memory_space<vmem>>
      %dma_start3A_2399 = arith.constant 0 : i32
      %dma_start3A_2400 = tpu.memref_slice %arg4[%dma_start3A_2399, %multiple_of3A_2390] : memref<32x1000000xf32, #tpu.memory_space<hbm>> -> memref<32x128xf32, #tpu.memory_space<hbm>>
      tpu.enqueue_dma source(%dma_start3A_2400 : memref<32x128xf32, #tpu.memory_space<hbm>>) target(%dma_start3A_2398 : memref<32x128xf32, #tpu.memory_space<vmem>>) target_semaphore(%arg23 : memref<!tpu.dma_semaphore, #tpu.memory_space<semaphore_mem>>)
      %multiple_of3A_2401 = tpu.assume_multiple %squeeze3A_2389, 128 : i32
      %dma_start3A_2402 = arith.constant 0 : i32
      %dma_start3A_2403 = arith.constant 768 : i32
      %dma_start3A_2404 = tpu.memref_slice %arg12[%dma_start3A_2402, %dma_start3A_2403] : memref<32x1024xf32, #tpu.memory_space<vmem>> -> memref<32x128xf32, #tpu.memory_space<vmem>>
      %dma_start3A_2405 = arith.constant 0 : i32
      %dma_start3A_2406 = tpu.memref_slice %arg5[%dma_start3A_2405, %multiple_of3A_2401] : memref<32x1000000xf32, #tpu.memory_space<hbm>> -> memref<32x128xf32, #tpu.memory_space<hbm>>
      %dma_start3A_2407 = arith.constant 0 : i32
      %dma_start3A_2408 = arith.constant 768 : i32
      %dma_start3A_2409 = tpu.memref_slice %arg12[%dma_start3A_2407, %dma_start3A_2408] : memref<32x1024xf32, #tpu.memory_space<vmem>> -> memref<32x128xf32, #tpu.memory_space<vmem>>
      %dma_start3A_2410 = arith.constant 0 : i32
      %dma_start3A_2411 = tpu.memref_slice %arg5[%dma_start3A_2410, %multiple_of3A_2401] : memref<32x1000000xf32, #tpu.memory_space<hbm>> -> memref<32x128xf32, #tpu.memory_space<hbm>>
      tpu.enqueue_dma source(%dma_start3A_2411 : memref<32x128xf32, #tpu.memory_space<hbm>>) target(%dma_start3A_2409 : memref<32x128xf32, #tpu.memory_space<vmem>>) target_semaphore(%arg23 : memref<!tpu.dma_semaphore, #tpu.memory_space<semaphore_mem>>)
      %dma_wait3A_2412 = arith.constant 0 : i32
      %dma_wait3A_2413 = arith.constant 896 : i32
      %dma_wait3A_2414 = tpu.memref_slice %arg11[%dma_wait3A_2412, %dma_wait3A_2413] : memref<32x1024xf32, #tpu.memory_space<vmem>> -> memref<32x128xf32, #tpu.memory_space<vmem>>
      %dma_wait3A_2415 = arith.constant 0 : i32
      %dma_wait3A_2416 = arith.constant 0 : i32
      %dma_wait3A_2417 = tpu.memref_slice %arg4[%dma_wait3A_2415, %dma_wait3A_2416] : memref<32x1000000xf32, #tpu.memory_space<hbm>> -> memref<32x128xf32, #tpu.memory_space<hbm>>
      %dma_wait3A_2418 = arith.constant 0 : i32
      %dma_wait3A_2419 = arith.constant 896 : i32
      %dma_wait3A_2420 = tpu.memref_slice %arg11[%dma_wait3A_2418, %dma_wait3A_2419] : memref<32x1024xf32, #tpu.memory_space<vmem>> -> memref<32x128xf32, #tpu.memory_space<vmem>>
      %dma_wait3A_2421 = arith.constant 0 : i32
      %dma_wait3A_2422 = arith.constant 0 : i32
      %dma_wait3A_2423 = tpu.memref_slice %arg4[%dma_wait3A_2421, %dma_wait3A_2422] : memref<32x1000000xf32, #tpu.memory_space<hbm>> -> memref<32x128xf32, #tpu.memory_space<hbm>>
      tpu.wait_dma2 semaphore(%arg24 : memref<!tpu.dma_semaphore, #tpu.memory_space<semaphore_mem>>) src(%dma_wait3A_2423 : memref<32x128xf32, #tpu.memory_space<hbm>>) dst(%dma_wait3A_2420 : memref<32x128xf32, #tpu.memory_space<vmem>>)
      %dma_wait3A_2424 = arith.constant 0 : i32
      %dma_wait3A_2425 = arith.constant 896 : i32
      %dma_wait3A_2426 = tpu.memref_slice %arg12[%dma_wait3A_2424, %dma_wait3A_2425] : memref<32x1024xf32, #tpu.memory_space<vmem>> -> memref<32x128xf32, #tpu.memory_space<vmem>>
      %dma_wait3A_2427 = arith.constant 0 : i32
      %dma_wait3A_2428 = arith.constant 0 : i32
      %dma_wait3A_2429 = tpu.memref_slice %arg5[%dma_wait3A_2427, %dma_wait3A_2428] : memref<32x1000000xf32, #tpu.memory_space<hbm>> -> memref<32x128xf32, #tpu.memory_space<hbm>>
      %dma_wait3A_2430 = arith.constant 0 : i32
      %dma_wait3A_2431 = arith.constant 896 : i32
      %dma_wait3A_2432 = tpu.memref_slice %arg12[%dma_wait3A_2430, %dma_wait3A_2431] : memref<32x1024xf32, #tpu.memory_space<vmem>> -> memref<32x128xf32, #tpu.memory_space<vmem>>
      %dma_wait3A_2433 = arith.constant 0 : i32
      %dma_wait3A_2434 = arith.constant 0 : i32
      %dma_wait3A_2435 = tpu.memref_slice %arg5[%dma_wait3A_2433, %dma_wait3A_2434] : memref<32x1000000xf32, #tpu.memory_space<hbm>> -> memref<32x128xf32, #tpu.memory_space<hbm>>
      tpu.wait_dma2 semaphore(%arg24 : memref<!tpu.dma_semaphore, #tpu.memory_space<semaphore_mem>>) src(%dma_wait3A_2435 : memref<32x128xf32, #tpu.memory_space<hbm>>) dst(%dma_wait3A_2432 : memref<32x128xf32, #tpu.memory_space<vmem>>)
      %slice3A_2436 = vector.extract_strided_slice %min3A_1710 {offsets = [7], sizes = [1], strides = [1]} : vector<16xi32> to vector<1xi32>
      %squeeze3A_2437 = vector.extract %slice3A_2436[0] : i32 from vector<1xi32>
      %add3A_2438 = arith.constant 896 : i32
      %add3A_2439 = arith.addi %add3A_2438, %squeeze3A_2437 : i32
      %broadcast_in_dim3A_2440 = vector.broadcast %add3A_2439 : i32 to vector<16xi32>
      %slice3A_2441 = vector.extract_strided_slice %min3A_1714 {offsets = [7], sizes = [1], strides = [1]} : vector<16xi32> to vector<1xi32>
      %squeeze3A_2442 = vector.extract %slice3A_2441[0] : i32 from vector<1xi32>
      %add3A_2443 = arith.constant 896 : i32
      %add3A_2444 = arith.addi %add3A_2443, %squeeze3A_2442 : i32
      %broadcast_in_dim3A_2445 = vector.broadcast %add3A_2444 : i32 to vector<16xi32>
      %slice3A_2446 = vector.extract_strided_slice %max3A_1720 {offsets = [7], sizes = [1], strides = [1]} : vector<16xi32> to vector<1xi32>
      %squeeze3A_2447 = vector.extract %slice3A_2446[0] : i32 from vector<1xi32>
      %broadcast_in_dim3A_2448 = vector.broadcast %squeeze3A_2447 : i32 to vector<16xi32>
      %slice3A_2449 = vector.extract_strided_slice %max3A_1726 {offsets = [7], sizes = [1], strides = [1]} : vector<16xi32> to vector<1xi32>
      %squeeze3A_2450 = vector.extract %slice3A_2449[0] : i32 from vector<1xi32>
      %broadcast_in_dim3A_2451 = vector.broadcast %squeeze3A_2450 : i32 to vector<16xi32>
      %slice3A_2452 = vector.extract_strided_slice %convert_element_type3A_1730 {offsets = [7], sizes = [1], strides = [1]} : vector<16xi32> to vector<1xi32>
      %squeeze3A_2453 = vector.extract %slice3A_2452[0] : i32 from vector<1xi32>
      %broadcast_in_dim3A_2454 = vector.broadcast %squeeze3A_2453 : i32 to vector<16xi32>
      %gt3A_2455 = arith.constant 0 : i32
      %gt3A_2456 = vector.broadcast %gt3A_2455 : i32 to vector<16xi32>
      %gt3A_2457 = arith.cmpi sgt, %broadcast_in_dim3A_2454, %gt3A_2456 : vector<16xi32>
      %gather3A_2458 = tpu.vector_load_idx %arg11[%iota3A_216, %broadcast_in_dim3A_2440] : memref<32x1024xf32, #tpu.memory_space<vmem>>[vector<16xi32>, vector<16xi32>], vector<16xf32>,
      %gather3A_2459 = tpu.vector_load_idx %arg11[%add3A_219, %broadcast_in_dim3A_2440] : memref<32x1024xf32, #tpu.memory_space<vmem>>[vector<16xi32>, vector<16xi32>], vector<16xf32>,
      %gather3A_2460 = tpu.vector_load_idx %arg13[%iota3A_216, %broadcast_in_dim3A_2448] : memref<32x128xf32, #tpu.memory_space<vmem>>[vector<16xi32>, vector<16xi32>], vector<16xf32>,
      %gather3A_2461 = tpu.vector_load_idx %arg13[%add3A_219, %broadcast_in_dim3A_2448] : memref<32x128xf32, #tpu.memory_space<vmem>>[vector<16xi32>, vector<16xi32>], vector<16xf32>,
      %select_n3A_2462 = arith.select %gt3A_2457, %gather3A_2460, %gather3A_2458 : vector<16xi1>, vector<16xf32>
      %select_n3A_2463 = arith.select %gt3A_2457, %gather3A_2461, %gather3A_2459 : vector<16xi1>, vector<16xf32>
      %slice3A_2464 = vector.extract_strided_slice %convert_element_type3A_1734 {offsets = [7], sizes = [1], strides = [1]} : vector<16xi32> to vector<1xi32>
      %squeeze3A_2465 = vector.extract %slice3A_2464[0] : i32 from vector<1xi32>
      %broadcast_in_dim3A_2466 = vector.broadcast %squeeze3A_2465 : i32 to vector<16xi32>
      %gt3A_2467 = arith.constant 0 : i32
      %gt3A_2468 = vector.broadcast %gt3A_2467 : i32 to vector<16xi32>
      %gt3A_2469 = arith.cmpi sgt, %broadcast_in_dim3A_2466, %gt3A_2468 : vector<16xi32>
      %gather3A_2470 = tpu.vector_load_idx %arg12[%iota3A_216, %broadcast_in_dim3A_2445] : memref<32x1024xf32, #tpu.memory_space<vmem>>[vector<16xi32>, vector<16xi32>], vector<16xf32>,
      %gather3A_2471 = tpu.vector_load_idx %arg12[%add3A_219, %broadcast_in_dim3A_2445] : memref<32x1024xf32, #tpu.memory_space<vmem>>[vector<16xi32>, vector<16xi32>], vector<16xf32>,
      %gather3A_2472 = tpu.vector_load_idx %arg14[%iota3A_216, %broadcast_in_dim3A_2451] : memref<32x128xf32, #tpu.memory_space<vmem>>[vector<16xi32>, vector<16xi32>], vector<16xf32>,
      %gather3A_2473 = tpu.vector_load_idx %arg14[%add3A_219, %broadcast_in_dim3A_2451] : memref<32x128xf32, #tpu.memory_space<vmem>>[vector<16xi32>, vector<16xi32>], vector<16xf32>,
      %select_n3A_2474 = arith.select %gt3A_2469, %gather3A_2472, %gather3A_2470 : vector<16xi1>, vector<16xf32>
      %select_n3A_2475 = arith.select %gt3A_2469, %gather3A_2473, %gather3A_2471 : vector<16xi1>, vector<16xf32>
      %mul3A_2476 = arith.mulf %select_n3A_2462, %select_n3A_2474 : vector<16xf32>
      %mul3A_2477 = arith.mulf %select_n3A_2463, %select_n3A_2475 : vector<16xf32>
      %add3A_2478 = arith.addf %mul3A_2476, %mul3A_2477 : vector<16xf32>
      %swap3A_2479 = arith.constant 112 : index
      %swap3A_2480 = tpu.vector_load %arg16[%swap3A_2479] {strides = array<i32>} : memref<256xf32, #tpu.memory_space<vmem>>, vector<16xf32>,
      tpu.vector_store %arg16[%swap3A_2479], %add3A_2478 {strides = array<i32>} : memref<256xf32, #tpu.memory_space<vmem>>, vector<16xf32>,
      %slice3A_2481 = vector.extract_strided_slice %min3A_1744 {offsets = [7], sizes = [1], strides = [1]} : vector<16xi32> to vector<1xi32>
      %squeeze3A_2482 = vector.extract %slice3A_2481[0] : i32 from vector<1xi32>
      %slice3A_2483 = vector.extract_strided_slice %min3A_1746 {offsets = [7], sizes = [1], strides = [1]} : vector<16xi32> to vector<1xi32>
      %squeeze3A_2484 = vector.extract %slice3A_2483[0] : i32 from vector<1xi32>
      %multiple_of3A_2485 = tpu.assume_multiple %squeeze3A_2482, 128 : i32
      %dma_start3A_2486 = arith.constant 0 : i32
      %dma_start3A_2487 = arith.constant 896 : i32
      %dma_start3A_2488 = tpu.memref_slice %arg11[%dma_start3A_2486, %dma_start3A_2487] : memref<32x1024xf32, #tpu.memory_space<vmem>> -> memref<32x128xf32, #tpu.memory_space<vmem>>
      %dma_start3A_2489 = arith.constant 0 : i32
      %dma_start3A_2490 = tpu.memref_slice %arg4[%dma_start3A_2489, %multiple_of3A_2485] : memref<32x1000000xf32, #tpu.memory_space<hbm>> -> memref<32x128xf32, #tpu.memory_space<hbm>>
      %dma_start3A_2491 = arith.constant 0 : i32
      %dma_start3A_2492 = arith.constant 896 : i32
      %dma_start3A_2493 = tpu.memref_slice %arg11[%dma_start3A_2491, %dma_start3A_2492] : memref<32x1024xf32, #tpu.memory_space<vmem>> -> memref<32x128xf32, #tpu.memory_space<vmem>>
      %dma_start3A_2494 = arith.constant 0 : i32
      %dma_start3A_2495 = tpu.memref_slice %arg4[%dma_start3A_2494, %multiple_of3A_2485] : memref<32x1000000xf32, #tpu.memory_space<hbm>> -> memref<32x128xf32, #tpu.memory_space<hbm>>
      tpu.enqueue_dma source(%dma_start3A_2495 : memref<32x128xf32, #tpu.memory_space<hbm>>) target(%dma_start3A_2493 : memref<32x128xf32, #tpu.memory_space<vmem>>) target_semaphore(%arg24 : memref<!tpu.dma_semaphore, #tpu.memory_space<semaphore_mem>>)
      %multiple_of3A_2496 = tpu.assume_multiple %squeeze3A_2484, 128 : i32
      %dma_start3A_2497 = arith.constant 0 : i32
      %dma_start3A_2498 = arith.constant 896 : i32
      %dma_start3A_2499 = tpu.memref_slice %arg12[%dma_start3A_2497, %dma_start3A_2498] : memref<32x1024xf32, #tpu.memory_space<vmem>> -> memref<32x128xf32, #tpu.memory_space<vmem>>
      %dma_start3A_2500 = arith.constant 0 : i32
      %dma_start3A_2501 = tpu.memref_slice %arg5[%dma_start3A_2500, %multiple_of3A_2496] : memref<32x1000000xf32, #tpu.memory_space<hbm>> -> memref<32x128xf32, #tpu.memory_space<hbm>>
      %dma_start3A_2502 = arith.constant 0 : i32
      %dma_start3A_2503 = arith.constant 896 : i32
      %dma_start3A_2504 = tpu.memref_slice %arg12[%dma_start3A_2502, %dma_start3A_2503] : memref<32x1024xf32, #tpu.memory_space<vmem>> -> memref<32x128xf32, #tpu.memory_space<vmem>>
      %dma_start3A_2505 = arith.constant 0 : i32
      %dma_start3A_2506 = tpu.memref_slice %arg5[%dma_start3A_2505, %multiple_of3A_2496] : memref<32x1000000xf32, #tpu.memory_space<hbm>> -> memref<32x128xf32, #tpu.memory_space<hbm>>
      tpu.enqueue_dma source(%dma_start3A_2506 : memref<32x128xf32, #tpu.memory_space<hbm>>) target(%dma_start3A_2504 : memref<32x128xf32, #tpu.memory_space<vmem>>) target_semaphore(%arg24 : memref<!tpu.dma_semaphore, #tpu.memory_space<semaphore_mem>>)
      %add3A_2507 = arith.constant 8 : i32
      %add3A_2508 = arith.addi %mul3A_1698, %add3A_2507 : i32
      %add3A_2509 = arith.constant 8 : i32
      %add3A_2510 = arith.addi %add3A_2508, %add3A_2509 : i32
      %get3A_2511 = arith.index_cast %add3A_2510 : i32 to index
      %get3A_2512 = tpu.vector_load %arg9[%get3A_2511] {strides = array<i32>} : memref<512xi32, #tpu.memory_space<vmem>>, vector<16xi32>,
      %get3A_2513 = arith.index_cast %add3A_2510 : i32 to index
      %get3A_2514 = tpu.vector_load %arg10[%get3A_2513] {strides = array<i32>} : memref<512xi32, #tpu.memory_space<vmem>>, vector<16xi32>,
      %and3A_2515 = arith.andi %get3A_2512, %broadcast_in_dim3A_3 : vector<16xi32>
      %min3A_2516 = arith.minsi %and3A_2515, %broadcast_in_dim3A_5 : vector<16xi32>
      %and3A_2517 = arith.andi %get3A_2514, %broadcast_in_dim3A_3 : vector<16xi32>
      %min3A_2518 = arith.minsi %and3A_2517, %broadcast_in_dim3A_5 : vector<16xi32>
      %dma_wait3A_2519 = arith.constant 0 : i32
      %dma_wait3A_2520 = arith.constant 0 : i32
      %dma_wait3A_2521 = tpu.memref_slice %arg11[%dma_wait3A_2519, %dma_wait3A_2520] : memref<32x1024xf32, #tpu.memory_space<vmem>> -> memref<32x128xf32, #tpu.memory_space<vmem>>
      %dma_wait3A_2522 = arith.constant 0 : i32
      %dma_wait3A_2523 = arith.constant 0 : i32
      %dma_wait3A_2524 = tpu.memref_slice %arg4[%dma_wait3A_2522, %dma_wait3A_2523] : memref<32x1000000xf32, #tpu.memory_space<hbm>> -> memref<32x128xf32, #tpu.memory_space<hbm>>
      %dma_wait3A_2525 = arith.constant 0 : i32
      %dma_wait3A_2526 = arith.constant 0 : i32
      %dma_wait3A_2527 = tpu.memref_slice %arg11[%dma_wait3A_2525, %dma_wait3A_2526] : memref<32x1024xf32, #tpu.memory_space<vmem>> -> memref<32x128xf32, #tpu.memory_space<vmem>>
      %dma_wait3A_2528 = arith.constant 0 : i32
      %dma_wait3A_2529 = arith.constant 0 : i32
      %dma_wait3A_2530 = tpu.memref_slice %arg4[%dma_wait3A_2528, %dma_wait3A_2529] : memref<32x1000000xf32, #tpu.memory_space<hbm>> -> memref<32x128xf32, #tpu.memory_space<hbm>>
      tpu.wait_dma2 semaphore(%arg17 : memref<!tpu.dma_semaphore, #tpu.memory_space<semaphore_mem>>) src(%dma_wait3A_2530 : memref<32x128xf32, #tpu.memory_space<hbm>>) dst(%dma_wait3A_2527 : memref<32x128xf32, #tpu.memory_space<vmem>>)
      %dma_wait3A_2531 = arith.constant 0 : i32
      %dma_wait3A_2532 = arith.constant 0 : i32
      %dma_wait3A_2533 = tpu.memref_slice %arg12[%dma_wait3A_2531, %dma_wait3A_2532] : memref<32x1024xf32, #tpu.memory_space<vmem>> -> memref<32x128xf32, #tpu.memory_space<vmem>>
      %dma_wait3A_2534 = arith.constant 0 : i32
      %dma_wait3A_2535 = arith.constant 0 : i32
      %dma_wait3A_2536 = tpu.memref_slice %arg5[%dma_wait3A_2534, %dma_wait3A_2535] : memref<32x1000000xf32, #tpu.memory_space<hbm>> -> memref<32x128xf32, #tpu.memory_space<hbm>>
      %dma_wait3A_2537 = arith.constant 0 : i32
      %dma_wait3A_2538 = arith.constant 0 : i32
      %dma_wait3A_2539 = tpu.memref_slice %arg12[%dma_wait3A_2537, %dma_wait3A_2538] : memref<32x1024xf32, #tpu.memory_space<vmem>> -> memref<32x128xf32, #tpu.memory_space<vmem>>
      %dma_wait3A_2540 = arith.constant 0 : i32
      %dma_wait3A_2541 = arith.constant 0 : i32
      %dma_wait3A_2542 = tpu.memref_slice %arg5[%dma_wait3A_2540, %dma_wait3A_2541] : memref<32x1000000xf32, #tpu.memory_space<hbm>> -> memref<32x128xf32, #tpu.memory_space<hbm>>
      tpu.wait_dma2 semaphore(%arg17 : memref<!tpu.dma_semaphore, #tpu.memory_space<semaphore_mem>>) src(%dma_wait3A_2542 : memref<32x128xf32, #tpu.memory_space<hbm>>) dst(%dma_wait3A_2539 : memref<32x128xf32, #tpu.memory_space<vmem>>)
      %slice3A_2543 = vector.extract_strided_slice %min3A_1710 {offsets = [8], sizes = [1], strides = [1]} : vector<16xi32> to vector<1xi32>
      %squeeze3A_2544 = vector.extract %slice3A_2543[0] : i32 from vector<1xi32>
      %add3A_2545 = arith.constant 0 : i32
      %add3A_2546 = arith.addi %add3A_2545, %squeeze3A_2544 : i32
      %broadcast_in_dim3A_2547 = vector.broadcast %add3A_2546 : i32 to vector<16xi32>
      %slice3A_2548 = vector.extract_strided_slice %min3A_1714 {offsets = [8], sizes = [1], strides = [1]} : vector<16xi32> to vector<1xi32>
      %squeeze3A_2549 = vector.extract %slice3A_2548[0] : i32 from vector<1xi32>
      %add3A_2550 = arith.constant 0 : i32
      %add3A_2551 = arith.addi %add3A_2550, %squeeze3A_2549 : i32
      %broadcast_in_dim3A_2552 = vector.broadcast %add3A_2551 : i32 to vector<16xi32>
      %slice3A_2553 = vector.extract_strided_slice %max3A_1720 {offsets = [8], sizes = [1], strides = [1]} : vector<16xi32> to vector<1xi32>
      %squeeze3A_2554 = vector.extract %slice3A_2553[0] : i32 from vector<1xi32>
      %broadcast_in_dim3A_2555 = vector.broadcast %squeeze3A_2554 : i32 to vector<16xi32>
      %slice3A_2556 = vector.extract_strided_slice %max3A_1726 {offsets = [8], sizes = [1], strides = [1]} : vector<16xi32> to vector<1xi32>
      %squeeze3A_2557 = vector.extract %slice3A_2556[0] : i32 from vector<1xi32>
      %broadcast_in_dim3A_2558 = vector.broadcast %squeeze3A_2557 : i32 to vector<16xi32>
      %slice3A_2559 = vector.extract_strided_slice %convert_element_type3A_1730 {offsets = [8], sizes = [1], strides = [1]} : vector<16xi32> to vector<1xi32>
      %squeeze3A_2560 = vector.extract %slice3A_2559[0] : i32 from vector<1xi32>
      %broadcast_in_dim3A_2561 = vector.broadcast %squeeze3A_2560 : i32 to vector<16xi32>
      %gt3A_2562 = arith.constant 0 : i32
      %gt3A_2563 = vector.broadcast %gt3A_2562 : i32 to vector<16xi32>
      %gt3A_2564 = arith.cmpi sgt, %broadcast_in_dim3A_2561, %gt3A_2563 : vector<16xi32>
      %gather3A_2565 = tpu.vector_load_idx %arg11[%iota3A_216, %broadcast_in_dim3A_2547] : memref<32x1024xf32, #tpu.memory_space<vmem>>[vector<16xi32>, vector<16xi32>], vector<16xf32>,
      %gather3A_2566 = tpu.vector_load_idx %arg11[%add3A_219, %broadcast_in_dim3A_2547] : memref<32x1024xf32, #tpu.memory_space<vmem>>[vector<16xi32>, vector<16xi32>], vector<16xf32>,
      %gather3A_2567 = tpu.vector_load_idx %arg13[%iota3A_216, %broadcast_in_dim3A_2555] : memref<32x128xf32, #tpu.memory_space<vmem>>[vector<16xi32>, vector<16xi32>], vector<16xf32>,
      %gather3A_2568 = tpu.vector_load_idx %arg13[%add3A_219, %broadcast_in_dim3A_2555] : memref<32x128xf32, #tpu.memory_space<vmem>>[vector<16xi32>, vector<16xi32>], vector<16xf32>,
      %select_n3A_2569 = arith.select %gt3A_2564, %gather3A_2567, %gather3A_2565 : vector<16xi1>, vector<16xf32>
      %select_n3A_2570 = arith.select %gt3A_2564, %gather3A_2568, %gather3A_2566 : vector<16xi1>, vector<16xf32>
      %slice3A_2571 = vector.extract_strided_slice %convert_element_type3A_1734 {offsets = [8], sizes = [1], strides = [1]} : vector<16xi32> to vector<1xi32>
      %squeeze3A_2572 = vector.extract %slice3A_2571[0] : i32 from vector<1xi32>
      %broadcast_in_dim3A_2573 = vector.broadcast %squeeze3A_2572 : i32 to vector<16xi32>
      %gt3A_2574 = arith.constant 0 : i32
      %gt3A_2575 = vector.broadcast %gt3A_2574 : i32 to vector<16xi32>
      %gt3A_2576 = arith.cmpi sgt, %broadcast_in_dim3A_2573, %gt3A_2575 : vector<16xi32>
      %gather3A_2577 = tpu.vector_load_idx %arg12[%iota3A_216, %broadcast_in_dim3A_2552] : memref<32x1024xf32, #tpu.memory_space<vmem>>[vector<16xi32>, vector<16xi32>], vector<16xf32>,
      %gather3A_2578 = tpu.vector_load_idx %arg12[%add3A_219, %broadcast_in_dim3A_2552] : memref<32x1024xf32, #tpu.memory_space<vmem>>[vector<16xi32>, vector<16xi32>], vector<16xf32>,
      %gather3A_2579 = tpu.vector_load_idx %arg14[%iota3A_216, %broadcast_in_dim3A_2558] : memref<32x128xf32, #tpu.memory_space<vmem>>[vector<16xi32>, vector<16xi32>], vector<16xf32>,
      %gather3A_2580 = tpu.vector_load_idx %arg14[%add3A_219, %broadcast_in_dim3A_2558] : memref<32x128xf32, #tpu.memory_space<vmem>>[vector<16xi32>, vector<16xi32>], vector<16xf32>,
      %select_n3A_2581 = arith.select %gt3A_2576, %gather3A_2579, %gather3A_2577 : vector<16xi1>, vector<16xf32>
      %select_n3A_2582 = arith.select %gt3A_2576, %gather3A_2580, %gather3A_2578 : vector<16xi1>, vector<16xf32>
      %mul3A_2583 = arith.mulf %select_n3A_2569, %select_n3A_2581 : vector<16xf32>
      %mul3A_2584 = arith.mulf %select_n3A_2570, %select_n3A_2582 : vector<16xf32>
      %add3A_2585 = arith.addf %mul3A_2583, %mul3A_2584 : vector<16xf32>
      %swap3A_2586 = arith.constant 128 : index
      %swap3A_2587 = tpu.vector_load %arg16[%swap3A_2586] {strides = array<i32>} : memref<256xf32, #tpu.memory_space<vmem>>, vector<16xf32>,
      tpu.vector_store %arg16[%swap3A_2586], %add3A_2585 {strides = array<i32>} : memref<256xf32, #tpu.memory_space<vmem>>, vector<16xf32>,
      %slice3A_2588 = vector.extract_strided_slice %min3A_2516 {offsets = [0], sizes = [1], strides = [1]} : vector<16xi32> to vector<1xi32>
      %squeeze3A_2589 = vector.extract %slice3A_2588[0] : i32 from vector<1xi32>
      %slice3A_2590 = vector.extract_strided_slice %min3A_2518 {offsets = [0], sizes = [1], strides = [1]} : vector<16xi32> to vector<1xi32>
      %squeeze3A_2591 = vector.extract %slice3A_2590[0] : i32 from vector<1xi32>
      %multiple_of3A_2592 = tpu.assume_multiple %squeeze3A_2589, 128 : i32
      %dma_start3A_2593 = arith.constant 0 : i32
      %dma_start3A_2594 = arith.constant 0 : i32
      %dma_start3A_2595 = tpu.memref_slice %arg11[%dma_start3A_2593, %dma_start3A_2594] : memref<32x1024xf32, #tpu.memory_space<vmem>> -> memref<32x128xf32, #tpu.memory_space<vmem>>
      %dma_start3A_2596 = arith.constant 0 : i32
      %dma_start3A_2597 = tpu.memref_slice %arg4[%dma_start3A_2596, %multiple_of3A_2592] : memref<32x1000000xf32, #tpu.memory_space<hbm>> -> memref<32x128xf32, #tpu.memory_space<hbm>>
      %dma_start3A_2598 = arith.constant 0 : i32
      %dma_start3A_2599 = arith.constant 0 : i32
      %dma_start3A_2600 = tpu.memref_slice %arg11[%dma_start3A_2598, %dma_start3A_2599] : memref<32x1024xf32, #tpu.memory_space<vmem>> -> memref<32x128xf32, #tpu.memory_space<vmem>>
      %dma_start3A_2601 = arith.constant 0 : i32
      %dma_start3A_2602 = tpu.memref_slice %arg4[%dma_start3A_2601, %multiple_of3A_2592] : memref<32x1000000xf32, #tpu.memory_space<hbm>> -> memref<32x128xf32, #tpu.memory_space<hbm>>
      tpu.enqueue_dma source(%dma_start3A_2602 : memref<32x128xf32, #tpu.memory_space<hbm>>) target(%dma_start3A_2600 : memref<32x128xf32, #tpu.memory_space<vmem>>) target_semaphore(%arg17 : memref<!tpu.dma_semaphore, #tpu.memory_space<semaphore_mem>>)
      %multiple_of3A_2603 = tpu.assume_multiple %squeeze3A_2591, 128 : i32
      %dma_start3A_2604 = arith.constant 0 : i32
      %dma_start3A_2605 = arith.constant 0 : i32
      %dma_start3A_2606 = tpu.memref_slice %arg12[%dma_start3A_2604, %dma_start3A_2605] : memref<32x1024xf32, #tpu.memory_space<vmem>> -> memref<32x128xf32, #tpu.memory_space<vmem>>
      %dma_start3A_2607 = arith.constant 0 : i32
      %dma_start3A_2608 = tpu.memref_slice %arg5[%dma_start3A_2607, %multiple_of3A_2603] : memref<32x1000000xf32, #tpu.memory_space<hbm>> -> memref<32x128xf32, #tpu.memory_space<hbm>>
      %dma_start3A_2609 = arith.constant 0 : i32
      %dma_start3A_2610 = arith.constant 0 : i32
      %dma_start3A_2611 = tpu.memref_slice %arg12[%dma_start3A_2609, %dma_start3A_2610] : memref<32x1024xf32, #tpu.memory_space<vmem>> -> memref<32x128xf32, #tpu.memory_space<vmem>>
      %dma_start3A_2612 = arith.constant 0 : i32
      %dma_start3A_2613 = tpu.memref_slice %arg5[%dma_start3A_2612, %multiple_of3A_2603] : memref<32x1000000xf32, #tpu.memory_space<hbm>> -> memref<32x128xf32, #tpu.memory_space<hbm>>
      tpu.enqueue_dma source(%dma_start3A_2613 : memref<32x128xf32, #tpu.memory_space<hbm>>) target(%dma_start3A_2611 : memref<32x128xf32, #tpu.memory_space<vmem>>) target_semaphore(%arg17 : memref<!tpu.dma_semaphore, #tpu.memory_space<semaphore_mem>>)
      %dma_wait3A_2614 = arith.constant 0 : i32
      %dma_wait3A_2615 = arith.constant 128 : i32
      %dma_wait3A_2616 = tpu.memref_slice %arg11[%dma_wait3A_2614, %dma_wait3A_2615] : memref<32x1024xf32, #tpu.memory_space<vmem>> -> memref<32x128xf32, #tpu.memory_space<vmem>>
      %dma_wait3A_2617 = arith.constant 0 : i32
      %dma_wait3A_2618 = arith.constant 0 : i32
      %dma_wait3A_2619 = tpu.memref_slice %arg4[%dma_wait3A_2617, %dma_wait3A_2618] : memref<32x1000000xf32, #tpu.memory_space<hbm>> -> memref<32x128xf32, #tpu.memory_space<hbm>>
      %dma_wait3A_2620 = arith.constant 0 : i32
      %dma_wait3A_2621 = arith.constant 128 : i32
      %dma_wait3A_2622 = tpu.memref_slice %arg11[%dma_wait3A_2620, %dma_wait3A_2621] : memref<32x1024xf32, #tpu.memory_space<vmem>> -> memref<32x128xf32, #tpu.memory_space<vmem>>
      %dma_wait3A_2623 = arith.constant 0 : i32
      %dma_wait3A_2624 = arith.constant 0 : i32
      %dma_wait3A_2625 = tpu.memref_slice %arg4[%dma_wait3A_2623, %dma_wait3A_2624] : memref<32x1000000xf32, #tpu.memory_space<hbm>> -> memref<32x128xf32, #tpu.memory_space<hbm>>
      tpu.wait_dma2 semaphore(%arg18 : memref<!tpu.dma_semaphore, #tpu.memory_space<semaphore_mem>>) src(%dma_wait3A_2625 : memref<32x128xf32, #tpu.memory_space<hbm>>) dst(%dma_wait3A_2622 : memref<32x128xf32, #tpu.memory_space<vmem>>)
      %dma_wait3A_2626 = arith.constant 0 : i32
      %dma_wait3A_2627 = arith.constant 128 : i32
      %dma_wait3A_2628 = tpu.memref_slice %arg12[%dma_wait3A_2626, %dma_wait3A_2627] : memref<32x1024xf32, #tpu.memory_space<vmem>> -> memref<32x128xf32, #tpu.memory_space<vmem>>
      %dma_wait3A_2629 = arith.constant 0 : i32
      %dma_wait3A_2630 = arith.constant 0 : i32
      %dma_wait3A_2631 = tpu.memref_slice %arg5[%dma_wait3A_2629, %dma_wait3A_2630] : memref<32x1000000xf32, #tpu.memory_space<hbm>> -> memref<32x128xf32, #tpu.memory_space<hbm>>
      %dma_wait3A_2632 = arith.constant 0 : i32
      %dma_wait3A_2633 = arith.constant 128 : i32
      %dma_wait3A_2634 = tpu.memref_slice %arg12[%dma_wait3A_2632, %dma_wait3A_2633] : memref<32x1024xf32, #tpu.memory_space<vmem>> -> memref<32x128xf32, #tpu.memory_space<vmem>>
      %dma_wait3A_2635 = arith.constant 0 : i32
      %dma_wait3A_2636 = arith.constant 0 : i32
      %dma_wait3A_2637 = tpu.memref_slice %arg5[%dma_wait3A_2635, %dma_wait3A_2636] : memref<32x1000000xf32, #tpu.memory_space<hbm>> -> memref<32x128xf32, #tpu.memory_space<hbm>>
      tpu.wait_dma2 semaphore(%arg18 : memref<!tpu.dma_semaphore, #tpu.memory_space<semaphore_mem>>) src(%dma_wait3A_2637 : memref<32x128xf32, #tpu.memory_space<hbm>>) dst(%dma_wait3A_2634 : memref<32x128xf32, #tpu.memory_space<vmem>>)
      %slice3A_2638 = vector.extract_strided_slice %min3A_1710 {offsets = [9], sizes = [1], strides = [1]} : vector<16xi32> to vector<1xi32>
      %squeeze3A_2639 = vector.extract %slice3A_2638[0] : i32 from vector<1xi32>
      %add3A_2640 = arith.constant 128 : i32
      %add3A_2641 = arith.addi %add3A_2640, %squeeze3A_2639 : i32
      %broadcast_in_dim3A_2642 = vector.broadcast %add3A_2641 : i32 to vector<16xi32>
      %slice3A_2643 = vector.extract_strided_slice %min3A_1714 {offsets = [9], sizes = [1], strides = [1]} : vector<16xi32> to vector<1xi32>
      %squeeze3A_2644 = vector.extract %slice3A_2643[0] : i32 from vector<1xi32>
      %add3A_2645 = arith.constant 128 : i32
      %add3A_2646 = arith.addi %add3A_2645, %squeeze3A_2644 : i32
      %broadcast_in_dim3A_2647 = vector.broadcast %add3A_2646 : i32 to vector<16xi32>
      %slice3A_2648 = vector.extract_strided_slice %max3A_1720 {offsets = [9], sizes = [1], strides = [1]} : vector<16xi32> to vector<1xi32>
      %squeeze3A_2649 = vector.extract %slice3A_2648[0] : i32 from vector<1xi32>
      %broadcast_in_dim3A_2650 = vector.broadcast %squeeze3A_2649 : i32 to vector<16xi32>
      %slice3A_2651 = vector.extract_strided_slice %max3A_1726 {offsets = [9], sizes = [1], strides = [1]} : vector<16xi32> to vector<1xi32>
      %squeeze3A_2652 = vector.extract %slice3A_2651[0] : i32 from vector<1xi32>
      %broadcast_in_dim3A_2653 = vector.broadcast %squeeze3A_2652 : i32 to vector<16xi32>
      %slice3A_2654 = vector.extract_strided_slice %convert_element_type3A_1730 {offsets = [9], sizes = [1], strides = [1]} : vector<16xi32> to vector<1xi32>
      %squeeze3A_2655 = vector.extract %slice3A_2654[0] : i32 from vector<1xi32>
      %broadcast_in_dim3A_2656 = vector.broadcast %squeeze3A_2655 : i32 to vector<16xi32>
      %gt3A_2657 = arith.constant 0 : i32
      %gt3A_2658 = vector.broadcast %gt3A_2657 : i32 to vector<16xi32>
      %gt3A_2659 = arith.cmpi sgt, %broadcast_in_dim3A_2656, %gt3A_2658 : vector<16xi32>
      %gather3A_2660 = tpu.vector_load_idx %arg11[%iota3A_216, %broadcast_in_dim3A_2642] : memref<32x1024xf32, #tpu.memory_space<vmem>>[vector<16xi32>, vector<16xi32>], vector<16xf32>,
      %gather3A_2661 = tpu.vector_load_idx %arg11[%add3A_219, %broadcast_in_dim3A_2642] : memref<32x1024xf32, #tpu.memory_space<vmem>>[vector<16xi32>, vector<16xi32>], vector<16xf32>,
      %gather3A_2662 = tpu.vector_load_idx %arg13[%iota3A_216, %broadcast_in_dim3A_2650] : memref<32x128xf32, #tpu.memory_space<vmem>>[vector<16xi32>, vector<16xi32>], vector<16xf32>,
      %gather3A_2663 = tpu.vector_load_idx %arg13[%add3A_219, %broadcast_in_dim3A_2650] : memref<32x128xf32, #tpu.memory_space<vmem>>[vector<16xi32>, vector<16xi32>], vector<16xf32>,
      %select_n3A_2664 = arith.select %gt3A_2659, %gather3A_2662, %gather3A_2660 : vector<16xi1>, vector<16xf32>
      %select_n3A_2665 = arith.select %gt3A_2659, %gather3A_2663, %gather3A_2661 : vector<16xi1>, vector<16xf32>
      %slice3A_2666 = vector.extract_strided_slice %convert_element_type3A_1734 {offsets = [9], sizes = [1], strides = [1]} : vector<16xi32> to vector<1xi32>
      %squeeze3A_2667 = vector.extract %slice3A_2666[0] : i32 from vector<1xi32>
      %broadcast_in_dim3A_2668 = vector.broadcast %squeeze3A_2667 : i32 to vector<16xi32>
      %gt3A_2669 = arith.constant 0 : i32
      %gt3A_2670 = vector.broadcast %gt3A_2669 : i32 to vector<16xi32>
      %gt3A_2671 = arith.cmpi sgt, %broadcast_in_dim3A_2668, %gt3A_2670 : vector<16xi32>
      %gather3A_2672 = tpu.vector_load_idx %arg12[%iota3A_216, %broadcast_in_dim3A_2647] : memref<32x1024xf32, #tpu.memory_space<vmem>>[vector<16xi32>, vector<16xi32>], vector<16xf32>,
      %gather3A_2673 = tpu.vector_load_idx %arg12[%add3A_219, %broadcast_in_dim3A_2647] : memref<32x1024xf32, #tpu.memory_space<vmem>>[vector<16xi32>, vector<16xi32>], vector<16xf32>,
      %gather3A_2674 = tpu.vector_load_idx %arg14[%iota3A_216, %broadcast_in_dim3A_2653] : memref<32x128xf32, #tpu.memory_space<vmem>>[vector<16xi32>, vector<16xi32>], vector<16xf32>,
      %gather3A_2675 = tpu.vector_load_idx %arg14[%add3A_219, %broadcast_in_dim3A_2653] : memref<32x128xf32, #tpu.memory_space<vmem>>[vector<16xi32>, vector<16xi32>], vector<16xf32>,
      %select_n3A_2676 = arith.select %gt3A_2671, %gather3A_2674, %gather3A_2672 : vector<16xi1>, vector<16xf32>
      %select_n3A_2677 = arith.select %gt3A_2671, %gather3A_2675, %gather3A_2673 : vector<16xi1>, vector<16xf32>
      %mul3A_2678 = arith.mulf %select_n3A_2664, %select_n3A_2676 : vector<16xf32>
      %mul3A_2679 = arith.mulf %select_n3A_2665, %select_n3A_2677 : vector<16xf32>
      %add3A_2680 = arith.addf %mul3A_2678, %mul3A_2679 : vector<16xf32>
      %swap3A_2681 = arith.constant 144 : index
      %swap3A_2682 = tpu.vector_load %arg16[%swap3A_2681] {strides = array<i32>} : memref<256xf32, #tpu.memory_space<vmem>>, vector<16xf32>,
      tpu.vector_store %arg16[%swap3A_2681], %add3A_2680 {strides = array<i32>} : memref<256xf32, #tpu.memory_space<vmem>>, vector<16xf32>,
      %slice3A_2683 = vector.extract_strided_slice %min3A_2516 {offsets = [1], sizes = [1], strides = [1]} : vector<16xi32> to vector<1xi32>
      %squeeze3A_2684 = vector.extract %slice3A_2683[0] : i32 from vector<1xi32>
      %slice3A_2685 = vector.extract_strided_slice %min3A_2518 {offsets = [1], sizes = [1], strides = [1]} : vector<16xi32> to vector<1xi32>
      %squeeze3A_2686 = vector.extract %slice3A_2685[0] : i32 from vector<1xi32>
      %multiple_of3A_2687 = tpu.assume_multiple %squeeze3A_2684, 128 : i32
      %dma_start3A_2688 = arith.constant 0 : i32
      %dma_start3A_2689 = arith.constant 128 : i32
      %dma_start3A_2690 = tpu.memref_slice %arg11[%dma_start3A_2688, %dma_start3A_2689] : memref<32x1024xf32, #tpu.memory_space<vmem>> -> memref<32x128xf32, #tpu.memory_space<vmem>>
      %dma_start3A_2691 = arith.constant 0 : i32
      %dma_start3A_2692 = tpu.memref_slice %arg4[%dma_start3A_2691, %multiple_of3A_2687] : memref<32x1000000xf32, #tpu.memory_space<hbm>> -> memref<32x128xf32, #tpu.memory_space<hbm>>
      %dma_start3A_2693 = arith.constant 0 : i32
      %dma_start3A_2694 = arith.constant 128 : i32
      %dma_start3A_2695 = tpu.memref_slice %arg11[%dma_start3A_2693, %dma_start3A_2694] : memref<32x1024xf32, #tpu.memory_space<vmem>> -> memref<32x128xf32, #tpu.memory_space<vmem>>
      %dma_start3A_2696 = arith.constant 0 : i32
      %dma_start3A_2697 = tpu.memref_slice %arg4[%dma_start3A_2696, %multiple_of3A_2687] : memref<32x1000000xf32, #tpu.memory_space<hbm>> -> memref<32x128xf32, #tpu.memory_space<hbm>>
      tpu.enqueue_dma source(%dma_start3A_2697 : memref<32x128xf32, #tpu.memory_space<hbm>>) target(%dma_start3A_2695 : memref<32x128xf32, #tpu.memory_space<vmem>>) target_semaphore(%arg18 : memref<!tpu.dma_semaphore, #tpu.memory_space<semaphore_mem>>)
      %multiple_of3A_2698 = tpu.assume_multiple %squeeze3A_2686, 128 : i32
      %dma_start3A_2699 = arith.constant 0 : i32
      %dma_start3A_2700 = arith.constant 128 : i32
      %dma_start3A_2701 = tpu.memref_slice %arg12[%dma_start3A_2699, %dma_start3A_2700] : memref<32x1024xf32, #tpu.memory_space<vmem>> -> memref<32x128xf32, #tpu.memory_space<vmem>>
      %dma_start3A_2702 = arith.constant 0 : i32
      %dma_start3A_2703 = tpu.memref_slice %arg5[%dma_start3A_2702, %multiple_of3A_2698] : memref<32x1000000xf32, #tpu.memory_space<hbm>> -> memref<32x128xf32, #tpu.memory_space<hbm>>
      %dma_start3A_2704 = arith.constant 0 : i32
      %dma_start3A_2705 = arith.constant 128 : i32
      %dma_start3A_2706 = tpu.memref_slice %arg12[%dma_start3A_2704, %dma_start3A_2705] : memref<32x1024xf32, #tpu.memory_space<vmem>> -> memref<32x128xf32, #tpu.memory_space<vmem>>
      %dma_start3A_2707 = arith.constant 0 : i32
      %dma_start3A_2708 = tpu.memref_slice %arg5[%dma_start3A_2707, %multiple_of3A_2698] : memref<32x1000000xf32, #tpu.memory_space<hbm>> -> memref<32x128xf32, #tpu.memory_space<hbm>>
      tpu.enqueue_dma source(%dma_start3A_2708 : memref<32x128xf32, #tpu.memory_space<hbm>>) target(%dma_start3A_2706 : memref<32x128xf32, #tpu.memory_space<vmem>>) target_semaphore(%arg18 : memref<!tpu.dma_semaphore, #tpu.memory_space<semaphore_mem>>)
      %dma_wait3A_2709 = arith.constant 0 : i32
      %dma_wait3A_2710 = arith.constant 256 : i32
      %dma_wait3A_2711 = tpu.memref_slice %arg11[%dma_wait3A_2709, %dma_wait3A_2710] : memref<32x1024xf32, #tpu.memory_space<vmem>> -> memref<32x128xf32, #tpu.memory_space<vmem>>
      %dma_wait3A_2712 = arith.constant 0 : i32
      %dma_wait3A_2713 = arith.constant 0 : i32
      %dma_wait3A_2714 = tpu.memref_slice %arg4[%dma_wait3A_2712, %dma_wait3A_2713] : memref<32x1000000xf32, #tpu.memory_space<hbm>> -> memref<32x128xf32, #tpu.memory_space<hbm>>
      %dma_wait3A_2715 = arith.constant 0 : i32
      %dma_wait3A_2716 = arith.constant 256 : i32
      %dma_wait3A_2717 = tpu.memref_slice %arg11[%dma_wait3A_2715, %dma_wait3A_2716] : memref<32x1024xf32, #tpu.memory_space<vmem>> -> memref<32x128xf32, #tpu.memory_space<vmem>>
      %dma_wait3A_2718 = arith.constant 0 : i32
      %dma_wait3A_2719 = arith.constant 0 : i32
      %dma_wait3A_2720 = tpu.memref_slice %arg4[%dma_wait3A_2718, %dma_wait3A_2719] : memref<32x1000000xf32, #tpu.memory_space<hbm>> -> memref<32x128xf32, #tpu.memory_space<hbm>>
      tpu.wait_dma2 semaphore(%arg19 : memref<!tpu.dma_semaphore, #tpu.memory_space<semaphore_mem>>) src(%dma_wait3A_2720 : memref<32x128xf32, #tpu.memory_space<hbm>>) dst(%dma_wait3A_2717 : memref<32x128xf32, #tpu.memory_space<vmem>>)
      %dma_wait3A_2721 = arith.constant 0 : i32
      %dma_wait3A_2722 = arith.constant 256 : i32
      %dma_wait3A_2723 = tpu.memref_slice %arg12[%dma_wait3A_2721, %dma_wait3A_2722] : memref<32x1024xf32, #tpu.memory_space<vmem>> -> memref<32x128xf32, #tpu.memory_space<vmem>>
      %dma_wait3A_2724 = arith.constant 0 : i32
      %dma_wait3A_2725 = arith.constant 0 : i32
      %dma_wait3A_2726 = tpu.memref_slice %arg5[%dma_wait3A_2724, %dma_wait3A_2725] : memref<32x1000000xf32, #tpu.memory_space<hbm>> -> memref<32x128xf32, #tpu.memory_space<hbm>>
      %dma_wait3A_2727 = arith.constant 0 : i32
      %dma_wait3A_2728 = arith.constant 256 : i32
      %dma_wait3A_2729 = tpu.memref_slice %arg12[%dma_wait3A_2727, %dma_wait3A_2728] : memref<32x1024xf32, #tpu.memory_space<vmem>> -> memref<32x128xf32, #tpu.memory_space<vmem>>
      %dma_wait3A_2730 = arith.constant 0 : i32
      %dma_wait3A_2731 = arith.constant 0 : i32
      %dma_wait3A_2732 = tpu.memref_slice %arg5[%dma_wait3A_2730, %dma_wait3A_2731] : memref<32x1000000xf32, #tpu.memory_space<hbm>> -> memref<32x128xf32, #tpu.memory_space<hbm>>
      tpu.wait_dma2 semaphore(%arg19 : memref<!tpu.dma_semaphore, #tpu.memory_space<semaphore_mem>>) src(%dma_wait3A_2732 : memref<32x128xf32, #tpu.memory_space<hbm>>) dst(%dma_wait3A_2729 : memref<32x128xf32, #tpu.memory_space<vmem>>)
      %slice3A_2733 = vector.extract_strided_slice %min3A_1710 {offsets = [10], sizes = [1], strides = [1]} : vector<16xi32> to vector<1xi32>
      %squeeze3A_2734 = vector.extract %slice3A_2733[0] : i32 from vector<1xi32>
      %add3A_2735 = arith.constant 256 : i32
      %add3A_2736 = arith.addi %add3A_2735, %squeeze3A_2734 : i32
      %broadcast_in_dim3A_2737 = vector.broadcast %add3A_2736 : i32 to vector<16xi32>
      %slice3A_2738 = vector.extract_strided_slice %min3A_1714 {offsets = [10], sizes = [1], strides = [1]} : vector<16xi32> to vector<1xi32>
      %squeeze3A_2739 = vector.extract %slice3A_2738[0] : i32 from vector<1xi32>
      %add3A_2740 = arith.constant 256 : i32
      %add3A_2741 = arith.addi %add3A_2740, %squeeze3A_2739 : i32
      %broadcast_in_dim3A_2742 = vector.broadcast %add3A_2741 : i32 to vector<16xi32>
      %slice3A_2743 = vector.extract_strided_slice %max3A_1720 {offsets = [10], sizes = [1], strides = [1]} : vector<16xi32> to vector<1xi32>
      %squeeze3A_2744 = vector.extract %slice3A_2743[0] : i32 from vector<1xi32>
      %broadcast_in_dim3A_2745 = vector.broadcast %squeeze3A_2744 : i32 to vector<16xi32>
      %slice3A_2746 = vector.extract_strided_slice %max3A_1726 {offsets = [10], sizes = [1], strides = [1]} : vector<16xi32> to vector<1xi32>
      %squeeze3A_2747 = vector.extract %slice3A_2746[0] : i32 from vector<1xi32>
      %broadcast_in_dim3A_2748 = vector.broadcast %squeeze3A_2747 : i32 to vector<16xi32>
      %slice3A_2749 = vector.extract_strided_slice %convert_element_type3A_1730 {offsets = [10], sizes = [1], strides = [1]} : vector<16xi32> to vector<1xi32>
      %squeeze3A_2750 = vector.extract %slice3A_2749[0] : i32 from vector<1xi32>
      %broadcast_in_dim3A_2751 = vector.broadcast %squeeze3A_2750 : i32 to vector<16xi32>
      %gt3A_2752 = arith.constant 0 : i32
      %gt3A_2753 = vector.broadcast %gt3A_2752 : i32 to vector<16xi32>
      %gt3A_2754 = arith.cmpi sgt, %broadcast_in_dim3A_2751, %gt3A_2753 : vector<16xi32>
      %gather3A_2755 = tpu.vector_load_idx %arg11[%iota3A_216, %broadcast_in_dim3A_2737] : memref<32x1024xf32, #tpu.memory_space<vmem>>[vector<16xi32>, vector<16xi32>], vector<16xf32>,
      %gather3A_2756 = tpu.vector_load_idx %arg11[%add3A_219, %broadcast_in_dim3A_2737] : memref<32x1024xf32, #tpu.memory_space<vmem>>[vector<16xi32>, vector<16xi32>], vector<16xf32>,
      %gather3A_2757 = tpu.vector_load_idx %arg13[%iota3A_216, %broadcast_in_dim3A_2745] : memref<32x128xf32, #tpu.memory_space<vmem>>[vector<16xi32>, vector<16xi32>], vector<16xf32>,
      %gather3A_2758 = tpu.vector_load_idx %arg13[%add3A_219, %broadcast_in_dim3A_2745] : memref<32x128xf32, #tpu.memory_space<vmem>>[vector<16xi32>, vector<16xi32>], vector<16xf32>,
      %select_n3A_2759 = arith.select %gt3A_2754, %gather3A_2757, %gather3A_2755 : vector<16xi1>, vector<16xf32>
      %select_n3A_2760 = arith.select %gt3A_2754, %gather3A_2758, %gather3A_2756 : vector<16xi1>, vector<16xf32>
      %slice3A_2761 = vector.extract_strided_slice %convert_element_type3A_1734 {offsets = [10], sizes = [1], strides = [1]} : vector<16xi32> to vector<1xi32>
      %squeeze3A_2762 = vector.extract %slice3A_2761[0] : i32 from vector<1xi32>
      %broadcast_in_dim3A_2763 = vector.broadcast %squeeze3A_2762 : i32 to vector<16xi32>
      %gt3A_2764 = arith.constant 0 : i32
      %gt3A_2765 = vector.broadcast %gt3A_2764 : i32 to vector<16xi32>
      %gt3A_2766 = arith.cmpi sgt, %broadcast_in_dim3A_2763, %gt3A_2765 : vector<16xi32>
      %gather3A_2767 = tpu.vector_load_idx %arg12[%iota3A_216, %broadcast_in_dim3A_2742] : memref<32x1024xf32, #tpu.memory_space<vmem>>[vector<16xi32>, vector<16xi32>], vector<16xf32>,
      %gather3A_2768 = tpu.vector_load_idx %arg12[%add3A_219, %broadcast_in_dim3A_2742] : memref<32x1024xf32, #tpu.memory_space<vmem>>[vector<16xi32>, vector<16xi32>], vector<16xf32>,
      %gather3A_2769 = tpu.vector_load_idx %arg14[%iota3A_216, %broadcast_in_dim3A_2748] : memref<32x128xf32, #tpu.memory_space<vmem>>[vector<16xi32>, vector<16xi32>], vector<16xf32>,
      %gather3A_2770 = tpu.vector_load_idx %arg14[%add3A_219, %broadcast_in_dim3A_2748] : memref<32x128xf32, #tpu.memory_space<vmem>>[vector<16xi32>, vector<16xi32>], vector<16xf32>,
      %select_n3A_2771 = arith.select %gt3A_2766, %gather3A_2769, %gather3A_2767 : vector<16xi1>, vector<16xf32>
      %select_n3A_2772 = arith.select %gt3A_2766, %gather3A_2770, %gather3A_2768 : vector<16xi1>, vector<16xf32>
      %mul3A_2773 = arith.mulf %select_n3A_2759, %select_n3A_2771 : vector<16xf32>
      %mul3A_2774 = arith.mulf %select_n3A_2760, %select_n3A_2772 : vector<16xf32>
      %add3A_2775 = arith.addf %mul3A_2773, %mul3A_2774 : vector<16xf32>
      %swap3A_2776 = arith.constant 160 : index
      %swap3A_2777 = tpu.vector_load %arg16[%swap3A_2776] {strides = array<i32>} : memref<256xf32, #tpu.memory_space<vmem>>, vector<16xf32>,
      tpu.vector_store %arg16[%swap3A_2776], %add3A_2775 {strides = array<i32>} : memref<256xf32, #tpu.memory_space<vmem>>, vector<16xf32>,
      %slice3A_2778 = vector.extract_strided_slice %min3A_2516 {offsets = [2], sizes = [1], strides = [1]} : vector<16xi32> to vector<1xi32>
      %squeeze3A_2779 = vector.extract %slice3A_2778[0] : i32 from vector<1xi32>
      %slice3A_2780 = vector.extract_strided_slice %min3A_2518 {offsets = [2], sizes = [1], strides = [1]} : vector<16xi32> to vector<1xi32>
      %squeeze3A_2781 = vector.extract %slice3A_2780[0] : i32 from vector<1xi32>
      %multiple_of3A_2782 = tpu.assume_multiple %squeeze3A_2779, 128 : i32
      %dma_start3A_2783 = arith.constant 0 : i32
      %dma_start3A_2784 = arith.constant 256 : i32
      %dma_start3A_2785 = tpu.memref_slice %arg11[%dma_start3A_2783, %dma_start3A_2784] : memref<32x1024xf32, #tpu.memory_space<vmem>> -> memref<32x128xf32, #tpu.memory_space<vmem>>
      %dma_start3A_2786 = arith.constant 0 : i32
      %dma_start3A_2787 = tpu.memref_slice %arg4[%dma_start3A_2786, %multiple_of3A_2782] : memref<32x1000000xf32, #tpu.memory_space<hbm>> -> memref<32x128xf32, #tpu.memory_space<hbm>>
      %dma_start3A_2788 = arith.constant 0 : i32
      %dma_start3A_2789 = arith.constant 256 : i32
      %dma_start3A_2790 = tpu.memref_slice %arg11[%dma_start3A_2788, %dma_start3A_2789] : memref<32x1024xf32, #tpu.memory_space<vmem>> -> memref<32x128xf32, #tpu.memory_space<vmem>>
      %dma_start3A_2791 = arith.constant 0 : i32
      %dma_start3A_2792 = tpu.memref_slice %arg4[%dma_start3A_2791, %multiple_of3A_2782] : memref<32x1000000xf32, #tpu.memory_space<hbm>> -> memref<32x128xf32, #tpu.memory_space<hbm>>
      tpu.enqueue_dma source(%dma_start3A_2792 : memref<32x128xf32, #tpu.memory_space<hbm>>) target(%dma_start3A_2790 : memref<32x128xf32, #tpu.memory_space<vmem>>) target_semaphore(%arg19 : memref<!tpu.dma_semaphore, #tpu.memory_space<semaphore_mem>>)
      %multiple_of3A_2793 = tpu.assume_multiple %squeeze3A_2781, 128 : i32
      %dma_start3A_2794 = arith.constant 0 : i32
      %dma_start3A_2795 = arith.constant 256 : i32
      %dma_start3A_2796 = tpu.memref_slice %arg12[%dma_start3A_2794, %dma_start3A_2795] : memref<32x1024xf32, #tpu.memory_space<vmem>> -> memref<32x128xf32, #tpu.memory_space<vmem>>
      %dma_start3A_2797 = arith.constant 0 : i32
      %dma_start3A_2798 = tpu.memref_slice %arg5[%dma_start3A_2797, %multiple_of3A_2793] : memref<32x1000000xf32, #tpu.memory_space<hbm>> -> memref<32x128xf32, #tpu.memory_space<hbm>>
      %dma_start3A_2799 = arith.constant 0 : i32
      %dma_start3A_2800 = arith.constant 256 : i32
      %dma_start3A_2801 = tpu.memref_slice %arg12[%dma_start3A_2799, %dma_start3A_2800] : memref<32x1024xf32, #tpu.memory_space<vmem>> -> memref<32x128xf32, #tpu.memory_space<vmem>>
      %dma_start3A_2802 = arith.constant 0 : i32
      %dma_start3A_2803 = tpu.memref_slice %arg5[%dma_start3A_2802, %multiple_of3A_2793] : memref<32x1000000xf32, #tpu.memory_space<hbm>> -> memref<32x128xf32, #tpu.memory_space<hbm>>
      tpu.enqueue_dma source(%dma_start3A_2803 : memref<32x128xf32, #tpu.memory_space<hbm>>) target(%dma_start3A_2801 : memref<32x128xf32, #tpu.memory_space<vmem>>) target_semaphore(%arg19 : memref<!tpu.dma_semaphore, #tpu.memory_space<semaphore_mem>>)
      %dma_wait3A_2804 = arith.constant 0 : i32
      %dma_wait3A_2805 = arith.constant 384 : i32
      %dma_wait3A_2806 = tpu.memref_slice %arg11[%dma_wait3A_2804, %dma_wait3A_2805] : memref<32x1024xf32, #tpu.memory_space<vmem>> -> memref<32x128xf32, #tpu.memory_space<vmem>>
      %dma_wait3A_2807 = arith.constant 0 : i32
      %dma_wait3A_2808 = arith.constant 0 : i32
      %dma_wait3A_2809 = tpu.memref_slice %arg4[%dma_wait3A_2807, %dma_wait3A_2808] : memref<32x1000000xf32, #tpu.memory_space<hbm>> -> memref<32x128xf32, #tpu.memory_space<hbm>>
      %dma_wait3A_2810 = arith.constant 0 : i32
      %dma_wait3A_2811 = arith.constant 384 : i32
      %dma_wait3A_2812 = tpu.memref_slice %arg11[%dma_wait3A_2810, %dma_wait3A_2811] : memref<32x1024xf32, #tpu.memory_space<vmem>> -> memref<32x128xf32, #tpu.memory_space<vmem>>
      %dma_wait3A_2813 = arith.constant 0 : i32
      %dma_wait3A_2814 = arith.constant 0 : i32
      %dma_wait3A_2815 = tpu.memref_slice %arg4[%dma_wait3A_2813, %dma_wait3A_2814] : memref<32x1000000xf32, #tpu.memory_space<hbm>> -> memref<32x128xf32, #tpu.memory_space<hbm>>
      tpu.wait_dma2 semaphore(%arg20 : memref<!tpu.dma_semaphore, #tpu.memory_space<semaphore_mem>>) src(%dma_wait3A_2815 : memref<32x128xf32, #tpu.memory_space<hbm>>) dst(%dma_wait3A_2812 : memref<32x128xf32, #tpu.memory_space<vmem>>)
      %dma_wait3A_2816 = arith.constant 0 : i32
      %dma_wait3A_2817 = arith.constant 384 : i32
      %dma_wait3A_2818 = tpu.memref_slice %arg12[%dma_wait3A_2816, %dma_wait3A_2817] : memref<32x1024xf32, #tpu.memory_space<vmem>> -> memref<32x128xf32, #tpu.memory_space<vmem>>
      %dma_wait3A_2819 = arith.constant 0 : i32
      %dma_wait3A_2820 = arith.constant 0 : i32
      %dma_wait3A_2821 = tpu.memref_slice %arg5[%dma_wait3A_2819, %dma_wait3A_2820] : memref<32x1000000xf32, #tpu.memory_space<hbm>> -> memref<32x128xf32, #tpu.memory_space<hbm>>
      %dma_wait3A_2822 = arith.constant 0 : i32
      %dma_wait3A_2823 = arith.constant 384 : i32
      %dma_wait3A_2824 = tpu.memref_slice %arg12[%dma_wait3A_2822, %dma_wait3A_2823] : memref<32x1024xf32, #tpu.memory_space<vmem>> -> memref<32x128xf32, #tpu.memory_space<vmem>>
      %dma_wait3A_2825 = arith.constant 0 : i32
      %dma_wait3A_2826 = arith.constant 0 : i32
      %dma_wait3A_2827 = tpu.memref_slice %arg5[%dma_wait3A_2825, %dma_wait3A_2826] : memref<32x1000000xf32, #tpu.memory_space<hbm>> -> memref<32x128xf32, #tpu.memory_space<hbm>>
      tpu.wait_dma2 semaphore(%arg20 : memref<!tpu.dma_semaphore, #tpu.memory_space<semaphore_mem>>) src(%dma_wait3A_2827 : memref<32x128xf32, #tpu.memory_space<hbm>>) dst(%dma_wait3A_2824 : memref<32x128xf32, #tpu.memory_space<vmem>>)
      %slice3A_2828 = vector.extract_strided_slice %min3A_1710 {offsets = [11], sizes = [1], strides = [1]} : vector<16xi32> to vector<1xi32>
      %squeeze3A_2829 = vector.extract %slice3A_2828[0] : i32 from vector<1xi32>
      %add3A_2830 = arith.constant 384 : i32
      %add3A_2831 = arith.addi %add3A_2830, %squeeze3A_2829 : i32
      %broadcast_in_dim3A_2832 = vector.broadcast %add3A_2831 : i32 to vector<16xi32>
      %slice3A_2833 = vector.extract_strided_slice %min3A_1714 {offsets = [11], sizes = [1], strides = [1]} : vector<16xi32> to vector<1xi32>
      %squeeze3A_2834 = vector.extract %slice3A_2833[0] : i32 from vector<1xi32>
      %add3A_2835 = arith.constant 384 : i32
      %add3A_2836 = arith.addi %add3A_2835, %squeeze3A_2834 : i32
      %broadcast_in_dim3A_2837 = vector.broadcast %add3A_2836 : i32 to vector<16xi32>
      %slice3A_2838 = vector.extract_strided_slice %max3A_1720 {offsets = [11], sizes = [1], strides = [1]} : vector<16xi32> to vector<1xi32>
      %squeeze3A_2839 = vector.extract %slice3A_2838[0] : i32 from vector<1xi32>
      %broadcast_in_dim3A_2840 = vector.broadcast %squeeze3A_2839 : i32 to vector<16xi32>
      %slice3A_2841 = vector.extract_strided_slice %max3A_1726 {offsets = [11], sizes = [1], strides = [1]} : vector<16xi32> to vector<1xi32>
      %squeeze3A_2842 = vector.extract %slice3A_2841[0] : i32 from vector<1xi32>
      %broadcast_in_dim3A_2843 = vector.broadcast %squeeze3A_2842 : i32 to vector<16xi32>
      %slice3A_2844 = vector.extract_strided_slice %convert_element_type3A_1730 {offsets = [11], sizes = [1], strides = [1]} : vector<16xi32> to vector<1xi32>
      %squeeze3A_2845 = vector.extract %slice3A_2844[0] : i32 from vector<1xi32>
      %broadcast_in_dim3A_2846 = vector.broadcast %squeeze3A_2845 : i32 to vector<16xi32>
      %gt3A_2847 = arith.constant 0 : i32
      %gt3A_2848 = vector.broadcast %gt3A_2847 : i32 to vector<16xi32>
      %gt3A_2849 = arith.cmpi sgt, %broadcast_in_dim3A_2846, %gt3A_2848 : vector<16xi32>
      %gather3A_2850 = tpu.vector_load_idx %arg11[%iota3A_216, %broadcast_in_dim3A_2832] : memref<32x1024xf32, #tpu.memory_space<vmem>>[vector<16xi32>, vector<16xi32>], vector<16xf32>,
      %gather3A_2851 = tpu.vector_load_idx %arg11[%add3A_219, %broadcast_in_dim3A_2832] : memref<32x1024xf32, #tpu.memory_space<vmem>>[vector<16xi32>, vector<16xi32>], vector<16xf32>,
      %gather3A_2852 = tpu.vector_load_idx %arg13[%iota3A_216, %broadcast_in_dim3A_2840] : memref<32x128xf32, #tpu.memory_space<vmem>>[vector<16xi32>, vector<16xi32>], vector<16xf32>,
      %gather3A_2853 = tpu.vector_load_idx %arg13[%add3A_219, %broadcast_in_dim3A_2840] : memref<32x128xf32, #tpu.memory_space<vmem>>[vector<16xi32>, vector<16xi32>], vector<16xf32>,
      %select_n3A_2854 = arith.select %gt3A_2849, %gather3A_2852, %gather3A_2850 : vector<16xi1>, vector<16xf32>
      %select_n3A_2855 = arith.select %gt3A_2849, %gather3A_2853, %gather3A_2851 : vector<16xi1>, vector<16xf32>
      %slice3A_2856 = vector.extract_strided_slice %convert_element_type3A_1734 {offsets = [11], sizes = [1], strides = [1]} : vector<16xi32> to vector<1xi32>
      %squeeze3A_2857 = vector.extract %slice3A_2856[0] : i32 from vector<1xi32>
      %broadcast_in_dim3A_2858 = vector.broadcast %squeeze3A_2857 : i32 to vector<16xi32>
      %gt3A_2859 = arith.constant 0 : i32
      %gt3A_2860 = vector.broadcast %gt3A_2859 : i32 to vector<16xi32>
      %gt3A_2861 = arith.cmpi sgt, %broadcast_in_dim3A_2858, %gt3A_2860 : vector<16xi32>
      %gather3A_2862 = tpu.vector_load_idx %arg12[%iota3A_216, %broadcast_in_dim3A_2837] : memref<32x1024xf32, #tpu.memory_space<vmem>>[vector<16xi32>, vector<16xi32>], vector<16xf32>,
      %gather3A_2863 = tpu.vector_load_idx %arg12[%add3A_219, %broadcast_in_dim3A_2837] : memref<32x1024xf32, #tpu.memory_space<vmem>>[vector<16xi32>, vector<16xi32>], vector<16xf32>,
      %gather3A_2864 = tpu.vector_load_idx %arg14[%iota3A_216, %broadcast_in_dim3A_2843] : memref<32x128xf32, #tpu.memory_space<vmem>>[vector<16xi32>, vector<16xi32>], vector<16xf32>,
      %gather3A_2865 = tpu.vector_load_idx %arg14[%add3A_219, %broadcast_in_dim3A_2843] : memref<32x128xf32, #tpu.memory_space<vmem>>[vector<16xi32>, vector<16xi32>], vector<16xf32>,
      %select_n3A_2866 = arith.select %gt3A_2861, %gather3A_2864, %gather3A_2862 : vector<16xi1>, vector<16xf32>
      %select_n3A_2867 = arith.select %gt3A_2861, %gather3A_2865, %gather3A_2863 : vector<16xi1>, vector<16xf32>
      %mul3A_2868 = arith.mulf %select_n3A_2854, %select_n3A_2866 : vector<16xf32>
      %mul3A_2869 = arith.mulf %select_n3A_2855, %select_n3A_2867 : vector<16xf32>
      %add3A_2870 = arith.addf %mul3A_2868, %mul3A_2869 : vector<16xf32>
      %swap3A_2871 = arith.constant 176 : index
      %swap3A_2872 = tpu.vector_load %arg16[%swap3A_2871] {strides = array<i32>} : memref<256xf32, #tpu.memory_space<vmem>>, vector<16xf32>,
      tpu.vector_store %arg16[%swap3A_2871], %add3A_2870 {strides = array<i32>} : memref<256xf32, #tpu.memory_space<vmem>>, vector<16xf32>,
      %slice3A_2873 = vector.extract_strided_slice %min3A_2516 {offsets = [3], sizes = [1], strides = [1]} : vector<16xi32> to vector<1xi32>
      %squeeze3A_2874 = vector.extract %slice3A_2873[0] : i32 from vector<1xi32>
      %slice3A_2875 = vector.extract_strided_slice %min3A_2518 {offsets = [3], sizes = [1], strides = [1]} : vector<16xi32> to vector<1xi32>
      %squeeze3A_2876 = vector.extract %slice3A_2875[0] : i32 from vector<1xi32>
      %multiple_of3A_2877 = tpu.assume_multiple %squeeze3A_2874, 128 : i32
      %dma_start3A_2878 = arith.constant 0 : i32
      %dma_start3A_2879 = arith.constant 384 : i32
      %dma_start3A_2880 = tpu.memref_slice %arg11[%dma_start3A_2878, %dma_start3A_2879] : memref<32x1024xf32, #tpu.memory_space<vmem>> -> memref<32x128xf32, #tpu.memory_space<vmem>>
      %dma_start3A_2881 = arith.constant 0 : i32
      %dma_start3A_2882 = tpu.memref_slice %arg4[%dma_start3A_2881, %multiple_of3A_2877] : memref<32x1000000xf32, #tpu.memory_space<hbm>> -> memref<32x128xf32, #tpu.memory_space<hbm>>
      %dma_start3A_2883 = arith.constant 0 : i32
      %dma_start3A_2884 = arith.constant 384 : i32
      %dma_start3A_2885 = tpu.memref_slice %arg11[%dma_start3A_2883, %dma_start3A_2884] : memref<32x1024xf32, #tpu.memory_space<vmem>> -> memref<32x128xf32, #tpu.memory_space<vmem>>
      %dma_start3A_2886 = arith.constant 0 : i32
      %dma_start3A_2887 = tpu.memref_slice %arg4[%dma_start3A_2886, %multiple_of3A_2877] : memref<32x1000000xf32, #tpu.memory_space<hbm>> -> memref<32x128xf32, #tpu.memory_space<hbm>>
      tpu.enqueue_dma source(%dma_start3A_2887 : memref<32x128xf32, #tpu.memory_space<hbm>>) target(%dma_start3A_2885 : memref<32x128xf32, #tpu.memory_space<vmem>>) target_semaphore(%arg20 : memref<!tpu.dma_semaphore, #tpu.memory_space<semaphore_mem>>)
      %multiple_of3A_2888 = tpu.assume_multiple %squeeze3A_2876, 128 : i32
      %dma_start3A_2889 = arith.constant 0 : i32
      %dma_start3A_2890 = arith.constant 384 : i32
      %dma_start3A_2891 = tpu.memref_slice %arg12[%dma_start3A_2889, %dma_start3A_2890] : memref<32x1024xf32, #tpu.memory_space<vmem>> -> memref<32x128xf32, #tpu.memory_space<vmem>>
      %dma_start3A_2892 = arith.constant 0 : i32
      %dma_start3A_2893 = tpu.memref_slice %arg5[%dma_start3A_2892, %multiple_of3A_2888] : memref<32x1000000xf32, #tpu.memory_space<hbm>> -> memref<32x128xf32, #tpu.memory_space<hbm>>
      %dma_start3A_2894 = arith.constant 0 : i32
      %dma_start3A_2895 = arith.constant 384 : i32
      %dma_start3A_2896 = tpu.memref_slice %arg12[%dma_start3A_2894, %dma_start3A_2895] : memref<32x1024xf32, #tpu.memory_space<vmem>> -> memref<32x128xf32, #tpu.memory_space<vmem>>
      %dma_start3A_2897 = arith.constant 0 : i32
      %dma_start3A_2898 = tpu.memref_slice %arg5[%dma_start3A_2897, %multiple_of3A_2888] : memref<32x1000000xf32, #tpu.memory_space<hbm>> -> memref<32x128xf32, #tpu.memory_space<hbm>>
      tpu.enqueue_dma source(%dma_start3A_2898 : memref<32x128xf32, #tpu.memory_space<hbm>>) target(%dma_start3A_2896 : memref<32x128xf32, #tpu.memory_space<vmem>>) target_semaphore(%arg20 : memref<!tpu.dma_semaphore, #tpu.memory_space<semaphore_mem>>)
      %dma_wait3A_2899 = arith.constant 0 : i32
      %dma_wait3A_2900 = arith.constant 512 : i32
      %dma_wait3A_2901 = tpu.memref_slice %arg11[%dma_wait3A_2899, %dma_wait3A_2900] : memref<32x1024xf32, #tpu.memory_space<vmem>> -> memref<32x128xf32, #tpu.memory_space<vmem>>
      %dma_wait3A_2902 = arith.constant 0 : i32
      %dma_wait3A_2903 = arith.constant 0 : i32
      %dma_wait3A_2904 = tpu.memref_slice %arg4[%dma_wait3A_2902, %dma_wait3A_2903] : memref<32x1000000xf32, #tpu.memory_space<hbm>> -> memref<32x128xf32, #tpu.memory_space<hbm>>
      %dma_wait3A_2905 = arith.constant 0 : i32
      %dma_wait3A_2906 = arith.constant 512 : i32
      %dma_wait3A_2907 = tpu.memref_slice %arg11[%dma_wait3A_2905, %dma_wait3A_2906] : memref<32x1024xf32, #tpu.memory_space<vmem>> -> memref<32x128xf32, #tpu.memory_space<vmem>>
      %dma_wait3A_2908 = arith.constant 0 : i32
      %dma_wait3A_2909 = arith.constant 0 : i32
      %dma_wait3A_2910 = tpu.memref_slice %arg4[%dma_wait3A_2908, %dma_wait3A_2909] : memref<32x1000000xf32, #tpu.memory_space<hbm>> -> memref<32x128xf32, #tpu.memory_space<hbm>>
      tpu.wait_dma2 semaphore(%arg21 : memref<!tpu.dma_semaphore, #tpu.memory_space<semaphore_mem>>) src(%dma_wait3A_2910 : memref<32x128xf32, #tpu.memory_space<hbm>>) dst(%dma_wait3A_2907 : memref<32x128xf32, #tpu.memory_space<vmem>>)
      %dma_wait3A_2911 = arith.constant 0 : i32
      %dma_wait3A_2912 = arith.constant 512 : i32
      %dma_wait3A_2913 = tpu.memref_slice %arg12[%dma_wait3A_2911, %dma_wait3A_2912] : memref<32x1024xf32, #tpu.memory_space<vmem>> -> memref<32x128xf32, #tpu.memory_space<vmem>>
      %dma_wait3A_2914 = arith.constant 0 : i32
      %dma_wait3A_2915 = arith.constant 0 : i32
      %dma_wait3A_2916 = tpu.memref_slice %arg5[%dma_wait3A_2914, %dma_wait3A_2915] : memref<32x1000000xf32, #tpu.memory_space<hbm>> -> memref<32x128xf32, #tpu.memory_space<hbm>>
      %dma_wait3A_2917 = arith.constant 0 : i32
      %dma_wait3A_2918 = arith.constant 512 : i32
      %dma_wait3A_2919 = tpu.memref_slice %arg12[%dma_wait3A_2917, %dma_wait3A_2918] : memref<32x1024xf32, #tpu.memory_space<vmem>> -> memref<32x128xf32, #tpu.memory_space<vmem>>
      %dma_wait3A_2920 = arith.constant 0 : i32
      %dma_wait3A_2921 = arith.constant 0 : i32
      %dma_wait3A_2922 = tpu.memref_slice %arg5[%dma_wait3A_2920, %dma_wait3A_2921] : memref<32x1000000xf32, #tpu.memory_space<hbm>> -> memref<32x128xf32, #tpu.memory_space<hbm>>
      tpu.wait_dma2 semaphore(%arg21 : memref<!tpu.dma_semaphore, #tpu.memory_space<semaphore_mem>>) src(%dma_wait3A_2922 : memref<32x128xf32, #tpu.memory_space<hbm>>) dst(%dma_wait3A_2919 : memref<32x128xf32, #tpu.memory_space<vmem>>)
      %slice3A_2923 = vector.extract_strided_slice %min3A_1710 {offsets = [12], sizes = [1], strides = [1]} : vector<16xi32> to vector<1xi32>
      %squeeze3A_2924 = vector.extract %slice3A_2923[0] : i32 from vector<1xi32>
      %add3A_2925 = arith.constant 512 : i32
      %add3A_2926 = arith.addi %add3A_2925, %squeeze3A_2924 : i32
      %broadcast_in_dim3A_2927 = vector.broadcast %add3A_2926 : i32 to vector<16xi32>
      %slice3A_2928 = vector.extract_strided_slice %min3A_1714 {offsets = [12], sizes = [1], strides = [1]} : vector<16xi32> to vector<1xi32>
      %squeeze3A_2929 = vector.extract %slice3A_2928[0] : i32 from vector<1xi32>
      %add3A_2930 = arith.constant 512 : i32
      %add3A_2931 = arith.addi %add3A_2930, %squeeze3A_2929 : i32
      %broadcast_in_dim3A_2932 = vector.broadcast %add3A_2931 : i32 to vector<16xi32>
      %slice3A_2933 = vector.extract_strided_slice %max3A_1720 {offsets = [12], sizes = [1], strides = [1]} : vector<16xi32> to vector<1xi32>
      %squeeze3A_2934 = vector.extract %slice3A_2933[0] : i32 from vector<1xi32>
      %broadcast_in_dim3A_2935 = vector.broadcast %squeeze3A_2934 : i32 to vector<16xi32>
      %slice3A_2936 = vector.extract_strided_slice %max3A_1726 {offsets = [12], sizes = [1], strides = [1]} : vector<16xi32> to vector<1xi32>
      %squeeze3A_2937 = vector.extract %slice3A_2936[0] : i32 from vector<1xi32>
      %broadcast_in_dim3A_2938 = vector.broadcast %squeeze3A_2937 : i32 to vector<16xi32>
      %slice3A_2939 = vector.extract_strided_slice %convert_element_type3A_1730 {offsets = [12], sizes = [1], strides = [1]} : vector<16xi32> to vector<1xi32>
      %squeeze3A_2940 = vector.extract %slice3A_2939[0] : i32 from vector<1xi32>
      %broadcast_in_dim3A_2941 = vector.broadcast %squeeze3A_2940 : i32 to vector<16xi32>
      %gt3A_2942 = arith.constant 0 : i32
      %gt3A_2943 = vector.broadcast %gt3A_2942 : i32 to vector<16xi32>
      %gt3A_2944 = arith.cmpi sgt, %broadcast_in_dim3A_2941, %gt3A_2943 : vector<16xi32>
      %gather3A_2945 = tpu.vector_load_idx %arg11[%iota3A_216, %broadcast_in_dim3A_2927] : memref<32x1024xf32, #tpu.memory_space<vmem>>[vector<16xi32>, vector<16xi32>], vector<16xf32>,
      %gather3A_2946 = tpu.vector_load_idx %arg11[%add3A_219, %broadcast_in_dim3A_2927] : memref<32x1024xf32, #tpu.memory_space<vmem>>[vector<16xi32>, vector<16xi32>], vector<16xf32>,
      %gather3A_2947 = tpu.vector_load_idx %arg13[%iota3A_216, %broadcast_in_dim3A_2935] : memref<32x128xf32, #tpu.memory_space<vmem>>[vector<16xi32>, vector<16xi32>], vector<16xf32>,
      %gather3A_2948 = tpu.vector_load_idx %arg13[%add3A_219, %broadcast_in_dim3A_2935] : memref<32x128xf32, #tpu.memory_space<vmem>>[vector<16xi32>, vector<16xi32>], vector<16xf32>,
      %select_n3A_2949 = arith.select %gt3A_2944, %gather3A_2947, %gather3A_2945 : vector<16xi1>, vector<16xf32>
      %select_n3A_2950 = arith.select %gt3A_2944, %gather3A_2948, %gather3A_2946 : vector<16xi1>, vector<16xf32>
      %slice3A_2951 = vector.extract_strided_slice %convert_element_type3A_1734 {offsets = [12], sizes = [1], strides = [1]} : vector<16xi32> to vector<1xi32>
      %squeeze3A_2952 = vector.extract %slice3A_2951[0] : i32 from vector<1xi32>
      %broadcast_in_dim3A_2953 = vector.broadcast %squeeze3A_2952 : i32 to vector<16xi32>
      %gt3A_2954 = arith.constant 0 : i32
      %gt3A_2955 = vector.broadcast %gt3A_2954 : i32 to vector<16xi32>
      %gt3A_2956 = arith.cmpi sgt, %broadcast_in_dim3A_2953, %gt3A_2955 : vector<16xi32>
      %gather3A_2957 = tpu.vector_load_idx %arg12[%iota3A_216, %broadcast_in_dim3A_2932] : memref<32x1024xf32, #tpu.memory_space<vmem>>[vector<16xi32>, vector<16xi32>], vector<16xf32>,
      %gather3A_2958 = tpu.vector_load_idx %arg12[%add3A_219, %broadcast_in_dim3A_2932] : memref<32x1024xf32, #tpu.memory_space<vmem>>[vector<16xi32>, vector<16xi32>], vector<16xf32>,
      %gather3A_2959 = tpu.vector_load_idx %arg14[%iota3A_216, %broadcast_in_dim3A_2938] : memref<32x128xf32, #tpu.memory_space<vmem>>[vector<16xi32>, vector<16xi32>], vector<16xf32>,
      %gather3A_2960 = tpu.vector_load_idx %arg14[%add3A_219, %broadcast_in_dim3A_2938] : memref<32x128xf32, #tpu.memory_space<vmem>>[vector<16xi32>, vector<16xi32>], vector<16xf32>,
      %select_n3A_2961 = arith.select %gt3A_2956, %gather3A_2959, %gather3A_2957 : vector<16xi1>, vector<16xf32>
      %select_n3A_2962 = arith.select %gt3A_2956, %gather3A_2960, %gather3A_2958 : vector<16xi1>, vector<16xf32>
      %mul3A_2963 = arith.mulf %select_n3A_2949, %select_n3A_2961 : vector<16xf32>
      %mul3A_2964 = arith.mulf %select_n3A_2950, %select_n3A_2962 : vector<16xf32>
      %add3A_2965 = arith.addf %mul3A_2963, %mul3A_2964 : vector<16xf32>
      %swap3A_2966 = arith.constant 192 : index
      %swap3A_2967 = tpu.vector_load %arg16[%swap3A_2966] {strides = array<i32>} : memref<256xf32, #tpu.memory_space<vmem>>, vector<16xf32>,
      tpu.vector_store %arg16[%swap3A_2966], %add3A_2965 {strides = array<i32>} : memref<256xf32, #tpu.memory_space<vmem>>, vector<16xf32>,
      %slice3A_2968 = vector.extract_strided_slice %min3A_2516 {offsets = [4], sizes = [1], strides = [1]} : vector<16xi32> to vector<1xi32>
      %squeeze3A_2969 = vector.extract %slice3A_2968[0] : i32 from vector<1xi32>
      %slice3A_2970 = vector.extract_strided_slice %min3A_2518 {offsets = [4], sizes = [1], strides = [1]} : vector<16xi32> to vector<1xi32>
      %squeeze3A_2971 = vector.extract %slice3A_2970[0] : i32 from vector<1xi32>
      %multiple_of3A_2972 = tpu.assume_multiple %squeeze3A_2969, 128 : i32
      %dma_start3A_2973 = arith.constant 0 : i32
      %dma_start3A_2974 = arith.constant 512 : i32
      %dma_start3A_2975 = tpu.memref_slice %arg11[%dma_start3A_2973, %dma_start3A_2974] : memref<32x1024xf32, #tpu.memory_space<vmem>> -> memref<32x128xf32, #tpu.memory_space<vmem>>
      %dma_start3A_2976 = arith.constant 0 : i32
      %dma_start3A_2977 = tpu.memref_slice %arg4[%dma_start3A_2976, %multiple_of3A_2972] : memref<32x1000000xf32, #tpu.memory_space<hbm>> -> memref<32x128xf32, #tpu.memory_space<hbm>>
      %dma_start3A_2978 = arith.constant 0 : i32
      %dma_start3A_2979 = arith.constant 512 : i32
      %dma_start3A_2980 = tpu.memref_slice %arg11[%dma_start3A_2978, %dma_start3A_2979] : memref<32x1024xf32, #tpu.memory_space<vmem>> -> memref<32x128xf32, #tpu.memory_space<vmem>>
      %dma_start3A_2981 = arith.constant 0 : i32
      %dma_start3A_2982 = tpu.memref_slice %arg4[%dma_start3A_2981, %multiple_of3A_2972] : memref<32x1000000xf32, #tpu.memory_space<hbm>> -> memref<32x128xf32, #tpu.memory_space<hbm>>
      tpu.enqueue_dma source(%dma_start3A_2982 : memref<32x128xf32, #tpu.memory_space<hbm>>) target(%dma_start3A_2980 : memref<32x128xf32, #tpu.memory_space<vmem>>) target_semaphore(%arg21 : memref<!tpu.dma_semaphore, #tpu.memory_space<semaphore_mem>>)
      %multiple_of3A_2983 = tpu.assume_multiple %squeeze3A_2971, 128 : i32
      %dma_start3A_2984 = arith.constant 0 : i32
      %dma_start3A_2985 = arith.constant 512 : i32
      %dma_start3A_2986 = tpu.memref_slice %arg12[%dma_start3A_2984, %dma_start3A_2985] : memref<32x1024xf32, #tpu.memory_space<vmem>> -> memref<32x128xf32, #tpu.memory_space<vmem>>
      %dma_start3A_2987 = arith.constant 0 : i32
      %dma_start3A_2988 = tpu.memref_slice %arg5[%dma_start3A_2987, %multiple_of3A_2983] : memref<32x1000000xf32, #tpu.memory_space<hbm>> -> memref<32x128xf32, #tpu.memory_space<hbm>>
      %dma_start3A_2989 = arith.constant 0 : i32
      %dma_start3A_2990 = arith.constant 512 : i32
      %dma_start3A_2991 = tpu.memref_slice %arg12[%dma_start3A_2989, %dma_start3A_2990] : memref<32x1024xf32, #tpu.memory_space<vmem>> -> memref<32x128xf32, #tpu.memory_space<vmem>>
      %dma_start3A_2992 = arith.constant 0 : i32
      %dma_start3A_2993 = tpu.memref_slice %arg5[%dma_start3A_2992, %multiple_of3A_2983] : memref<32x1000000xf32, #tpu.memory_space<hbm>> -> memref<32x128xf32, #tpu.memory_space<hbm>>
      tpu.enqueue_dma source(%dma_start3A_2993 : memref<32x128xf32, #tpu.memory_space<hbm>>) target(%dma_start3A_2991 : memref<32x128xf32, #tpu.memory_space<vmem>>) target_semaphore(%arg21 : memref<!tpu.dma_semaphore, #tpu.memory_space<semaphore_mem>>)
      %dma_wait3A_2994 = arith.constant 0 : i32
      %dma_wait3A_2995 = arith.constant 640 : i32
      %dma_wait3A_2996 = tpu.memref_slice %arg11[%dma_wait3A_2994, %dma_wait3A_2995] : memref<32x1024xf32, #tpu.memory_space<vmem>> -> memref<32x128xf32, #tpu.memory_space<vmem>>
      %dma_wait3A_2997 = arith.constant 0 : i32
      %dma_wait3A_2998 = arith.constant 0 : i32
      %dma_wait3A_2999 = tpu.memref_slice %arg4[%dma_wait3A_2997, %dma_wait3A_2998] : memref<32x1000000xf32, #tpu.memory_space<hbm>> -> memref<32x128xf32, #tpu.memory_space<hbm>>
      %dma_wait3A_3000 = arith.constant 0 : i32
      %dma_wait3A_3001 = arith.constant 640 : i32
      %dma_wait3A_3002 = tpu.memref_slice %arg11[%dma_wait3A_3000, %dma_wait3A_3001] : memref<32x1024xf32, #tpu.memory_space<vmem>> -> memref<32x128xf32, #tpu.memory_space<vmem>>
      %dma_wait3A_3003 = arith.constant 0 : i32
      %dma_wait3A_3004 = arith.constant 0 : i32
      %dma_wait3A_3005 = tpu.memref_slice %arg4[%dma_wait3A_3003, %dma_wait3A_3004] : memref<32x1000000xf32, #tpu.memory_space<hbm>> -> memref<32x128xf32, #tpu.memory_space<hbm>>
      tpu.wait_dma2 semaphore(%arg22 : memref<!tpu.dma_semaphore, #tpu.memory_space<semaphore_mem>>) src(%dma_wait3A_3005 : memref<32x128xf32, #tpu.memory_space<hbm>>) dst(%dma_wait3A_3002 : memref<32x128xf32, #tpu.memory_space<vmem>>)
      %dma_wait3A_3006 = arith.constant 0 : i32
      %dma_wait3A_3007 = arith.constant 640 : i32
      %dma_wait3A_3008 = tpu.memref_slice %arg12[%dma_wait3A_3006, %dma_wait3A_3007] : memref<32x1024xf32, #tpu.memory_space<vmem>> -> memref<32x128xf32, #tpu.memory_space<vmem>>
      %dma_wait3A_3009 = arith.constant 0 : i32
      %dma_wait3A_3010 = arith.constant 0 : i32
      %dma_wait3A_3011 = tpu.memref_slice %arg5[%dma_wait3A_3009, %dma_wait3A_3010] : memref<32x1000000xf32, #tpu.memory_space<hbm>> -> memref<32x128xf32, #tpu.memory_space<hbm>>
      %dma_wait3A_3012 = arith.constant 0 : i32
      %dma_wait3A_3013 = arith.constant 640 : i32
      %dma_wait3A_3014 = tpu.memref_slice %arg12[%dma_wait3A_3012, %dma_wait3A_3013] : memref<32x1024xf32, #tpu.memory_space<vmem>> -> memref<32x128xf32, #tpu.memory_space<vmem>>
      %dma_wait3A_3015 = arith.constant 0 : i32
      %dma_wait3A_3016 = arith.constant 0 : i32
      %dma_wait3A_3017 = tpu.memref_slice %arg5[%dma_wait3A_3015, %dma_wait3A_3016] : memref<32x1000000xf32, #tpu.memory_space<hbm>> -> memref<32x128xf32, #tpu.memory_space<hbm>>
      tpu.wait_dma2 semaphore(%arg22 : memref<!tpu.dma_semaphore, #tpu.memory_space<semaphore_mem>>) src(%dma_wait3A_3017 : memref<32x128xf32, #tpu.memory_space<hbm>>) dst(%dma_wait3A_3014 : memref<32x128xf32, #tpu.memory_space<vmem>>)
      %slice3A_3018 = vector.extract_strided_slice %min3A_1710 {offsets = [13], sizes = [1], strides = [1]} : vector<16xi32> to vector<1xi32>
      %squeeze3A_3019 = vector.extract %slice3A_3018[0] : i32 from vector<1xi32>
      %add3A_3020 = arith.constant 640 : i32
      %add3A_3021 = arith.addi %add3A_3020, %squeeze3A_3019 : i32
      %broadcast_in_dim3A_3022 = vector.broadcast %add3A_3021 : i32 to vector<16xi32>
      %slice3A_3023 = vector.extract_strided_slice %min3A_1714 {offsets = [13], sizes = [1], strides = [1]} : vector<16xi32> to vector<1xi32>
      %squeeze3A_3024 = vector.extract %slice3A_3023[0] : i32 from vector<1xi32>
      %add3A_3025 = arith.constant 640 : i32
      %add3A_3026 = arith.addi %add3A_3025, %squeeze3A_3024 : i32
      %broadcast_in_dim3A_3027 = vector.broadcast %add3A_3026 : i32 to vector<16xi32>
      %slice3A_3028 = vector.extract_strided_slice %max3A_1720 {offsets = [13], sizes = [1], strides = [1]} : vector<16xi32> to vector<1xi32>
      %squeeze3A_3029 = vector.extract %slice3A_3028[0] : i32 from vector<1xi32>
      %broadcast_in_dim3A_3030 = vector.broadcast %squeeze3A_3029 : i32 to vector<16xi32>
      %slice3A_3031 = vector.extract_strided_slice %max3A_1726 {offsets = [13], sizes = [1], strides = [1]} : vector<16xi32> to vector<1xi32>
      %squeeze3A_3032 = vector.extract %slice3A_3031[0] : i32 from vector<1xi32>
      %broadcast_in_dim3A_3033 = vector.broadcast %squeeze3A_3032 : i32 to vector<16xi32>
      %slice3A_3034 = vector.extract_strided_slice %convert_element_type3A_1730 {offsets = [13], sizes = [1], strides = [1]} : vector<16xi32> to vector<1xi32>
      %squeeze3A_3035 = vector.extract %slice3A_3034[0] : i32 from vector<1xi32>
      %broadcast_in_dim3A_3036 = vector.broadcast %squeeze3A_3035 : i32 to vector<16xi32>
      %gt3A_3037 = arith.constant 0 : i32
      %gt3A_3038 = vector.broadcast %gt3A_3037 : i32 to vector<16xi32>
      %gt3A_3039 = arith.cmpi sgt, %broadcast_in_dim3A_3036, %gt3A_3038 : vector<16xi32>
      %gather3A_3040 = tpu.vector_load_idx %arg11[%iota3A_216, %broadcast_in_dim3A_3022] : memref<32x1024xf32, #tpu.memory_space<vmem>>[vector<16xi32>, vector<16xi32>], vector<16xf32>,
      %gather3A_3041 = tpu.vector_load_idx %arg11[%add3A_219, %broadcast_in_dim3A_3022] : memref<32x1024xf32, #tpu.memory_space<vmem>>[vector<16xi32>, vector<16xi32>], vector<16xf32>,
      %gather3A_3042 = tpu.vector_load_idx %arg13[%iota3A_216, %broadcast_in_dim3A_3030] : memref<32x128xf32, #tpu.memory_space<vmem>>[vector<16xi32>, vector<16xi32>], vector<16xf32>,
      %gather3A_3043 = tpu.vector_load_idx %arg13[%add3A_219, %broadcast_in_dim3A_3030] : memref<32x128xf32, #tpu.memory_space<vmem>>[vector<16xi32>, vector<16xi32>], vector<16xf32>,
      %select_n3A_3044 = arith.select %gt3A_3039, %gather3A_3042, %gather3A_3040 : vector<16xi1>, vector<16xf32>
      %select_n3A_3045 = arith.select %gt3A_3039, %gather3A_3043, %gather3A_3041 : vector<16xi1>, vector<16xf32>
      %slice3A_3046 = vector.extract_strided_slice %convert_element_type3A_1734 {offsets = [13], sizes = [1], strides = [1]} : vector<16xi32> to vector<1xi32>
      %squeeze3A_3047 = vector.extract %slice3A_3046[0] : i32 from vector<1xi32>
      %broadcast_in_dim3A_3048 = vector.broadcast %squeeze3A_3047 : i32 to vector<16xi32>
      %gt3A_3049 = arith.constant 0 : i32
      %gt3A_3050 = vector.broadcast %gt3A_3049 : i32 to vector<16xi32>
      %gt3A_3051 = arith.cmpi sgt, %broadcast_in_dim3A_3048, %gt3A_3050 : vector<16xi32>
      %gather3A_3052 = tpu.vector_load_idx %arg12[%iota3A_216, %broadcast_in_dim3A_3027] : memref<32x1024xf32, #tpu.memory_space<vmem>>[vector<16xi32>, vector<16xi32>], vector<16xf32>,
      %gather3A_3053 = tpu.vector_load_idx %arg12[%add3A_219, %broadcast_in_dim3A_3027] : memref<32x1024xf32, #tpu.memory_space<vmem>>[vector<16xi32>, vector<16xi32>], vector<16xf32>,
      %gather3A_3054 = tpu.vector_load_idx %arg14[%iota3A_216, %broadcast_in_dim3A_3033] : memref<32x128xf32, #tpu.memory_space<vmem>>[vector<16xi32>, vector<16xi32>], vector<16xf32>,
      %gather3A_3055 = tpu.vector_load_idx %arg14[%add3A_219, %broadcast_in_dim3A_3033] : memref<32x128xf32, #tpu.memory_space<vmem>>[vector<16xi32>, vector<16xi32>], vector<16xf32>,
      %select_n3A_3056 = arith.select %gt3A_3051, %gather3A_3054, %gather3A_3052 : vector<16xi1>, vector<16xf32>
      %select_n3A_3057 = arith.select %gt3A_3051, %gather3A_3055, %gather3A_3053 : vector<16xi1>, vector<16xf32>
      %mul3A_3058 = arith.mulf %select_n3A_3044, %select_n3A_3056 : vector<16xf32>
      %mul3A_3059 = arith.mulf %select_n3A_3045, %select_n3A_3057 : vector<16xf32>
      %add3A_3060 = arith.addf %mul3A_3058, %mul3A_3059 : vector<16xf32>
      %swap3A_3061 = arith.constant 208 : index
      %swap3A_3062 = tpu.vector_load %arg16[%swap3A_3061] {strides = array<i32>} : memref<256xf32, #tpu.memory_space<vmem>>, vector<16xf32>,
      tpu.vector_store %arg16[%swap3A_3061], %add3A_3060 {strides = array<i32>} : memref<256xf32, #tpu.memory_space<vmem>>, vector<16xf32>,
      %slice3A_3063 = vector.extract_strided_slice %min3A_2516 {offsets = [5], sizes = [1], strides = [1]} : vector<16xi32> to vector<1xi32>
      %squeeze3A_3064 = vector.extract %slice3A_3063[0] : i32 from vector<1xi32>
      %slice3A_3065 = vector.extract_strided_slice %min3A_2518 {offsets = [5], sizes = [1], strides = [1]} : vector<16xi32> to vector<1xi32>
      %squeeze3A_3066 = vector.extract %slice3A_3065[0] : i32 from vector<1xi32>
      %multiple_of3A_3067 = tpu.assume_multiple %squeeze3A_3064, 128 : i32
      %dma_start3A_3068 = arith.constant 0 : i32
      %dma_start3A_3069 = arith.constant 640 : i32
      %dma_start3A_3070 = tpu.memref_slice %arg11[%dma_start3A_3068, %dma_start3A_3069] : memref<32x1024xf32, #tpu.memory_space<vmem>> -> memref<32x128xf32, #tpu.memory_space<vmem>>
      %dma_start3A_3071 = arith.constant 0 : i32
      %dma_start3A_3072 = tpu.memref_slice %arg4[%dma_start3A_3071, %multiple_of3A_3067] : memref<32x1000000xf32, #tpu.memory_space<hbm>> -> memref<32x128xf32, #tpu.memory_space<hbm>>
      %dma_start3A_3073 = arith.constant 0 : i32
      %dma_start3A_3074 = arith.constant 640 : i32
      %dma_start3A_3075 = tpu.memref_slice %arg11[%dma_start3A_3073, %dma_start3A_3074] : memref<32x1024xf32, #tpu.memory_space<vmem>> -> memref<32x128xf32, #tpu.memory_space<vmem>>
      %dma_start3A_3076 = arith.constant 0 : i32
      %dma_start3A_3077 = tpu.memref_slice %arg4[%dma_start3A_3076, %multiple_of3A_3067] : memref<32x1000000xf32, #tpu.memory_space<hbm>> -> memref<32x128xf32, #tpu.memory_space<hbm>>
      tpu.enqueue_dma source(%dma_start3A_3077 : memref<32x128xf32, #tpu.memory_space<hbm>>) target(%dma_start3A_3075 : memref<32x128xf32, #tpu.memory_space<vmem>>) target_semaphore(%arg22 : memref<!tpu.dma_semaphore, #tpu.memory_space<semaphore_mem>>)
      %multiple_of3A_3078 = tpu.assume_multiple %squeeze3A_3066, 128 : i32
      %dma_start3A_3079 = arith.constant 0 : i32
      %dma_start3A_3080 = arith.constant 640 : i32
      %dma_start3A_3081 = tpu.memref_slice %arg12[%dma_start3A_3079, %dma_start3A_3080] : memref<32x1024xf32, #tpu.memory_space<vmem>> -> memref<32x128xf32, #tpu.memory_space<vmem>>
      %dma_start3A_3082 = arith.constant 0 : i32
      %dma_start3A_3083 = tpu.memref_slice %arg5[%dma_start3A_3082, %multiple_of3A_3078] : memref<32x1000000xf32, #tpu.memory_space<hbm>> -> memref<32x128xf32, #tpu.memory_space<hbm>>
      %dma_start3A_3084 = arith.constant 0 : i32
      %dma_start3A_3085 = arith.constant 640 : i32
      %dma_start3A_3086 = tpu.memref_slice %arg12[%dma_start3A_3084, %dma_start3A_3085] : memref<32x1024xf32, #tpu.memory_space<vmem>> -> memref<32x128xf32, #tpu.memory_space<vmem>>
      %dma_start3A_3087 = arith.constant 0 : i32
      %dma_start3A_3088 = tpu.memref_slice %arg5[%dma_start3A_3087, %multiple_of3A_3078] : memref<32x1000000xf32, #tpu.memory_space<hbm>> -> memref<32x128xf32, #tpu.memory_space<hbm>>
      tpu.enqueue_dma source(%dma_start3A_3088 : memref<32x128xf32, #tpu.memory_space<hbm>>) target(%dma_start3A_3086 : memref<32x128xf32, #tpu.memory_space<vmem>>) target_semaphore(%arg22 : memref<!tpu.dma_semaphore, #tpu.memory_space<semaphore_mem>>)
      %dma_wait3A_3089 = arith.constant 0 : i32
      %dma_wait3A_3090 = arith.constant 768 : i32
      %dma_wait3A_3091 = tpu.memref_slice %arg11[%dma_wait3A_3089, %dma_wait3A_3090] : memref<32x1024xf32, #tpu.memory_space<vmem>> -> memref<32x128xf32, #tpu.memory_space<vmem>>
      %dma_wait3A_3092 = arith.constant 0 : i32
      %dma_wait3A_3093 = arith.constant 0 : i32
      %dma_wait3A_3094 = tpu.memref_slice %arg4[%dma_wait3A_3092, %dma_wait3A_3093] : memref<32x1000000xf32, #tpu.memory_space<hbm>> -> memref<32x128xf32, #tpu.memory_space<hbm>>
      %dma_wait3A_3095 = arith.constant 0 : i32
      %dma_wait3A_3096 = arith.constant 768 : i32
      %dma_wait3A_3097 = tpu.memref_slice %arg11[%dma_wait3A_3095, %dma_wait3A_3096] : memref<32x1024xf32, #tpu.memory_space<vmem>> -> memref<32x128xf32, #tpu.memory_space<vmem>>
      %dma_wait3A_3098 = arith.constant 0 : i32
      %dma_wait3A_3099 = arith.constant 0 : i32
      %dma_wait3A_3100 = tpu.memref_slice %arg4[%dma_wait3A_3098, %dma_wait3A_3099] : memref<32x1000000xf32, #tpu.memory_space<hbm>> -> memref<32x128xf32, #tpu.memory_space<hbm>>
      tpu.wait_dma2 semaphore(%arg23 : memref<!tpu.dma_semaphore, #tpu.memory_space<semaphore_mem>>) src(%dma_wait3A_3100 : memref<32x128xf32, #tpu.memory_space<hbm>>) dst(%dma_wait3A_3097 : memref<32x128xf32, #tpu.memory_space<vmem>>)
      %dma_wait3A_3101 = arith.constant 0 : i32
      %dma_wait3A_3102 = arith.constant 768 : i32
      %dma_wait3A_3103 = tpu.memref_slice %arg12[%dma_wait3A_3101, %dma_wait3A_3102] : memref<32x1024xf32, #tpu.memory_space<vmem>> -> memref<32x128xf32, #tpu.memory_space<vmem>>
      %dma_wait3A_3104 = arith.constant 0 : i32
      %dma_wait3A_3105 = arith.constant 0 : i32
      %dma_wait3A_3106 = tpu.memref_slice %arg5[%dma_wait3A_3104, %dma_wait3A_3105] : memref<32x1000000xf32, #tpu.memory_space<hbm>> -> memref<32x128xf32, #tpu.memory_space<hbm>>
      %dma_wait3A_3107 = arith.constant 0 : i32
      %dma_wait3A_3108 = arith.constant 768 : i32
      %dma_wait3A_3109 = tpu.memref_slice %arg12[%dma_wait3A_3107, %dma_wait3A_3108] : memref<32x1024xf32, #tpu.memory_space<vmem>> -> memref<32x128xf32, #tpu.memory_space<vmem>>
      %dma_wait3A_3110 = arith.constant 0 : i32
      %dma_wait3A_3111 = arith.constant 0 : i32
      %dma_wait3A_3112 = tpu.memref_slice %arg5[%dma_wait3A_3110, %dma_wait3A_3111] : memref<32x1000000xf32, #tpu.memory_space<hbm>> -> memref<32x128xf32, #tpu.memory_space<hbm>>
      tpu.wait_dma2 semaphore(%arg23 : memref<!tpu.dma_semaphore, #tpu.memory_space<semaphore_mem>>) src(%dma_wait3A_3112 : memref<32x128xf32, #tpu.memory_space<hbm>>) dst(%dma_wait3A_3109 : memref<32x128xf32, #tpu.memory_space<vmem>>)
      %slice3A_3113 = vector.extract_strided_slice %min3A_1710 {offsets = [14], sizes = [1], strides = [1]} : vector<16xi32> to vector<1xi32>
      %squeeze3A_3114 = vector.extract %slice3A_3113[0] : i32 from vector<1xi32>
      %add3A_3115 = arith.constant 768 : i32
      %add3A_3116 = arith.addi %add3A_3115, %squeeze3A_3114 : i32
      %broadcast_in_dim3A_3117 = vector.broadcast %add3A_3116 : i32 to vector<16xi32>
      %slice3A_3118 = vector.extract_strided_slice %min3A_1714 {offsets = [14], sizes = [1], strides = [1]} : vector<16xi32> to vector<1xi32>
      %squeeze3A_3119 = vector.extract %slice3A_3118[0] : i32 from vector<1xi32>
      %add3A_3120 = arith.constant 768 : i32
      %add3A_3121 = arith.addi %add3A_3120, %squeeze3A_3119 : i32
      %broadcast_in_dim3A_3122 = vector.broadcast %add3A_3121 : i32 to vector<16xi32>
      %slice3A_3123 = vector.extract_strided_slice %max3A_1720 {offsets = [14], sizes = [1], strides = [1]} : vector<16xi32> to vector<1xi32>
      %squeeze3A_3124 = vector.extract %slice3A_3123[0] : i32 from vector<1xi32>
      %broadcast_in_dim3A_3125 = vector.broadcast %squeeze3A_3124 : i32 to vector<16xi32>
      %slice3A_3126 = vector.extract_strided_slice %max3A_1726 {offsets = [14], sizes = [1], strides = [1]} : vector<16xi32> to vector<1xi32>
      %squeeze3A_3127 = vector.extract %slice3A_3126[0] : i32 from vector<1xi32>
      %broadcast_in_dim3A_3128 = vector.broadcast %squeeze3A_3127 : i32 to vector<16xi32>
      %slice3A_3129 = vector.extract_strided_slice %convert_element_type3A_1730 {offsets = [14], sizes = [1], strides = [1]} : vector<16xi32> to vector<1xi32>
      %squeeze3A_3130 = vector.extract %slice3A_3129[0] : i32 from vector<1xi32>
      %broadcast_in_dim3A_3131 = vector.broadcast %squeeze3A_3130 : i32 to vector<16xi32>
      %gt3A_3132 = arith.constant 0 : i32
      %gt3A_3133 = vector.broadcast %gt3A_3132 : i32 to vector<16xi32>
      %gt3A_3134 = arith.cmpi sgt, %broadcast_in_dim3A_3131, %gt3A_3133 : vector<16xi32>
      %gather3A_3135 = tpu.vector_load_idx %arg11[%iota3A_216, %broadcast_in_dim3A_3117] : memref<32x1024xf32, #tpu.memory_space<vmem>>[vector<16xi32>, vector<16xi32>], vector<16xf32>,
      %gather3A_3136 = tpu.vector_load_idx %arg11[%add3A_219, %broadcast_in_dim3A_3117] : memref<32x1024xf32, #tpu.memory_space<vmem>>[vector<16xi32>, vector<16xi32>], vector<16xf32>,
      %gather3A_3137 = tpu.vector_load_idx %arg13[%iota3A_216, %broadcast_in_dim3A_3125] : memref<32x128xf32, #tpu.memory_space<vmem>>[vector<16xi32>, vector<16xi32>], vector<16xf32>,
      %gather3A_3138 = tpu.vector_load_idx %arg13[%add3A_219, %broadcast_in_dim3A_3125] : memref<32x128xf32, #tpu.memory_space<vmem>>[vector<16xi32>, vector<16xi32>], vector<16xf32>,
      %select_n3A_3139 = arith.select %gt3A_3134, %gather3A_3137, %gather3A_3135 : vector<16xi1>, vector<16xf32>
      %select_n3A_3140 = arith.select %gt3A_3134, %gather3A_3138, %gather3A_3136 : vector<16xi1>, vector<16xf32>
      %slice3A_3141 = vector.extract_strided_slice %convert_element_type3A_1734 {offsets = [14], sizes = [1], strides = [1]} : vector<16xi32> to vector<1xi32>
      %squeeze3A_3142 = vector.extract %slice3A_3141[0] : i32 from vector<1xi32>
      %broadcast_in_dim3A_3143 = vector.broadcast %squeeze3A_3142 : i32 to vector<16xi32>
      %gt3A_3144 = arith.constant 0 : i32
      %gt3A_3145 = vector.broadcast %gt3A_3144 : i32 to vector<16xi32>
      %gt3A_3146 = arith.cmpi sgt, %broadcast_in_dim3A_3143, %gt3A_3145 : vector<16xi32>
      %gather3A_3147 = tpu.vector_load_idx %arg12[%iota3A_216, %broadcast_in_dim3A_3122] : memref<32x1024xf32, #tpu.memory_space<vmem>>[vector<16xi32>, vector<16xi32>], vector<16xf32>,
      %gather3A_3148 = tpu.vector_load_idx %arg12[%add3A_219, %broadcast_in_dim3A_3122] : memref<32x1024xf32, #tpu.memory_space<vmem>>[vector<16xi32>, vector<16xi32>], vector<16xf32>,
      %gather3A_3149 = tpu.vector_load_idx %arg14[%iota3A_216, %broadcast_in_dim3A_3128] : memref<32x128xf32, #tpu.memory_space<vmem>>[vector<16xi32>, vector<16xi32>], vector<16xf32>,
      %gather3A_3150 = tpu.vector_load_idx %arg14[%add3A_219, %broadcast_in_dim3A_3128] : memref<32x128xf32, #tpu.memory_space<vmem>>[vector<16xi32>, vector<16xi32>], vector<16xf32>,
      %select_n3A_3151 = arith.select %gt3A_3146, %gather3A_3149, %gather3A_3147 : vector<16xi1>, vector<16xf32>
      %select_n3A_3152 = arith.select %gt3A_3146, %gather3A_3150, %gather3A_3148 : vector<16xi1>, vector<16xf32>
      %mul3A_3153 = arith.mulf %select_n3A_3139, %select_n3A_3151 : vector<16xf32>
      %mul3A_3154 = arith.mulf %select_n3A_3140, %select_n3A_3152 : vector<16xf32>
      %add3A_3155 = arith.addf %mul3A_3153, %mul3A_3154 : vector<16xf32>
      %swap3A_3156 = arith.constant 224 : index
      %swap3A_3157 = tpu.vector_load %arg16[%swap3A_3156] {strides = array<i32>} : memref<256xf32, #tpu.memory_space<vmem>>, vector<16xf32>,
      tpu.vector_store %arg16[%swap3A_3156], %add3A_3155 {strides = array<i32>} : memref<256xf32, #tpu.memory_space<vmem>>, vector<16xf32>,
      %slice3A_3158 = vector.extract_strided_slice %min3A_2516 {offsets = [6], sizes = [1], strides = [1]} : vector<16xi32> to vector<1xi32>
      %squeeze3A_3159 = vector.extract %slice3A_3158[0] : i32 from vector<1xi32>
      %slice3A_3160 = vector.extract_strided_slice %min3A_2518 {offsets = [6], sizes = [1], strides = [1]} : vector<16xi32> to vector<1xi32>
      %squeeze3A_3161 = vector.extract %slice3A_3160[0] : i32 from vector<1xi32>
      %multiple_of3A_3162 = tpu.assume_multiple %squeeze3A_3159, 128 : i32
      %dma_start3A_3163 = arith.constant 0 : i32
      %dma_start3A_3164 = arith.constant 768 : i32
      %dma_start3A_3165 = tpu.memref_slice %arg11[%dma_start3A_3163, %dma_start3A_3164] : memref<32x1024xf32, #tpu.memory_space<vmem>> -> memref<32x128xf32, #tpu.memory_space<vmem>>
      %dma_start3A_3166 = arith.constant 0 : i32
      %dma_start3A_3167 = tpu.memref_slice %arg4[%dma_start3A_3166, %multiple_of3A_3162] : memref<32x1000000xf32, #tpu.memory_space<hbm>> -> memref<32x128xf32, #tpu.memory_space<hbm>>
      %dma_start3A_3168 = arith.constant 0 : i32
      %dma_start3A_3169 = arith.constant 768 : i32
      %dma_start3A_3170 = tpu.memref_slice %arg11[%dma_start3A_3168, %dma_start3A_3169] : memref<32x1024xf32, #tpu.memory_space<vmem>> -> memref<32x128xf32, #tpu.memory_space<vmem>>
      %dma_start3A_3171 = arith.constant 0 : i32
      %dma_start3A_3172 = tpu.memref_slice %arg4[%dma_start3A_3171, %multiple_of3A_3162] : memref<32x1000000xf32, #tpu.memory_space<hbm>> -> memref<32x128xf32, #tpu.memory_space<hbm>>
      tpu.enqueue_dma source(%dma_start3A_3172 : memref<32x128xf32, #tpu.memory_space<hbm>>) target(%dma_start3A_3170 : memref<32x128xf32, #tpu.memory_space<vmem>>) target_semaphore(%arg23 : memref<!tpu.dma_semaphore, #tpu.memory_space<semaphore_mem>>)
      %multiple_of3A_3173 = tpu.assume_multiple %squeeze3A_3161, 128 : i32
      %dma_start3A_3174 = arith.constant 0 : i32
      %dma_start3A_3175 = arith.constant 768 : i32
      %dma_start3A_3176 = tpu.memref_slice %arg12[%dma_start3A_3174, %dma_start3A_3175] : memref<32x1024xf32, #tpu.memory_space<vmem>> -> memref<32x128xf32, #tpu.memory_space<vmem>>
      %dma_start3A_3177 = arith.constant 0 : i32
      %dma_start3A_3178 = tpu.memref_slice %arg5[%dma_start3A_3177, %multiple_of3A_3173] : memref<32x1000000xf32, #tpu.memory_space<hbm>> -> memref<32x128xf32, #tpu.memory_space<hbm>>
      %dma_start3A_3179 = arith.constant 0 : i32
      %dma_start3A_3180 = arith.constant 768 : i32
      %dma_start3A_3181 = tpu.memref_slice %arg12[%dma_start3A_3179, %dma_start3A_3180] : memref<32x1024xf32, #tpu.memory_space<vmem>> -> memref<32x128xf32, #tpu.memory_space<vmem>>
      %dma_start3A_3182 = arith.constant 0 : i32
      %dma_start3A_3183 = tpu.memref_slice %arg5[%dma_start3A_3182, %multiple_of3A_3173] : memref<32x1000000xf32, #tpu.memory_space<hbm>> -> memref<32x128xf32, #tpu.memory_space<hbm>>
      tpu.enqueue_dma source(%dma_start3A_3183 : memref<32x128xf32, #tpu.memory_space<hbm>>) target(%dma_start3A_3181 : memref<32x128xf32, #tpu.memory_space<vmem>>) target_semaphore(%arg23 : memref<!tpu.dma_semaphore, #tpu.memory_space<semaphore_mem>>)
      %dma_wait3A_3184 = arith.constant 0 : i32
      %dma_wait3A_3185 = arith.constant 896 : i32
      %dma_wait3A_3186 = tpu.memref_slice %arg11[%dma_wait3A_3184, %dma_wait3A_3185] : memref<32x1024xf32, #tpu.memory_space<vmem>> -> memref<32x128xf32, #tpu.memory_space<vmem>>
      %dma_wait3A_3187 = arith.constant 0 : i32
      %dma_wait3A_3188 = arith.constant 0 : i32
      %dma_wait3A_3189 = tpu.memref_slice %arg4[%dma_wait3A_3187, %dma_wait3A_3188] : memref<32x1000000xf32, #tpu.memory_space<hbm>> -> memref<32x128xf32, #tpu.memory_space<hbm>>
      %dma_wait3A_3190 = arith.constant 0 : i32
      %dma_wait3A_3191 = arith.constant 896 : i32
      %dma_wait3A_3192 = tpu.memref_slice %arg11[%dma_wait3A_3190, %dma_wait3A_3191] : memref<32x1024xf32, #tpu.memory_space<vmem>> -> memref<32x128xf32, #tpu.memory_space<vmem>>
      %dma_wait3A_3193 = arith.constant 0 : i32
      %dma_wait3A_3194 = arith.constant 0 : i32
      %dma_wait3A_3195 = tpu.memref_slice %arg4[%dma_wait3A_3193, %dma_wait3A_3194] : memref<32x1000000xf32, #tpu.memory_space<hbm>> -> memref<32x128xf32, #tpu.memory_space<hbm>>
      tpu.wait_dma2 semaphore(%arg24 : memref<!tpu.dma_semaphore, #tpu.memory_space<semaphore_mem>>) src(%dma_wait3A_3195 : memref<32x128xf32, #tpu.memory_space<hbm>>) dst(%dma_wait3A_3192 : memref<32x128xf32, #tpu.memory_space<vmem>>)
      %dma_wait3A_3196 = arith.constant 0 : i32
      %dma_wait3A_3197 = arith.constant 896 : i32
      %dma_wait3A_3198 = tpu.memref_slice %arg12[%dma_wait3A_3196, %dma_wait3A_3197] : memref<32x1024xf32, #tpu.memory_space<vmem>> -> memref<32x128xf32, #tpu.memory_space<vmem>>
      %dma_wait3A_3199 = arith.constant 0 : i32
      %dma_wait3A_3200 = arith.constant 0 : i32
      %dma_wait3A_3201 = tpu.memref_slice %arg5[%dma_wait3A_3199, %dma_wait3A_3200] : memref<32x1000000xf32, #tpu.memory_space<hbm>> -> memref<32x128xf32, #tpu.memory_space<hbm>>
      %dma_wait3A_3202 = arith.constant 0 : i32
      %dma_wait3A_3203 = arith.constant 896 : i32
      %dma_wait3A_3204 = tpu.memref_slice %arg12[%dma_wait3A_3202, %dma_wait3A_3203] : memref<32x1024xf32, #tpu.memory_space<vmem>> -> memref<32x128xf32, #tpu.memory_space<vmem>>
      %dma_wait3A_3205 = arith.constant 0 : i32
      %dma_wait3A_3206 = arith.constant 0 : i32
      %dma_wait3A_3207 = tpu.memref_slice %arg5[%dma_wait3A_3205, %dma_wait3A_3206] : memref<32x1000000xf32, #tpu.memory_space<hbm>> -> memref<32x128xf32, #tpu.memory_space<hbm>>
      tpu.wait_dma2 semaphore(%arg24 : memref<!tpu.dma_semaphore, #tpu.memory_space<semaphore_mem>>) src(%dma_wait3A_3207 : memref<32x128xf32, #tpu.memory_space<hbm>>) dst(%dma_wait3A_3204 : memref<32x128xf32, #tpu.memory_space<vmem>>)
      %slice3A_3208 = vector.extract_strided_slice %min3A_1710 {offsets = [15], sizes = [1], strides = [1]} : vector<16xi32> to vector<1xi32>
      %squeeze3A_3209 = vector.extract %slice3A_3208[0] : i32 from vector<1xi32>
      %add3A_3210 = arith.constant 896 : i32
      %add3A_3211 = arith.addi %add3A_3210, %squeeze3A_3209 : i32
      %broadcast_in_dim3A_3212 = vector.broadcast %add3A_3211 : i32 to vector<16xi32>
      %slice3A_3213 = vector.extract_strided_slice %min3A_1714 {offsets = [15], sizes = [1], strides = [1]} : vector<16xi32> to vector<1xi32>
      %squeeze3A_3214 = vector.extract %slice3A_3213[0] : i32 from vector<1xi32>
      %add3A_3215 = arith.constant 896 : i32
      %add3A_3216 = arith.addi %add3A_3215, %squeeze3A_3214 : i32
      %broadcast_in_dim3A_3217 = vector.broadcast %add3A_3216 : i32 to vector<16xi32>
      %slice3A_3218 = vector.extract_strided_slice %max3A_1720 {offsets = [15], sizes = [1], strides = [1]} : vector<16xi32> to vector<1xi32>
      %squeeze3A_3219 = vector.extract %slice3A_3218[0] : i32 from vector<1xi32>
      %broadcast_in_dim3A_3220 = vector.broadcast %squeeze3A_3219 : i32 to vector<16xi32>
      %slice3A_3221 = vector.extract_strided_slice %max3A_1726 {offsets = [15], sizes = [1], strides = [1]} : vector<16xi32> to vector<1xi32>
      %squeeze3A_3222 = vector.extract %slice3A_3221[0] : i32 from vector<1xi32>
      %broadcast_in_dim3A_3223 = vector.broadcast %squeeze3A_3222 : i32 to vector<16xi32>
      %slice3A_3224 = vector.extract_strided_slice %convert_element_type3A_1730 {offsets = [15], sizes = [1], strides = [1]} : vector<16xi32> to vector<1xi32>
      %squeeze3A_3225 = vector.extract %slice3A_3224[0] : i32 from vector<1xi32>
      %broadcast_in_dim3A_3226 = vector.broadcast %squeeze3A_3225 : i32 to vector<16xi32>
      %gt3A_3227 = arith.constant 0 : i32
      %gt3A_3228 = vector.broadcast %gt3A_3227 : i32 to vector<16xi32>
      %gt3A_3229 = arith.cmpi sgt, %broadcast_in_dim3A_3226, %gt3A_3228 : vector<16xi32>
      %gather3A_3230 = tpu.vector_load_idx %arg11[%iota3A_216, %broadcast_in_dim3A_3212] : memref<32x1024xf32, #tpu.memory_space<vmem>>[vector<16xi32>, vector<16xi32>], vector<16xf32>,
      %gather3A_3231 = tpu.vector_load_idx %arg11[%add3A_219, %broadcast_in_dim3A_3212] : memref<32x1024xf32, #tpu.memory_space<vmem>>[vector<16xi32>, vector<16xi32>], vector<16xf32>,
      %gather3A_3232 = tpu.vector_load_idx %arg13[%iota3A_216, %broadcast_in_dim3A_3220] : memref<32x128xf32, #tpu.memory_space<vmem>>[vector<16xi32>, vector<16xi32>], vector<16xf32>,
      %gather3A_3233 = tpu.vector_load_idx %arg13[%add3A_219, %broadcast_in_dim3A_3220] : memref<32x128xf32, #tpu.memory_space<vmem>>[vector<16xi32>, vector<16xi32>], vector<16xf32>,
      %select_n3A_3234 = arith.select %gt3A_3229, %gather3A_3232, %gather3A_3230 : vector<16xi1>, vector<16xf32>
      %select_n3A_3235 = arith.select %gt3A_3229, %gather3A_3233, %gather3A_3231 : vector<16xi1>, vector<16xf32>
      %slice3A_3236 = vector.extract_strided_slice %convert_element_type3A_1734 {offsets = [15], sizes = [1], strides = [1]} : vector<16xi32> to vector<1xi32>
      %squeeze3A_3237 = vector.extract %slice3A_3236[0] : i32 from vector<1xi32>
      %broadcast_in_dim3A_3238 = vector.broadcast %squeeze3A_3237 : i32 to vector<16xi32>
      %gt3A_3239 = arith.constant 0 : i32
      %gt3A_3240 = vector.broadcast %gt3A_3239 : i32 to vector<16xi32>
      %gt3A_3241 = arith.cmpi sgt, %broadcast_in_dim3A_3238, %gt3A_3240 : vector<16xi32>
      %gather3A_3242 = tpu.vector_load_idx %arg12[%iota3A_216, %broadcast_in_dim3A_3217] : memref<32x1024xf32, #tpu.memory_space<vmem>>[vector<16xi32>, vector<16xi32>], vector<16xf32>,
      %gather3A_3243 = tpu.vector_load_idx %arg12[%add3A_219, %broadcast_in_dim3A_3217] : memref<32x1024xf32, #tpu.memory_space<vmem>>[vector<16xi32>, vector<16xi32>], vector<16xf32>,
      %gather3A_3244 = tpu.vector_load_idx %arg14[%iota3A_216, %broadcast_in_dim3A_3223] : memref<32x128xf32, #tpu.memory_space<vmem>>[vector<16xi32>, vector<16xi32>], vector<16xf32>,
      %gather3A_3245 = tpu.vector_load_idx %arg14[%add3A_219, %broadcast_in_dim3A_3223] : memref<32x128xf32, #tpu.memory_space<vmem>>[vector<16xi32>, vector<16xi32>], vector<16xf32>,
      %select_n3A_3246 = arith.select %gt3A_3241, %gather3A_3244, %gather3A_3242 : vector<16xi1>, vector<16xf32>
      %select_n3A_3247 = arith.select %gt3A_3241, %gather3A_3245, %gather3A_3243 : vector<16xi1>, vector<16xf32>
      %mul3A_3248 = arith.mulf %select_n3A_3234, %select_n3A_3246 : vector<16xf32>
      %mul3A_3249 = arith.mulf %select_n3A_3235, %select_n3A_3247 : vector<16xf32>
      %add3A_3250 = arith.addf %mul3A_3248, %mul3A_3249 : vector<16xf32>
      %swap3A_3251 = arith.constant 240 : index
      %swap3A_3252 = tpu.vector_load %arg16[%swap3A_3251] {strides = array<i32>} : memref<256xf32, #tpu.memory_space<vmem>>, vector<16xf32>,
      tpu.vector_store %arg16[%swap3A_3251], %add3A_3250 {strides = array<i32>} : memref<256xf32, #tpu.memory_space<vmem>>, vector<16xf32>,
      %slice3A_3253 = vector.extract_strided_slice %min3A_2516 {offsets = [7], sizes = [1], strides = [1]} : vector<16xi32> to vector<1xi32>
      %squeeze3A_3254 = vector.extract %slice3A_3253[0] : i32 from vector<1xi32>
      %slice3A_3255 = vector.extract_strided_slice %min3A_2518 {offsets = [7], sizes = [1], strides = [1]} : vector<16xi32> to vector<1xi32>
      %squeeze3A_3256 = vector.extract %slice3A_3255[0] : i32 from vector<1xi32>
      %multiple_of3A_3257 = tpu.assume_multiple %squeeze3A_3254, 128 : i32
      %dma_start3A_3258 = arith.constant 0 : i32
      %dma_start3A_3259 = arith.constant 896 : i32
      %dma_start3A_3260 = tpu.memref_slice %arg11[%dma_start3A_3258, %dma_start3A_3259] : memref<32x1024xf32, #tpu.memory_space<vmem>> -> memref<32x128xf32, #tpu.memory_space<vmem>>
      %dma_start3A_3261 = arith.constant 0 : i32
      %dma_start3A_3262 = tpu.memref_slice %arg4[%dma_start3A_3261, %multiple_of3A_3257] : memref<32x1000000xf32, #tpu.memory_space<hbm>> -> memref<32x128xf32, #tpu.memory_space<hbm>>
      %dma_start3A_3263 = arith.constant 0 : i32
      %dma_start3A_3264 = arith.constant 896 : i32
      %dma_start3A_3265 = tpu.memref_slice %arg11[%dma_start3A_3263, %dma_start3A_3264] : memref<32x1024xf32, #tpu.memory_space<vmem>> -> memref<32x128xf32, #tpu.memory_space<vmem>>
      %dma_start3A_3266 = arith.constant 0 : i32
      %dma_start3A_3267 = tpu.memref_slice %arg4[%dma_start3A_3266, %multiple_of3A_3257] : memref<32x1000000xf32, #tpu.memory_space<hbm>> -> memref<32x128xf32, #tpu.memory_space<hbm>>
      tpu.enqueue_dma source(%dma_start3A_3267 : memref<32x128xf32, #tpu.memory_space<hbm>>) target(%dma_start3A_3265 : memref<32x128xf32, #tpu.memory_space<vmem>>) target_semaphore(%arg24 : memref<!tpu.dma_semaphore, #tpu.memory_space<semaphore_mem>>)
      %multiple_of3A_3268 = tpu.assume_multiple %squeeze3A_3256, 128 : i32
      %dma_start3A_3269 = arith.constant 0 : i32
      %dma_start3A_3270 = arith.constant 896 : i32
      %dma_start3A_3271 = tpu.memref_slice %arg12[%dma_start3A_3269, %dma_start3A_3270] : memref<32x1024xf32, #tpu.memory_space<vmem>> -> memref<32x128xf32, #tpu.memory_space<vmem>>
      %dma_start3A_3272 = arith.constant 0 : i32
      %dma_start3A_3273 = tpu.memref_slice %arg5[%dma_start3A_3272, %multiple_of3A_3268] : memref<32x1000000xf32, #tpu.memory_space<hbm>> -> memref<32x128xf32, #tpu.memory_space<hbm>>
      %dma_start3A_3274 = arith.constant 0 : i32
      %dma_start3A_3275 = arith.constant 896 : i32
      %dma_start3A_3276 = tpu.memref_slice %arg12[%dma_start3A_3274, %dma_start3A_3275] : memref<32x1024xf32, #tpu.memory_space<vmem>> -> memref<32x128xf32, #tpu.memory_space<vmem>>
      %dma_start3A_3277 = arith.constant 0 : i32
      %dma_start3A_3278 = tpu.memref_slice %arg5[%dma_start3A_3277, %multiple_of3A_3268] : memref<32x1000000xf32, #tpu.memory_space<hbm>> -> memref<32x128xf32, #tpu.memory_space<hbm>>
      tpu.enqueue_dma source(%dma_start3A_3278 : memref<32x128xf32, #tpu.memory_space<hbm>>) target(%dma_start3A_3276 : memref<32x128xf32, #tpu.memory_space<vmem>>) target_semaphore(%arg24 : memref<!tpu.dma_semaphore, #tpu.memory_space<semaphore_mem>>)
      %broadcast_in_dim3A_3279 = arith.constant 0.000000e+00 : f32
      %broadcast_in_dim3A_3280 = vector.broadcast %broadcast_in_dim3A_3279 : f32 to vector<16xf32>
      %mul3A_3281 = arith.constant 16 : i32
      %mul3A_3282 = vector.broadcast %mul3A_3281 : i32 to vector<16xi32>
      %mul3A_3283 = arith.muli %iota3A, %mul3A_3282 : vector<16xi32>
      %add3A_3284 = arith.constant 0 : i32
      %add3A_3285 = vector.broadcast %add3A_3284 : i32 to vector<16xi32>
      %add3A_3286 = arith.addi %mul3A_3283, %add3A_3285 : vector<16xi32>
      %gather3A_3287 = tpu.vector_load_idx %arg16[%add3A_3286] : memref<256xf32, #tpu.memory_space<vmem>>[vector<16xi32>], vector<16xf32>,
      %add3A_3288 = arith.addf %broadcast_in_dim3A_3280, %gather3A_3287 : vector<16xf32>
      %mul3A_3289 = arith.constant 16 : i32
      %mul3A_3290 = vector.broadcast %mul3A_3289 : i32 to vector<16xi32>
      %mul3A_3291 = arith.muli %iota3A, %mul3A_3290 : vector<16xi32>
      %add3A_3292 = arith.constant 1 : i32
      %add3A_3293 = vector.broadcast %add3A_3292 : i32 to vector<16xi32>
      %add3A_3294 = arith.addi %mul3A_3291, %add3A_3293 : vector<16xi32>
      %gather3A_3295 = tpu.vector_load_idx %arg16[%add3A_3294] : memref<256xf32, #tpu.memory_space<vmem>>[vector<16xi32>], vector<16xf32>,
      %add3A_3296 = arith.addf %add3A_3288, %gather3A_3295 : vector<16xf32>
      %mul3A_3297 = arith.constant 16 : i32
      %mul3A_3298 = vector.broadcast %mul3A_3297 : i32 to vector<16xi32>
      %mul3A_3299 = arith.muli %iota3A, %mul3A_3298 : vector<16xi32>
      %add3A_3300 = arith.constant 2 : i32
      %add3A_3301 = vector.broadcast %add3A_3300 : i32 to vector<16xi32>
      %add3A_3302 = arith.addi %mul3A_3299, %add3A_3301 : vector<16xi32>
      %gather3A_3303 = tpu.vector_load_idx %arg16[%add3A_3302] : memref<256xf32, #tpu.memory_space<vmem>>[vector<16xi32>], vector<16xf32>,
      %add3A_3304 = arith.addf %add3A_3296, %gather3A_3303 : vector<16xf32>
      %mul3A_3305 = arith.constant 16 : i32
      %mul3A_3306 = vector.broadcast %mul3A_3305 : i32 to vector<16xi32>
      %mul3A_3307 = arith.muli %iota3A, %mul3A_3306 : vector<16xi32>
      %add3A_3308 = arith.constant 3 : i32
      %add3A_3309 = vector.broadcast %add3A_3308 : i32 to vector<16xi32>
      %add3A_3310 = arith.addi %mul3A_3307, %add3A_3309 : vector<16xi32>
      %gather3A_3311 = tpu.vector_load_idx %arg16[%add3A_3310] : memref<256xf32, #tpu.memory_space<vmem>>[vector<16xi32>], vector<16xf32>,
      %add3A_3312 = arith.addf %add3A_3304, %gather3A_3311 : vector<16xf32>
      %mul3A_3313 = arith.constant 16 : i32
      %mul3A_3314 = vector.broadcast %mul3A_3313 : i32 to vector<16xi32>
      %mul3A_3315 = arith.muli %iota3A, %mul3A_3314 : vector<16xi32>
      %add3A_3316 = arith.constant 4 : i32
      %add3A_3317 = vector.broadcast %add3A_3316 : i32 to vector<16xi32>
      %add3A_3318 = arith.addi %mul3A_3315, %add3A_3317 : vector<16xi32>
      %gather3A_3319 = tpu.vector_load_idx %arg16[%add3A_3318] : memref<256xf32, #tpu.memory_space<vmem>>[vector<16xi32>], vector<16xf32>,
      %add3A_3320 = arith.addf %add3A_3312, %gather3A_3319 : vector<16xf32>
      %mul3A_3321 = arith.constant 16 : i32
      %mul3A_3322 = vector.broadcast %mul3A_3321 : i32 to vector<16xi32>
      %mul3A_3323 = arith.muli %iota3A, %mul3A_3322 : vector<16xi32>
      %add3A_3324 = arith.constant 5 : i32
      %add3A_3325 = vector.broadcast %add3A_3324 : i32 to vector<16xi32>
      %add3A_3326 = arith.addi %mul3A_3323, %add3A_3325 : vector<16xi32>
      %gather3A_3327 = tpu.vector_load_idx %arg16[%add3A_3326] : memref<256xf32, #tpu.memory_space<vmem>>[vector<16xi32>], vector<16xf32>,
      %add3A_3328 = arith.addf %add3A_3320, %gather3A_3327 : vector<16xf32>
      %mul3A_3329 = arith.constant 16 : i32
      %mul3A_3330 = vector.broadcast %mul3A_3329 : i32 to vector<16xi32>
      %mul3A_3331 = arith.muli %iota3A, %mul3A_3330 : vector<16xi32>
      %add3A_3332 = arith.constant 6 : i32
      %add3A_3333 = vector.broadcast %add3A_3332 : i32 to vector<16xi32>
      %add3A_3334 = arith.addi %mul3A_3331, %add3A_3333 : vector<16xi32>
      %gather3A_3335 = tpu.vector_load_idx %arg16[%add3A_3334] : memref<256xf32, #tpu.memory_space<vmem>>[vector<16xi32>], vector<16xf32>,
      %add3A_3336 = arith.addf %add3A_3328, %gather3A_3335 : vector<16xf32>
      %mul3A_3337 = arith.constant 16 : i32
      %mul3A_3338 = vector.broadcast %mul3A_3337 : i32 to vector<16xi32>
      %mul3A_3339 = arith.muli %iota3A, %mul3A_3338 : vector<16xi32>
      %add3A_3340 = arith.constant 7 : i32
      %add3A_3341 = vector.broadcast %add3A_3340 : i32 to vector<16xi32>
      %add3A_3342 = arith.addi %mul3A_3339, %add3A_3341 : vector<16xi32>
      %gather3A_3343 = tpu.vector_load_idx %arg16[%add3A_3342] : memref<256xf32, #tpu.memory_space<vmem>>[vector<16xi32>], vector<16xf32>,
      %add3A_3344 = arith.addf %add3A_3336, %gather3A_3343 : vector<16xf32>
      %mul3A_3345 = arith.constant 16 : i32
      %mul3A_3346 = vector.broadcast %mul3A_3345 : i32 to vector<16xi32>
      %mul3A_3347 = arith.muli %iota3A, %mul3A_3346 : vector<16xi32>
      %add3A_3348 = arith.constant 8 : i32
      %add3A_3349 = vector.broadcast %add3A_3348 : i32 to vector<16xi32>
      %add3A_3350 = arith.addi %mul3A_3347, %add3A_3349 : vector<16xi32>
      %gather3A_3351 = tpu.vector_load_idx %arg16[%add3A_3350] : memref<256xf32, #tpu.memory_space<vmem>>[vector<16xi32>], vector<16xf32>,
      %add3A_3352 = arith.addf %add3A_3344, %gather3A_3351 : vector<16xf32>
      %mul3A_3353 = arith.constant 16 : i32
      %mul3A_3354 = vector.broadcast %mul3A_3353 : i32 to vector<16xi32>
      %mul3A_3355 = arith.muli %iota3A, %mul3A_3354 : vector<16xi32>
      %add3A_3356 = arith.constant 9 : i32
      %add3A_3357 = vector.broadcast %add3A_3356 : i32 to vector<16xi32>
      %add3A_3358 = arith.addi %mul3A_3355, %add3A_3357 : vector<16xi32>
      %gather3A_3359 = tpu.vector_load_idx %arg16[%add3A_3358] : memref<256xf32, #tpu.memory_space<vmem>>[vector<16xi32>], vector<16xf32>,
      %add3A_3360 = arith.addf %add3A_3352, %gather3A_3359 : vector<16xf32>
      %mul3A_3361 = arith.constant 16 : i32
      %mul3A_3362 = vector.broadcast %mul3A_3361 : i32 to vector<16xi32>
      %mul3A_3363 = arith.muli %iota3A, %mul3A_3362 : vector<16xi32>
      %add3A_3364 = arith.constant 10 : i32
      %add3A_3365 = vector.broadcast %add3A_3364 : i32 to vector<16xi32>
      %add3A_3366 = arith.addi %mul3A_3363, %add3A_3365 : vector<16xi32>
      %gather3A_3367 = tpu.vector_load_idx %arg16[%add3A_3366] : memref<256xf32, #tpu.memory_space<vmem>>[vector<16xi32>], vector<16xf32>,
      %add3A_3368 = arith.addf %add3A_3360, %gather3A_3367 : vector<16xf32>
      %mul3A_3369 = arith.constant 16 : i32
      %mul3A_3370 = vector.broadcast %mul3A_3369 : i32 to vector<16xi32>
      %mul3A_3371 = arith.muli %iota3A, %mul3A_3370 : vector<16xi32>
      %add3A_3372 = arith.constant 11 : i32
      %add3A_3373 = vector.broadcast %add3A_3372 : i32 to vector<16xi32>
      %add3A_3374 = arith.addi %mul3A_3371, %add3A_3373 : vector<16xi32>
      %gather3A_3375 = tpu.vector_load_idx %arg16[%add3A_3374] : memref<256xf32, #tpu.memory_space<vmem>>[vector<16xi32>], vector<16xf32>,
      %add3A_3376 = arith.addf %add3A_3368, %gather3A_3375 : vector<16xf32>
      %mul3A_3377 = arith.constant 16 : i32
      %mul3A_3378 = vector.broadcast %mul3A_3377 : i32 to vector<16xi32>
      %mul3A_3379 = arith.muli %iota3A, %mul3A_3378 : vector<16xi32>
      %add3A_3380 = arith.constant 12 : i32
      %add3A_3381 = vector.broadcast %add3A_3380 : i32 to vector<16xi32>
      %add3A_3382 = arith.addi %mul3A_3379, %add3A_3381 : vector<16xi32>
      %gather3A_3383 = tpu.vector_load_idx %arg16[%add3A_3382] : memref<256xf32, #tpu.memory_space<vmem>>[vector<16xi32>], vector<16xf32>,
      %add3A_3384 = arith.addf %add3A_3376, %gather3A_3383 : vector<16xf32>
      %mul3A_3385 = arith.constant 16 : i32
      %mul3A_3386 = vector.broadcast %mul3A_3385 : i32 to vector<16xi32>
      %mul3A_3387 = arith.muli %iota3A, %mul3A_3386 : vector<16xi32>
      %add3A_3388 = arith.constant 13 : i32
      %add3A_3389 = vector.broadcast %add3A_3388 : i32 to vector<16xi32>
      %add3A_3390 = arith.addi %mul3A_3387, %add3A_3389 : vector<16xi32>
      %gather3A_3391 = tpu.vector_load_idx %arg16[%add3A_3390] : memref<256xf32, #tpu.memory_space<vmem>>[vector<16xi32>], vector<16xf32>,
      %add3A_3392 = arith.addf %add3A_3384, %gather3A_3391 : vector<16xf32>
      %mul3A_3393 = arith.constant 16 : i32
      %mul3A_3394 = vector.broadcast %mul3A_3393 : i32 to vector<16xi32>
      %mul3A_3395 = arith.muli %iota3A, %mul3A_3394 : vector<16xi32>
      %add3A_3396 = arith.constant 14 : i32
      %add3A_3397 = vector.broadcast %add3A_3396 : i32 to vector<16xi32>
      %add3A_3398 = arith.addi %mul3A_3395, %add3A_3397 : vector<16xi32>
      %gather3A_3399 = tpu.vector_load_idx %arg16[%add3A_3398] : memref<256xf32, #tpu.memory_space<vmem>>[vector<16xi32>], vector<16xf32>,
      %add3A_3400 = arith.addf %add3A_3392, %gather3A_3399 : vector<16xf32>
      %mul3A_3401 = arith.constant 16 : i32
      %mul3A_3402 = vector.broadcast %mul3A_3401 : i32 to vector<16xi32>
      %mul3A_3403 = arith.muli %iota3A, %mul3A_3402 : vector<16xi32>
      %add3A_3404 = arith.constant 15 : i32
      %add3A_3405 = vector.broadcast %add3A_3404 : i32 to vector<16xi32>
      %add3A_3406 = arith.addi %mul3A_3403, %add3A_3405 : vector<16xi32>
      %gather3A_3407 = tpu.vector_load_idx %arg16[%add3A_3406] : memref<256xf32, #tpu.memory_space<vmem>>[vector<16xi32>], vector<16xf32>,
      %add3A_3408 = arith.addf %add3A_3400, %gather3A_3407 : vector<16xf32>
      %swap3A_3409 = arith.index_cast %mul3A_1698 : i32 to index
      %swap3A_3410 = tpu.vector_load %arg15[%swap3A_3409] {strides = array<i32>} : memref<512xf32, #tpu.memory_space<vmem>>, vector<16xf32>,
      tpu.vector_store %arg15[%swap3A_3409], %add3A_3408 {strides = array<i32>} : memref<512xf32, #tpu.memory_space<vmem>>, vector<16xf32>,
    }
    %scan3A_224 = arith.constant 31 : i32
    %get3A_225 = arith.constant 496 : index
    %get3A_226 = tpu.vector_load %arg9[%get3A_225] {strides = array<i32>} : memref<512xi32, #tpu.memory_space<vmem>>, vector<16xi32>,
    %get3A_227 = arith.constant 496 : index
    %get3A_228 = tpu.vector_load %arg10[%get3A_227] {strides = array<i32>} : memref<512xi32, #tpu.memory_space<vmem>>, vector<16xi32>,
    %and3A_229 = arith.andi %get3A_226, %broadcast_in_dim3A_3 : vector<16xi32>
    %min3A_230 = arith.minsi %and3A_229, %broadcast_in_dim3A_5 : vector<16xi32>
    %and3A_231 = arith.andi %get3A_228, %broadcast_in_dim3A_3 : vector<16xi32>
    %min3A_232 = arith.minsi %and3A_231, %broadcast_in_dim3A_5 : vector<16xi32>
    %sub3A = arith.subi %get3A_226, %min3A_230 : vector<16xi32>
    %min3A_233 = arith.constant 127 : i32
    %min3A_234 = vector.broadcast %min3A_233 : i32 to vector<16xi32>
    %min3A_235 = arith.minsi %sub3A, %min3A_234 : vector<16xi32>
    %sub3A_236 = arith.subi %get3A_228, %min3A_232 : vector<16xi32>
    %min3A_237 = arith.constant 127 : i32
    %min3A_238 = vector.broadcast %min3A_237 : i32 to vector<16xi32>
    %min3A_239 = arith.minsi %sub3A_236, %min3A_238 : vector<16xi32>
    %sub3A_240 = arith.constant 999872 : i32
    %sub3A_241 = vector.broadcast %sub3A_240 : i32 to vector<16xi32>
    %sub3A_242 = arith.subi %get3A_226, %sub3A_241 : vector<16xi32>
    %max3A = arith.constant 0 : i32
    %max3A_243 = vector.broadcast %max3A : i32 to vector<16xi32>
    %max3A_244 = arith.maxsi %sub3A_242, %max3A_243 : vector<16xi32>
    %sub3A_245 = arith.constant 999872 : i32
    %sub3A_246 = vector.broadcast %sub3A_245 : i32 to vector<16xi32>
    %sub3A_247 = arith.subi %get3A_228, %sub3A_246 : vector<16xi32>
    %max3A_248 = arith.constant 0 : i32
    %max3A_249 = vector.broadcast %max3A_248 : i32 to vector<16xi32>
    %max3A_250 = arith.maxsi %sub3A_247, %max3A_249 : vector<16xi32>
    %ge3A = arith.constant 999936 : i32
    %ge3A_251 = vector.broadcast %ge3A : i32 to vector<16xi32>
    %ge3A_252 = arith.cmpi sge, %get3A_226, %ge3A_251 : vector<16xi32>
    %convert_element_type3A = arith.extui %ge3A_252 : vector<16xi1> to vector<16xi32>
    %ge3A_253 = arith.constant 999936 : i32
    %ge3A_254 = vector.broadcast %ge3A_253 : i32 to vector<16xi32>
    %ge3A_255 = arith.cmpi sge, %get3A_228, %ge3A_254 : vector<16xi32>
    %convert_element_type3A_256 = arith.extui %ge3A_255 : vector<16xi1> to vector<16xi32>
    %dma_wait3A = arith.constant 0 : i32
    %dma_wait3A_257 = arith.constant 0 : i32
    %dma_wait3A_258 = tpu.memref_slice %arg11[%dma_wait3A, %dma_wait3A_257] : memref<32x1024xf32, #tpu.memory_space<vmem>> -> memref<32x128xf32, #tpu.memory_space<vmem>>
    %dma_wait3A_259 = arith.constant 0 : i32
    %dma_wait3A_260 = arith.constant 0 : i32
    %dma_wait3A_261 = tpu.memref_slice %arg4[%dma_wait3A_259, %dma_wait3A_260] : memref<32x1000000xf32, #tpu.memory_space<hbm>> -> memref<32x128xf32, #tpu.memory_space<hbm>>
    %dma_wait3A_262 = arith.constant 0 : i32
    %dma_wait3A_263 = arith.constant 0 : i32
    %dma_wait3A_264 = tpu.memref_slice %arg11[%dma_wait3A_262, %dma_wait3A_263] : memref<32x1024xf32, #tpu.memory_space<vmem>> -> memref<32x128xf32, #tpu.memory_space<vmem>>
    %dma_wait3A_265 = arith.constant 0 : i32
    %dma_wait3A_266 = arith.constant 0 : i32
    %dma_wait3A_267 = tpu.memref_slice %arg4[%dma_wait3A_265, %dma_wait3A_266] : memref<32x1000000xf32, #tpu.memory_space<hbm>> -> memref<32x128xf32, #tpu.memory_space<hbm>>
    tpu.wait_dma2 semaphore(%arg17 : memref<!tpu.dma_semaphore, #tpu.memory_space<semaphore_mem>>) src(%dma_wait3A_267 : memref<32x128xf32, #tpu.memory_space<hbm>>) dst(%dma_wait3A_264 : memref<32x128xf32, #tpu.memory_space<vmem>>)
    %dma_wait3A_268 = arith.constant 0 : i32
    %dma_wait3A_269 = arith.constant 0 : i32
    %dma_wait3A_270 = tpu.memref_slice %arg12[%dma_wait3A_268, %dma_wait3A_269] : memref<32x1024xf32, #tpu.memory_space<vmem>> -> memref<32x128xf32, #tpu.memory_space<vmem>>
    %dma_wait3A_271 = arith.constant 0 : i32
    %dma_wait3A_272 = arith.constant 0 : i32
    %dma_wait3A_273 = tpu.memref_slice %arg5[%dma_wait3A_271, %dma_wait3A_272] : memref<32x1000000xf32, #tpu.memory_space<hbm>> -> memref<32x128xf32, #tpu.memory_space<hbm>>
    %dma_wait3A_274 = arith.constant 0 : i32
    %dma_wait3A_275 = arith.constant 0 : i32
    %dma_wait3A_276 = tpu.memref_slice %arg12[%dma_wait3A_274, %dma_wait3A_275] : memref<32x1024xf32, #tpu.memory_space<vmem>> -> memref<32x128xf32, #tpu.memory_space<vmem>>
    %dma_wait3A_277 = arith.constant 0 : i32
    %dma_wait3A_278 = arith.constant 0 : i32
    %dma_wait3A_279 = tpu.memref_slice %arg5[%dma_wait3A_277, %dma_wait3A_278] : memref<32x1000000xf32, #tpu.memory_space<hbm>> -> memref<32x128xf32, #tpu.memory_space<hbm>>
    tpu.wait_dma2 semaphore(%arg17 : memref<!tpu.dma_semaphore, #tpu.memory_space<semaphore_mem>>) src(%dma_wait3A_279 : memref<32x128xf32, #tpu.memory_space<hbm>>) dst(%dma_wait3A_276 : memref<32x128xf32, #tpu.memory_space<vmem>>)
    %slice3A_280 = vector.extract_strided_slice %min3A_235 {offsets = [0], sizes = [1], strides = [1]} : vector<16xi32> to vector<1xi32>
    %squeeze3A_281 = vector.extract %slice3A_280[0] : i32 from vector<1xi32>
    %add3A_282 = arith.constant 0 : i32
    %add3A_283 = arith.addi %add3A_282, %squeeze3A_281 : i32
    %broadcast_in_dim3A_284 = vector.broadcast %add3A_283 : i32 to vector<16xi32>
    %slice3A_285 = vector.extract_strided_slice %min3A_239 {offsets = [0], sizes = [1], strides = [1]} : vector<16xi32> to vector<1xi32>
    %squeeze3A_286 = vector.extract %slice3A_285[0] : i32 from vector<1xi32>
    %add3A_287 = arith.constant 0 : i32
    %add3A_288 = arith.addi %add3A_287, %squeeze3A_286 : i32
    %broadcast_in_dim3A_289 = vector.broadcast %add3A_288 : i32 to vector<16xi32>
    %slice3A_290 = vector.extract_strided_slice %max3A_244 {offsets = [0], sizes = [1], strides = [1]} : vector<16xi32> to vector<1xi32>
    %squeeze3A_291 = vector.extract %slice3A_290[0] : i32 from vector<1xi32>
    %broadcast_in_dim3A_292 = vector.broadcast %squeeze3A_291 : i32 to vector<16xi32>
    %slice3A_293 = vector.extract_strided_slice %max3A_250 {offsets = [0], sizes = [1], strides = [1]} : vector<16xi32> to vector<1xi32>
    %squeeze3A_294 = vector.extract %slice3A_293[0] : i32 from vector<1xi32>
    %broadcast_in_dim3A_295 = vector.broadcast %squeeze3A_294 : i32 to vector<16xi32>
    %slice3A_296 = vector.extract_strided_slice %convert_element_type3A {offsets = [0], sizes = [1], strides = [1]} : vector<16xi32> to vector<1xi32>
    %squeeze3A_297 = vector.extract %slice3A_296[0] : i32 from vector<1xi32>
    %broadcast_in_dim3A_298 = vector.broadcast %squeeze3A_297 : i32 to vector<16xi32>
    %gt3A = arith.constant 0 : i32
    %gt3A_299 = vector.broadcast %gt3A : i32 to vector<16xi32>
    %gt3A_300 = arith.cmpi sgt, %broadcast_in_dim3A_298, %gt3A_299 : vector<16xi32>
    %gather3A = tpu.vector_load_idx %arg11[%iota3A_216, %broadcast_in_dim3A_284] : memref<32x1024xf32, #tpu.memory_space<vmem>>[vector<16xi32>, vector<16xi32>], vector<16xf32>,
    %gather3A_301 = tpu.vector_load_idx %arg11[%add3A_219, %broadcast_in_dim3A_284] : memref<32x1024xf32, #tpu.memory_space<vmem>>[vector<16xi32>, vector<16xi32>], vector<16xf32>,
    %gather3A_302 = tpu.vector_load_idx %arg13[%iota3A_216, %broadcast_in_dim3A_292] : memref<32x128xf32, #tpu.memory_space<vmem>>[vector<16xi32>, vector<16xi32>], vector<16xf32>,
    %gather3A_303 = tpu.vector_load_idx %arg13[%add3A_219, %broadcast_in_dim3A_292] : memref<32x128xf32, #tpu.memory_space<vmem>>[vector<16xi32>, vector<16xi32>], vector<16xf32>,
    %select_n3A = arith.select %gt3A_300, %gather3A_302, %gather3A : vector<16xi1>, vector<16xf32>
    %select_n3A_304 = arith.select %gt3A_300, %gather3A_303, %gather3A_301 : vector<16xi1>, vector<16xf32>
    %slice3A_305 = vector.extract_strided_slice %convert_element_type3A_256 {offsets = [0], sizes = [1], strides = [1]} : vector<16xi32> to vector<1xi32>
    %squeeze3A_306 = vector.extract %slice3A_305[0] : i32 from vector<1xi32>
    %broadcast_in_dim3A_307 = vector.broadcast %squeeze3A_306 : i32 to vector<16xi32>
    %gt3A_308 = arith.constant 0 : i32
    %gt3A_309 = vector.broadcast %gt3A_308 : i32 to vector<16xi32>
    %gt3A_310 = arith.cmpi sgt, %broadcast_in_dim3A_307, %gt3A_309 : vector<16xi32>
    %gather3A_311 = tpu.vector_load_idx %arg12[%iota3A_216, %broadcast_in_dim3A_289] : memref<32x1024xf32, #tpu.memory_space<vmem>>[vector<16xi32>, vector<16xi32>], vector<16xf32>,
    %gather3A_312 = tpu.vector_load_idx %arg12[%add3A_219, %broadcast_in_dim3A_289] : memref<32x1024xf32, #tpu.memory_space<vmem>>[vector<16xi32>, vector<16xi32>], vector<16xf32>,
    %gather3A_313 = tpu.vector_load_idx %arg14[%iota3A_216, %broadcast_in_dim3A_295] : memref<32x128xf32, #tpu.memory_space<vmem>>[vector<16xi32>, vector<16xi32>], vector<16xf32>,
    %gather3A_314 = tpu.vector_load_idx %arg14[%add3A_219, %broadcast_in_dim3A_295] : memref<32x128xf32, #tpu.memory_space<vmem>>[vector<16xi32>, vector<16xi32>], vector<16xf32>,
    %select_n3A_315 = arith.select %gt3A_310, %gather3A_313, %gather3A_311 : vector<16xi1>, vector<16xf32>
    %select_n3A_316 = arith.select %gt3A_310, %gather3A_314, %gather3A_312 : vector<16xi1>, vector<16xf32>
    %mul3A_317 = arith.mulf %select_n3A, %select_n3A_315 : vector<16xf32>
    %mul3A_318 = arith.mulf %select_n3A_304, %select_n3A_316 : vector<16xf32>
    %add3A_319 = arith.addf %mul3A_317, %mul3A_318 : vector<16xf32>
    %swap3A = arith.constant 0 : index
    %swap3A_320 = tpu.vector_load %arg16[%swap3A] {strides = array<i32>} : memref<256xf32, #tpu.memory_space<vmem>>, vector<16xf32>,
    tpu.vector_store %arg16[%swap3A], %add3A_319 {strides = array<i32>} : memref<256xf32, #tpu.memory_space<vmem>>, vector<16xf32>,
    %slice3A_321 = vector.extract_strided_slice %min3A_230 {offsets = [8], sizes = [1], strides = [1]} : vector<16xi32> to vector<1xi32>
    %squeeze3A_322 = vector.extract %slice3A_321[0] : i32 from vector<1xi32>
    %slice3A_323 = vector.extract_strided_slice %min3A_232 {offsets = [8], sizes = [1], strides = [1]} : vector<16xi32> to vector<1xi32>
    %squeeze3A_324 = vector.extract %slice3A_323[0] : i32 from vector<1xi32>
    %multiple_of3A_325 = tpu.assume_multiple %squeeze3A_322, 128 : i32
    %dma_start3A_326 = arith.constant 0 : i32
    %dma_start3A_327 = arith.constant 0 : i32
    %dma_start3A_328 = tpu.memref_slice %arg11[%dma_start3A_326, %dma_start3A_327] : memref<32x1024xf32, #tpu.memory_space<vmem>> -> memref<32x128xf32, #tpu.memory_space<vmem>>
    %dma_start3A_329 = arith.constant 0 : i32
    %dma_start3A_330 = tpu.memref_slice %arg4[%dma_start3A_329, %multiple_of3A_325] : memref<32x1000000xf32, #tpu.memory_space<hbm>> -> memref<32x128xf32, #tpu.memory_space<hbm>>
    %dma_start3A_331 = arith.constant 0 : i32
    %dma_start3A_332 = arith.constant 0 : i32
    %dma_start3A_333 = tpu.memref_slice %arg11[%dma_start3A_331, %dma_start3A_332] : memref<32x1024xf32, #tpu.memory_space<vmem>> -> memref<32x128xf32, #tpu.memory_space<vmem>>
    %dma_start3A_334 = arith.constant 0 : i32
    %dma_start3A_335 = tpu.memref_slice %arg4[%dma_start3A_334, %multiple_of3A_325] : memref<32x1000000xf32, #tpu.memory_space<hbm>> -> memref<32x128xf32, #tpu.memory_space<hbm>>
    tpu.enqueue_dma source(%dma_start3A_335 : memref<32x128xf32, #tpu.memory_space<hbm>>) target(%dma_start3A_333 : memref<32x128xf32, #tpu.memory_space<vmem>>) target_semaphore(%arg17 : memref<!tpu.dma_semaphore, #tpu.memory_space<semaphore_mem>>)
    %multiple_of3A_336 = tpu.assume_multiple %squeeze3A_324, 128 : i32
    %dma_start3A_337 = arith.constant 0 : i32
    %dma_start3A_338 = arith.constant 0 : i32
    %dma_start3A_339 = tpu.memref_slice %arg12[%dma_start3A_337, %dma_start3A_338] : memref<32x1024xf32, #tpu.memory_space<vmem>> -> memref<32x128xf32, #tpu.memory_space<vmem>>
    %dma_start3A_340 = arith.constant 0 : i32
    %dma_start3A_341 = tpu.memref_slice %arg5[%dma_start3A_340, %multiple_of3A_336] : memref<32x1000000xf32, #tpu.memory_space<hbm>> -> memref<32x128xf32, #tpu.memory_space<hbm>>
    %dma_start3A_342 = arith.constant 0 : i32
    %dma_start3A_343 = arith.constant 0 : i32
    %dma_start3A_344 = tpu.memref_slice %arg12[%dma_start3A_342, %dma_start3A_343] : memref<32x1024xf32, #tpu.memory_space<vmem>> -> memref<32x128xf32, #tpu.memory_space<vmem>>
    %dma_start3A_345 = arith.constant 0 : i32
    %dma_start3A_346 = tpu.memref_slice %arg5[%dma_start3A_345, %multiple_of3A_336] : memref<32x1000000xf32, #tpu.memory_space<hbm>> -> memref<32x128xf32, #tpu.memory_space<hbm>>
    tpu.enqueue_dma source(%dma_start3A_346 : memref<32x128xf32, #tpu.memory_space<hbm>>) target(%dma_start3A_344 : memref<32x128xf32, #tpu.memory_space<vmem>>) target_semaphore(%arg17 : memref<!tpu.dma_semaphore, #tpu.memory_space<semaphore_mem>>)
    %dma_wait3A_347 = arith.constant 0 : i32
    %dma_wait3A_348 = arith.constant 128 : i32
    %dma_wait3A_349 = tpu.memref_slice %arg11[%dma_wait3A_347, %dma_wait3A_348] : memref<32x1024xf32, #tpu.memory_space<vmem>> -> memref<32x128xf32, #tpu.memory_space<vmem>>
    %dma_wait3A_350 = arith.constant 0 : i32
    %dma_wait3A_351 = arith.constant 0 : i32
    %dma_wait3A_352 = tpu.memref_slice %arg4[%dma_wait3A_350, %dma_wait3A_351] : memref<32x1000000xf32, #tpu.memory_space<hbm>> -> memref<32x128xf32, #tpu.memory_space<hbm>>
    %dma_wait3A_353 = arith.constant 0 : i32
    %dma_wait3A_354 = arith.constant 128 : i32
    %dma_wait3A_355 = tpu.memref_slice %arg11[%dma_wait3A_353, %dma_wait3A_354] : memref<32x1024xf32, #tpu.memory_space<vmem>> -> memref<32x128xf32, #tpu.memory_space<vmem>>
    %dma_wait3A_356 = arith.constant 0 : i32
    %dma_wait3A_357 = arith.constant 0 : i32
    %dma_wait3A_358 = tpu.memref_slice %arg4[%dma_wait3A_356, %dma_wait3A_357] : memref<32x1000000xf32, #tpu.memory_space<hbm>> -> memref<32x128xf32, #tpu.memory_space<hbm>>
    tpu.wait_dma2 semaphore(%arg18 : memref<!tpu.dma_semaphore, #tpu.memory_space<semaphore_mem>>) src(%dma_wait3A_358 : memref<32x128xf32, #tpu.memory_space<hbm>>) dst(%dma_wait3A_355 : memref<32x128xf32, #tpu.memory_space<vmem>>)
    %dma_wait3A_359 = arith.constant 0 : i32
    %dma_wait3A_360 = arith.constant 128 : i32
    %dma_wait3A_361 = tpu.memref_slice %arg12[%dma_wait3A_359, %dma_wait3A_360] : memref<32x1024xf32, #tpu.memory_space<vmem>> -> memref<32x128xf32, #tpu.memory_space<vmem>>
    %dma_wait3A_362 = arith.constant 0 : i32
    %dma_wait3A_363 = arith.constant 0 : i32
    %dma_wait3A_364 = tpu.memref_slice %arg5[%dma_wait3A_362, %dma_wait3A_363] : memref<32x1000000xf32, #tpu.memory_space<hbm>> -> memref<32x128xf32, #tpu.memory_space<hbm>>
    %dma_wait3A_365 = arith.constant 0 : i32
    %dma_wait3A_366 = arith.constant 128 : i32
    %dma_wait3A_367 = tpu.memref_slice %arg12[%dma_wait3A_365, %dma_wait3A_366] : memref<32x1024xf32, #tpu.memory_space<vmem>> -> memref<32x128xf32, #tpu.memory_space<vmem>>
    %dma_wait3A_368 = arith.constant 0 : i32
    %dma_wait3A_369 = arith.constant 0 : i32
    %dma_wait3A_370 = tpu.memref_slice %arg5[%dma_wait3A_368, %dma_wait3A_369] : memref<32x1000000xf32, #tpu.memory_space<hbm>> -> memref<32x128xf32, #tpu.memory_space<hbm>>
    tpu.wait_dma2 semaphore(%arg18 : memref<!tpu.dma_semaphore, #tpu.memory_space<semaphore_mem>>) src(%dma_wait3A_370 : memref<32x128xf32, #tpu.memory_space<hbm>>) dst(%dma_wait3A_367 : memref<32x128xf32, #tpu.memory_space<vmem>>)
    %slice3A_371 = vector.extract_strided_slice %min3A_235 {offsets = [1], sizes = [1], strides = [1]} : vector<16xi32> to vector<1xi32>
    %squeeze3A_372 = vector.extract %slice3A_371[0] : i32 from vector<1xi32>
    %add3A_373 = arith.constant 128 : i32
    %add3A_374 = arith.addi %add3A_373, %squeeze3A_372 : i32
    %broadcast_in_dim3A_375 = vector.broadcast %add3A_374 : i32 to vector<16xi32>
    %slice3A_376 = vector.extract_strided_slice %min3A_239 {offsets = [1], sizes = [1], strides = [1]} : vector<16xi32> to vector<1xi32>
    %squeeze3A_377 = vector.extract %slice3A_376[0] : i32 from vector<1xi32>
    %add3A_378 = arith.constant 128 : i32
    %add3A_379 = arith.addi %add3A_378, %squeeze3A_377 : i32
    %broadcast_in_dim3A_380 = vector.broadcast %add3A_379 : i32 to vector<16xi32>
    %slice3A_381 = vector.extract_strided_slice %max3A_244 {offsets = [1], sizes = [1], strides = [1]} : vector<16xi32> to vector<1xi32>
    %squeeze3A_382 = vector.extract %slice3A_381[0] : i32 from vector<1xi32>
    %broadcast_in_dim3A_383 = vector.broadcast %squeeze3A_382 : i32 to vector<16xi32>
    %slice3A_384 = vector.extract_strided_slice %max3A_250 {offsets = [1], sizes = [1], strides = [1]} : vector<16xi32> to vector<1xi32>
    %squeeze3A_385 = vector.extract %slice3A_384[0] : i32 from vector<1xi32>
    %broadcast_in_dim3A_386 = vector.broadcast %squeeze3A_385 : i32 to vector<16xi32>
    %slice3A_387 = vector.extract_strided_slice %convert_element_type3A {offsets = [1], sizes = [1], strides = [1]} : vector<16xi32> to vector<1xi32>
    %squeeze3A_388 = vector.extract %slice3A_387[0] : i32 from vector<1xi32>
    %broadcast_in_dim3A_389 = vector.broadcast %squeeze3A_388 : i32 to vector<16xi32>
    %gt3A_390 = arith.constant 0 : i32
    %gt3A_391 = vector.broadcast %gt3A_390 : i32 to vector<16xi32>
    %gt3A_392 = arith.cmpi sgt, %broadcast_in_dim3A_389, %gt3A_391 : vector<16xi32>
    %gather3A_393 = tpu.vector_load_idx %arg11[%iota3A_216, %broadcast_in_dim3A_375] : memref<32x1024xf32, #tpu.memory_space<vmem>>[vector<16xi32>, vector<16xi32>], vector<16xf32>,
    %gather3A_394 = tpu.vector_load_idx %arg11[%add3A_219, %broadcast_in_dim3A_375] : memref<32x1024xf32, #tpu.memory_space<vmem>>[vector<16xi32>, vector<16xi32>], vector<16xf32>,
    %gather3A_395 = tpu.vector_load_idx %arg13[%iota3A_216, %broadcast_in_dim3A_383] : memref<32x128xf32, #tpu.memory_space<vmem>>[vector<16xi32>, vector<16xi32>], vector<16xf32>,
    %gather3A_396 = tpu.vector_load_idx %arg13[%add3A_219, %broadcast_in_dim3A_383] : memref<32x128xf32, #tpu.memory_space<vmem>>[vector<16xi32>, vector<16xi32>], vector<16xf32>,
    %select_n3A_397 = arith.select %gt3A_392, %gather3A_395, %gather3A_393 : vector<16xi1>, vector<16xf32>
    %select_n3A_398 = arith.select %gt3A_392, %gather3A_396, %gather3A_394 : vector<16xi1>, vector<16xf32>
    %slice3A_399 = vector.extract_strided_slice %convert_element_type3A_256 {offsets = [1], sizes = [1], strides = [1]} : vector<16xi32> to vector<1xi32>
    %squeeze3A_400 = vector.extract %slice3A_399[0] : i32 from vector<1xi32>
    %broadcast_in_dim3A_401 = vector.broadcast %squeeze3A_400 : i32 to vector<16xi32>
    %gt3A_402 = arith.constant 0 : i32
    %gt3A_403 = vector.broadcast %gt3A_402 : i32 to vector<16xi32>
    %gt3A_404 = arith.cmpi sgt, %broadcast_in_dim3A_401, %gt3A_403 : vector<16xi32>
    %gather3A_405 = tpu.vector_load_idx %arg12[%iota3A_216, %broadcast_in_dim3A_380] : memref<32x1024xf32, #tpu.memory_space<vmem>>[vector<16xi32>, vector<16xi32>], vector<16xf32>,
    %gather3A_406 = tpu.vector_load_idx %arg12[%add3A_219, %broadcast_in_dim3A_380] : memref<32x1024xf32, #tpu.memory_space<vmem>>[vector<16xi32>, vector<16xi32>], vector<16xf32>,
    %gather3A_407 = tpu.vector_load_idx %arg14[%iota3A_216, %broadcast_in_dim3A_386] : memref<32x128xf32, #tpu.memory_space<vmem>>[vector<16xi32>, vector<16xi32>], vector<16xf32>,
    %gather3A_408 = tpu.vector_load_idx %arg14[%add3A_219, %broadcast_in_dim3A_386] : memref<32x128xf32, #tpu.memory_space<vmem>>[vector<16xi32>, vector<16xi32>], vector<16xf32>,
    %select_n3A_409 = arith.select %gt3A_404, %gather3A_407, %gather3A_405 : vector<16xi1>, vector<16xf32>
    %select_n3A_410 = arith.select %gt3A_404, %gather3A_408, %gather3A_406 : vector<16xi1>, vector<16xf32>
    %mul3A_411 = arith.mulf %select_n3A_397, %select_n3A_409 : vector<16xf32>
    %mul3A_412 = arith.mulf %select_n3A_398, %select_n3A_410 : vector<16xf32>
    %add3A_413 = arith.addf %mul3A_411, %mul3A_412 : vector<16xf32>
    %swap3A_414 = arith.constant 16 : index
    %swap3A_415 = tpu.vector_load %arg16[%swap3A_414] {strides = array<i32>} : memref<256xf32, #tpu.memory_space<vmem>>, vector<16xf32>,
    tpu.vector_store %arg16[%swap3A_414], %add3A_413 {strides = array<i32>} : memref<256xf32, #tpu.memory_space<vmem>>, vector<16xf32>,
    %slice3A_416 = vector.extract_strided_slice %min3A_230 {offsets = [9], sizes = [1], strides = [1]} : vector<16xi32> to vector<1xi32>
    %squeeze3A_417 = vector.extract %slice3A_416[0] : i32 from vector<1xi32>
    %slice3A_418 = vector.extract_strided_slice %min3A_232 {offsets = [9], sizes = [1], strides = [1]} : vector<16xi32> to vector<1xi32>
    %squeeze3A_419 = vector.extract %slice3A_418[0] : i32 from vector<1xi32>
    %multiple_of3A_420 = tpu.assume_multiple %squeeze3A_417, 128 : i32
    %dma_start3A_421 = arith.constant 0 : i32
    %dma_start3A_422 = arith.constant 128 : i32
    %dma_start3A_423 = tpu.memref_slice %arg11[%dma_start3A_421, %dma_start3A_422] : memref<32x1024xf32, #tpu.memory_space<vmem>> -> memref<32x128xf32, #tpu.memory_space<vmem>>
    %dma_start3A_424 = arith.constant 0 : i32
    %dma_start3A_425 = tpu.memref_slice %arg4[%dma_start3A_424, %multiple_of3A_420] : memref<32x1000000xf32, #tpu.memory_space<hbm>> -> memref<32x128xf32, #tpu.memory_space<hbm>>
    %dma_start3A_426 = arith.constant 0 : i32
    %dma_start3A_427 = arith.constant 128 : i32
    %dma_start3A_428 = tpu.memref_slice %arg11[%dma_start3A_426, %dma_start3A_427] : memref<32x1024xf32, #tpu.memory_space<vmem>> -> memref<32x128xf32, #tpu.memory_space<vmem>>
    %dma_start3A_429 = arith.constant 0 : i32
    %dma_start3A_430 = tpu.memref_slice %arg4[%dma_start3A_429, %multiple_of3A_420] : memref<32x1000000xf32, #tpu.memory_space<hbm>> -> memref<32x128xf32, #tpu.memory_space<hbm>>
    tpu.enqueue_dma source(%dma_start3A_430 : memref<32x128xf32, #tpu.memory_space<hbm>>) target(%dma_start3A_428 : memref<32x128xf32, #tpu.memory_space<vmem>>) target_semaphore(%arg18 : memref<!tpu.dma_semaphore, #tpu.memory_space<semaphore_mem>>)
    %multiple_of3A_431 = tpu.assume_multiple %squeeze3A_419, 128 : i32
    %dma_start3A_432 = arith.constant 0 : i32
    %dma_start3A_433 = arith.constant 128 : i32
    %dma_start3A_434 = tpu.memref_slice %arg12[%dma_start3A_432, %dma_start3A_433] : memref<32x1024xf32, #tpu.memory_space<vmem>> -> memref<32x128xf32, #tpu.memory_space<vmem>>
    %dma_start3A_435 = arith.constant 0 : i32
    %dma_start3A_436 = tpu.memref_slice %arg5[%dma_start3A_435, %multiple_of3A_431] : memref<32x1000000xf32, #tpu.memory_space<hbm>> -> memref<32x128xf32, #tpu.memory_space<hbm>>
    %dma_start3A_437 = arith.constant 0 : i32
    %dma_start3A_438 = arith.constant 128 : i32
    %dma_start3A_439 = tpu.memref_slice %arg12[%dma_start3A_437, %dma_start3A_438] : memref<32x1024xf32, #tpu.memory_space<vmem>> -> memref<32x128xf32, #tpu.memory_space<vmem>>
    %dma_start3A_440 = arith.constant 0 : i32
    %dma_start3A_441 = tpu.memref_slice %arg5[%dma_start3A_440, %multiple_of3A_431] : memref<32x1000000xf32, #tpu.memory_space<hbm>> -> memref<32x128xf32, #tpu.memory_space<hbm>>
    tpu.enqueue_dma source(%dma_start3A_441 : memref<32x128xf32, #tpu.memory_space<hbm>>) target(%dma_start3A_439 : memref<32x128xf32, #tpu.memory_space<vmem>>) target_semaphore(%arg18 : memref<!tpu.dma_semaphore, #tpu.memory_space<semaphore_mem>>)
    %dma_wait3A_442 = arith.constant 0 : i32
    %dma_wait3A_443 = arith.constant 256 : i32
    %dma_wait3A_444 = tpu.memref_slice %arg11[%dma_wait3A_442, %dma_wait3A_443] : memref<32x1024xf32, #tpu.memory_space<vmem>> -> memref<32x128xf32, #tpu.memory_space<vmem>>
    %dma_wait3A_445 = arith.constant 0 : i32
    %dma_wait3A_446 = arith.constant 0 : i32
    %dma_wait3A_447 = tpu.memref_slice %arg4[%dma_wait3A_445, %dma_wait3A_446] : memref<32x1000000xf32, #tpu.memory_space<hbm>> -> memref<32x128xf32, #tpu.memory_space<hbm>>
    %dma_wait3A_448 = arith.constant 0 : i32
    %dma_wait3A_449 = arith.constant 256 : i32
    %dma_wait3A_450 = tpu.memref_slice %arg11[%dma_wait3A_448, %dma_wait3A_449] : memref<32x1024xf32, #tpu.memory_space<vmem>> -> memref<32x128xf32, #tpu.memory_space<vmem>>
    %dma_wait3A_451 = arith.constant 0 : i32
    %dma_wait3A_452 = arith.constant 0 : i32
    %dma_wait3A_453 = tpu.memref_slice %arg4[%dma_wait3A_451, %dma_wait3A_452] : memref<32x1000000xf32, #tpu.memory_space<hbm>> -> memref<32x128xf32, #tpu.memory_space<hbm>>
    tpu.wait_dma2 semaphore(%arg19 : memref<!tpu.dma_semaphore, #tpu.memory_space<semaphore_mem>>) src(%dma_wait3A_453 : memref<32x128xf32, #tpu.memory_space<hbm>>) dst(%dma_wait3A_450 : memref<32x128xf32, #tpu.memory_space<vmem>>)
    %dma_wait3A_454 = arith.constant 0 : i32
    %dma_wait3A_455 = arith.constant 256 : i32
    %dma_wait3A_456 = tpu.memref_slice %arg12[%dma_wait3A_454, %dma_wait3A_455] : memref<32x1024xf32, #tpu.memory_space<vmem>> -> memref<32x128xf32, #tpu.memory_space<vmem>>
    %dma_wait3A_457 = arith.constant 0 : i32
    %dma_wait3A_458 = arith.constant 0 : i32
    %dma_wait3A_459 = tpu.memref_slice %arg5[%dma_wait3A_457, %dma_wait3A_458] : memref<32x1000000xf32, #tpu.memory_space<hbm>> -> memref<32x128xf32, #tpu.memory_space<hbm>>
    %dma_wait3A_460 = arith.constant 0 : i32
    %dma_wait3A_461 = arith.constant 256 : i32
    %dma_wait3A_462 = tpu.memref_slice %arg12[%dma_wait3A_460, %dma_wait3A_461] : memref<32x1024xf32, #tpu.memory_space<vmem>> -> memref<32x128xf32, #tpu.memory_space<vmem>>
    %dma_wait3A_463 = arith.constant 0 : i32
    %dma_wait3A_464 = arith.constant 0 : i32
    %dma_wait3A_465 = tpu.memref_slice %arg5[%dma_wait3A_463, %dma_wait3A_464] : memref<32x1000000xf32, #tpu.memory_space<hbm>> -> memref<32x128xf32, #tpu.memory_space<hbm>>
    tpu.wait_dma2 semaphore(%arg19 : memref<!tpu.dma_semaphore, #tpu.memory_space<semaphore_mem>>) src(%dma_wait3A_465 : memref<32x128xf32, #tpu.memory_space<hbm>>) dst(%dma_wait3A_462 : memref<32x128xf32, #tpu.memory_space<vmem>>)
    %slice3A_466 = vector.extract_strided_slice %min3A_235 {offsets = [2], sizes = [1], strides = [1]} : vector<16xi32> to vector<1xi32>
    %squeeze3A_467 = vector.extract %slice3A_466[0] : i32 from vector<1xi32>
    %add3A_468 = arith.constant 256 : i32
    %add3A_469 = arith.addi %add3A_468, %squeeze3A_467 : i32
    %broadcast_in_dim3A_470 = vector.broadcast %add3A_469 : i32 to vector<16xi32>
    %slice3A_471 = vector.extract_strided_slice %min3A_239 {offsets = [2], sizes = [1], strides = [1]} : vector<16xi32> to vector<1xi32>
    %squeeze3A_472 = vector.extract %slice3A_471[0] : i32 from vector<1xi32>
    %add3A_473 = arith.constant 256 : i32
    %add3A_474 = arith.addi %add3A_473, %squeeze3A_472 : i32
    %broadcast_in_dim3A_475 = vector.broadcast %add3A_474 : i32 to vector<16xi32>
    %slice3A_476 = vector.extract_strided_slice %max3A_244 {offsets = [2], sizes = [1], strides = [1]} : vector<16xi32> to vector<1xi32>
    %squeeze3A_477 = vector.extract %slice3A_476[0] : i32 from vector<1xi32>
    %broadcast_in_dim3A_478 = vector.broadcast %squeeze3A_477 : i32 to vector<16xi32>
    %slice3A_479 = vector.extract_strided_slice %max3A_250 {offsets = [2], sizes = [1], strides = [1]} : vector<16xi32> to vector<1xi32>
    %squeeze3A_480 = vector.extract %slice3A_479[0] : i32 from vector<1xi32>
    %broadcast_in_dim3A_481 = vector.broadcast %squeeze3A_480 : i32 to vector<16xi32>
    %slice3A_482 = vector.extract_strided_slice %convert_element_type3A {offsets = [2], sizes = [1], strides = [1]} : vector<16xi32> to vector<1xi32>
    %squeeze3A_483 = vector.extract %slice3A_482[0] : i32 from vector<1xi32>
    %broadcast_in_dim3A_484 = vector.broadcast %squeeze3A_483 : i32 to vector<16xi32>
    %gt3A_485 = arith.constant 0 : i32
    %gt3A_486 = vector.broadcast %gt3A_485 : i32 to vector<16xi32>
    %gt3A_487 = arith.cmpi sgt, %broadcast_in_dim3A_484, %gt3A_486 : vector<16xi32>
    %gather3A_488 = tpu.vector_load_idx %arg11[%iota3A_216, %broadcast_in_dim3A_470] : memref<32x1024xf32, #tpu.memory_space<vmem>>[vector<16xi32>, vector<16xi32>], vector<16xf32>,
    %gather3A_489 = tpu.vector_load_idx %arg11[%add3A_219, %broadcast_in_dim3A_470] : memref<32x1024xf32, #tpu.memory_space<vmem>>[vector<16xi32>, vector<16xi32>], vector<16xf32>,
    %gather3A_490 = tpu.vector_load_idx %arg13[%iota3A_216, %broadcast_in_dim3A_478] : memref<32x128xf32, #tpu.memory_space<vmem>>[vector<16xi32>, vector<16xi32>], vector<16xf32>,
    %gather3A_491 = tpu.vector_load_idx %arg13[%add3A_219, %broadcast_in_dim3A_478] : memref<32x128xf32, #tpu.memory_space<vmem>>[vector<16xi32>, vector<16xi32>], vector<16xf32>,
    %select_n3A_492 = arith.select %gt3A_487, %gather3A_490, %gather3A_488 : vector<16xi1>, vector<16xf32>
    %select_n3A_493 = arith.select %gt3A_487, %gather3A_491, %gather3A_489 : vector<16xi1>, vector<16xf32>
    %slice3A_494 = vector.extract_strided_slice %convert_element_type3A_256 {offsets = [2], sizes = [1], strides = [1]} : vector<16xi32> to vector<1xi32>
    %squeeze3A_495 = vector.extract %slice3A_494[0] : i32 from vector<1xi32>
    %broadcast_in_dim3A_496 = vector.broadcast %squeeze3A_495 : i32 to vector<16xi32>
    %gt3A_497 = arith.constant 0 : i32
    %gt3A_498 = vector.broadcast %gt3A_497 : i32 to vector<16xi32>
    %gt3A_499 = arith.cmpi sgt, %broadcast_in_dim3A_496, %gt3A_498 : vector<16xi32>
    %gather3A_500 = tpu.vector_load_idx %arg12[%iota3A_216, %broadcast_in_dim3A_475] : memref<32x1024xf32, #tpu.memory_space<vmem>>[vector<16xi32>, vector<16xi32>], vector<16xf32>,
    %gather3A_501 = tpu.vector_load_idx %arg12[%add3A_219, %broadcast_in_dim3A_475] : memref<32x1024xf32, #tpu.memory_space<vmem>>[vector<16xi32>, vector<16xi32>], vector<16xf32>,
    %gather3A_502 = tpu.vector_load_idx %arg14[%iota3A_216, %broadcast_in_dim3A_481] : memref<32x128xf32, #tpu.memory_space<vmem>>[vector<16xi32>, vector<16xi32>], vector<16xf32>,
    %gather3A_503 = tpu.vector_load_idx %arg14[%add3A_219, %broadcast_in_dim3A_481] : memref<32x128xf32, #tpu.memory_space<vmem>>[vector<16xi32>, vector<16xi32>], vector<16xf32>,
    %select_n3A_504 = arith.select %gt3A_499, %gather3A_502, %gather3A_500 : vector<16xi1>, vector<16xf32>
    %select_n3A_505 = arith.select %gt3A_499, %gather3A_503, %gather3A_501 : vector<16xi1>, vector<16xf32>
    %mul3A_506 = arith.mulf %select_n3A_492, %select_n3A_504 : vector<16xf32>
    %mul3A_507 = arith.mulf %select_n3A_493, %select_n3A_505 : vector<16xf32>
    %add3A_508 = arith.addf %mul3A_506, %mul3A_507 : vector<16xf32>
    %swap3A_509 = arith.constant 32 : index
    %swap3A_510 = tpu.vector_load %arg16[%swap3A_509] {strides = array<i32>} : memref<256xf32, #tpu.memory_space<vmem>>, vector<16xf32>,
    tpu.vector_store %arg16[%swap3A_509], %add3A_508 {strides = array<i32>} : memref<256xf32, #tpu.memory_space<vmem>>, vector<16xf32>,
    %slice3A_511 = vector.extract_strided_slice %min3A_230 {offsets = [10], sizes = [1], strides = [1]} : vector<16xi32> to vector<1xi32>
    %squeeze3A_512 = vector.extract %slice3A_511[0] : i32 from vector<1xi32>
    %slice3A_513 = vector.extract_strided_slice %min3A_232 {offsets = [10], sizes = [1], strides = [1]} : vector<16xi32> to vector<1xi32>
    %squeeze3A_514 = vector.extract %slice3A_513[0] : i32 from vector<1xi32>
    %multiple_of3A_515 = tpu.assume_multiple %squeeze3A_512, 128 : i32
    %dma_start3A_516 = arith.constant 0 : i32
    %dma_start3A_517 = arith.constant 256 : i32
    %dma_start3A_518 = tpu.memref_slice %arg11[%dma_start3A_516, %dma_start3A_517] : memref<32x1024xf32, #tpu.memory_space<vmem>> -> memref<32x128xf32, #tpu.memory_space<vmem>>
    %dma_start3A_519 = arith.constant 0 : i32
    %dma_start3A_520 = tpu.memref_slice %arg4[%dma_start3A_519, %multiple_of3A_515] : memref<32x1000000xf32, #tpu.memory_space<hbm>> -> memref<32x128xf32, #tpu.memory_space<hbm>>
    %dma_start3A_521 = arith.constant 0 : i32
    %dma_start3A_522 = arith.constant 256 : i32
    %dma_start3A_523 = tpu.memref_slice %arg11[%dma_start3A_521, %dma_start3A_522] : memref<32x1024xf32, #tpu.memory_space<vmem>> -> memref<32x128xf32, #tpu.memory_space<vmem>>
    %dma_start3A_524 = arith.constant 0 : i32
    %dma_start3A_525 = tpu.memref_slice %arg4[%dma_start3A_524, %multiple_of3A_515] : memref<32x1000000xf32, #tpu.memory_space<hbm>> -> memref<32x128xf32, #tpu.memory_space<hbm>>
    tpu.enqueue_dma source(%dma_start3A_525 : memref<32x128xf32, #tpu.memory_space<hbm>>) target(%dma_start3A_523 : memref<32x128xf32, #tpu.memory_space<vmem>>) target_semaphore(%arg19 : memref<!tpu.dma_semaphore, #tpu.memory_space<semaphore_mem>>)
    %multiple_of3A_526 = tpu.assume_multiple %squeeze3A_514, 128 : i32
    %dma_start3A_527 = arith.constant 0 : i32
    %dma_start3A_528 = arith.constant 256 : i32
    %dma_start3A_529 = tpu.memref_slice %arg12[%dma_start3A_527, %dma_start3A_528] : memref<32x1024xf32, #tpu.memory_space<vmem>> -> memref<32x128xf32, #tpu.memory_space<vmem>>
    %dma_start3A_530 = arith.constant 0 : i32
    %dma_start3A_531 = tpu.memref_slice %arg5[%dma_start3A_530, %multiple_of3A_526] : memref<32x1000000xf32, #tpu.memory_space<hbm>> -> memref<32x128xf32, #tpu.memory_space<hbm>>
    %dma_start3A_532 = arith.constant 0 : i32
    %dma_start3A_533 = arith.constant 256 : i32
    %dma_start3A_534 = tpu.memref_slice %arg12[%dma_start3A_532, %dma_start3A_533] : memref<32x1024xf32, #tpu.memory_space<vmem>> -> memref<32x128xf32, #tpu.memory_space<vmem>>
    %dma_start3A_535 = arith.constant 0 : i32
    %dma_start3A_536 = tpu.memref_slice %arg5[%dma_start3A_535, %multiple_of3A_526] : memref<32x1000000xf32, #tpu.memory_space<hbm>> -> memref<32x128xf32, #tpu.memory_space<hbm>>
    tpu.enqueue_dma source(%dma_start3A_536 : memref<32x128xf32, #tpu.memory_space<hbm>>) target(%dma_start3A_534 : memref<32x128xf32, #tpu.memory_space<vmem>>) target_semaphore(%arg19 : memref<!tpu.dma_semaphore, #tpu.memory_space<semaphore_mem>>)
    %dma_wait3A_537 = arith.constant 0 : i32
    %dma_wait3A_538 = arith.constant 384 : i32
    %dma_wait3A_539 = tpu.memref_slice %arg11[%dma_wait3A_537, %dma_wait3A_538] : memref<32x1024xf32, #tpu.memory_space<vmem>> -> memref<32x128xf32, #tpu.memory_space<vmem>>
    %dma_wait3A_540 = arith.constant 0 : i32
    %dma_wait3A_541 = arith.constant 0 : i32
    %dma_wait3A_542 = tpu.memref_slice %arg4[%dma_wait3A_540, %dma_wait3A_541] : memref<32x1000000xf32, #tpu.memory_space<hbm>> -> memref<32x128xf32, #tpu.memory_space<hbm>>
    %dma_wait3A_543 = arith.constant 0 : i32
    %dma_wait3A_544 = arith.constant 384 : i32
    %dma_wait3A_545 = tpu.memref_slice %arg11[%dma_wait3A_543, %dma_wait3A_544] : memref<32x1024xf32, #tpu.memory_space<vmem>> -> memref<32x128xf32, #tpu.memory_space<vmem>>
    %dma_wait3A_546 = arith.constant 0 : i32
    %dma_wait3A_547 = arith.constant 0 : i32
    %dma_wait3A_548 = tpu.memref_slice %arg4[%dma_wait3A_546, %dma_wait3A_547] : memref<32x1000000xf32, #tpu.memory_space<hbm>> -> memref<32x128xf32, #tpu.memory_space<hbm>>
    tpu.wait_dma2 semaphore(%arg20 : memref<!tpu.dma_semaphore, #tpu.memory_space<semaphore_mem>>) src(%dma_wait3A_548 : memref<32x128xf32, #tpu.memory_space<hbm>>) dst(%dma_wait3A_545 : memref<32x128xf32, #tpu.memory_space<vmem>>)
    %dma_wait3A_549 = arith.constant 0 : i32
    %dma_wait3A_550 = arith.constant 384 : i32
    %dma_wait3A_551 = tpu.memref_slice %arg12[%dma_wait3A_549, %dma_wait3A_550] : memref<32x1024xf32, #tpu.memory_space<vmem>> -> memref<32x128xf32, #tpu.memory_space<vmem>>
    %dma_wait3A_552 = arith.constant 0 : i32
    %dma_wait3A_553 = arith.constant 0 : i32
    %dma_wait3A_554 = tpu.memref_slice %arg5[%dma_wait3A_552, %dma_wait3A_553] : memref<32x1000000xf32, #tpu.memory_space<hbm>> -> memref<32x128xf32, #tpu.memory_space<hbm>>
    %dma_wait3A_555 = arith.constant 0 : i32
    %dma_wait3A_556 = arith.constant 384 : i32
    %dma_wait3A_557 = tpu.memref_slice %arg12[%dma_wait3A_555, %dma_wait3A_556] : memref<32x1024xf32, #tpu.memory_space<vmem>> -> memref<32x128xf32, #tpu.memory_space<vmem>>
    %dma_wait3A_558 = arith.constant 0 : i32
    %dma_wait3A_559 = arith.constant 0 : i32
    %dma_wait3A_560 = tpu.memref_slice %arg5[%dma_wait3A_558, %dma_wait3A_559] : memref<32x1000000xf32, #tpu.memory_space<hbm>> -> memref<32x128xf32, #tpu.memory_space<hbm>>
    tpu.wait_dma2 semaphore(%arg20 : memref<!tpu.dma_semaphore, #tpu.memory_space<semaphore_mem>>) src(%dma_wait3A_560 : memref<32x128xf32, #tpu.memory_space<hbm>>) dst(%dma_wait3A_557 : memref<32x128xf32, #tpu.memory_space<vmem>>)
    %slice3A_561 = vector.extract_strided_slice %min3A_235 {offsets = [3], sizes = [1], strides = [1]} : vector<16xi32> to vector<1xi32>
    %squeeze3A_562 = vector.extract %slice3A_561[0] : i32 from vector<1xi32>
    %add3A_563 = arith.constant 384 : i32
    %add3A_564 = arith.addi %add3A_563, %squeeze3A_562 : i32
    %broadcast_in_dim3A_565 = vector.broadcast %add3A_564 : i32 to vector<16xi32>
    %slice3A_566 = vector.extract_strided_slice %min3A_239 {offsets = [3], sizes = [1], strides = [1]} : vector<16xi32> to vector<1xi32>
    %squeeze3A_567 = vector.extract %slice3A_566[0] : i32 from vector<1xi32>
    %add3A_568 = arith.constant 384 : i32
    %add3A_569 = arith.addi %add3A_568, %squeeze3A_567 : i32
    %broadcast_in_dim3A_570 = vector.broadcast %add3A_569 : i32 to vector<16xi32>
    %slice3A_571 = vector.extract_strided_slice %max3A_244 {offsets = [3], sizes = [1], strides = [1]} : vector<16xi32> to vector<1xi32>
    %squeeze3A_572 = vector.extract %slice3A_571[0] : i32 from vector<1xi32>
    %broadcast_in_dim3A_573 = vector.broadcast %squeeze3A_572 : i32 to vector<16xi32>
    %slice3A_574 = vector.extract_strided_slice %max3A_250 {offsets = [3], sizes = [1], strides = [1]} : vector<16xi32> to vector<1xi32>
    %squeeze3A_575 = vector.extract %slice3A_574[0] : i32 from vector<1xi32>
    %broadcast_in_dim3A_576 = vector.broadcast %squeeze3A_575 : i32 to vector<16xi32>
    %slice3A_577 = vector.extract_strided_slice %convert_element_type3A {offsets = [3], sizes = [1], strides = [1]} : vector<16xi32> to vector<1xi32>
    %squeeze3A_578 = vector.extract %slice3A_577[0] : i32 from vector<1xi32>
    %broadcast_in_dim3A_579 = vector.broadcast %squeeze3A_578 : i32 to vector<16xi32>
    %gt3A_580 = arith.constant 0 : i32
    %gt3A_581 = vector.broadcast %gt3A_580 : i32 to vector<16xi32>
    %gt3A_582 = arith.cmpi sgt, %broadcast_in_dim3A_579, %gt3A_581 : vector<16xi32>
    %gather3A_583 = tpu.vector_load_idx %arg11[%iota3A_216, %broadcast_in_dim3A_565] : memref<32x1024xf32, #tpu.memory_space<vmem>>[vector<16xi32>, vector<16xi32>], vector<16xf32>,
    %gather3A_584 = tpu.vector_load_idx %arg11[%add3A_219, %broadcast_in_dim3A_565] : memref<32x1024xf32, #tpu.memory_space<vmem>>[vector<16xi32>, vector<16xi32>], vector<16xf32>,
    %gather3A_585 = tpu.vector_load_idx %arg13[%iota3A_216, %broadcast_in_dim3A_573] : memref<32x128xf32, #tpu.memory_space<vmem>>[vector<16xi32>, vector<16xi32>], vector<16xf32>,
    %gather3A_586 = tpu.vector_load_idx %arg13[%add3A_219, %broadcast_in_dim3A_573] : memref<32x128xf32, #tpu.memory_space<vmem>>[vector<16xi32>, vector<16xi32>], vector<16xf32>,
    %select_n3A_587 = arith.select %gt3A_582, %gather3A_585, %gather3A_583 : vector<16xi1>, vector<16xf32>
    %select_n3A_588 = arith.select %gt3A_582, %gather3A_586, %gather3A_584 : vector<16xi1>, vector<16xf32>
    %slice3A_589 = vector.extract_strided_slice %convert_element_type3A_256 {offsets = [3], sizes = [1], strides = [1]} : vector<16xi32> to vector<1xi32>
    %squeeze3A_590 = vector.extract %slice3A_589[0] : i32 from vector<1xi32>
    %broadcast_in_dim3A_591 = vector.broadcast %squeeze3A_590 : i32 to vector<16xi32>
    %gt3A_592 = arith.constant 0 : i32
    %gt3A_593 = vector.broadcast %gt3A_592 : i32 to vector<16xi32>
    %gt3A_594 = arith.cmpi sgt, %broadcast_in_dim3A_591, %gt3A_593 : vector<16xi32>
    %gather3A_595 = tpu.vector_load_idx %arg12[%iota3A_216, %broadcast_in_dim3A_570] : memref<32x1024xf32, #tpu.memory_space<vmem>>[vector<16xi32>, vector<16xi32>], vector<16xf32>,
    %gather3A_596 = tpu.vector_load_idx %arg12[%add3A_219, %broadcast_in_dim3A_570] : memref<32x1024xf32, #tpu.memory_space<vmem>>[vector<16xi32>, vector<16xi32>], vector<16xf32>,
    %gather3A_597 = tpu.vector_load_idx %arg14[%iota3A_216, %broadcast_in_dim3A_576] : memref<32x128xf32, #tpu.memory_space<vmem>>[vector<16xi32>, vector<16xi32>], vector<16xf32>,
    %gather3A_598 = tpu.vector_load_idx %arg14[%add3A_219, %broadcast_in_dim3A_576] : memref<32x128xf32, #tpu.memory_space<vmem>>[vector<16xi32>, vector<16xi32>], vector<16xf32>,
    %select_n3A_599 = arith.select %gt3A_594, %gather3A_597, %gather3A_595 : vector<16xi1>, vector<16xf32>
    %select_n3A_600 = arith.select %gt3A_594, %gather3A_598, %gather3A_596 : vector<16xi1>, vector<16xf32>
    %mul3A_601 = arith.mulf %select_n3A_587, %select_n3A_599 : vector<16xf32>
    %mul3A_602 = arith.mulf %select_n3A_588, %select_n3A_600 : vector<16xf32>
    %add3A_603 = arith.addf %mul3A_601, %mul3A_602 : vector<16xf32>
    %swap3A_604 = arith.constant 48 : index
    %swap3A_605 = tpu.vector_load %arg16[%swap3A_604] {strides = array<i32>} : memref<256xf32, #tpu.memory_space<vmem>>, vector<16xf32>,
    tpu.vector_store %arg16[%swap3A_604], %add3A_603 {strides = array<i32>} : memref<256xf32, #tpu.memory_space<vmem>>, vector<16xf32>,
    %slice3A_606 = vector.extract_strided_slice %min3A_230 {offsets = [11], sizes = [1], strides = [1]} : vector<16xi32> to vector<1xi32>
    %squeeze3A_607 = vector.extract %slice3A_606[0] : i32 from vector<1xi32>
    %slice3A_608 = vector.extract_strided_slice %min3A_232 {offsets = [11], sizes = [1], strides = [1]} : vector<16xi32> to vector<1xi32>
    %squeeze3A_609 = vector.extract %slice3A_608[0] : i32 from vector<1xi32>
    %multiple_of3A_610 = tpu.assume_multiple %squeeze3A_607, 128 : i32
    %dma_start3A_611 = arith.constant 0 : i32
    %dma_start3A_612 = arith.constant 384 : i32
    %dma_start3A_613 = tpu.memref_slice %arg11[%dma_start3A_611, %dma_start3A_612] : memref<32x1024xf32, #tpu.memory_space<vmem>> -> memref<32x128xf32, #tpu.memory_space<vmem>>
    %dma_start3A_614 = arith.constant 0 : i32
    %dma_start3A_615 = tpu.memref_slice %arg4[%dma_start3A_614, %multiple_of3A_610] : memref<32x1000000xf32, #tpu.memory_space<hbm>> -> memref<32x128xf32, #tpu.memory_space<hbm>>
    %dma_start3A_616 = arith.constant 0 : i32
    %dma_start3A_617 = arith.constant 384 : i32
    %dma_start3A_618 = tpu.memref_slice %arg11[%dma_start3A_616, %dma_start3A_617] : memref<32x1024xf32, #tpu.memory_space<vmem>> -> memref<32x128xf32, #tpu.memory_space<vmem>>
    %dma_start3A_619 = arith.constant 0 : i32
    %dma_start3A_620 = tpu.memref_slice %arg4[%dma_start3A_619, %multiple_of3A_610] : memref<32x1000000xf32, #tpu.memory_space<hbm>> -> memref<32x128xf32, #tpu.memory_space<hbm>>
    tpu.enqueue_dma source(%dma_start3A_620 : memref<32x128xf32, #tpu.memory_space<hbm>>) target(%dma_start3A_618 : memref<32x128xf32, #tpu.memory_space<vmem>>) target_semaphore(%arg20 : memref<!tpu.dma_semaphore, #tpu.memory_space<semaphore_mem>>)
    %multiple_of3A_621 = tpu.assume_multiple %squeeze3A_609, 128 : i32
    %dma_start3A_622 = arith.constant 0 : i32
    %dma_start3A_623 = arith.constant 384 : i32
    %dma_start3A_624 = tpu.memref_slice %arg12[%dma_start3A_622, %dma_start3A_623] : memref<32x1024xf32, #tpu.memory_space<vmem>> -> memref<32x128xf32, #tpu.memory_space<vmem>>
    %dma_start3A_625 = arith.constant 0 : i32
    %dma_start3A_626 = tpu.memref_slice %arg5[%dma_start3A_625, %multiple_of3A_621] : memref<32x1000000xf32, #tpu.memory_space<hbm>> -> memref<32x128xf32, #tpu.memory_space<hbm>>
    %dma_start3A_627 = arith.constant 0 : i32
    %dma_start3A_628 = arith.constant 384 : i32
    %dma_start3A_629 = tpu.memref_slice %arg12[%dma_start3A_627, %dma_start3A_628] : memref<32x1024xf32, #tpu.memory_space<vmem>> -> memref<32x128xf32, #tpu.memory_space<vmem>>
    %dma_start3A_630 = arith.constant 0 : i32
    %dma_start3A_631 = tpu.memref_slice %arg5[%dma_start3A_630, %multiple_of3A_621] : memref<32x1000000xf32, #tpu.memory_space<hbm>> -> memref<32x128xf32, #tpu.memory_space<hbm>>
    tpu.enqueue_dma source(%dma_start3A_631 : memref<32x128xf32, #tpu.memory_space<hbm>>) target(%dma_start3A_629 : memref<32x128xf32, #tpu.memory_space<vmem>>) target_semaphore(%arg20 : memref<!tpu.dma_semaphore, #tpu.memory_space<semaphore_mem>>)
    %dma_wait3A_632 = arith.constant 0 : i32
    %dma_wait3A_633 = arith.constant 512 : i32
    %dma_wait3A_634 = tpu.memref_slice %arg11[%dma_wait3A_632, %dma_wait3A_633] : memref<32x1024xf32, #tpu.memory_space<vmem>> -> memref<32x128xf32, #tpu.memory_space<vmem>>
    %dma_wait3A_635 = arith.constant 0 : i32
    %dma_wait3A_636 = arith.constant 0 : i32
    %dma_wait3A_637 = tpu.memref_slice %arg4[%dma_wait3A_635, %dma_wait3A_636] : memref<32x1000000xf32, #tpu.memory_space<hbm>> -> memref<32x128xf32, #tpu.memory_space<hbm>>
    %dma_wait3A_638 = arith.constant 0 : i32
    %dma_wait3A_639 = arith.constant 512 : i32
    %dma_wait3A_640 = tpu.memref_slice %arg11[%dma_wait3A_638, %dma_wait3A_639] : memref<32x1024xf32, #tpu.memory_space<vmem>> -> memref<32x128xf32, #tpu.memory_space<vmem>>
    %dma_wait3A_641 = arith.constant 0 : i32
    %dma_wait3A_642 = arith.constant 0 : i32
    %dma_wait3A_643 = tpu.memref_slice %arg4[%dma_wait3A_641, %dma_wait3A_642] : memref<32x1000000xf32, #tpu.memory_space<hbm>> -> memref<32x128xf32, #tpu.memory_space<hbm>>
    tpu.wait_dma2 semaphore(%arg21 : memref<!tpu.dma_semaphore, #tpu.memory_space<semaphore_mem>>) src(%dma_wait3A_643 : memref<32x128xf32, #tpu.memory_space<hbm>>) dst(%dma_wait3A_640 : memref<32x128xf32, #tpu.memory_space<vmem>>)
    %dma_wait3A_644 = arith.constant 0 : i32
    %dma_wait3A_645 = arith.constant 512 : i32
    %dma_wait3A_646 = tpu.memref_slice %arg12[%dma_wait3A_644, %dma_wait3A_645] : memref<32x1024xf32, #tpu.memory_space<vmem>> -> memref<32x128xf32, #tpu.memory_space<vmem>>
    %dma_wait3A_647 = arith.constant 0 : i32
    %dma_wait3A_648 = arith.constant 0 : i32
    %dma_wait3A_649 = tpu.memref_slice %arg5[%dma_wait3A_647, %dma_wait3A_648] : memref<32x1000000xf32, #tpu.memory_space<hbm>> -> memref<32x128xf32, #tpu.memory_space<hbm>>
    %dma_wait3A_650 = arith.constant 0 : i32
    %dma_wait3A_651 = arith.constant 512 : i32
    %dma_wait3A_652 = tpu.memref_slice %arg12[%dma_wait3A_650, %dma_wait3A_651] : memref<32x1024xf32, #tpu.memory_space<vmem>> -> memref<32x128xf32, #tpu.memory_space<vmem>>
    %dma_wait3A_653 = arith.constant 0 : i32
    %dma_wait3A_654 = arith.constant 0 : i32
    %dma_wait3A_655 = tpu.memref_slice %arg5[%dma_wait3A_653, %dma_wait3A_654] : memref<32x1000000xf32, #tpu.memory_space<hbm>> -> memref<32x128xf32, #tpu.memory_space<hbm>>
    tpu.wait_dma2 semaphore(%arg21 : memref<!tpu.dma_semaphore, #tpu.memory_space<semaphore_mem>>) src(%dma_wait3A_655 : memref<32x128xf32, #tpu.memory_space<hbm>>) dst(%dma_wait3A_652 : memref<32x128xf32, #tpu.memory_space<vmem>>)
    %slice3A_656 = vector.extract_strided_slice %min3A_235 {offsets = [4], sizes = [1], strides = [1]} : vector<16xi32> to vector<1xi32>
    %squeeze3A_657 = vector.extract %slice3A_656[0] : i32 from vector<1xi32>
    %add3A_658 = arith.constant 512 : i32
    %add3A_659 = arith.addi %add3A_658, %squeeze3A_657 : i32
    %broadcast_in_dim3A_660 = vector.broadcast %add3A_659 : i32 to vector<16xi32>
    %slice3A_661 = vector.extract_strided_slice %min3A_239 {offsets = [4], sizes = [1], strides = [1]} : vector<16xi32> to vector<1xi32>
    %squeeze3A_662 = vector.extract %slice3A_661[0] : i32 from vector<1xi32>
    %add3A_663 = arith.constant 512 : i32
    %add3A_664 = arith.addi %add3A_663, %squeeze3A_662 : i32
    %broadcast_in_dim3A_665 = vector.broadcast %add3A_664 : i32 to vector<16xi32>
    %slice3A_666 = vector.extract_strided_slice %max3A_244 {offsets = [4], sizes = [1], strides = [1]} : vector<16xi32> to vector<1xi32>
    %squeeze3A_667 = vector.extract %slice3A_666[0] : i32 from vector<1xi32>
    %broadcast_in_dim3A_668 = vector.broadcast %squeeze3A_667 : i32 to vector<16xi32>
    %slice3A_669 = vector.extract_strided_slice %max3A_250 {offsets = [4], sizes = [1], strides = [1]} : vector<16xi32> to vector<1xi32>
    %squeeze3A_670 = vector.extract %slice3A_669[0] : i32 from vector<1xi32>
    %broadcast_in_dim3A_671 = vector.broadcast %squeeze3A_670 : i32 to vector<16xi32>
    %slice3A_672 = vector.extract_strided_slice %convert_element_type3A {offsets = [4], sizes = [1], strides = [1]} : vector<16xi32> to vector<1xi32>
    %squeeze3A_673 = vector.extract %slice3A_672[0] : i32 from vector<1xi32>
    %broadcast_in_dim3A_674 = vector.broadcast %squeeze3A_673 : i32 to vector<16xi32>
    %gt3A_675 = arith.constant 0 : i32
    %gt3A_676 = vector.broadcast %gt3A_675 : i32 to vector<16xi32>
    %gt3A_677 = arith.cmpi sgt, %broadcast_in_dim3A_674, %gt3A_676 : vector<16xi32>
    %gather3A_678 = tpu.vector_load_idx %arg11[%iota3A_216, %broadcast_in_dim3A_660] : memref<32x1024xf32, #tpu.memory_space<vmem>>[vector<16xi32>, vector<16xi32>], vector<16xf32>,
    %gather3A_679 = tpu.vector_load_idx %arg11[%add3A_219, %broadcast_in_dim3A_660] : memref<32x1024xf32, #tpu.memory_space<vmem>>[vector<16xi32>, vector<16xi32>], vector<16xf32>,
    %gather3A_680 = tpu.vector_load_idx %arg13[%iota3A_216, %broadcast_in_dim3A_668] : memref<32x128xf32, #tpu.memory_space<vmem>>[vector<16xi32>, vector<16xi32>], vector<16xf32>,
    %gather3A_681 = tpu.vector_load_idx %arg13[%add3A_219, %broadcast_in_dim3A_668] : memref<32x128xf32, #tpu.memory_space<vmem>>[vector<16xi32>, vector<16xi32>], vector<16xf32>,
    %select_n3A_682 = arith.select %gt3A_677, %gather3A_680, %gather3A_678 : vector<16xi1>, vector<16xf32>
    %select_n3A_683 = arith.select %gt3A_677, %gather3A_681, %gather3A_679 : vector<16xi1>, vector<16xf32>
    %slice3A_684 = vector.extract_strided_slice %convert_element_type3A_256 {offsets = [4], sizes = [1], strides = [1]} : vector<16xi32> to vector<1xi32>
    %squeeze3A_685 = vector.extract %slice3A_684[0] : i32 from vector<1xi32>
    %broadcast_in_dim3A_686 = vector.broadcast %squeeze3A_685 : i32 to vector<16xi32>
    %gt3A_687 = arith.constant 0 : i32
    %gt3A_688 = vector.broadcast %gt3A_687 : i32 to vector<16xi32>
    %gt3A_689 = arith.cmpi sgt, %broadcast_in_dim3A_686, %gt3A_688 : vector<16xi32>
    %gather3A_690 = tpu.vector_load_idx %arg12[%iota3A_216, %broadcast_in_dim3A_665] : memref<32x1024xf32, #tpu.memory_space<vmem>>[vector<16xi32>, vector<16xi32>], vector<16xf32>,
    %gather3A_691 = tpu.vector_load_idx %arg12[%add3A_219, %broadcast_in_dim3A_665] : memref<32x1024xf32, #tpu.memory_space<vmem>>[vector<16xi32>, vector<16xi32>], vector<16xf32>,
    %gather3A_692 = tpu.vector_load_idx %arg14[%iota3A_216, %broadcast_in_dim3A_671] : memref<32x128xf32, #tpu.memory_space<vmem>>[vector<16xi32>, vector<16xi32>], vector<16xf32>,
    %gather3A_693 = tpu.vector_load_idx %arg14[%add3A_219, %broadcast_in_dim3A_671] : memref<32x128xf32, #tpu.memory_space<vmem>>[vector<16xi32>, vector<16xi32>], vector<16xf32>,
    %select_n3A_694 = arith.select %gt3A_689, %gather3A_692, %gather3A_690 : vector<16xi1>, vector<16xf32>
    %select_n3A_695 = arith.select %gt3A_689, %gather3A_693, %gather3A_691 : vector<16xi1>, vector<16xf32>
    %mul3A_696 = arith.mulf %select_n3A_682, %select_n3A_694 : vector<16xf32>
    %mul3A_697 = arith.mulf %select_n3A_683, %select_n3A_695 : vector<16xf32>
    %add3A_698 = arith.addf %mul3A_696, %mul3A_697 : vector<16xf32>
    %swap3A_699 = arith.constant 64 : index
    %swap3A_700 = tpu.vector_load %arg16[%swap3A_699] {strides = array<i32>} : memref<256xf32, #tpu.memory_space<vmem>>, vector<16xf32>,
    tpu.vector_store %arg16[%swap3A_699], %add3A_698 {strides = array<i32>} : memref<256xf32, #tpu.memory_space<vmem>>, vector<16xf32>,
    %slice3A_701 = vector.extract_strided_slice %min3A_230 {offsets = [12], sizes = [1], strides = [1]} : vector<16xi32> to vector<1xi32>
    %squeeze3A_702 = vector.extract %slice3A_701[0] : i32 from vector<1xi32>
    %slice3A_703 = vector.extract_strided_slice %min3A_232 {offsets = [12], sizes = [1], strides = [1]} : vector<16xi32> to vector<1xi32>
    %squeeze3A_704 = vector.extract %slice3A_703[0] : i32 from vector<1xi32>
    %multiple_of3A_705 = tpu.assume_multiple %squeeze3A_702, 128 : i32
    %dma_start3A_706 = arith.constant 0 : i32
    %dma_start3A_707 = arith.constant 512 : i32
    %dma_start3A_708 = tpu.memref_slice %arg11[%dma_start3A_706, %dma_start3A_707] : memref<32x1024xf32, #tpu.memory_space<vmem>> -> memref<32x128xf32, #tpu.memory_space<vmem>>
    %dma_start3A_709 = arith.constant 0 : i32
    %dma_start3A_710 = tpu.memref_slice %arg4[%dma_start3A_709, %multiple_of3A_705] : memref<32x1000000xf32, #tpu.memory_space<hbm>> -> memref<32x128xf32, #tpu.memory_space<hbm>>
    %dma_start3A_711 = arith.constant 0 : i32
    %dma_start3A_712 = arith.constant 512 : i32
    %dma_start3A_713 = tpu.memref_slice %arg11[%dma_start3A_711, %dma_start3A_712] : memref<32x1024xf32, #tpu.memory_space<vmem>> -> memref<32x128xf32, #tpu.memory_space<vmem>>
    %dma_start3A_714 = arith.constant 0 : i32
    %dma_start3A_715 = tpu.memref_slice %arg4[%dma_start3A_714, %multiple_of3A_705] : memref<32x1000000xf32, #tpu.memory_space<hbm>> -> memref<32x128xf32, #tpu.memory_space<hbm>>
    tpu.enqueue_dma source(%dma_start3A_715 : memref<32x128xf32, #tpu.memory_space<hbm>>) target(%dma_start3A_713 : memref<32x128xf32, #tpu.memory_space<vmem>>) target_semaphore(%arg21 : memref<!tpu.dma_semaphore, #tpu.memory_space<semaphore_mem>>)
    %multiple_of3A_716 = tpu.assume_multiple %squeeze3A_704, 128 : i32
    %dma_start3A_717 = arith.constant 0 : i32
    %dma_start3A_718 = arith.constant 512 : i32
    %dma_start3A_719 = tpu.memref_slice %arg12[%dma_start3A_717, %dma_start3A_718] : memref<32x1024xf32, #tpu.memory_space<vmem>> -> memref<32x128xf32, #tpu.memory_space<vmem>>
    %dma_start3A_720 = arith.constant 0 : i32
    %dma_start3A_721 = tpu.memref_slice %arg5[%dma_start3A_720, %multiple_of3A_716] : memref<32x1000000xf32, #tpu.memory_space<hbm>> -> memref<32x128xf32, #tpu.memory_space<hbm>>
    %dma_start3A_722 = arith.constant 0 : i32
    %dma_start3A_723 = arith.constant 512 : i32
    %dma_start3A_724 = tpu.memref_slice %arg12[%dma_start3A_722, %dma_start3A_723] : memref<32x1024xf32, #tpu.memory_space<vmem>> -> memref<32x128xf32, #tpu.memory_space<vmem>>
    %dma_start3A_725 = arith.constant 0 : i32
    %dma_start3A_726 = tpu.memref_slice %arg5[%dma_start3A_725, %multiple_of3A_716] : memref<32x1000000xf32, #tpu.memory_space<hbm>> -> memref<32x128xf32, #tpu.memory_space<hbm>>
    tpu.enqueue_dma source(%dma_start3A_726 : memref<32x128xf32, #tpu.memory_space<hbm>>) target(%dma_start3A_724 : memref<32x128xf32, #tpu.memory_space<vmem>>) target_semaphore(%arg21 : memref<!tpu.dma_semaphore, #tpu.memory_space<semaphore_mem>>)
    %dma_wait3A_727 = arith.constant 0 : i32
    %dma_wait3A_728 = arith.constant 640 : i32
    %dma_wait3A_729 = tpu.memref_slice %arg11[%dma_wait3A_727, %dma_wait3A_728] : memref<32x1024xf32, #tpu.memory_space<vmem>> -> memref<32x128xf32, #tpu.memory_space<vmem>>
    %dma_wait3A_730 = arith.constant 0 : i32
    %dma_wait3A_731 = arith.constant 0 : i32
    %dma_wait3A_732 = tpu.memref_slice %arg4[%dma_wait3A_730, %dma_wait3A_731] : memref<32x1000000xf32, #tpu.memory_space<hbm>> -> memref<32x128xf32, #tpu.memory_space<hbm>>
    %dma_wait3A_733 = arith.constant 0 : i32
    %dma_wait3A_734 = arith.constant 640 : i32
    %dma_wait3A_735 = tpu.memref_slice %arg11[%dma_wait3A_733, %dma_wait3A_734] : memref<32x1024xf32, #tpu.memory_space<vmem>> -> memref<32x128xf32, #tpu.memory_space<vmem>>
    %dma_wait3A_736 = arith.constant 0 : i32
    %dma_wait3A_737 = arith.constant 0 : i32
    %dma_wait3A_738 = tpu.memref_slice %arg4[%dma_wait3A_736, %dma_wait3A_737] : memref<32x1000000xf32, #tpu.memory_space<hbm>> -> memref<32x128xf32, #tpu.memory_space<hbm>>
    tpu.wait_dma2 semaphore(%arg22 : memref<!tpu.dma_semaphore, #tpu.memory_space<semaphore_mem>>) src(%dma_wait3A_738 : memref<32x128xf32, #tpu.memory_space<hbm>>) dst(%dma_wait3A_735 : memref<32x128xf32, #tpu.memory_space<vmem>>)
    %dma_wait3A_739 = arith.constant 0 : i32
    %dma_wait3A_740 = arith.constant 640 : i32
    %dma_wait3A_741 = tpu.memref_slice %arg12[%dma_wait3A_739, %dma_wait3A_740] : memref<32x1024xf32, #tpu.memory_space<vmem>> -> memref<32x128xf32, #tpu.memory_space<vmem>>
    %dma_wait3A_742 = arith.constant 0 : i32
    %dma_wait3A_743 = arith.constant 0 : i32
    %dma_wait3A_744 = tpu.memref_slice %arg5[%dma_wait3A_742, %dma_wait3A_743] : memref<32x1000000xf32, #tpu.memory_space<hbm>> -> memref<32x128xf32, #tpu.memory_space<hbm>>
    %dma_wait3A_745 = arith.constant 0 : i32
    %dma_wait3A_746 = arith.constant 640 : i32
    %dma_wait3A_747 = tpu.memref_slice %arg12[%dma_wait3A_745, %dma_wait3A_746] : memref<32x1024xf32, #tpu.memory_space<vmem>> -> memref<32x128xf32, #tpu.memory_space<vmem>>
    %dma_wait3A_748 = arith.constant 0 : i32
    %dma_wait3A_749 = arith.constant 0 : i32
    %dma_wait3A_750 = tpu.memref_slice %arg5[%dma_wait3A_748, %dma_wait3A_749] : memref<32x1000000xf32, #tpu.memory_space<hbm>> -> memref<32x128xf32, #tpu.memory_space<hbm>>
    tpu.wait_dma2 semaphore(%arg22 : memref<!tpu.dma_semaphore, #tpu.memory_space<semaphore_mem>>) src(%dma_wait3A_750 : memref<32x128xf32, #tpu.memory_space<hbm>>) dst(%dma_wait3A_747 : memref<32x128xf32, #tpu.memory_space<vmem>>)
    %slice3A_751 = vector.extract_strided_slice %min3A_235 {offsets = [5], sizes = [1], strides = [1]} : vector<16xi32> to vector<1xi32>
    %squeeze3A_752 = vector.extract %slice3A_751[0] : i32 from vector<1xi32>
    %add3A_753 = arith.constant 640 : i32
    %add3A_754 = arith.addi %add3A_753, %squeeze3A_752 : i32
    %broadcast_in_dim3A_755 = vector.broadcast %add3A_754 : i32 to vector<16xi32>
    %slice3A_756 = vector.extract_strided_slice %min3A_239 {offsets = [5], sizes = [1], strides = [1]} : vector<16xi32> to vector<1xi32>
    %squeeze3A_757 = vector.extract %slice3A_756[0] : i32 from vector<1xi32>
    %add3A_758 = arith.constant 640 : i32
    %add3A_759 = arith.addi %add3A_758, %squeeze3A_757 : i32
    %broadcast_in_dim3A_760 = vector.broadcast %add3A_759 : i32 to vector<16xi32>
    %slice3A_761 = vector.extract_strided_slice %max3A_244 {offsets = [5], sizes = [1], strides = [1]} : vector<16xi32> to vector<1xi32>
    %squeeze3A_762 = vector.extract %slice3A_761[0] : i32 from vector<1xi32>
    %broadcast_in_dim3A_763 = vector.broadcast %squeeze3A_762 : i32 to vector<16xi32>
    %slice3A_764 = vector.extract_strided_slice %max3A_250 {offsets = [5], sizes = [1], strides = [1]} : vector<16xi32> to vector<1xi32>
    %squeeze3A_765 = vector.extract %slice3A_764[0] : i32 from vector<1xi32>
    %broadcast_in_dim3A_766 = vector.broadcast %squeeze3A_765 : i32 to vector<16xi32>
    %slice3A_767 = vector.extract_strided_slice %convert_element_type3A {offsets = [5], sizes = [1], strides = [1]} : vector<16xi32> to vector<1xi32>
    %squeeze3A_768 = vector.extract %slice3A_767[0] : i32 from vector<1xi32>
    %broadcast_in_dim3A_769 = vector.broadcast %squeeze3A_768 : i32 to vector<16xi32>
    %gt3A_770 = arith.constant 0 : i32
    %gt3A_771 = vector.broadcast %gt3A_770 : i32 to vector<16xi32>
    %gt3A_772 = arith.cmpi sgt, %broadcast_in_dim3A_769, %gt3A_771 : vector<16xi32>
    %gather3A_773 = tpu.vector_load_idx %arg11[%iota3A_216, %broadcast_in_dim3A_755] : memref<32x1024xf32, #tpu.memory_space<vmem>>[vector<16xi32>, vector<16xi32>], vector<16xf32>,
    %gather3A_774 = tpu.vector_load_idx %arg11[%add3A_219, %broadcast_in_dim3A_755] : memref<32x1024xf32, #tpu.memory_space<vmem>>[vector<16xi32>, vector<16xi32>], vector<16xf32>,
    %gather3A_775 = tpu.vector_load_idx %arg13[%iota3A_216, %broadcast_in_dim3A_763] : memref<32x128xf32, #tpu.memory_space<vmem>>[vector<16xi32>, vector<16xi32>], vector<16xf32>,
    %gather3A_776 = tpu.vector_load_idx %arg13[%add3A_219, %broadcast_in_dim3A_763] : memref<32x128xf32, #tpu.memory_space<vmem>>[vector<16xi32>, vector<16xi32>], vector<16xf32>,
    %select_n3A_777 = arith.select %gt3A_772, %gather3A_775, %gather3A_773 : vector<16xi1>, vector<16xf32>
    %select_n3A_778 = arith.select %gt3A_772, %gather3A_776, %gather3A_774 : vector<16xi1>, vector<16xf32>
    %slice3A_779 = vector.extract_strided_slice %convert_element_type3A_256 {offsets = [5], sizes = [1], strides = [1]} : vector<16xi32> to vector<1xi32>
    %squeeze3A_780 = vector.extract %slice3A_779[0] : i32 from vector<1xi32>
    %broadcast_in_dim3A_781 = vector.broadcast %squeeze3A_780 : i32 to vector<16xi32>
    %gt3A_782 = arith.constant 0 : i32
    %gt3A_783 = vector.broadcast %gt3A_782 : i32 to vector<16xi32>
    %gt3A_784 = arith.cmpi sgt, %broadcast_in_dim3A_781, %gt3A_783 : vector<16xi32>
    %gather3A_785 = tpu.vector_load_idx %arg12[%iota3A_216, %broadcast_in_dim3A_760] : memref<32x1024xf32, #tpu.memory_space<vmem>>[vector<16xi32>, vector<16xi32>], vector<16xf32>,
    %gather3A_786 = tpu.vector_load_idx %arg12[%add3A_219, %broadcast_in_dim3A_760] : memref<32x1024xf32, #tpu.memory_space<vmem>>[vector<16xi32>, vector<16xi32>], vector<16xf32>,
    %gather3A_787 = tpu.vector_load_idx %arg14[%iota3A_216, %broadcast_in_dim3A_766] : memref<32x128xf32, #tpu.memory_space<vmem>>[vector<16xi32>, vector<16xi32>], vector<16xf32>,
    %gather3A_788 = tpu.vector_load_idx %arg14[%add3A_219, %broadcast_in_dim3A_766] : memref<32x128xf32, #tpu.memory_space<vmem>>[vector<16xi32>, vector<16xi32>], vector<16xf32>,
    %select_n3A_789 = arith.select %gt3A_784, %gather3A_787, %gather3A_785 : vector<16xi1>, vector<16xf32>
    %select_n3A_790 = arith.select %gt3A_784, %gather3A_788, %gather3A_786 : vector<16xi1>, vector<16xf32>
    %mul3A_791 = arith.mulf %select_n3A_777, %select_n3A_789 : vector<16xf32>
    %mul3A_792 = arith.mulf %select_n3A_778, %select_n3A_790 : vector<16xf32>
    %add3A_793 = arith.addf %mul3A_791, %mul3A_792 : vector<16xf32>
    %swap3A_794 = arith.constant 80 : index
    %swap3A_795 = tpu.vector_load %arg16[%swap3A_794] {strides = array<i32>} : memref<256xf32, #tpu.memory_space<vmem>>, vector<16xf32>,
    tpu.vector_store %arg16[%swap3A_794], %add3A_793 {strides = array<i32>} : memref<256xf32, #tpu.memory_space<vmem>>, vector<16xf32>,
    %slice3A_796 = vector.extract_strided_slice %min3A_230 {offsets = [13], sizes = [1], strides = [1]} : vector<16xi32> to vector<1xi32>
    %squeeze3A_797 = vector.extract %slice3A_796[0] : i32 from vector<1xi32>
    %slice3A_798 = vector.extract_strided_slice %min3A_232 {offsets = [13], sizes = [1], strides = [1]} : vector<16xi32> to vector<1xi32>
    %squeeze3A_799 = vector.extract %slice3A_798[0] : i32 from vector<1xi32>
    %multiple_of3A_800 = tpu.assume_multiple %squeeze3A_797, 128 : i32
    %dma_start3A_801 = arith.constant 0 : i32
    %dma_start3A_802 = arith.constant 640 : i32
    %dma_start3A_803 = tpu.memref_slice %arg11[%dma_start3A_801, %dma_start3A_802] : memref<32x1024xf32, #tpu.memory_space<vmem>> -> memref<32x128xf32, #tpu.memory_space<vmem>>
    %dma_start3A_804 = arith.constant 0 : i32
    %dma_start3A_805 = tpu.memref_slice %arg4[%dma_start3A_804, %multiple_of3A_800] : memref<32x1000000xf32, #tpu.memory_space<hbm>> -> memref<32x128xf32, #tpu.memory_space<hbm>>
    %dma_start3A_806 = arith.constant 0 : i32
    %dma_start3A_807 = arith.constant 640 : i32
    %dma_start3A_808 = tpu.memref_slice %arg11[%dma_start3A_806, %dma_start3A_807] : memref<32x1024xf32, #tpu.memory_space<vmem>> -> memref<32x128xf32, #tpu.memory_space<vmem>>
    %dma_start3A_809 = arith.constant 0 : i32
    %dma_start3A_810 = tpu.memref_slice %arg4[%dma_start3A_809, %multiple_of3A_800] : memref<32x1000000xf32, #tpu.memory_space<hbm>> -> memref<32x128xf32, #tpu.memory_space<hbm>>
    tpu.enqueue_dma source(%dma_start3A_810 : memref<32x128xf32, #tpu.memory_space<hbm>>) target(%dma_start3A_808 : memref<32x128xf32, #tpu.memory_space<vmem>>) target_semaphore(%arg22 : memref<!tpu.dma_semaphore, #tpu.memory_space<semaphore_mem>>)
    %multiple_of3A_811 = tpu.assume_multiple %squeeze3A_799, 128 : i32
    %dma_start3A_812 = arith.constant 0 : i32
    %dma_start3A_813 = arith.constant 640 : i32
    %dma_start3A_814 = tpu.memref_slice %arg12[%dma_start3A_812, %dma_start3A_813] : memref<32x1024xf32, #tpu.memory_space<vmem>> -> memref<32x128xf32, #tpu.memory_space<vmem>>
    %dma_start3A_815 = arith.constant 0 : i32
    %dma_start3A_816 = tpu.memref_slice %arg5[%dma_start3A_815, %multiple_of3A_811] : memref<32x1000000xf32, #tpu.memory_space<hbm>> -> memref<32x128xf32, #tpu.memory_space<hbm>>
    %dma_start3A_817 = arith.constant 0 : i32
    %dma_start3A_818 = arith.constant 640 : i32
    %dma_start3A_819 = tpu.memref_slice %arg12[%dma_start3A_817, %dma_start3A_818] : memref<32x1024xf32, #tpu.memory_space<vmem>> -> memref<32x128xf32, #tpu.memory_space<vmem>>
    %dma_start3A_820 = arith.constant 0 : i32
    %dma_start3A_821 = tpu.memref_slice %arg5[%dma_start3A_820, %multiple_of3A_811] : memref<32x1000000xf32, #tpu.memory_space<hbm>> -> memref<32x128xf32, #tpu.memory_space<hbm>>
    tpu.enqueue_dma source(%dma_start3A_821 : memref<32x128xf32, #tpu.memory_space<hbm>>) target(%dma_start3A_819 : memref<32x128xf32, #tpu.memory_space<vmem>>) target_semaphore(%arg22 : memref<!tpu.dma_semaphore, #tpu.memory_space<semaphore_mem>>)
    %dma_wait3A_822 = arith.constant 0 : i32
    %dma_wait3A_823 = arith.constant 768 : i32
    %dma_wait3A_824 = tpu.memref_slice %arg11[%dma_wait3A_822, %dma_wait3A_823] : memref<32x1024xf32, #tpu.memory_space<vmem>> -> memref<32x128xf32, #tpu.memory_space<vmem>>
    %dma_wait3A_825 = arith.constant 0 : i32
    %dma_wait3A_826 = arith.constant 0 : i32
    %dma_wait3A_827 = tpu.memref_slice %arg4[%dma_wait3A_825, %dma_wait3A_826] : memref<32x1000000xf32, #tpu.memory_space<hbm>> -> memref<32x128xf32, #tpu.memory_space<hbm>>
    %dma_wait3A_828 = arith.constant 0 : i32
    %dma_wait3A_829 = arith.constant 768 : i32
    %dma_wait3A_830 = tpu.memref_slice %arg11[%dma_wait3A_828, %dma_wait3A_829] : memref<32x1024xf32, #tpu.memory_space<vmem>> -> memref<32x128xf32, #tpu.memory_space<vmem>>
    %dma_wait3A_831 = arith.constant 0 : i32
    %dma_wait3A_832 = arith.constant 0 : i32
    %dma_wait3A_833 = tpu.memref_slice %arg4[%dma_wait3A_831, %dma_wait3A_832] : memref<32x1000000xf32, #tpu.memory_space<hbm>> -> memref<32x128xf32, #tpu.memory_space<hbm>>
    tpu.wait_dma2 semaphore(%arg23 : memref<!tpu.dma_semaphore, #tpu.memory_space<semaphore_mem>>) src(%dma_wait3A_833 : memref<32x128xf32, #tpu.memory_space<hbm>>) dst(%dma_wait3A_830 : memref<32x128xf32, #tpu.memory_space<vmem>>)
    %dma_wait3A_834 = arith.constant 0 : i32
    %dma_wait3A_835 = arith.constant 768 : i32
    %dma_wait3A_836 = tpu.memref_slice %arg12[%dma_wait3A_834, %dma_wait3A_835] : memref<32x1024xf32, #tpu.memory_space<vmem>> -> memref<32x128xf32, #tpu.memory_space<vmem>>
    %dma_wait3A_837 = arith.constant 0 : i32
    %dma_wait3A_838 = arith.constant 0 : i32
    %dma_wait3A_839 = tpu.memref_slice %arg5[%dma_wait3A_837, %dma_wait3A_838] : memref<32x1000000xf32, #tpu.memory_space<hbm>> -> memref<32x128xf32, #tpu.memory_space<hbm>>
    %dma_wait3A_840 = arith.constant 0 : i32
    %dma_wait3A_841 = arith.constant 768 : i32
    %dma_wait3A_842 = tpu.memref_slice %arg12[%dma_wait3A_840, %dma_wait3A_841] : memref<32x1024xf32, #tpu.memory_space<vmem>> -> memref<32x128xf32, #tpu.memory_space<vmem>>
    %dma_wait3A_843 = arith.constant 0 : i32
    %dma_wait3A_844 = arith.constant 0 : i32
    %dma_wait3A_845 = tpu.memref_slice %arg5[%dma_wait3A_843, %dma_wait3A_844] : memref<32x1000000xf32, #tpu.memory_space<hbm>> -> memref<32x128xf32, #tpu.memory_space<hbm>>
    tpu.wait_dma2 semaphore(%arg23 : memref<!tpu.dma_semaphore, #tpu.memory_space<semaphore_mem>>) src(%dma_wait3A_845 : memref<32x128xf32, #tpu.memory_space<hbm>>) dst(%dma_wait3A_842 : memref<32x128xf32, #tpu.memory_space<vmem>>)
    %slice3A_846 = vector.extract_strided_slice %min3A_235 {offsets = [6], sizes = [1], strides = [1]} : vector<16xi32> to vector<1xi32>
    %squeeze3A_847 = vector.extract %slice3A_846[0] : i32 from vector<1xi32>
    %add3A_848 = arith.constant 768 : i32
    %add3A_849 = arith.addi %add3A_848, %squeeze3A_847 : i32
    %broadcast_in_dim3A_850 = vector.broadcast %add3A_849 : i32 to vector<16xi32>
    %slice3A_851 = vector.extract_strided_slice %min3A_239 {offsets = [6], sizes = [1], strides = [1]} : vector<16xi32> to vector<1xi32>
    %squeeze3A_852 = vector.extract %slice3A_851[0] : i32 from vector<1xi32>
    %add3A_853 = arith.constant 768 : i32
    %add3A_854 = arith.addi %add3A_853, %squeeze3A_852 : i32
    %broadcast_in_dim3A_855 = vector.broadcast %add3A_854 : i32 to vector<16xi32>
    %slice3A_856 = vector.extract_strided_slice %max3A_244 {offsets = [6], sizes = [1], strides = [1]} : vector<16xi32> to vector<1xi32>
    %squeeze3A_857 = vector.extract %slice3A_856[0] : i32 from vector<1xi32>
    %broadcast_in_dim3A_858 = vector.broadcast %squeeze3A_857 : i32 to vector<16xi32>
    %slice3A_859 = vector.extract_strided_slice %max3A_250 {offsets = [6], sizes = [1], strides = [1]} : vector<16xi32> to vector<1xi32>
    %squeeze3A_860 = vector.extract %slice3A_859[0] : i32 from vector<1xi32>
    %broadcast_in_dim3A_861 = vector.broadcast %squeeze3A_860 : i32 to vector<16xi32>
    %slice3A_862 = vector.extract_strided_slice %convert_element_type3A {offsets = [6], sizes = [1], strides = [1]} : vector<16xi32> to vector<1xi32>
    %squeeze3A_863 = vector.extract %slice3A_862[0] : i32 from vector<1xi32>
    %broadcast_in_dim3A_864 = vector.broadcast %squeeze3A_863 : i32 to vector<16xi32>
    %gt3A_865 = arith.constant 0 : i32
    %gt3A_866 = vector.broadcast %gt3A_865 : i32 to vector<16xi32>
    %gt3A_867 = arith.cmpi sgt, %broadcast_in_dim3A_864, %gt3A_866 : vector<16xi32>
    %gather3A_868 = tpu.vector_load_idx %arg11[%iota3A_216, %broadcast_in_dim3A_850] : memref<32x1024xf32, #tpu.memory_space<vmem>>[vector<16xi32>, vector<16xi32>], vector<16xf32>,
    %gather3A_869 = tpu.vector_load_idx %arg11[%add3A_219, %broadcast_in_dim3A_850] : memref<32x1024xf32, #tpu.memory_space<vmem>>[vector<16xi32>, vector<16xi32>], vector<16xf32>,
    %gather3A_870 = tpu.vector_load_idx %arg13[%iota3A_216, %broadcast_in_dim3A_858] : memref<32x128xf32, #tpu.memory_space<vmem>>[vector<16xi32>, vector<16xi32>], vector<16xf32>,
    %gather3A_871 = tpu.vector_load_idx %arg13[%add3A_219, %broadcast_in_dim3A_858] : memref<32x128xf32, #tpu.memory_space<vmem>>[vector<16xi32>, vector<16xi32>], vector<16xf32>,
    %select_n3A_872 = arith.select %gt3A_867, %gather3A_870, %gather3A_868 : vector<16xi1>, vector<16xf32>
    %select_n3A_873 = arith.select %gt3A_867, %gather3A_871, %gather3A_869 : vector<16xi1>, vector<16xf32>
    %slice3A_874 = vector.extract_strided_slice %convert_element_type3A_256 {offsets = [6], sizes = [1], strides = [1]} : vector<16xi32> to vector<1xi32>
    %squeeze3A_875 = vector.extract %slice3A_874[0] : i32 from vector<1xi32>
    %broadcast_in_dim3A_876 = vector.broadcast %squeeze3A_875 : i32 to vector<16xi32>
    %gt3A_877 = arith.constant 0 : i32
    %gt3A_878 = vector.broadcast %gt3A_877 : i32 to vector<16xi32>
    %gt3A_879 = arith.cmpi sgt, %broadcast_in_dim3A_876, %gt3A_878 : vector<16xi32>
    %gather3A_880 = tpu.vector_load_idx %arg12[%iota3A_216, %broadcast_in_dim3A_855] : memref<32x1024xf32, #tpu.memory_space<vmem>>[vector<16xi32>, vector<16xi32>], vector<16xf32>,
    %gather3A_881 = tpu.vector_load_idx %arg12[%add3A_219, %broadcast_in_dim3A_855] : memref<32x1024xf32, #tpu.memory_space<vmem>>[vector<16xi32>, vector<16xi32>], vector<16xf32>,
    %gather3A_882 = tpu.vector_load_idx %arg14[%iota3A_216, %broadcast_in_dim3A_861] : memref<32x128xf32, #tpu.memory_space<vmem>>[vector<16xi32>, vector<16xi32>], vector<16xf32>,
    %gather3A_883 = tpu.vector_load_idx %arg14[%add3A_219, %broadcast_in_dim3A_861] : memref<32x128xf32, #tpu.memory_space<vmem>>[vector<16xi32>, vector<16xi32>], vector<16xf32>,
    %select_n3A_884 = arith.select %gt3A_879, %gather3A_882, %gather3A_880 : vector<16xi1>, vector<16xf32>
    %select_n3A_885 = arith.select %gt3A_879, %gather3A_883, %gather3A_881 : vector<16xi1>, vector<16xf32>
    %mul3A_886 = arith.mulf %select_n3A_872, %select_n3A_884 : vector<16xf32>
    %mul3A_887 = arith.mulf %select_n3A_873, %select_n3A_885 : vector<16xf32>
    %add3A_888 = arith.addf %mul3A_886, %mul3A_887 : vector<16xf32>
    %swap3A_889 = arith.constant 96 : index
    %swap3A_890 = tpu.vector_load %arg16[%swap3A_889] {strides = array<i32>} : memref<256xf32, #tpu.memory_space<vmem>>, vector<16xf32>,
    tpu.vector_store %arg16[%swap3A_889], %add3A_888 {strides = array<i32>} : memref<256xf32, #tpu.memory_space<vmem>>, vector<16xf32>,
    %slice3A_891 = vector.extract_strided_slice %min3A_230 {offsets = [14], sizes = [1], strides = [1]} : vector<16xi32> to vector<1xi32>
    %squeeze3A_892 = vector.extract %slice3A_891[0] : i32 from vector<1xi32>
    %slice3A_893 = vector.extract_strided_slice %min3A_232 {offsets = [14], sizes = [1], strides = [1]} : vector<16xi32> to vector<1xi32>
    %squeeze3A_894 = vector.extract %slice3A_893[0] : i32 from vector<1xi32>
    %multiple_of3A_895 = tpu.assume_multiple %squeeze3A_892, 128 : i32
    %dma_start3A_896 = arith.constant 0 : i32
    %dma_start3A_897 = arith.constant 768 : i32
    %dma_start3A_898 = tpu.memref_slice %arg11[%dma_start3A_896, %dma_start3A_897] : memref<32x1024xf32, #tpu.memory_space<vmem>> -> memref<32x128xf32, #tpu.memory_space<vmem>>
    %dma_start3A_899 = arith.constant 0 : i32
    %dma_start3A_900 = tpu.memref_slice %arg4[%dma_start3A_899, %multiple_of3A_895] : memref<32x1000000xf32, #tpu.memory_space<hbm>> -> memref<32x128xf32, #tpu.memory_space<hbm>>
    %dma_start3A_901 = arith.constant 0 : i32
    %dma_start3A_902 = arith.constant 768 : i32
    %dma_start3A_903 = tpu.memref_slice %arg11[%dma_start3A_901, %dma_start3A_902] : memref<32x1024xf32, #tpu.memory_space<vmem>> -> memref<32x128xf32, #tpu.memory_space<vmem>>
    %dma_start3A_904 = arith.constant 0 : i32
    %dma_start3A_905 = tpu.memref_slice %arg4[%dma_start3A_904, %multiple_of3A_895] : memref<32x1000000xf32, #tpu.memory_space<hbm>> -> memref<32x128xf32, #tpu.memory_space<hbm>>
    tpu.enqueue_dma source(%dma_start3A_905 : memref<32x128xf32, #tpu.memory_space<hbm>>) target(%dma_start3A_903 : memref<32x128xf32, #tpu.memory_space<vmem>>) target_semaphore(%arg23 : memref<!tpu.dma_semaphore, #tpu.memory_space<semaphore_mem>>)
    %multiple_of3A_906 = tpu.assume_multiple %squeeze3A_894, 128 : i32
    %dma_start3A_907 = arith.constant 0 : i32
    %dma_start3A_908 = arith.constant 768 : i32
    %dma_start3A_909 = tpu.memref_slice %arg12[%dma_start3A_907, %dma_start3A_908] : memref<32x1024xf32, #tpu.memory_space<vmem>> -> memref<32x128xf32, #tpu.memory_space<vmem>>
    %dma_start3A_910 = arith.constant 0 : i32
    %dma_start3A_911 = tpu.memref_slice %arg5[%dma_start3A_910, %multiple_of3A_906] : memref<32x1000000xf32, #tpu.memory_space<hbm>> -> memref<32x128xf32, #tpu.memory_space<hbm>>
    %dma_start3A_912 = arith.constant 0 : i32
    %dma_start3A_913 = arith.constant 768 : i32
    %dma_start3A_914 = tpu.memref_slice %arg12[%dma_start3A_912, %dma_start3A_913] : memref<32x1024xf32, #tpu.memory_space<vmem>> -> memref<32x128xf32, #tpu.memory_space<vmem>>
    %dma_start3A_915 = arith.constant 0 : i32
    %dma_start3A_916 = tpu.memref_slice %arg5[%dma_start3A_915, %multiple_of3A_906] : memref<32x1000000xf32, #tpu.memory_space<hbm>> -> memref<32x128xf32, #tpu.memory_space<hbm>>
    tpu.enqueue_dma source(%dma_start3A_916 : memref<32x128xf32, #tpu.memory_space<hbm>>) target(%dma_start3A_914 : memref<32x128xf32, #tpu.memory_space<vmem>>) target_semaphore(%arg23 : memref<!tpu.dma_semaphore, #tpu.memory_space<semaphore_mem>>)
    %dma_wait3A_917 = arith.constant 0 : i32
    %dma_wait3A_918 = arith.constant 896 : i32
    %dma_wait3A_919 = tpu.memref_slice %arg11[%dma_wait3A_917, %dma_wait3A_918] : memref<32x1024xf32, #tpu.memory_space<vmem>> -> memref<32x128xf32, #tpu.memory_space<vmem>>
    %dma_wait3A_920 = arith.constant 0 : i32
    %dma_wait3A_921 = arith.constant 0 : i32
    %dma_wait3A_922 = tpu.memref_slice %arg4[%dma_wait3A_920, %dma_wait3A_921] : memref<32x1000000xf32, #tpu.memory_space<hbm>> -> memref<32x128xf32, #tpu.memory_space<hbm>>
    %dma_wait3A_923 = arith.constant 0 : i32
    %dma_wait3A_924 = arith.constant 896 : i32
    %dma_wait3A_925 = tpu.memref_slice %arg11[%dma_wait3A_923, %dma_wait3A_924] : memref<32x1024xf32, #tpu.memory_space<vmem>> -> memref<32x128xf32, #tpu.memory_space<vmem>>
    %dma_wait3A_926 = arith.constant 0 : i32
    %dma_wait3A_927 = arith.constant 0 : i32
    %dma_wait3A_928 = tpu.memref_slice %arg4[%dma_wait3A_926, %dma_wait3A_927] : memref<32x1000000xf32, #tpu.memory_space<hbm>> -> memref<32x128xf32, #tpu.memory_space<hbm>>
    tpu.wait_dma2 semaphore(%arg24 : memref<!tpu.dma_semaphore, #tpu.memory_space<semaphore_mem>>) src(%dma_wait3A_928 : memref<32x128xf32, #tpu.memory_space<hbm>>) dst(%dma_wait3A_925 : memref<32x128xf32, #tpu.memory_space<vmem>>)
    %dma_wait3A_929 = arith.constant 0 : i32
    %dma_wait3A_930 = arith.constant 896 : i32
    %dma_wait3A_931 = tpu.memref_slice %arg12[%dma_wait3A_929, %dma_wait3A_930] : memref<32x1024xf32, #tpu.memory_space<vmem>> -> memref<32x128xf32, #tpu.memory_space<vmem>>
    %dma_wait3A_932 = arith.constant 0 : i32
    %dma_wait3A_933 = arith.constant 0 : i32
    %dma_wait3A_934 = tpu.memref_slice %arg5[%dma_wait3A_932, %dma_wait3A_933] : memref<32x1000000xf32, #tpu.memory_space<hbm>> -> memref<32x128xf32, #tpu.memory_space<hbm>>
    %dma_wait3A_935 = arith.constant 0 : i32
    %dma_wait3A_936 = arith.constant 896 : i32
    %dma_wait3A_937 = tpu.memref_slice %arg12[%dma_wait3A_935, %dma_wait3A_936] : memref<32x1024xf32, #tpu.memory_space<vmem>> -> memref<32x128xf32, #tpu.memory_space<vmem>>
    %dma_wait3A_938 = arith.constant 0 : i32
    %dma_wait3A_939 = arith.constant 0 : i32
    %dma_wait3A_940 = tpu.memref_slice %arg5[%dma_wait3A_938, %dma_wait3A_939] : memref<32x1000000xf32, #tpu.memory_space<hbm>> -> memref<32x128xf32, #tpu.memory_space<hbm>>
    tpu.wait_dma2 semaphore(%arg24 : memref<!tpu.dma_semaphore, #tpu.memory_space<semaphore_mem>>) src(%dma_wait3A_940 : memref<32x128xf32, #tpu.memory_space<hbm>>) dst(%dma_wait3A_937 : memref<32x128xf32, #tpu.memory_space<vmem>>)
    %slice3A_941 = vector.extract_strided_slice %min3A_235 {offsets = [7], sizes = [1], strides = [1]} : vector<16xi32> to vector<1xi32>
    %squeeze3A_942 = vector.extract %slice3A_941[0] : i32 from vector<1xi32>
    %add3A_943 = arith.constant 896 : i32
    %add3A_944 = arith.addi %add3A_943, %squeeze3A_942 : i32
    %broadcast_in_dim3A_945 = vector.broadcast %add3A_944 : i32 to vector<16xi32>
    %slice3A_946 = vector.extract_strided_slice %min3A_239 {offsets = [7], sizes = [1], strides = [1]} : vector<16xi32> to vector<1xi32>
    %squeeze3A_947 = vector.extract %slice3A_946[0] : i32 from vector<1xi32>
    %add3A_948 = arith.constant 896 : i32
    %add3A_949 = arith.addi %add3A_948, %squeeze3A_947 : i32
    %broadcast_in_dim3A_950 = vector.broadcast %add3A_949 : i32 to vector<16xi32>
    %slice3A_951 = vector.extract_strided_slice %max3A_244 {offsets = [7], sizes = [1], strides = [1]} : vector<16xi32> to vector<1xi32>
    %squeeze3A_952 = vector.extract %slice3A_951[0] : i32 from vector<1xi32>
    %broadcast_in_dim3A_953 = vector.broadcast %squeeze3A_952 : i32 to vector<16xi32>
    %slice3A_954 = vector.extract_strided_slice %max3A_250 {offsets = [7], sizes = [1], strides = [1]} : vector<16xi32> to vector<1xi32>
    %squeeze3A_955 = vector.extract %slice3A_954[0] : i32 from vector<1xi32>
    %broadcast_in_dim3A_956 = vector.broadcast %squeeze3A_955 : i32 to vector<16xi32>
    %slice3A_957 = vector.extract_strided_slice %convert_element_type3A {offsets = [7], sizes = [1], strides = [1]} : vector<16xi32> to vector<1xi32>
    %squeeze3A_958 = vector.extract %slice3A_957[0] : i32 from vector<1xi32>
    %broadcast_in_dim3A_959 = vector.broadcast %squeeze3A_958 : i32 to vector<16xi32>
    %gt3A_960 = arith.constant 0 : i32
    %gt3A_961 = vector.broadcast %gt3A_960 : i32 to vector<16xi32>
    %gt3A_962 = arith.cmpi sgt, %broadcast_in_dim3A_959, %gt3A_961 : vector<16xi32>
    %gather3A_963 = tpu.vector_load_idx %arg11[%iota3A_216, %broadcast_in_dim3A_945] : memref<32x1024xf32, #tpu.memory_space<vmem>>[vector<16xi32>, vector<16xi32>], vector<16xf32>,
    %gather3A_964 = tpu.vector_load_idx %arg11[%add3A_219, %broadcast_in_dim3A_945] : memref<32x1024xf32, #tpu.memory_space<vmem>>[vector<16xi32>, vector<16xi32>], vector<16xf32>,
    %gather3A_965 = tpu.vector_load_idx %arg13[%iota3A_216, %broadcast_in_dim3A_953] : memref<32x128xf32, #tpu.memory_space<vmem>>[vector<16xi32>, vector<16xi32>], vector<16xf32>,
    %gather3A_966 = tpu.vector_load_idx %arg13[%add3A_219, %broadcast_in_dim3A_953] : memref<32x128xf32, #tpu.memory_space<vmem>>[vector<16xi32>, vector<16xi32>], vector<16xf32>,
    %select_n3A_967 = arith.select %gt3A_962, %gather3A_965, %gather3A_963 : vector<16xi1>, vector<16xf32>
    %select_n3A_968 = arith.select %gt3A_962, %gather3A_966, %gather3A_964 : vector<16xi1>, vector<16xf32>
    %slice3A_969 = vector.extract_strided_slice %convert_element_type3A_256 {offsets = [7], sizes = [1], strides = [1]} : vector<16xi32> to vector<1xi32>
    %squeeze3A_970 = vector.extract %slice3A_969[0] : i32 from vector<1xi32>
    %broadcast_in_dim3A_971 = vector.broadcast %squeeze3A_970 : i32 to vector<16xi32>
    %gt3A_972 = arith.constant 0 : i32
    %gt3A_973 = vector.broadcast %gt3A_972 : i32 to vector<16xi32>
    %gt3A_974 = arith.cmpi sgt, %broadcast_in_dim3A_971, %gt3A_973 : vector<16xi32>
    %gather3A_975 = tpu.vector_load_idx %arg12[%iota3A_216, %broadcast_in_dim3A_950] : memref<32x1024xf32, #tpu.memory_space<vmem>>[vector<16xi32>, vector<16xi32>], vector<16xf32>,
    %gather3A_976 = tpu.vector_load_idx %arg12[%add3A_219, %broadcast_in_dim3A_950] : memref<32x1024xf32, #tpu.memory_space<vmem>>[vector<16xi32>, vector<16xi32>], vector<16xf32>,
    %gather3A_977 = tpu.vector_load_idx %arg14[%iota3A_216, %broadcast_in_dim3A_956] : memref<32x128xf32, #tpu.memory_space<vmem>>[vector<16xi32>, vector<16xi32>], vector<16xf32>,
    %gather3A_978 = tpu.vector_load_idx %arg14[%add3A_219, %broadcast_in_dim3A_956] : memref<32x128xf32, #tpu.memory_space<vmem>>[vector<16xi32>, vector<16xi32>], vector<16xf32>,
    %select_n3A_979 = arith.select %gt3A_974, %gather3A_977, %gather3A_975 : vector<16xi1>, vector<16xf32>
    %select_n3A_980 = arith.select %gt3A_974, %gather3A_978, %gather3A_976 : vector<16xi1>, vector<16xf32>
    %mul3A_981 = arith.mulf %select_n3A_967, %select_n3A_979 : vector<16xf32>
    %mul3A_982 = arith.mulf %select_n3A_968, %select_n3A_980 : vector<16xf32>
    %add3A_983 = arith.addf %mul3A_981, %mul3A_982 : vector<16xf32>
    %swap3A_984 = arith.constant 112 : index
    %swap3A_985 = tpu.vector_load %arg16[%swap3A_984] {strides = array<i32>} : memref<256xf32, #tpu.memory_space<vmem>>, vector<16xf32>,
    tpu.vector_store %arg16[%swap3A_984], %add3A_983 {strides = array<i32>} : memref<256xf32, #tpu.memory_space<vmem>>, vector<16xf32>,
    %slice3A_986 = vector.extract_strided_slice %min3A_230 {offsets = [15], sizes = [1], strides = [1]} : vector<16xi32> to vector<1xi32>
    %squeeze3A_987 = vector.extract %slice3A_986[0] : i32 from vector<1xi32>
    %slice3A_988 = vector.extract_strided_slice %min3A_232 {offsets = [15], sizes = [1], strides = [1]} : vector<16xi32> to vector<1xi32>
    %squeeze3A_989 = vector.extract %slice3A_988[0] : i32 from vector<1xi32>
    %multiple_of3A_990 = tpu.assume_multiple %squeeze3A_987, 128 : i32
    %dma_start3A_991 = arith.constant 0 : i32
    %dma_start3A_992 = arith.constant 896 : i32
    %dma_start3A_993 = tpu.memref_slice %arg11[%dma_start3A_991, %dma_start3A_992] : memref<32x1024xf32, #tpu.memory_space<vmem>> -> memref<32x128xf32, #tpu.memory_space<vmem>>
    %dma_start3A_994 = arith.constant 0 : i32
    %dma_start3A_995 = tpu.memref_slice %arg4[%dma_start3A_994, %multiple_of3A_990] : memref<32x1000000xf32, #tpu.memory_space<hbm>> -> memref<32x128xf32, #tpu.memory_space<hbm>>
    %dma_start3A_996 = arith.constant 0 : i32
    %dma_start3A_997 = arith.constant 896 : i32
    %dma_start3A_998 = tpu.memref_slice %arg11[%dma_start3A_996, %dma_start3A_997] : memref<32x1024xf32, #tpu.memory_space<vmem>> -> memref<32x128xf32, #tpu.memory_space<vmem>>
    %dma_start3A_999 = arith.constant 0 : i32
    %dma_start3A_1000 = tpu.memref_slice %arg4[%dma_start3A_999, %multiple_of3A_990] : memref<32x1000000xf32, #tpu.memory_space<hbm>> -> memref<32x128xf32, #tpu.memory_space<hbm>>
    tpu.enqueue_dma source(%dma_start3A_1000 : memref<32x128xf32, #tpu.memory_space<hbm>>) target(%dma_start3A_998 : memref<32x128xf32, #tpu.memory_space<vmem>>) target_semaphore(%arg24 : memref<!tpu.dma_semaphore, #tpu.memory_space<semaphore_mem>>)
    %multiple_of3A_1001 = tpu.assume_multiple %squeeze3A_989, 128 : i32
    %dma_start3A_1002 = arith.constant 0 : i32
    %dma_start3A_1003 = arith.constant 896 : i32
    %dma_start3A_1004 = tpu.memref_slice %arg12[%dma_start3A_1002, %dma_start3A_1003] : memref<32x1024xf32, #tpu.memory_space<vmem>> -> memref<32x128xf32, #tpu.memory_space<vmem>>
    %dma_start3A_1005 = arith.constant 0 : i32
    %dma_start3A_1006 = tpu.memref_slice %arg5[%dma_start3A_1005, %multiple_of3A_1001] : memref<32x1000000xf32, #tpu.memory_space<hbm>> -> memref<32x128xf32, #tpu.memory_space<hbm>>
    %dma_start3A_1007 = arith.constant 0 : i32
    %dma_start3A_1008 = arith.constant 896 : i32
    %dma_start3A_1009 = tpu.memref_slice %arg12[%dma_start3A_1007, %dma_start3A_1008] : memref<32x1024xf32, #tpu.memory_space<vmem>> -> memref<32x128xf32, #tpu.memory_space<vmem>>
    %dma_start3A_1010 = arith.constant 0 : i32
    %dma_start3A_1011 = tpu.memref_slice %arg5[%dma_start3A_1010, %multiple_of3A_1001] : memref<32x1000000xf32, #tpu.memory_space<hbm>> -> memref<32x128xf32, #tpu.memory_space<hbm>>
    tpu.enqueue_dma source(%dma_start3A_1011 : memref<32x128xf32, #tpu.memory_space<hbm>>) target(%dma_start3A_1009 : memref<32x128xf32, #tpu.memory_space<vmem>>) target_semaphore(%arg24 : memref<!tpu.dma_semaphore, #tpu.memory_space<semaphore_mem>>)
    %dma_wait3A_1012 = arith.constant 0 : i32
    %dma_wait3A_1013 = arith.constant 0 : i32
    %dma_wait3A_1014 = tpu.memref_slice %arg11[%dma_wait3A_1012, %dma_wait3A_1013] : memref<32x1024xf32, #tpu.memory_space<vmem>> -> memref<32x128xf32, #tpu.memory_space<vmem>>
    %dma_wait3A_1015 = arith.constant 0 : i32
    %dma_wait3A_1016 = arith.constant 0 : i32
    %dma_wait3A_1017 = tpu.memref_slice %arg4[%dma_wait3A_1015, %dma_wait3A_1016] : memref<32x1000000xf32, #tpu.memory_space<hbm>> -> memref<32x128xf32, #tpu.memory_space<hbm>>
    %dma_wait3A_1018 = arith.constant 0 : i32
    %dma_wait3A_1019 = arith.constant 0 : i32
    %dma_wait3A_1020 = tpu.memref_slice %arg11[%dma_wait3A_1018, %dma_wait3A_1019] : memref<32x1024xf32, #tpu.memory_space<vmem>> -> memref<32x128xf32, #tpu.memory_space<vmem>>
    %dma_wait3A_1021 = arith.constant 0 : i32
    %dma_wait3A_1022 = arith.constant 0 : i32
    %dma_wait3A_1023 = tpu.memref_slice %arg4[%dma_wait3A_1021, %dma_wait3A_1022] : memref<32x1000000xf32, #tpu.memory_space<hbm>> -> memref<32x128xf32, #tpu.memory_space<hbm>>
    tpu.wait_dma2 semaphore(%arg17 : memref<!tpu.dma_semaphore, #tpu.memory_space<semaphore_mem>>) src(%dma_wait3A_1023 : memref<32x128xf32, #tpu.memory_space<hbm>>) dst(%dma_wait3A_1020 : memref<32x128xf32, #tpu.memory_space<vmem>>)
    %dma_wait3A_1024 = arith.constant 0 : i32
    %dma_wait3A_1025 = arith.constant 0 : i32
    %dma_wait3A_1026 = tpu.memref_slice %arg12[%dma_wait3A_1024, %dma_wait3A_1025] : memref<32x1024xf32, #tpu.memory_space<vmem>> -> memref<32x128xf32, #tpu.memory_space<vmem>>
    %dma_wait3A_1027 = arith.constant 0 : i32
    %dma_wait3A_1028 = arith.constant 0 : i32
    %dma_wait3A_1029 = tpu.memref_slice %arg5[%dma_wait3A_1027, %dma_wait3A_1028] : memref<32x1000000xf32, #tpu.memory_space<hbm>> -> memref<32x128xf32, #tpu.memory_space<hbm>>
    %dma_wait3A_1030 = arith.constant 0 : i32
    %dma_wait3A_1031 = arith.constant 0 : i32
    %dma_wait3A_1032 = tpu.memref_slice %arg12[%dma_wait3A_1030, %dma_wait3A_1031] : memref<32x1024xf32, #tpu.memory_space<vmem>> -> memref<32x128xf32, #tpu.memory_space<vmem>>
    %dma_wait3A_1033 = arith.constant 0 : i32
    %dma_wait3A_1034 = arith.constant 0 : i32
    %dma_wait3A_1035 = tpu.memref_slice %arg5[%dma_wait3A_1033, %dma_wait3A_1034] : memref<32x1000000xf32, #tpu.memory_space<hbm>> -> memref<32x128xf32, #tpu.memory_space<hbm>>
    tpu.wait_dma2 semaphore(%arg17 : memref<!tpu.dma_semaphore, #tpu.memory_space<semaphore_mem>>) src(%dma_wait3A_1035 : memref<32x128xf32, #tpu.memory_space<hbm>>) dst(%dma_wait3A_1032 : memref<32x128xf32, #tpu.memory_space<vmem>>)
    %slice3A_1036 = vector.extract_strided_slice %min3A_235 {offsets = [8], sizes = [1], strides = [1]} : vector<16xi32> to vector<1xi32>
    %squeeze3A_1037 = vector.extract %slice3A_1036[0] : i32 from vector<1xi32>
    %add3A_1038 = arith.constant 0 : i32
    %add3A_1039 = arith.addi %add3A_1038, %squeeze3A_1037 : i32
    %broadcast_in_dim3A_1040 = vector.broadcast %add3A_1039 : i32 to vector<16xi32>
    %slice3A_1041 = vector.extract_strided_slice %min3A_239 {offsets = [8], sizes = [1], strides = [1]} : vector<16xi32> to vector<1xi32>
    %squeeze3A_1042 = vector.extract %slice3A_1041[0] : i32 from vector<1xi32>
    %add3A_1043 = arith.constant 0 : i32
    %add3A_1044 = arith.addi %add3A_1043, %squeeze3A_1042 : i32
    %broadcast_in_dim3A_1045 = vector.broadcast %add3A_1044 : i32 to vector<16xi32>
    %slice3A_1046 = vector.extract_strided_slice %max3A_244 {offsets = [8], sizes = [1], strides = [1]} : vector<16xi32> to vector<1xi32>
    %squeeze3A_1047 = vector.extract %slice3A_1046[0] : i32 from vector<1xi32>
    %broadcast_in_dim3A_1048 = vector.broadcast %squeeze3A_1047 : i32 to vector<16xi32>
    %slice3A_1049 = vector.extract_strided_slice %max3A_250 {offsets = [8], sizes = [1], strides = [1]} : vector<16xi32> to vector<1xi32>
    %squeeze3A_1050 = vector.extract %slice3A_1049[0] : i32 from vector<1xi32>
    %broadcast_in_dim3A_1051 = vector.broadcast %squeeze3A_1050 : i32 to vector<16xi32>
    %slice3A_1052 = vector.extract_strided_slice %convert_element_type3A {offsets = [8], sizes = [1], strides = [1]} : vector<16xi32> to vector<1xi32>
    %squeeze3A_1053 = vector.extract %slice3A_1052[0] : i32 from vector<1xi32>
    %broadcast_in_dim3A_1054 = vector.broadcast %squeeze3A_1053 : i32 to vector<16xi32>
    %gt3A_1055 = arith.constant 0 : i32
    %gt3A_1056 = vector.broadcast %gt3A_1055 : i32 to vector<16xi32>
    %gt3A_1057 = arith.cmpi sgt, %broadcast_in_dim3A_1054, %gt3A_1056 : vector<16xi32>
    %gather3A_1058 = tpu.vector_load_idx %arg11[%iota3A_216, %broadcast_in_dim3A_1040] : memref<32x1024xf32, #tpu.memory_space<vmem>>[vector<16xi32>, vector<16xi32>], vector<16xf32>,
    %gather3A_1059 = tpu.vector_load_idx %arg11[%add3A_219, %broadcast_in_dim3A_1040] : memref<32x1024xf32, #tpu.memory_space<vmem>>[vector<16xi32>, vector<16xi32>], vector<16xf32>,
    %gather3A_1060 = tpu.vector_load_idx %arg13[%iota3A_216, %broadcast_in_dim3A_1048] : memref<32x128xf32, #tpu.memory_space<vmem>>[vector<16xi32>, vector<16xi32>], vector<16xf32>,
    %gather3A_1061 = tpu.vector_load_idx %arg13[%add3A_219, %broadcast_in_dim3A_1048] : memref<32x128xf32, #tpu.memory_space<vmem>>[vector<16xi32>, vector<16xi32>], vector<16xf32>,
    %select_n3A_1062 = arith.select %gt3A_1057, %gather3A_1060, %gather3A_1058 : vector<16xi1>, vector<16xf32>
    %select_n3A_1063 = arith.select %gt3A_1057, %gather3A_1061, %gather3A_1059 : vector<16xi1>, vector<16xf32>
    %slice3A_1064 = vector.extract_strided_slice %convert_element_type3A_256 {offsets = [8], sizes = [1], strides = [1]} : vector<16xi32> to vector<1xi32>
    %squeeze3A_1065 = vector.extract %slice3A_1064[0] : i32 from vector<1xi32>
    %broadcast_in_dim3A_1066 = vector.broadcast %squeeze3A_1065 : i32 to vector<16xi32>
    %gt3A_1067 = arith.constant 0 : i32
    %gt3A_1068 = vector.broadcast %gt3A_1067 : i32 to vector<16xi32>
    %gt3A_1069 = arith.cmpi sgt, %broadcast_in_dim3A_1066, %gt3A_1068 : vector<16xi32>
    %gather3A_1070 = tpu.vector_load_idx %arg12[%iota3A_216, %broadcast_in_dim3A_1045] : memref<32x1024xf32, #tpu.memory_space<vmem>>[vector<16xi32>, vector<16xi32>], vector<16xf32>,
    %gather3A_1071 = tpu.vector_load_idx %arg12[%add3A_219, %broadcast_in_dim3A_1045] : memref<32x1024xf32, #tpu.memory_space<vmem>>[vector<16xi32>, vector<16xi32>], vector<16xf32>,
    %gather3A_1072 = tpu.vector_load_idx %arg14[%iota3A_216, %broadcast_in_dim3A_1051] : memref<32x128xf32, #tpu.memory_space<vmem>>[vector<16xi32>, vector<16xi32>], vector<16xf32>,
    %gather3A_1073 = tpu.vector_load_idx %arg14[%add3A_219, %broadcast_in_dim3A_1051] : memref<32x128xf32, #tpu.memory_space<vmem>>[vector<16xi32>, vector<16xi32>], vector<16xf32>,
    %select_n3A_1074 = arith.select %gt3A_1069, %gather3A_1072, %gather3A_1070 : vector<16xi1>, vector<16xf32>
    %select_n3A_1075 = arith.select %gt3A_1069, %gather3A_1073, %gather3A_1071 : vector<16xi1>, vector<16xf32>
    %mul3A_1076 = arith.mulf %select_n3A_1062, %select_n3A_1074 : vector<16xf32>
    %mul3A_1077 = arith.mulf %select_n3A_1063, %select_n3A_1075 : vector<16xf32>
    %add3A_1078 = arith.addf %mul3A_1076, %mul3A_1077 : vector<16xf32>
    %swap3A_1079 = arith.constant 128 : index
    %swap3A_1080 = tpu.vector_load %arg16[%swap3A_1079] {strides = array<i32>} : memref<256xf32, #tpu.memory_space<vmem>>, vector<16xf32>,
    tpu.vector_store %arg16[%swap3A_1079], %add3A_1078 {strides = array<i32>} : memref<256xf32, #tpu.memory_space<vmem>>, vector<16xf32>,
    %dma_wait3A_1081 = arith.constant 0 : i32
    %dma_wait3A_1082 = arith.constant 128 : i32
    %dma_wait3A_1083 = tpu.memref_slice %arg11[%dma_wait3A_1081, %dma_wait3A_1082] : memref<32x1024xf32, #tpu.memory_space<vmem>> -> memref<32x128xf32, #tpu.memory_space<vmem>>
    %dma_wait3A_1084 = arith.constant 0 : i32
    %dma_wait3A_1085 = arith.constant 0 : i32
    %dma_wait3A_1086 = tpu.memref_slice %arg4[%dma_wait3A_1084, %dma_wait3A_1085] : memref<32x1000000xf32, #tpu.memory_space<hbm>> -> memref<32x128xf32, #tpu.memory_space<hbm>>
    %dma_wait3A_1087 = arith.constant 0 : i32
    %dma_wait3A_1088 = arith.constant 128 : i32
    %dma_wait3A_1089 = tpu.memref_slice %arg11[%dma_wait3A_1087, %dma_wait3A_1088] : memref<32x1024xf32, #tpu.memory_space<vmem>> -> memref<32x128xf32, #tpu.memory_space<vmem>>
    %dma_wait3A_1090 = arith.constant 0 : i32
    %dma_wait3A_1091 = arith.constant 0 : i32
    %dma_wait3A_1092 = tpu.memref_slice %arg4[%dma_wait3A_1090, %dma_wait3A_1091] : memref<32x1000000xf32, #tpu.memory_space<hbm>> -> memref<32x128xf32, #tpu.memory_space<hbm>>
    tpu.wait_dma2 semaphore(%arg18 : memref<!tpu.dma_semaphore, #tpu.memory_space<semaphore_mem>>) src(%dma_wait3A_1092 : memref<32x128xf32, #tpu.memory_space<hbm>>) dst(%dma_wait3A_1089 : memref<32x128xf32, #tpu.memory_space<vmem>>)
    %dma_wait3A_1093 = arith.constant 0 : i32
    %dma_wait3A_1094 = arith.constant 128 : i32
    %dma_wait3A_1095 = tpu.memref_slice %arg12[%dma_wait3A_1093, %dma_wait3A_1094] : memref<32x1024xf32, #tpu.memory_space<vmem>> -> memref<32x128xf32, #tpu.memory_space<vmem>>
    %dma_wait3A_1096 = arith.constant 0 : i32
    %dma_wait3A_1097 = arith.constant 0 : i32
    %dma_wait3A_1098 = tpu.memref_slice %arg5[%dma_wait3A_1096, %dma_wait3A_1097] : memref<32x1000000xf32, #tpu.memory_space<hbm>> -> memref<32x128xf32, #tpu.memory_space<hbm>>
    %dma_wait3A_1099 = arith.constant 0 : i32
    %dma_wait3A_1100 = arith.constant 128 : i32
    %dma_wait3A_1101 = tpu.memref_slice %arg12[%dma_wait3A_1099, %dma_wait3A_1100] : memref<32x1024xf32, #tpu.memory_space<vmem>> -> memref<32x128xf32, #tpu.memory_space<vmem>>
    %dma_wait3A_1102 = arith.constant 0 : i32
    %dma_wait3A_1103 = arith.constant 0 : i32
    %dma_wait3A_1104 = tpu.memref_slice %arg5[%dma_wait3A_1102, %dma_wait3A_1103] : memref<32x1000000xf32, #tpu.memory_space<hbm>> -> memref<32x128xf32, #tpu.memory_space<hbm>>
    tpu.wait_dma2 semaphore(%arg18 : memref<!tpu.dma_semaphore, #tpu.memory_space<semaphore_mem>>) src(%dma_wait3A_1104 : memref<32x128xf32, #tpu.memory_space<hbm>>) dst(%dma_wait3A_1101 : memref<32x128xf32, #tpu.memory_space<vmem>>)
    %slice3A_1105 = vector.extract_strided_slice %min3A_235 {offsets = [9], sizes = [1], strides = [1]} : vector<16xi32> to vector<1xi32>
    %squeeze3A_1106 = vector.extract %slice3A_1105[0] : i32 from vector<1xi32>
    %add3A_1107 = arith.constant 128 : i32
    %add3A_1108 = arith.addi %add3A_1107, %squeeze3A_1106 : i32
    %broadcast_in_dim3A_1109 = vector.broadcast %add3A_1108 : i32 to vector<16xi32>
    %slice3A_1110 = vector.extract_strided_slice %min3A_239 {offsets = [9], sizes = [1], strides = [1]} : vector<16xi32> to vector<1xi32>
    %squeeze3A_1111 = vector.extract %slice3A_1110[0] : i32 from vector<1xi32>
    %add3A_1112 = arith.constant 128 : i32
    %add3A_1113 = arith.addi %add3A_1112, %squeeze3A_1111 : i32
    %broadcast_in_dim3A_1114 = vector.broadcast %add3A_1113 : i32 to vector<16xi32>
    %slice3A_1115 = vector.extract_strided_slice %max3A_244 {offsets = [9], sizes = [1], strides = [1]} : vector<16xi32> to vector<1xi32>
    %squeeze3A_1116 = vector.extract %slice3A_1115[0] : i32 from vector<1xi32>
    %broadcast_in_dim3A_1117 = vector.broadcast %squeeze3A_1116 : i32 to vector<16xi32>
    %slice3A_1118 = vector.extract_strided_slice %max3A_250 {offsets = [9], sizes = [1], strides = [1]} : vector<16xi32> to vector<1xi32>
    %squeeze3A_1119 = vector.extract %slice3A_1118[0] : i32 from vector<1xi32>
    %broadcast_in_dim3A_1120 = vector.broadcast %squeeze3A_1119 : i32 to vector<16xi32>
    %slice3A_1121 = vector.extract_strided_slice %convert_element_type3A {offsets = [9], sizes = [1], strides = [1]} : vector<16xi32> to vector<1xi32>
    %squeeze3A_1122 = vector.extract %slice3A_1121[0] : i32 from vector<1xi32>
    %broadcast_in_dim3A_1123 = vector.broadcast %squeeze3A_1122 : i32 to vector<16xi32>
    %gt3A_1124 = arith.constant 0 : i32
    %gt3A_1125 = vector.broadcast %gt3A_1124 : i32 to vector<16xi32>
    %gt3A_1126 = arith.cmpi sgt, %broadcast_in_dim3A_1123, %gt3A_1125 : vector<16xi32>
    %gather3A_1127 = tpu.vector_load_idx %arg11[%iota3A_216, %broadcast_in_dim3A_1109] : memref<32x1024xf32, #tpu.memory_space<vmem>>[vector<16xi32>, vector<16xi32>], vector<16xf32>,
    %gather3A_1128 = tpu.vector_load_idx %arg11[%add3A_219, %broadcast_in_dim3A_1109] : memref<32x1024xf32, #tpu.memory_space<vmem>>[vector<16xi32>, vector<16xi32>], vector<16xf32>,
    %gather3A_1129 = tpu.vector_load_idx %arg13[%iota3A_216, %broadcast_in_dim3A_1117] : memref<32x128xf32, #tpu.memory_space<vmem>>[vector<16xi32>, vector<16xi32>], vector<16xf32>,
    %gather3A_1130 = tpu.vector_load_idx %arg13[%add3A_219, %broadcast_in_dim3A_1117] : memref<32x128xf32, #tpu.memory_space<vmem>>[vector<16xi32>, vector<16xi32>], vector<16xf32>,
    %select_n3A_1131 = arith.select %gt3A_1126, %gather3A_1129, %gather3A_1127 : vector<16xi1>, vector<16xf32>
    %select_n3A_1132 = arith.select %gt3A_1126, %gather3A_1130, %gather3A_1128 : vector<16xi1>, vector<16xf32>
    %slice3A_1133 = vector.extract_strided_slice %convert_element_type3A_256 {offsets = [9], sizes = [1], strides = [1]} : vector<16xi32> to vector<1xi32>
    %squeeze3A_1134 = vector.extract %slice3A_1133[0] : i32 from vector<1xi32>
    %broadcast_in_dim3A_1135 = vector.broadcast %squeeze3A_1134 : i32 to vector<16xi32>
    %gt3A_1136 = arith.constant 0 : i32
    %gt3A_1137 = vector.broadcast %gt3A_1136 : i32 to vector<16xi32>
    %gt3A_1138 = arith.cmpi sgt, %broadcast_in_dim3A_1135, %gt3A_1137 : vector<16xi32>
    %gather3A_1139 = tpu.vector_load_idx %arg12[%iota3A_216, %broadcast_in_dim3A_1114] : memref<32x1024xf32, #tpu.memory_space<vmem>>[vector<16xi32>, vector<16xi32>], vector<16xf32>,
    %gather3A_1140 = tpu.vector_load_idx %arg12[%add3A_219, %broadcast_in_dim3A_1114] : memref<32x1024xf32, #tpu.memory_space<vmem>>[vector<16xi32>, vector<16xi32>], vector<16xf32>,
    %gather3A_1141 = tpu.vector_load_idx %arg14[%iota3A_216, %broadcast_in_dim3A_1120] : memref<32x128xf32, #tpu.memory_space<vmem>>[vector<16xi32>, vector<16xi32>], vector<16xf32>,
    %gather3A_1142 = tpu.vector_load_idx %arg14[%add3A_219, %broadcast_in_dim3A_1120] : memref<32x128xf32, #tpu.memory_space<vmem>>[vector<16xi32>, vector<16xi32>], vector<16xf32>,
    %select_n3A_1143 = arith.select %gt3A_1138, %gather3A_1141, %gather3A_1139 : vector<16xi1>, vector<16xf32>
    %select_n3A_1144 = arith.select %gt3A_1138, %gather3A_1142, %gather3A_1140 : vector<16xi1>, vector<16xf32>
    %mul3A_1145 = arith.mulf %select_n3A_1131, %select_n3A_1143 : vector<16xf32>
    %mul3A_1146 = arith.mulf %select_n3A_1132, %select_n3A_1144 : vector<16xf32>
    %add3A_1147 = arith.addf %mul3A_1145, %mul3A_1146 : vector<16xf32>
    %swap3A_1148 = arith.constant 144 : index
    %swap3A_1149 = tpu.vector_load %arg16[%swap3A_1148] {strides = array<i32>} : memref<256xf32, #tpu.memory_space<vmem>>, vector<16xf32>,
    tpu.vector_store %arg16[%swap3A_1148], %add3A_1147 {strides = array<i32>} : memref<256xf32, #tpu.memory_space<vmem>>, vector<16xf32>,
    %dma_wait3A_1150 = arith.constant 0 : i32
    %dma_wait3A_1151 = arith.constant 256 : i32
    %dma_wait3A_1152 = tpu.memref_slice %arg11[%dma_wait3A_1150, %dma_wait3A_1151] : memref<32x1024xf32, #tpu.memory_space<vmem>> -> memref<32x128xf32, #tpu.memory_space<vmem>>
    %dma_wait3A_1153 = arith.constant 0 : i32
    %dma_wait3A_1154 = arith.constant 0 : i32
    %dma_wait3A_1155 = tpu.memref_slice %arg4[%dma_wait3A_1153, %dma_wait3A_1154] : memref<32x1000000xf32, #tpu.memory_space<hbm>> -> memref<32x128xf32, #tpu.memory_space<hbm>>
    %dma_wait3A_1156 = arith.constant 0 : i32
    %dma_wait3A_1157 = arith.constant 256 : i32
    %dma_wait3A_1158 = tpu.memref_slice %arg11[%dma_wait3A_1156, %dma_wait3A_1157] : memref<32x1024xf32, #tpu.memory_space<vmem>> -> memref<32x128xf32, #tpu.memory_space<vmem>>
    %dma_wait3A_1159 = arith.constant 0 : i32
    %dma_wait3A_1160 = arith.constant 0 : i32
    %dma_wait3A_1161 = tpu.memref_slice %arg4[%dma_wait3A_1159, %dma_wait3A_1160] : memref<32x1000000xf32, #tpu.memory_space<hbm>> -> memref<32x128xf32, #tpu.memory_space<hbm>>
    tpu.wait_dma2 semaphore(%arg19 : memref<!tpu.dma_semaphore, #tpu.memory_space<semaphore_mem>>) src(%dma_wait3A_1161 : memref<32x128xf32, #tpu.memory_space<hbm>>) dst(%dma_wait3A_1158 : memref<32x128xf32, #tpu.memory_space<vmem>>)
    %dma_wait3A_1162 = arith.constant 0 : i32
    %dma_wait3A_1163 = arith.constant 256 : i32
    %dma_wait3A_1164 = tpu.memref_slice %arg12[%dma_wait3A_1162, %dma_wait3A_1163] : memref<32x1024xf32, #tpu.memory_space<vmem>> -> memref<32x128xf32, #tpu.memory_space<vmem>>
    %dma_wait3A_1165 = arith.constant 0 : i32
    %dma_wait3A_1166 = arith.constant 0 : i32
    %dma_wait3A_1167 = tpu.memref_slice %arg5[%dma_wait3A_1165, %dma_wait3A_1166] : memref<32x1000000xf32, #tpu.memory_space<hbm>> -> memref<32x128xf32, #tpu.memory_space<hbm>>
    %dma_wait3A_1168 = arith.constant 0 : i32
    %dma_wait3A_1169 = arith.constant 256 : i32
    %dma_wait3A_1170 = tpu.memref_slice %arg12[%dma_wait3A_1168, %dma_wait3A_1169] : memref<32x1024xf32, #tpu.memory_space<vmem>> -> memref<32x128xf32, #tpu.memory_space<vmem>>
    %dma_wait3A_1171 = arith.constant 0 : i32
    %dma_wait3A_1172 = arith.constant 0 : i32
    %dma_wait3A_1173 = tpu.memref_slice %arg5[%dma_wait3A_1171, %dma_wait3A_1172] : memref<32x1000000xf32, #tpu.memory_space<hbm>> -> memref<32x128xf32, #tpu.memory_space<hbm>>
    tpu.wait_dma2 semaphore(%arg19 : memref<!tpu.dma_semaphore, #tpu.memory_space<semaphore_mem>>) src(%dma_wait3A_1173 : memref<32x128xf32, #tpu.memory_space<hbm>>) dst(%dma_wait3A_1170 : memref<32x128xf32, #tpu.memory_space<vmem>>)
    %slice3A_1174 = vector.extract_strided_slice %min3A_235 {offsets = [10], sizes = [1], strides = [1]} : vector<16xi32> to vector<1xi32>
    %squeeze3A_1175 = vector.extract %slice3A_1174[0] : i32 from vector<1xi32>
    %add3A_1176 = arith.constant 256 : i32
    %add3A_1177 = arith.addi %add3A_1176, %squeeze3A_1175 : i32
    %broadcast_in_dim3A_1178 = vector.broadcast %add3A_1177 : i32 to vector<16xi32>
    %slice3A_1179 = vector.extract_strided_slice %min3A_239 {offsets = [10], sizes = [1], strides = [1]} : vector<16xi32> to vector<1xi32>
    %squeeze3A_1180 = vector.extract %slice3A_1179[0] : i32 from vector<1xi32>
    %add3A_1181 = arith.constant 256 : i32
    %add3A_1182 = arith.addi %add3A_1181, %squeeze3A_1180 : i32
    %broadcast_in_dim3A_1183 = vector.broadcast %add3A_1182 : i32 to vector<16xi32>
    %slice3A_1184 = vector.extract_strided_slice %max3A_244 {offsets = [10], sizes = [1], strides = [1]} : vector<16xi32> to vector<1xi32>
    %squeeze3A_1185 = vector.extract %slice3A_1184[0] : i32 from vector<1xi32>
    %broadcast_in_dim3A_1186 = vector.broadcast %squeeze3A_1185 : i32 to vector<16xi32>
    %slice3A_1187 = vector.extract_strided_slice %max3A_250 {offsets = [10], sizes = [1], strides = [1]} : vector<16xi32> to vector<1xi32>
    %squeeze3A_1188 = vector.extract %slice3A_1187[0] : i32 from vector<1xi32>
    %broadcast_in_dim3A_1189 = vector.broadcast %squeeze3A_1188 : i32 to vector<16xi32>
    %slice3A_1190 = vector.extract_strided_slice %convert_element_type3A {offsets = [10], sizes = [1], strides = [1]} : vector<16xi32> to vector<1xi32>
    %squeeze3A_1191 = vector.extract %slice3A_1190[0] : i32 from vector<1xi32>
    %broadcast_in_dim3A_1192 = vector.broadcast %squeeze3A_1191 : i32 to vector<16xi32>
    %gt3A_1193 = arith.constant 0 : i32
    %gt3A_1194 = vector.broadcast %gt3A_1193 : i32 to vector<16xi32>
    %gt3A_1195 = arith.cmpi sgt, %broadcast_in_dim3A_1192, %gt3A_1194 : vector<16xi32>
    %gather3A_1196 = tpu.vector_load_idx %arg11[%iota3A_216, %broadcast_in_dim3A_1178] : memref<32x1024xf32, #tpu.memory_space<vmem>>[vector<16xi32>, vector<16xi32>], vector<16xf32>,
    %gather3A_1197 = tpu.vector_load_idx %arg11[%add3A_219, %broadcast_in_dim3A_1178] : memref<32x1024xf32, #tpu.memory_space<vmem>>[vector<16xi32>, vector<16xi32>], vector<16xf32>,
    %gather3A_1198 = tpu.vector_load_idx %arg13[%iota3A_216, %broadcast_in_dim3A_1186] : memref<32x128xf32, #tpu.memory_space<vmem>>[vector<16xi32>, vector<16xi32>], vector<16xf32>,
    %gather3A_1199 = tpu.vector_load_idx %arg13[%add3A_219, %broadcast_in_dim3A_1186] : memref<32x128xf32, #tpu.memory_space<vmem>>[vector<16xi32>, vector<16xi32>], vector<16xf32>,
    %select_n3A_1200 = arith.select %gt3A_1195, %gather3A_1198, %gather3A_1196 : vector<16xi1>, vector<16xf32>
    %select_n3A_1201 = arith.select %gt3A_1195, %gather3A_1199, %gather3A_1197 : vector<16xi1>, vector<16xf32>
    %slice3A_1202 = vector.extract_strided_slice %convert_element_type3A_256 {offsets = [10], sizes = [1], strides = [1]} : vector<16xi32> to vector<1xi32>
    %squeeze3A_1203 = vector.extract %slice3A_1202[0] : i32 from vector<1xi32>
    %broadcast_in_dim3A_1204 = vector.broadcast %squeeze3A_1203 : i32 to vector<16xi32>
    %gt3A_1205 = arith.constant 0 : i32
    %gt3A_1206 = vector.broadcast %gt3A_1205 : i32 to vector<16xi32>
    %gt3A_1207 = arith.cmpi sgt, %broadcast_in_dim3A_1204, %gt3A_1206 : vector<16xi32>
    %gather3A_1208 = tpu.vector_load_idx %arg12[%iota3A_216, %broadcast_in_dim3A_1183] : memref<32x1024xf32, #tpu.memory_space<vmem>>[vector<16xi32>, vector<16xi32>], vector<16xf32>,
    %gather3A_1209 = tpu.vector_load_idx %arg12[%add3A_219, %broadcast_in_dim3A_1183] : memref<32x1024xf32, #tpu.memory_space<vmem>>[vector<16xi32>, vector<16xi32>], vector<16xf32>,
    %gather3A_1210 = tpu.vector_load_idx %arg14[%iota3A_216, %broadcast_in_dim3A_1189] : memref<32x128xf32, #tpu.memory_space<vmem>>[vector<16xi32>, vector<16xi32>], vector<16xf32>,
    %gather3A_1211 = tpu.vector_load_idx %arg14[%add3A_219, %broadcast_in_dim3A_1189] : memref<32x128xf32, #tpu.memory_space<vmem>>[vector<16xi32>, vector<16xi32>], vector<16xf32>,
    %select_n3A_1212 = arith.select %gt3A_1207, %gather3A_1210, %gather3A_1208 : vector<16xi1>, vector<16xf32>
    %select_n3A_1213 = arith.select %gt3A_1207, %gather3A_1211, %gather3A_1209 : vector<16xi1>, vector<16xf32>
    %mul3A_1214 = arith.mulf %select_n3A_1200, %select_n3A_1212 : vector<16xf32>
    %mul3A_1215 = arith.mulf %select_n3A_1201, %select_n3A_1213 : vector<16xf32>
    %add3A_1216 = arith.addf %mul3A_1214, %mul3A_1215 : vector<16xf32>
    %swap3A_1217 = arith.constant 160 : index
    %swap3A_1218 = tpu.vector_load %arg16[%swap3A_1217] {strides = array<i32>} : memref<256xf32, #tpu.memory_space<vmem>>, vector<16xf32>,
    tpu.vector_store %arg16[%swap3A_1217], %add3A_1216 {strides = array<i32>} : memref<256xf32, #tpu.memory_space<vmem>>, vector<16xf32>,
    %dma_wait3A_1219 = arith.constant 0 : i32
    %dma_wait3A_1220 = arith.constant 384 : i32
    %dma_wait3A_1221 = tpu.memref_slice %arg11[%dma_wait3A_1219, %dma_wait3A_1220] : memref<32x1024xf32, #tpu.memory_space<vmem>> -> memref<32x128xf32, #tpu.memory_space<vmem>>
    %dma_wait3A_1222 = arith.constant 0 : i32
    %dma_wait3A_1223 = arith.constant 0 : i32
    %dma_wait3A_1224 = tpu.memref_slice %arg4[%dma_wait3A_1222, %dma_wait3A_1223] : memref<32x1000000xf32, #tpu.memory_space<hbm>> -> memref<32x128xf32, #tpu.memory_space<hbm>>
    %dma_wait3A_1225 = arith.constant 0 : i32
    %dma_wait3A_1226 = arith.constant 384 : i32
    %dma_wait3A_1227 = tpu.memref_slice %arg11[%dma_wait3A_1225, %dma_wait3A_1226] : memref<32x1024xf32, #tpu.memory_space<vmem>> -> memref<32x128xf32, #tpu.memory_space<vmem>>
    %dma_wait3A_1228 = arith.constant 0 : i32
    %dma_wait3A_1229 = arith.constant 0 : i32
    %dma_wait3A_1230 = tpu.memref_slice %arg4[%dma_wait3A_1228, %dma_wait3A_1229] : memref<32x1000000xf32, #tpu.memory_space<hbm>> -> memref<32x128xf32, #tpu.memory_space<hbm>>
    tpu.wait_dma2 semaphore(%arg20 : memref<!tpu.dma_semaphore, #tpu.memory_space<semaphore_mem>>) src(%dma_wait3A_1230 : memref<32x128xf32, #tpu.memory_space<hbm>>) dst(%dma_wait3A_1227 : memref<32x128xf32, #tpu.memory_space<vmem>>)
    %dma_wait3A_1231 = arith.constant 0 : i32
    %dma_wait3A_1232 = arith.constant 384 : i32
    %dma_wait3A_1233 = tpu.memref_slice %arg12[%dma_wait3A_1231, %dma_wait3A_1232] : memref<32x1024xf32, #tpu.memory_space<vmem>> -> memref<32x128xf32, #tpu.memory_space<vmem>>
    %dma_wait3A_1234 = arith.constant 0 : i32
    %dma_wait3A_1235 = arith.constant 0 : i32
    %dma_wait3A_1236 = tpu.memref_slice %arg5[%dma_wait3A_1234, %dma_wait3A_1235] : memref<32x1000000xf32, #tpu.memory_space<hbm>> -> memref<32x128xf32, #tpu.memory_space<hbm>>
    %dma_wait3A_1237 = arith.constant 0 : i32
    %dma_wait3A_1238 = arith.constant 384 : i32
    %dma_wait3A_1239 = tpu.memref_slice %arg12[%dma_wait3A_1237, %dma_wait3A_1238] : memref<32x1024xf32, #tpu.memory_space<vmem>> -> memref<32x128xf32, #tpu.memory_space<vmem>>
    %dma_wait3A_1240 = arith.constant 0 : i32
    %dma_wait3A_1241 = arith.constant 0 : i32
    %dma_wait3A_1242 = tpu.memref_slice %arg5[%dma_wait3A_1240, %dma_wait3A_1241] : memref<32x1000000xf32, #tpu.memory_space<hbm>> -> memref<32x128xf32, #tpu.memory_space<hbm>>
    tpu.wait_dma2 semaphore(%arg20 : memref<!tpu.dma_semaphore, #tpu.memory_space<semaphore_mem>>) src(%dma_wait3A_1242 : memref<32x128xf32, #tpu.memory_space<hbm>>) dst(%dma_wait3A_1239 : memref<32x128xf32, #tpu.memory_space<vmem>>)
    %slice3A_1243 = vector.extract_strided_slice %min3A_235 {offsets = [11], sizes = [1], strides = [1]} : vector<16xi32> to vector<1xi32>
    %squeeze3A_1244 = vector.extract %slice3A_1243[0] : i32 from vector<1xi32>
    %add3A_1245 = arith.constant 384 : i32
    %add3A_1246 = arith.addi %add3A_1245, %squeeze3A_1244 : i32
    %broadcast_in_dim3A_1247 = vector.broadcast %add3A_1246 : i32 to vector<16xi32>
    %slice3A_1248 = vector.extract_strided_slice %min3A_239 {offsets = [11], sizes = [1], strides = [1]} : vector<16xi32> to vector<1xi32>
    %squeeze3A_1249 = vector.extract %slice3A_1248[0] : i32 from vector<1xi32>
    %add3A_1250 = arith.constant 384 : i32
    %add3A_1251 = arith.addi %add3A_1250, %squeeze3A_1249 : i32
    %broadcast_in_dim3A_1252 = vector.broadcast %add3A_1251 : i32 to vector<16xi32>
    %slice3A_1253 = vector.extract_strided_slice %max3A_244 {offsets = [11], sizes = [1], strides = [1]} : vector<16xi32> to vector<1xi32>
    %squeeze3A_1254 = vector.extract %slice3A_1253[0] : i32 from vector<1xi32>
    %broadcast_in_dim3A_1255 = vector.broadcast %squeeze3A_1254 : i32 to vector<16xi32>
    %slice3A_1256 = vector.extract_strided_slice %max3A_250 {offsets = [11], sizes = [1], strides = [1]} : vector<16xi32> to vector<1xi32>
    %squeeze3A_1257 = vector.extract %slice3A_1256[0] : i32 from vector<1xi32>
    %broadcast_in_dim3A_1258 = vector.broadcast %squeeze3A_1257 : i32 to vector<16xi32>
    %slice3A_1259 = vector.extract_strided_slice %convert_element_type3A {offsets = [11], sizes = [1], strides = [1]} : vector<16xi32> to vector<1xi32>
    %squeeze3A_1260 = vector.extract %slice3A_1259[0] : i32 from vector<1xi32>
    %broadcast_in_dim3A_1261 = vector.broadcast %squeeze3A_1260 : i32 to vector<16xi32>
    %gt3A_1262 = arith.constant 0 : i32
    %gt3A_1263 = vector.broadcast %gt3A_1262 : i32 to vector<16xi32>
    %gt3A_1264 = arith.cmpi sgt, %broadcast_in_dim3A_1261, %gt3A_1263 : vector<16xi32>
    %gather3A_1265 = tpu.vector_load_idx %arg11[%iota3A_216, %broadcast_in_dim3A_1247] : memref<32x1024xf32, #tpu.memory_space<vmem>>[vector<16xi32>, vector<16xi32>], vector<16xf32>,
    %gather3A_1266 = tpu.vector_load_idx %arg11[%add3A_219, %broadcast_in_dim3A_1247] : memref<32x1024xf32, #tpu.memory_space<vmem>>[vector<16xi32>, vector<16xi32>], vector<16xf32>,
    %gather3A_1267 = tpu.vector_load_idx %arg13[%iota3A_216, %broadcast_in_dim3A_1255] : memref<32x128xf32, #tpu.memory_space<vmem>>[vector<16xi32>, vector<16xi32>], vector<16xf32>,
    %gather3A_1268 = tpu.vector_load_idx %arg13[%add3A_219, %broadcast_in_dim3A_1255] : memref<32x128xf32, #tpu.memory_space<vmem>>[vector<16xi32>, vector<16xi32>], vector<16xf32>,
    %select_n3A_1269 = arith.select %gt3A_1264, %gather3A_1267, %gather3A_1265 : vector<16xi1>, vector<16xf32>
    %select_n3A_1270 = arith.select %gt3A_1264, %gather3A_1268, %gather3A_1266 : vector<16xi1>, vector<16xf32>
    %slice3A_1271 = vector.extract_strided_slice %convert_element_type3A_256 {offsets = [11], sizes = [1], strides = [1]} : vector<16xi32> to vector<1xi32>
    %squeeze3A_1272 = vector.extract %slice3A_1271[0] : i32 from vector<1xi32>
    %broadcast_in_dim3A_1273 = vector.broadcast %squeeze3A_1272 : i32 to vector<16xi32>
    %gt3A_1274 = arith.constant 0 : i32
    %gt3A_1275 = vector.broadcast %gt3A_1274 : i32 to vector<16xi32>
    %gt3A_1276 = arith.cmpi sgt, %broadcast_in_dim3A_1273, %gt3A_1275 : vector<16xi32>
    %gather3A_1277 = tpu.vector_load_idx %arg12[%iota3A_216, %broadcast_in_dim3A_1252] : memref<32x1024xf32, #tpu.memory_space<vmem>>[vector<16xi32>, vector<16xi32>], vector<16xf32>,
    %gather3A_1278 = tpu.vector_load_idx %arg12[%add3A_219, %broadcast_in_dim3A_1252] : memref<32x1024xf32, #tpu.memory_space<vmem>>[vector<16xi32>, vector<16xi32>], vector<16xf32>,
    %gather3A_1279 = tpu.vector_load_idx %arg14[%iota3A_216, %broadcast_in_dim3A_1258] : memref<32x128xf32, #tpu.memory_space<vmem>>[vector<16xi32>, vector<16xi32>], vector<16xf32>,
    %gather3A_1280 = tpu.vector_load_idx %arg14[%add3A_219, %broadcast_in_dim3A_1258] : memref<32x128xf32, #tpu.memory_space<vmem>>[vector<16xi32>, vector<16xi32>], vector<16xf32>,
    %select_n3A_1281 = arith.select %gt3A_1276, %gather3A_1279, %gather3A_1277 : vector<16xi1>, vector<16xf32>
    %select_n3A_1282 = arith.select %gt3A_1276, %gather3A_1280, %gather3A_1278 : vector<16xi1>, vector<16xf32>
    %mul3A_1283 = arith.mulf %select_n3A_1269, %select_n3A_1281 : vector<16xf32>
    %mul3A_1284 = arith.mulf %select_n3A_1270, %select_n3A_1282 : vector<16xf32>
    %add3A_1285 = arith.addf %mul3A_1283, %mul3A_1284 : vector<16xf32>
    %swap3A_1286 = arith.constant 176 : index
    %swap3A_1287 = tpu.vector_load %arg16[%swap3A_1286] {strides = array<i32>} : memref<256xf32, #tpu.memory_space<vmem>>, vector<16xf32>,
    tpu.vector_store %arg16[%swap3A_1286], %add3A_1285 {strides = array<i32>} : memref<256xf32, #tpu.memory_space<vmem>>, vector<16xf32>,
    %dma_wait3A_1288 = arith.constant 0 : i32
    %dma_wait3A_1289 = arith.constant 512 : i32
    %dma_wait3A_1290 = tpu.memref_slice %arg11[%dma_wait3A_1288, %dma_wait3A_1289] : memref<32x1024xf32, #tpu.memory_space<vmem>> -> memref<32x128xf32, #tpu.memory_space<vmem>>
    %dma_wait3A_1291 = arith.constant 0 : i32
    %dma_wait3A_1292 = arith.constant 0 : i32
    %dma_wait3A_1293 = tpu.memref_slice %arg4[%dma_wait3A_1291, %dma_wait3A_1292] : memref<32x1000000xf32, #tpu.memory_space<hbm>> -> memref<32x128xf32, #tpu.memory_space<hbm>>
    %dma_wait3A_1294 = arith.constant 0 : i32
    %dma_wait3A_1295 = arith.constant 512 : i32
    %dma_wait3A_1296 = tpu.memref_slice %arg11[%dma_wait3A_1294, %dma_wait3A_1295] : memref<32x1024xf32, #tpu.memory_space<vmem>> -> memref<32x128xf32, #tpu.memory_space<vmem>>
    %dma_wait3A_1297 = arith.constant 0 : i32
    %dma_wait3A_1298 = arith.constant 0 : i32
    %dma_wait3A_1299 = tpu.memref_slice %arg4[%dma_wait3A_1297, %dma_wait3A_1298] : memref<32x1000000xf32, #tpu.memory_space<hbm>> -> memref<32x128xf32, #tpu.memory_space<hbm>>
    tpu.wait_dma2 semaphore(%arg21 : memref<!tpu.dma_semaphore, #tpu.memory_space<semaphore_mem>>) src(%dma_wait3A_1299 : memref<32x128xf32, #tpu.memory_space<hbm>>) dst(%dma_wait3A_1296 : memref<32x128xf32, #tpu.memory_space<vmem>>)
    %dma_wait3A_1300 = arith.constant 0 : i32
    %dma_wait3A_1301 = arith.constant 512 : i32
    %dma_wait3A_1302 = tpu.memref_slice %arg12[%dma_wait3A_1300, %dma_wait3A_1301] : memref<32x1024xf32, #tpu.memory_space<vmem>> -> memref<32x128xf32, #tpu.memory_space<vmem>>
    %dma_wait3A_1303 = arith.constant 0 : i32
    %dma_wait3A_1304 = arith.constant 0 : i32
    %dma_wait3A_1305 = tpu.memref_slice %arg5[%dma_wait3A_1303, %dma_wait3A_1304] : memref<32x1000000xf32, #tpu.memory_space<hbm>> -> memref<32x128xf32, #tpu.memory_space<hbm>>
    %dma_wait3A_1306 = arith.constant 0 : i32
    %dma_wait3A_1307 = arith.constant 512 : i32
    %dma_wait3A_1308 = tpu.memref_slice %arg12[%dma_wait3A_1306, %dma_wait3A_1307] : memref<32x1024xf32, #tpu.memory_space<vmem>> -> memref<32x128xf32, #tpu.memory_space<vmem>>
    %dma_wait3A_1309 = arith.constant 0 : i32
    %dma_wait3A_1310 = arith.constant 0 : i32
    %dma_wait3A_1311 = tpu.memref_slice %arg5[%dma_wait3A_1309, %dma_wait3A_1310] : memref<32x1000000xf32, #tpu.memory_space<hbm>> -> memref<32x128xf32, #tpu.memory_space<hbm>>
    tpu.wait_dma2 semaphore(%arg21 : memref<!tpu.dma_semaphore, #tpu.memory_space<semaphore_mem>>) src(%dma_wait3A_1311 : memref<32x128xf32, #tpu.memory_space<hbm>>) dst(%dma_wait3A_1308 : memref<32x128xf32, #tpu.memory_space<vmem>>)
    %slice3A_1312 = vector.extract_strided_slice %min3A_235 {offsets = [12], sizes = [1], strides = [1]} : vector<16xi32> to vector<1xi32>
    %squeeze3A_1313 = vector.extract %slice3A_1312[0] : i32 from vector<1xi32>
    %add3A_1314 = arith.constant 512 : i32
    %add3A_1315 = arith.addi %add3A_1314, %squeeze3A_1313 : i32
    %broadcast_in_dim3A_1316 = vector.broadcast %add3A_1315 : i32 to vector<16xi32>
    %slice3A_1317 = vector.extract_strided_slice %min3A_239 {offsets = [12], sizes = [1], strides = [1]} : vector<16xi32> to vector<1xi32>
    %squeeze3A_1318 = vector.extract %slice3A_1317[0] : i32 from vector<1xi32>
    %add3A_1319 = arith.constant 512 : i32
    %add3A_1320 = arith.addi %add3A_1319, %squeeze3A_1318 : i32
    %broadcast_in_dim3A_1321 = vector.broadcast %add3A_1320 : i32 to vector<16xi32>
    %slice3A_1322 = vector.extract_strided_slice %max3A_244 {offsets = [12], sizes = [1], strides = [1]} : vector<16xi32> to vector<1xi32>
    %squeeze3A_1323 = vector.extract %slice3A_1322[0] : i32 from vector<1xi32>
    %broadcast_in_dim3A_1324 = vector.broadcast %squeeze3A_1323 : i32 to vector<16xi32>
    %slice3A_1325 = vector.extract_strided_slice %max3A_250 {offsets = [12], sizes = [1], strides = [1]} : vector<16xi32> to vector<1xi32>
    %squeeze3A_1326 = vector.extract %slice3A_1325[0] : i32 from vector<1xi32>
    %broadcast_in_dim3A_1327 = vector.broadcast %squeeze3A_1326 : i32 to vector<16xi32>
    %slice3A_1328 = vector.extract_strided_slice %convert_element_type3A {offsets = [12], sizes = [1], strides = [1]} : vector<16xi32> to vector<1xi32>
    %squeeze3A_1329 = vector.extract %slice3A_1328[0] : i32 from vector<1xi32>
    %broadcast_in_dim3A_1330 = vector.broadcast %squeeze3A_1329 : i32 to vector<16xi32>
    %gt3A_1331 = arith.constant 0 : i32
    %gt3A_1332 = vector.broadcast %gt3A_1331 : i32 to vector<16xi32>
    %gt3A_1333 = arith.cmpi sgt, %broadcast_in_dim3A_1330, %gt3A_1332 : vector<16xi32>
    %gather3A_1334 = tpu.vector_load_idx %arg11[%iota3A_216, %broadcast_in_dim3A_1316] : memref<32x1024xf32, #tpu.memory_space<vmem>>[vector<16xi32>, vector<16xi32>], vector<16xf32>,
    %gather3A_1335 = tpu.vector_load_idx %arg11[%add3A_219, %broadcast_in_dim3A_1316] : memref<32x1024xf32, #tpu.memory_space<vmem>>[vector<16xi32>, vector<16xi32>], vector<16xf32>,
    %gather3A_1336 = tpu.vector_load_idx %arg13[%iota3A_216, %broadcast_in_dim3A_1324] : memref<32x128xf32, #tpu.memory_space<vmem>>[vector<16xi32>, vector<16xi32>], vector<16xf32>,
    %gather3A_1337 = tpu.vector_load_idx %arg13[%add3A_219, %broadcast_in_dim3A_1324] : memref<32x128xf32, #tpu.memory_space<vmem>>[vector<16xi32>, vector<16xi32>], vector<16xf32>,
    %select_n3A_1338 = arith.select %gt3A_1333, %gather3A_1336, %gather3A_1334 : vector<16xi1>, vector<16xf32>
    %select_n3A_1339 = arith.select %gt3A_1333, %gather3A_1337, %gather3A_1335 : vector<16xi1>, vector<16xf32>
    %slice3A_1340 = vector.extract_strided_slice %convert_element_type3A_256 {offsets = [12], sizes = [1], strides = [1]} : vector<16xi32> to vector<1xi32>
    %squeeze3A_1341 = vector.extract %slice3A_1340[0] : i32 from vector<1xi32>
    %broadcast_in_dim3A_1342 = vector.broadcast %squeeze3A_1341 : i32 to vector<16xi32>
    %gt3A_1343 = arith.constant 0 : i32
    %gt3A_1344 = vector.broadcast %gt3A_1343 : i32 to vector<16xi32>
    %gt3A_1345 = arith.cmpi sgt, %broadcast_in_dim3A_1342, %gt3A_1344 : vector<16xi32>
    %gather3A_1346 = tpu.vector_load_idx %arg12[%iota3A_216, %broadcast_in_dim3A_1321] : memref<32x1024xf32, #tpu.memory_space<vmem>>[vector<16xi32>, vector<16xi32>], vector<16xf32>,
    %gather3A_1347 = tpu.vector_load_idx %arg12[%add3A_219, %broadcast_in_dim3A_1321] : memref<32x1024xf32, #tpu.memory_space<vmem>>[vector<16xi32>, vector<16xi32>], vector<16xf32>,
    %gather3A_1348 = tpu.vector_load_idx %arg14[%iota3A_216, %broadcast_in_dim3A_1327] : memref<32x128xf32, #tpu.memory_space<vmem>>[vector<16xi32>, vector<16xi32>], vector<16xf32>,
    %gather3A_1349 = tpu.vector_load_idx %arg14[%add3A_219, %broadcast_in_dim3A_1327] : memref<32x128xf32, #tpu.memory_space<vmem>>[vector<16xi32>, vector<16xi32>], vector<16xf32>,
    %select_n3A_1350 = arith.select %gt3A_1345, %gather3A_1348, %gather3A_1346 : vector<16xi1>, vector<16xf32>
    %select_n3A_1351 = arith.select %gt3A_1345, %gather3A_1349, %gather3A_1347 : vector<16xi1>, vector<16xf32>
    %mul3A_1352 = arith.mulf %select_n3A_1338, %select_n3A_1350 : vector<16xf32>
    %mul3A_1353 = arith.mulf %select_n3A_1339, %select_n3A_1351 : vector<16xf32>
    %add3A_1354 = arith.addf %mul3A_1352, %mul3A_1353 : vector<16xf32>
    %swap3A_1355 = arith.constant 192 : index
    %swap3A_1356 = tpu.vector_load %arg16[%swap3A_1355] {strides = array<i32>} : memref<256xf32, #tpu.memory_space<vmem>>, vector<16xf32>,
    tpu.vector_store %arg16[%swap3A_1355], %add3A_1354 {strides = array<i32>} : memref<256xf32, #tpu.memory_space<vmem>>, vector<16xf32>,
    %dma_wait3A_1357 = arith.constant 0 : i32
    %dma_wait3A_1358 = arith.constant 640 : i32
    %dma_wait3A_1359 = tpu.memref_slice %arg11[%dma_wait3A_1357, %dma_wait3A_1358] : memref<32x1024xf32, #tpu.memory_space<vmem>> -> memref<32x128xf32, #tpu.memory_space<vmem>>
    %dma_wait3A_1360 = arith.constant 0 : i32
    %dma_wait3A_1361 = arith.constant 0 : i32
    %dma_wait3A_1362 = tpu.memref_slice %arg4[%dma_wait3A_1360, %dma_wait3A_1361] : memref<32x1000000xf32, #tpu.memory_space<hbm>> -> memref<32x128xf32, #tpu.memory_space<hbm>>
    %dma_wait3A_1363 = arith.constant 0 : i32
    %dma_wait3A_1364 = arith.constant 640 : i32
    %dma_wait3A_1365 = tpu.memref_slice %arg11[%dma_wait3A_1363, %dma_wait3A_1364] : memref<32x1024xf32, #tpu.memory_space<vmem>> -> memref<32x128xf32, #tpu.memory_space<vmem>>
    %dma_wait3A_1366 = arith.constant 0 : i32
    %dma_wait3A_1367 = arith.constant 0 : i32
    %dma_wait3A_1368 = tpu.memref_slice %arg4[%dma_wait3A_1366, %dma_wait3A_1367] : memref<32x1000000xf32, #tpu.memory_space<hbm>> -> memref<32x128xf32, #tpu.memory_space<hbm>>
    tpu.wait_dma2 semaphore(%arg22 : memref<!tpu.dma_semaphore, #tpu.memory_space<semaphore_mem>>) src(%dma_wait3A_1368 : memref<32x128xf32, #tpu.memory_space<hbm>>) dst(%dma_wait3A_1365 : memref<32x128xf32, #tpu.memory_space<vmem>>)
    %dma_wait3A_1369 = arith.constant 0 : i32
    %dma_wait3A_1370 = arith.constant 640 : i32
    %dma_wait3A_1371 = tpu.memref_slice %arg12[%dma_wait3A_1369, %dma_wait3A_1370] : memref<32x1024xf32, #tpu.memory_space<vmem>> -> memref<32x128xf32, #tpu.memory_space<vmem>>
    %dma_wait3A_1372 = arith.constant 0 : i32
    %dma_wait3A_1373 = arith.constant 0 : i32
    %dma_wait3A_1374 = tpu.memref_slice %arg5[%dma_wait3A_1372, %dma_wait3A_1373] : memref<32x1000000xf32, #tpu.memory_space<hbm>> -> memref<32x128xf32, #tpu.memory_space<hbm>>
    %dma_wait3A_1375 = arith.constant 0 : i32
    %dma_wait3A_1376 = arith.constant 640 : i32
    %dma_wait3A_1377 = tpu.memref_slice %arg12[%dma_wait3A_1375, %dma_wait3A_1376] : memref<32x1024xf32, #tpu.memory_space<vmem>> -> memref<32x128xf32, #tpu.memory_space<vmem>>
    %dma_wait3A_1378 = arith.constant 0 : i32
    %dma_wait3A_1379 = arith.constant 0 : i32
    %dma_wait3A_1380 = tpu.memref_slice %arg5[%dma_wait3A_1378, %dma_wait3A_1379] : memref<32x1000000xf32, #tpu.memory_space<hbm>> -> memref<32x128xf32, #tpu.memory_space<hbm>>
    tpu.wait_dma2 semaphore(%arg22 : memref<!tpu.dma_semaphore, #tpu.memory_space<semaphore_mem>>) src(%dma_wait3A_1380 : memref<32x128xf32, #tpu.memory_space<hbm>>) dst(%dma_wait3A_1377 : memref<32x128xf32, #tpu.memory_space<vmem>>)
    %slice3A_1381 = vector.extract_strided_slice %min3A_235 {offsets = [13], sizes = [1], strides = [1]} : vector<16xi32> to vector<1xi32>
    %squeeze3A_1382 = vector.extract %slice3A_1381[0] : i32 from vector<1xi32>
    %add3A_1383 = arith.constant 640 : i32
    %add3A_1384 = arith.addi %add3A_1383, %squeeze3A_1382 : i32
    %broadcast_in_dim3A_1385 = vector.broadcast %add3A_1384 : i32 to vector<16xi32>
    %slice3A_1386 = vector.extract_strided_slice %min3A_239 {offsets = [13], sizes = [1], strides = [1]} : vector<16xi32> to vector<1xi32>
    %squeeze3A_1387 = vector.extract %slice3A_1386[0] : i32 from vector<1xi32>
    %add3A_1388 = arith.constant 640 : i32
    %add3A_1389 = arith.addi %add3A_1388, %squeeze3A_1387 : i32
    %broadcast_in_dim3A_1390 = vector.broadcast %add3A_1389 : i32 to vector<16xi32>
    %slice3A_1391 = vector.extract_strided_slice %max3A_244 {offsets = [13], sizes = [1], strides = [1]} : vector<16xi32> to vector<1xi32>
    %squeeze3A_1392 = vector.extract %slice3A_1391[0] : i32 from vector<1xi32>
    %broadcast_in_dim3A_1393 = vector.broadcast %squeeze3A_1392 : i32 to vector<16xi32>
    %slice3A_1394 = vector.extract_strided_slice %max3A_250 {offsets = [13], sizes = [1], strides = [1]} : vector<16xi32> to vector<1xi32>
    %squeeze3A_1395 = vector.extract %slice3A_1394[0] : i32 from vector<1xi32>
    %broadcast_in_dim3A_1396 = vector.broadcast %squeeze3A_1395 : i32 to vector<16xi32>
    %slice3A_1397 = vector.extract_strided_slice %convert_element_type3A {offsets = [13], sizes = [1], strides = [1]} : vector<16xi32> to vector<1xi32>
    %squeeze3A_1398 = vector.extract %slice3A_1397[0] : i32 from vector<1xi32>
    %broadcast_in_dim3A_1399 = vector.broadcast %squeeze3A_1398 : i32 to vector<16xi32>
    %gt3A_1400 = arith.constant 0 : i32
    %gt3A_1401 = vector.broadcast %gt3A_1400 : i32 to vector<16xi32>
    %gt3A_1402 = arith.cmpi sgt, %broadcast_in_dim3A_1399, %gt3A_1401 : vector<16xi32>
    %gather3A_1403 = tpu.vector_load_idx %arg11[%iota3A_216, %broadcast_in_dim3A_1385] : memref<32x1024xf32, #tpu.memory_space<vmem>>[vector<16xi32>, vector<16xi32>], vector<16xf32>,
    %gather3A_1404 = tpu.vector_load_idx %arg11[%add3A_219, %broadcast_in_dim3A_1385] : memref<32x1024xf32, #tpu.memory_space<vmem>>[vector<16xi32>, vector<16xi32>], vector<16xf32>,
    %gather3A_1405 = tpu.vector_load_idx %arg13[%iota3A_216, %broadcast_in_dim3A_1393] : memref<32x128xf32, #tpu.memory_space<vmem>>[vector<16xi32>, vector<16xi32>], vector<16xf32>,
    %gather3A_1406 = tpu.vector_load_idx %arg13[%add3A_219, %broadcast_in_dim3A_1393] : memref<32x128xf32, #tpu.memory_space<vmem>>[vector<16xi32>, vector<16xi32>], vector<16xf32>,
    %select_n3A_1407 = arith.select %gt3A_1402, %gather3A_1405, %gather3A_1403 : vector<16xi1>, vector<16xf32>
    %select_n3A_1408 = arith.select %gt3A_1402, %gather3A_1406, %gather3A_1404 : vector<16xi1>, vector<16xf32>
    %slice3A_1409 = vector.extract_strided_slice %convert_element_type3A_256 {offsets = [13], sizes = [1], strides = [1]} : vector<16xi32> to vector<1xi32>
    %squeeze3A_1410 = vector.extract %slice3A_1409[0] : i32 from vector<1xi32>
    %broadcast_in_dim3A_1411 = vector.broadcast %squeeze3A_1410 : i32 to vector<16xi32>
    %gt3A_1412 = arith.constant 0 : i32
    %gt3A_1413 = vector.broadcast %gt3A_1412 : i32 to vector<16xi32>
    %gt3A_1414 = arith.cmpi sgt, %broadcast_in_dim3A_1411, %gt3A_1413 : vector<16xi32>
    %gather3A_1415 = tpu.vector_load_idx %arg12[%iota3A_216, %broadcast_in_dim3A_1390] : memref<32x1024xf32, #tpu.memory_space<vmem>>[vector<16xi32>, vector<16xi32>], vector<16xf32>,
    %gather3A_1416 = tpu.vector_load_idx %arg12[%add3A_219, %broadcast_in_dim3A_1390] : memref<32x1024xf32, #tpu.memory_space<vmem>>[vector<16xi32>, vector<16xi32>], vector<16xf32>,
    %gather3A_1417 = tpu.vector_load_idx %arg14[%iota3A_216, %broadcast_in_dim3A_1396] : memref<32x128xf32, #tpu.memory_space<vmem>>[vector<16xi32>, vector<16xi32>], vector<16xf32>,
    %gather3A_1418 = tpu.vector_load_idx %arg14[%add3A_219, %broadcast_in_dim3A_1396] : memref<32x128xf32, #tpu.memory_space<vmem>>[vector<16xi32>, vector<16xi32>], vector<16xf32>,
    %select_n3A_1419 = arith.select %gt3A_1414, %gather3A_1417, %gather3A_1415 : vector<16xi1>, vector<16xf32>
    %select_n3A_1420 = arith.select %gt3A_1414, %gather3A_1418, %gather3A_1416 : vector<16xi1>, vector<16xf32>
    %mul3A_1421 = arith.mulf %select_n3A_1407, %select_n3A_1419 : vector<16xf32>
    %mul3A_1422 = arith.mulf %select_n3A_1408, %select_n3A_1420 : vector<16xf32>
    %add3A_1423 = arith.addf %mul3A_1421, %mul3A_1422 : vector<16xf32>
    %swap3A_1424 = arith.constant 208 : index
    %swap3A_1425 = tpu.vector_load %arg16[%swap3A_1424] {strides = array<i32>} : memref<256xf32, #tpu.memory_space<vmem>>, vector<16xf32>,
    tpu.vector_store %arg16[%swap3A_1424], %add3A_1423 {strides = array<i32>} : memref<256xf32, #tpu.memory_space<vmem>>, vector<16xf32>,
    %dma_wait3A_1426 = arith.constant 0 : i32
    %dma_wait3A_1427 = arith.constant 768 : i32
    %dma_wait3A_1428 = tpu.memref_slice %arg11[%dma_wait3A_1426, %dma_wait3A_1427] : memref<32x1024xf32, #tpu.memory_space<vmem>> -> memref<32x128xf32, #tpu.memory_space<vmem>>
    %dma_wait3A_1429 = arith.constant 0 : i32
    %dma_wait3A_1430 = arith.constant 0 : i32
    %dma_wait3A_1431 = tpu.memref_slice %arg4[%dma_wait3A_1429, %dma_wait3A_1430] : memref<32x1000000xf32, #tpu.memory_space<hbm>> -> memref<32x128xf32, #tpu.memory_space<hbm>>
    %dma_wait3A_1432 = arith.constant 0 : i32
    %dma_wait3A_1433 = arith.constant 768 : i32
    %dma_wait3A_1434 = tpu.memref_slice %arg11[%dma_wait3A_1432, %dma_wait3A_1433] : memref<32x1024xf32, #tpu.memory_space<vmem>> -> memref<32x128xf32, #tpu.memory_space<vmem>>
    %dma_wait3A_1435 = arith.constant 0 : i32
    %dma_wait3A_1436 = arith.constant 0 : i32
    %dma_wait3A_1437 = tpu.memref_slice %arg4[%dma_wait3A_1435, %dma_wait3A_1436] : memref<32x1000000xf32, #tpu.memory_space<hbm>> -> memref<32x128xf32, #tpu.memory_space<hbm>>
    tpu.wait_dma2 semaphore(%arg23 : memref<!tpu.dma_semaphore, #tpu.memory_space<semaphore_mem>>) src(%dma_wait3A_1437 : memref<32x128xf32, #tpu.memory_space<hbm>>) dst(%dma_wait3A_1434 : memref<32x128xf32, #tpu.memory_space<vmem>>)
    %dma_wait3A_1438 = arith.constant 0 : i32
    %dma_wait3A_1439 = arith.constant 768 : i32
    %dma_wait3A_1440 = tpu.memref_slice %arg12[%dma_wait3A_1438, %dma_wait3A_1439] : memref<32x1024xf32, #tpu.memory_space<vmem>> -> memref<32x128xf32, #tpu.memory_space<vmem>>
    %dma_wait3A_1441 = arith.constant 0 : i32
    %dma_wait3A_1442 = arith.constant 0 : i32
    %dma_wait3A_1443 = tpu.memref_slice %arg5[%dma_wait3A_1441, %dma_wait3A_1442] : memref<32x1000000xf32, #tpu.memory_space<hbm>> -> memref<32x128xf32, #tpu.memory_space<hbm>>
    %dma_wait3A_1444 = arith.constant 0 : i32
    %dma_wait3A_1445 = arith.constant 768 : i32
    %dma_wait3A_1446 = tpu.memref_slice %arg12[%dma_wait3A_1444, %dma_wait3A_1445] : memref<32x1024xf32, #tpu.memory_space<vmem>> -> memref<32x128xf32, #tpu.memory_space<vmem>>
    %dma_wait3A_1447 = arith.constant 0 : i32
    %dma_wait3A_1448 = arith.constant 0 : i32
    %dma_wait3A_1449 = tpu.memref_slice %arg5[%dma_wait3A_1447, %dma_wait3A_1448] : memref<32x1000000xf32, #tpu.memory_space<hbm>> -> memref<32x128xf32, #tpu.memory_space<hbm>>
    tpu.wait_dma2 semaphore(%arg23 : memref<!tpu.dma_semaphore, #tpu.memory_space<semaphore_mem>>) src(%dma_wait3A_1449 : memref<32x128xf32, #tpu.memory_space<hbm>>) dst(%dma_wait3A_1446 : memref<32x128xf32, #tpu.memory_space<vmem>>)
    %slice3A_1450 = vector.extract_strided_slice %min3A_235 {offsets = [14], sizes = [1], strides = [1]} : vector<16xi32> to vector<1xi32>
    %squeeze3A_1451 = vector.extract %slice3A_1450[0] : i32 from vector<1xi32>
    %add3A_1452 = arith.constant 768 : i32
    %add3A_1453 = arith.addi %add3A_1452, %squeeze3A_1451 : i32
    %broadcast_in_dim3A_1454 = vector.broadcast %add3A_1453 : i32 to vector<16xi32>
    %slice3A_1455 = vector.extract_strided_slice %min3A_239 {offsets = [14], sizes = [1], strides = [1]} : vector<16xi32> to vector<1xi32>
    %squeeze3A_1456 = vector.extract %slice3A_1455[0] : i32 from vector<1xi32>
    %add3A_1457 = arith.constant 768 : i32
    %add3A_1458 = arith.addi %add3A_1457, %squeeze3A_1456 : i32
    %broadcast_in_dim3A_1459 = vector.broadcast %add3A_1458 : i32 to vector<16xi32>
    %slice3A_1460 = vector.extract_strided_slice %max3A_244 {offsets = [14], sizes = [1], strides = [1]} : vector<16xi32> to vector<1xi32>
    %squeeze3A_1461 = vector.extract %slice3A_1460[0] : i32 from vector<1xi32>
    %broadcast_in_dim3A_1462 = vector.broadcast %squeeze3A_1461 : i32 to vector<16xi32>
    %slice3A_1463 = vector.extract_strided_slice %max3A_250 {offsets = [14], sizes = [1], strides = [1]} : vector<16xi32> to vector<1xi32>
    %squeeze3A_1464 = vector.extract %slice3A_1463[0] : i32 from vector<1xi32>
    %broadcast_in_dim3A_1465 = vector.broadcast %squeeze3A_1464 : i32 to vector<16xi32>
    %slice3A_1466 = vector.extract_strided_slice %convert_element_type3A {offsets = [14], sizes = [1], strides = [1]} : vector<16xi32> to vector<1xi32>
    %squeeze3A_1467 = vector.extract %slice3A_1466[0] : i32 from vector<1xi32>
    %broadcast_in_dim3A_1468 = vector.broadcast %squeeze3A_1467 : i32 to vector<16xi32>
    %gt3A_1469 = arith.constant 0 : i32
    %gt3A_1470 = vector.broadcast %gt3A_1469 : i32 to vector<16xi32>
    %gt3A_1471 = arith.cmpi sgt, %broadcast_in_dim3A_1468, %gt3A_1470 : vector<16xi32>
    %gather3A_1472 = tpu.vector_load_idx %arg11[%iota3A_216, %broadcast_in_dim3A_1454] : memref<32x1024xf32, #tpu.memory_space<vmem>>[vector<16xi32>, vector<16xi32>], vector<16xf32>,
    %gather3A_1473 = tpu.vector_load_idx %arg11[%add3A_219, %broadcast_in_dim3A_1454] : memref<32x1024xf32, #tpu.memory_space<vmem>>[vector<16xi32>, vector<16xi32>], vector<16xf32>,
    %gather3A_1474 = tpu.vector_load_idx %arg13[%iota3A_216, %broadcast_in_dim3A_1462] : memref<32x128xf32, #tpu.memory_space<vmem>>[vector<16xi32>, vector<16xi32>], vector<16xf32>,
    %gather3A_1475 = tpu.vector_load_idx %arg13[%add3A_219, %broadcast_in_dim3A_1462] : memref<32x128xf32, #tpu.memory_space<vmem>>[vector<16xi32>, vector<16xi32>], vector<16xf32>,
    %select_n3A_1476 = arith.select %gt3A_1471, %gather3A_1474, %gather3A_1472 : vector<16xi1>, vector<16xf32>
    %select_n3A_1477 = arith.select %gt3A_1471, %gather3A_1475, %gather3A_1473 : vector<16xi1>, vector<16xf32>
    %slice3A_1478 = vector.extract_strided_slice %convert_element_type3A_256 {offsets = [14], sizes = [1], strides = [1]} : vector<16xi32> to vector<1xi32>
    %squeeze3A_1479 = vector.extract %slice3A_1478[0] : i32 from vector<1xi32>
    %broadcast_in_dim3A_1480 = vector.broadcast %squeeze3A_1479 : i32 to vector<16xi32>
    %gt3A_1481 = arith.constant 0 : i32
    %gt3A_1482 = vector.broadcast %gt3A_1481 : i32 to vector<16xi32>
    %gt3A_1483 = arith.cmpi sgt, %broadcast_in_dim3A_1480, %gt3A_1482 : vector<16xi32>
    %gather3A_1484 = tpu.vector_load_idx %arg12[%iota3A_216, %broadcast_in_dim3A_1459] : memref<32x1024xf32, #tpu.memory_space<vmem>>[vector<16xi32>, vector<16xi32>], vector<16xf32>,
    %gather3A_1485 = tpu.vector_load_idx %arg12[%add3A_219, %broadcast_in_dim3A_1459] : memref<32x1024xf32, #tpu.memory_space<vmem>>[vector<16xi32>, vector<16xi32>], vector<16xf32>,
    %gather3A_1486 = tpu.vector_load_idx %arg14[%iota3A_216, %broadcast_in_dim3A_1465] : memref<32x128xf32, #tpu.memory_space<vmem>>[vector<16xi32>, vector<16xi32>], vector<16xf32>,
    %gather3A_1487 = tpu.vector_load_idx %arg14[%add3A_219, %broadcast_in_dim3A_1465] : memref<32x128xf32, #tpu.memory_space<vmem>>[vector<16xi32>, vector<16xi32>], vector<16xf32>,
    %select_n3A_1488 = arith.select %gt3A_1483, %gather3A_1486, %gather3A_1484 : vector<16xi1>, vector<16xf32>
    %select_n3A_1489 = arith.select %gt3A_1483, %gather3A_1487, %gather3A_1485 : vector<16xi1>, vector<16xf32>
    %mul3A_1490 = arith.mulf %select_n3A_1476, %select_n3A_1488 : vector<16xf32>
    %mul3A_1491 = arith.mulf %select_n3A_1477, %select_n3A_1489 : vector<16xf32>
    %add3A_1492 = arith.addf %mul3A_1490, %mul3A_1491 : vector<16xf32>
    %swap3A_1493 = arith.constant 224 : index
    %swap3A_1494 = tpu.vector_load %arg16[%swap3A_1493] {strides = array<i32>} : memref<256xf32, #tpu.memory_space<vmem>>, vector<16xf32>,
    tpu.vector_store %arg16[%swap3A_1493], %add3A_1492 {strides = array<i32>} : memref<256xf32, #tpu.memory_space<vmem>>, vector<16xf32>,
    %dma_wait3A_1495 = arith.constant 0 : i32
    %dma_wait3A_1496 = arith.constant 896 : i32
    %dma_wait3A_1497 = tpu.memref_slice %arg11[%dma_wait3A_1495, %dma_wait3A_1496] : memref<32x1024xf32, #tpu.memory_space<vmem>> -> memref<32x128xf32, #tpu.memory_space<vmem>>
    %dma_wait3A_1498 = arith.constant 0 : i32
    %dma_wait3A_1499 = arith.constant 0 : i32
    %dma_wait3A_1500 = tpu.memref_slice %arg4[%dma_wait3A_1498, %dma_wait3A_1499] : memref<32x1000000xf32, #tpu.memory_space<hbm>> -> memref<32x128xf32, #tpu.memory_space<hbm>>
    %dma_wait3A_1501 = arith.constant 0 : i32
    %dma_wait3A_1502 = arith.constant 896 : i32
    %dma_wait3A_1503 = tpu.memref_slice %arg11[%dma_wait3A_1501, %dma_wait3A_1502] : memref<32x1024xf32, #tpu.memory_space<vmem>> -> memref<32x128xf32, #tpu.memory_space<vmem>>
    %dma_wait3A_1504 = arith.constant 0 : i32
    %dma_wait3A_1505 = arith.constant 0 : i32
    %dma_wait3A_1506 = tpu.memref_slice %arg4[%dma_wait3A_1504, %dma_wait3A_1505] : memref<32x1000000xf32, #tpu.memory_space<hbm>> -> memref<32x128xf32, #tpu.memory_space<hbm>>
    tpu.wait_dma2 semaphore(%arg24 : memref<!tpu.dma_semaphore, #tpu.memory_space<semaphore_mem>>) src(%dma_wait3A_1506 : memref<32x128xf32, #tpu.memory_space<hbm>>) dst(%dma_wait3A_1503 : memref<32x128xf32, #tpu.memory_space<vmem>>)
    %dma_wait3A_1507 = arith.constant 0 : i32
    %dma_wait3A_1508 = arith.constant 896 : i32
    %dma_wait3A_1509 = tpu.memref_slice %arg12[%dma_wait3A_1507, %dma_wait3A_1508] : memref<32x1024xf32, #tpu.memory_space<vmem>> -> memref<32x128xf32, #tpu.memory_space<vmem>>
    %dma_wait3A_1510 = arith.constant 0 : i32
    %dma_wait3A_1511 = arith.constant 0 : i32
    %dma_wait3A_1512 = tpu.memref_slice %arg5[%dma_wait3A_1510, %dma_wait3A_1511] : memref<32x1000000xf32, #tpu.memory_space<hbm>> -> memref<32x128xf32, #tpu.memory_space<hbm>>
    %dma_wait3A_1513 = arith.constant 0 : i32
    %dma_wait3A_1514 = arith.constant 896 : i32
    %dma_wait3A_1515 = tpu.memref_slice %arg12[%dma_wait3A_1513, %dma_wait3A_1514] : memref<32x1024xf32, #tpu.memory_space<vmem>> -> memref<32x128xf32, #tpu.memory_space<vmem>>
    %dma_wait3A_1516 = arith.constant 0 : i32
    %dma_wait3A_1517 = arith.constant 0 : i32
    %dma_wait3A_1518 = tpu.memref_slice %arg5[%dma_wait3A_1516, %dma_wait3A_1517] : memref<32x1000000xf32, #tpu.memory_space<hbm>> -> memref<32x128xf32, #tpu.memory_space<hbm>>
    tpu.wait_dma2 semaphore(%arg24 : memref<!tpu.dma_semaphore, #tpu.memory_space<semaphore_mem>>) src(%dma_wait3A_1518 : memref<32x128xf32, #tpu.memory_space<hbm>>) dst(%dma_wait3A_1515 : memref<32x128xf32, #tpu.memory_space<vmem>>)
    %slice3A_1519 = vector.extract_strided_slice %min3A_235 {offsets = [15], sizes = [1], strides = [1]} : vector<16xi32> to vector<1xi32>
    %squeeze3A_1520 = vector.extract %slice3A_1519[0] : i32 from vector<1xi32>
    %add3A_1521 = arith.constant 896 : i32
    %add3A_1522 = arith.addi %add3A_1521, %squeeze3A_1520 : i32
    %broadcast_in_dim3A_1523 = vector.broadcast %add3A_1522 : i32 to vector<16xi32>
    %slice3A_1524 = vector.extract_strided_slice %min3A_239 {offsets = [15], sizes = [1], strides = [1]} : vector<16xi32> to vector<1xi32>
    %squeeze3A_1525 = vector.extract %slice3A_1524[0] : i32 from vector<1xi32>
    %add3A_1526 = arith.constant 896 : i32
    %add3A_1527 = arith.addi %add3A_1526, %squeeze3A_1525 : i32
    %broadcast_in_dim3A_1528 = vector.broadcast %add3A_1527 : i32 to vector<16xi32>
    %slice3A_1529 = vector.extract_strided_slice %max3A_244 {offsets = [15], sizes = [1], strides = [1]} : vector<16xi32> to vector<1xi32>
    %squeeze3A_1530 = vector.extract %slice3A_1529[0] : i32 from vector<1xi32>
    %broadcast_in_dim3A_1531 = vector.broadcast %squeeze3A_1530 : i32 to vector<16xi32>
    %slice3A_1532 = vector.extract_strided_slice %max3A_250 {offsets = [15], sizes = [1], strides = [1]} : vector<16xi32> to vector<1xi32>
    %squeeze3A_1533 = vector.extract %slice3A_1532[0] : i32 from vector<1xi32>
    %broadcast_in_dim3A_1534 = vector.broadcast %squeeze3A_1533 : i32 to vector<16xi32>
    %slice3A_1535 = vector.extract_strided_slice %convert_element_type3A {offsets = [15], sizes = [1], strides = [1]} : vector<16xi32> to vector<1xi32>
    %squeeze3A_1536 = vector.extract %slice3A_1535[0] : i32 from vector<1xi32>
    %broadcast_in_dim3A_1537 = vector.broadcast %squeeze3A_1536 : i32 to vector<16xi32>
    %gt3A_1538 = arith.constant 0 : i32
    %gt3A_1539 = vector.broadcast %gt3A_1538 : i32 to vector<16xi32>
    %gt3A_1540 = arith.cmpi sgt, %broadcast_in_dim3A_1537, %gt3A_1539 : vector<16xi32>
    %gather3A_1541 = tpu.vector_load_idx %arg11[%iota3A_216, %broadcast_in_dim3A_1523] : memref<32x1024xf32, #tpu.memory_space<vmem>>[vector<16xi32>, vector<16xi32>], vector<16xf32>,
    %gather3A_1542 = tpu.vector_load_idx %arg11[%add3A_219, %broadcast_in_dim3A_1523] : memref<32x1024xf32, #tpu.memory_space<vmem>>[vector<16xi32>, vector<16xi32>], vector<16xf32>,
    %gather3A_1543 = tpu.vector_load_idx %arg13[%iota3A_216, %broadcast_in_dim3A_1531] : memref<32x128xf32, #tpu.memory_space<vmem>>[vector<16xi32>, vector<16xi32>], vector<16xf32>,
    %gather3A_1544 = tpu.vector_load_idx %arg13[%add3A_219, %broadcast_in_dim3A_1531] : memref<32x128xf32, #tpu.memory_space<vmem>>[vector<16xi32>, vector<16xi32>], vector<16xf32>,
    %select_n3A_1545 = arith.select %gt3A_1540, %gather3A_1543, %gather3A_1541 : vector<16xi1>, vector<16xf32>
    %select_n3A_1546 = arith.select %gt3A_1540, %gather3A_1544, %gather3A_1542 : vector<16xi1>, vector<16xf32>
    %slice3A_1547 = vector.extract_strided_slice %convert_element_type3A_256 {offsets = [15], sizes = [1], strides = [1]} : vector<16xi32> to vector<1xi32>
    %squeeze3A_1548 = vector.extract %slice3A_1547[0] : i32 from vector<1xi32>
    %broadcast_in_dim3A_1549 = vector.broadcast %squeeze3A_1548 : i32 to vector<16xi32>
    %gt3A_1550 = arith.constant 0 : i32
    %gt3A_1551 = vector.broadcast %gt3A_1550 : i32 to vector<16xi32>
    %gt3A_1552 = arith.cmpi sgt, %broadcast_in_dim3A_1549, %gt3A_1551 : vector<16xi32>
    %gather3A_1553 = tpu.vector_load_idx %arg12[%iota3A_216, %broadcast_in_dim3A_1528] : memref<32x1024xf32, #tpu.memory_space<vmem>>[vector<16xi32>, vector<16xi32>], vector<16xf32>,
    %gather3A_1554 = tpu.vector_load_idx %arg12[%add3A_219, %broadcast_in_dim3A_1528] : memref<32x1024xf32, #tpu.memory_space<vmem>>[vector<16xi32>, vector<16xi32>], vector<16xf32>,
    %gather3A_1555 = tpu.vector_load_idx %arg14[%iota3A_216, %broadcast_in_dim3A_1534] : memref<32x128xf32, #tpu.memory_space<vmem>>[vector<16xi32>, vector<16xi32>], vector<16xf32>,
    %gather3A_1556 = tpu.vector_load_idx %arg14[%add3A_219, %broadcast_in_dim3A_1534] : memref<32x128xf32, #tpu.memory_space<vmem>>[vector<16xi32>, vector<16xi32>], vector<16xf32>,
    %select_n3A_1557 = arith.select %gt3A_1552, %gather3A_1555, %gather3A_1553 : vector<16xi1>, vector<16xf32>
    %select_n3A_1558 = arith.select %gt3A_1552, %gather3A_1556, %gather3A_1554 : vector<16xi1>, vector<16xf32>
    %mul3A_1559 = arith.mulf %select_n3A_1545, %select_n3A_1557 : vector<16xf32>
    %mul3A_1560 = arith.mulf %select_n3A_1546, %select_n3A_1558 : vector<16xf32>
    %add3A_1561 = arith.addf %mul3A_1559, %mul3A_1560 : vector<16xf32>
    %swap3A_1562 = arith.constant 240 : index
    %swap3A_1563 = tpu.vector_load %arg16[%swap3A_1562] {strides = array<i32>} : memref<256xf32, #tpu.memory_space<vmem>>, vector<16xf32>,
    tpu.vector_store %arg16[%swap3A_1562], %add3A_1561 {strides = array<i32>} : memref<256xf32, #tpu.memory_space<vmem>>, vector<16xf32>,
    %broadcast_in_dim3A_1564 = arith.constant 0.000000e+00 : f32
    %broadcast_in_dim3A_1565 = vector.broadcast %broadcast_in_dim3A_1564 : f32 to vector<16xf32>
    %mul3A_1566 = arith.constant 16 : i32
    %mul3A_1567 = vector.broadcast %mul3A_1566 : i32 to vector<16xi32>
    %mul3A_1568 = arith.muli %iota3A, %mul3A_1567 : vector<16xi32>
    %add3A_1569 = arith.constant 0 : i32
    %add3A_1570 = vector.broadcast %add3A_1569 : i32 to vector<16xi32>
    %add3A_1571 = arith.addi %mul3A_1568, %add3A_1570 : vector<16xi32>
    %gather3A_1572 = tpu.vector_load_idx %arg16[%add3A_1571] : memref<256xf32, #tpu.memory_space<vmem>>[vector<16xi32>], vector<16xf32>,
    %add3A_1573 = arith.addf %broadcast_in_dim3A_1565, %gather3A_1572 : vector<16xf32>
    %mul3A_1574 = arith.constant 16 : i32
    %mul3A_1575 = vector.broadcast %mul3A_1574 : i32 to vector<16xi32>
    %mul3A_1576 = arith.muli %iota3A, %mul3A_1575 : vector<16xi32>
    %add3A_1577 = arith.constant 1 : i32
    %add3A_1578 = vector.broadcast %add3A_1577 : i32 to vector<16xi32>
    %add3A_1579 = arith.addi %mul3A_1576, %add3A_1578 : vector<16xi32>
    %gather3A_1580 = tpu.vector_load_idx %arg16[%add3A_1579] : memref<256xf32, #tpu.memory_space<vmem>>[vector<16xi32>], vector<16xf32>,
    %add3A_1581 = arith.addf %add3A_1573, %gather3A_1580 : vector<16xf32>
    %mul3A_1582 = arith.constant 16 : i32
    %mul3A_1583 = vector.broadcast %mul3A_1582 : i32 to vector<16xi32>
    %mul3A_1584 = arith.muli %iota3A, %mul3A_1583 : vector<16xi32>
    %add3A_1585 = arith.constant 2 : i32
    %add3A_1586 = vector.broadcast %add3A_1585 : i32 to vector<16xi32>
    %add3A_1587 = arith.addi %mul3A_1584, %add3A_1586 : vector<16xi32>
    %gather3A_1588 = tpu.vector_load_idx %arg16[%add3A_1587] : memref<256xf32, #tpu.memory_space<vmem>>[vector<16xi32>], vector<16xf32>,
    %add3A_1589 = arith.addf %add3A_1581, %gather3A_1588 : vector<16xf32>
    %mul3A_1590 = arith.constant 16 : i32
    %mul3A_1591 = vector.broadcast %mul3A_1590 : i32 to vector<16xi32>
    %mul3A_1592 = arith.muli %iota3A, %mul3A_1591 : vector<16xi32>
    %add3A_1593 = arith.constant 3 : i32
    %add3A_1594 = vector.broadcast %add3A_1593 : i32 to vector<16xi32>
    %add3A_1595 = arith.addi %mul3A_1592, %add3A_1594 : vector<16xi32>
    %gather3A_1596 = tpu.vector_load_idx %arg16[%add3A_1595] : memref<256xf32, #tpu.memory_space<vmem>>[vector<16xi32>], vector<16xf32>,
    %add3A_1597 = arith.addf %add3A_1589, %gather3A_1596 : vector<16xf32>
    %mul3A_1598 = arith.constant 16 : i32
    %mul3A_1599 = vector.broadcast %mul3A_1598 : i32 to vector<16xi32>
    %mul3A_1600 = arith.muli %iota3A, %mul3A_1599 : vector<16xi32>
    %add3A_1601 = arith.constant 4 : i32
    %add3A_1602 = vector.broadcast %add3A_1601 : i32 to vector<16xi32>
    %add3A_1603 = arith.addi %mul3A_1600, %add3A_1602 : vector<16xi32>
    %gather3A_1604 = tpu.vector_load_idx %arg16[%add3A_1603] : memref<256xf32, #tpu.memory_space<vmem>>[vector<16xi32>], vector<16xf32>,
    %add3A_1605 = arith.addf %add3A_1597, %gather3A_1604 : vector<16xf32>
    %mul3A_1606 = arith.constant 16 : i32
    %mul3A_1607 = vector.broadcast %mul3A_1606 : i32 to vector<16xi32>
    %mul3A_1608 = arith.muli %iota3A, %mul3A_1607 : vector<16xi32>
    %add3A_1609 = arith.constant 5 : i32
    %add3A_1610 = vector.broadcast %add3A_1609 : i32 to vector<16xi32>
    %add3A_1611 = arith.addi %mul3A_1608, %add3A_1610 : vector<16xi32>
    %gather3A_1612 = tpu.vector_load_idx %arg16[%add3A_1611] : memref<256xf32, #tpu.memory_space<vmem>>[vector<16xi32>], vector<16xf32>,
    %add3A_1613 = arith.addf %add3A_1605, %gather3A_1612 : vector<16xf32>
    %mul3A_1614 = arith.constant 16 : i32
    %mul3A_1615 = vector.broadcast %mul3A_1614 : i32 to vector<16xi32>
    %mul3A_1616 = arith.muli %iota3A, %mul3A_1615 : vector<16xi32>
    %add3A_1617 = arith.constant 6 : i32
    %add3A_1618 = vector.broadcast %add3A_1617 : i32 to vector<16xi32>
    %add3A_1619 = arith.addi %mul3A_1616, %add3A_1618 : vector<16xi32>
    %gather3A_1620 = tpu.vector_load_idx %arg16[%add3A_1619] : memref<256xf32, #tpu.memory_space<vmem>>[vector<16xi32>], vector<16xf32>,
    %add3A_1621 = arith.addf %add3A_1613, %gather3A_1620 : vector<16xf32>
    %mul3A_1622 = arith.constant 16 : i32
    %mul3A_1623 = vector.broadcast %mul3A_1622 : i32 to vector<16xi32>
    %mul3A_1624 = arith.muli %iota3A, %mul3A_1623 : vector<16xi32>
    %add3A_1625 = arith.constant 7 : i32
    %add3A_1626 = vector.broadcast %add3A_1625 : i32 to vector<16xi32>
    %add3A_1627 = arith.addi %mul3A_1624, %add3A_1626 : vector<16xi32>
    %gather3A_1628 = tpu.vector_load_idx %arg16[%add3A_1627] : memref<256xf32, #tpu.memory_space<vmem>>[vector<16xi32>], vector<16xf32>,
    %add3A_1629 = arith.addf %add3A_1621, %gather3A_1628 : vector<16xf32>
    %mul3A_1630 = arith.constant 16 : i32
    %mul3A_1631 = vector.broadcast %mul3A_1630 : i32 to vector<16xi32>
    %mul3A_1632 = arith.muli %iota3A, %mul3A_1631 : vector<16xi32>
    %add3A_1633 = arith.constant 8 : i32
    %add3A_1634 = vector.broadcast %add3A_1633 : i32 to vector<16xi32>
    %add3A_1635 = arith.addi %mul3A_1632, %add3A_1634 : vector<16xi32>
    %gather3A_1636 = tpu.vector_load_idx %arg16[%add3A_1635] : memref<256xf32, #tpu.memory_space<vmem>>[vector<16xi32>], vector<16xf32>,
    %add3A_1637 = arith.addf %add3A_1629, %gather3A_1636 : vector<16xf32>
    %mul3A_1638 = arith.constant 16 : i32
    %mul3A_1639 = vector.broadcast %mul3A_1638 : i32 to vector<16xi32>
    %mul3A_1640 = arith.muli %iota3A, %mul3A_1639 : vector<16xi32>
    %add3A_1641 = arith.constant 9 : i32
    %add3A_1642 = vector.broadcast %add3A_1641 : i32 to vector<16xi32>
    %add3A_1643 = arith.addi %mul3A_1640, %add3A_1642 : vector<16xi32>
    %gather3A_1644 = tpu.vector_load_idx %arg16[%add3A_1643] : memref<256xf32, #tpu.memory_space<vmem>>[vector<16xi32>], vector<16xf32>,
    %add3A_1645 = arith.addf %add3A_1637, %gather3A_1644 : vector<16xf32>
    %mul3A_1646 = arith.constant 16 : i32
    %mul3A_1647 = vector.broadcast %mul3A_1646 : i32 to vector<16xi32>
    %mul3A_1648 = arith.muli %iota3A, %mul3A_1647 : vector<16xi32>
    %add3A_1649 = arith.constant 10 : i32
    %add3A_1650 = vector.broadcast %add3A_1649 : i32 to vector<16xi32>
    %add3A_1651 = arith.addi %mul3A_1648, %add3A_1650 : vector<16xi32>
    %gather3A_1652 = tpu.vector_load_idx %arg16[%add3A_1651] : memref<256xf32, #tpu.memory_space<vmem>>[vector<16xi32>], vector<16xf32>,
    %add3A_1653 = arith.addf %add3A_1645, %gather3A_1652 : vector<16xf32>
    %mul3A_1654 = arith.constant 16 : i32
    %mul3A_1655 = vector.broadcast %mul3A_1654 : i32 to vector<16xi32>
    %mul3A_1656 = arith.muli %iota3A, %mul3A_1655 : vector<16xi32>
    %add3A_1657 = arith.constant 11 : i32
    %add3A_1658 = vector.broadcast %add3A_1657 : i32 to vector<16xi32>
    %add3A_1659 = arith.addi %mul3A_1656, %add3A_1658 : vector<16xi32>
    %gather3A_1660 = tpu.vector_load_idx %arg16[%add3A_1659] : memref<256xf32, #tpu.memory_space<vmem>>[vector<16xi32>], vector<16xf32>,
    %add3A_1661 = arith.addf %add3A_1653, %gather3A_1660 : vector<16xf32>
    %mul3A_1662 = arith.constant 16 : i32
    %mul3A_1663 = vector.broadcast %mul3A_1662 : i32 to vector<16xi32>
    %mul3A_1664 = arith.muli %iota3A, %mul3A_1663 : vector<16xi32>
    %add3A_1665 = arith.constant 12 : i32
    %add3A_1666 = vector.broadcast %add3A_1665 : i32 to vector<16xi32>
    %add3A_1667 = arith.addi %mul3A_1664, %add3A_1666 : vector<16xi32>
    %gather3A_1668 = tpu.vector_load_idx %arg16[%add3A_1667] : memref<256xf32, #tpu.memory_space<vmem>>[vector<16xi32>], vector<16xf32>,
    %add3A_1669 = arith.addf %add3A_1661, %gather3A_1668 : vector<16xf32>
    %mul3A_1670 = arith.constant 16 : i32
    %mul3A_1671 = vector.broadcast %mul3A_1670 : i32 to vector<16xi32>
    %mul3A_1672 = arith.muli %iota3A, %mul3A_1671 : vector<16xi32>
    %add3A_1673 = arith.constant 13 : i32
    %add3A_1674 = vector.broadcast %add3A_1673 : i32 to vector<16xi32>
    %add3A_1675 = arith.addi %mul3A_1672, %add3A_1674 : vector<16xi32>
    %gather3A_1676 = tpu.vector_load_idx %arg16[%add3A_1675] : memref<256xf32, #tpu.memory_space<vmem>>[vector<16xi32>], vector<16xf32>,
    %add3A_1677 = arith.addf %add3A_1669, %gather3A_1676 : vector<16xf32>
    %mul3A_1678 = arith.constant 16 : i32
    %mul3A_1679 = vector.broadcast %mul3A_1678 : i32 to vector<16xi32>
    %mul3A_1680 = arith.muli %iota3A, %mul3A_1679 : vector<16xi32>
    %add3A_1681 = arith.constant 14 : i32
    %add3A_1682 = vector.broadcast %add3A_1681 : i32 to vector<16xi32>
    %add3A_1683 = arith.addi %mul3A_1680, %add3A_1682 : vector<16xi32>
    %gather3A_1684 = tpu.vector_load_idx %arg16[%add3A_1683] : memref<256xf32, #tpu.memory_space<vmem>>[vector<16xi32>], vector<16xf32>,
    %add3A_1685 = arith.addf %add3A_1677, %gather3A_1684 : vector<16xf32>
    %mul3A_1686 = arith.constant 16 : i32
    %mul3A_1687 = vector.broadcast %mul3A_1686 : i32 to vector<16xi32>
    %mul3A_1688 = arith.muli %iota3A, %mul3A_1687 : vector<16xi32>
    %add3A_1689 = arith.constant 15 : i32
    %add3A_1690 = vector.broadcast %add3A_1689 : i32 to vector<16xi32>
    %add3A_1691 = arith.addi %mul3A_1688, %add3A_1690 : vector<16xi32>
    %gather3A_1692 = tpu.vector_load_idx %arg16[%add3A_1691] : memref<256xf32, #tpu.memory_space<vmem>>[vector<16xi32>], vector<16xf32>,
    %add3A_1693 = arith.addf %add3A_1685, %gather3A_1692 : vector<16xf32>
    %swap3A_1694 = arith.constant 496 : index
    %swap3A_1695 = tpu.vector_load %arg15[%swap3A_1694] {strides = array<i32>} : memref<512xf32, #tpu.memory_space<vmem>>, vector<16xf32>,
    tpu.vector_store %arg15[%swap3A_1694], %add3A_1693 {strides = array<i32>} : memref<512xf32, #tpu.memory_space<vmem>>, vector<16xf32>,
    "tpu.region"() ({
      %run_scoped3A = tpu.sem_alloc : memref<!tpu.dma_semaphore, #tpu.memory_space<semaphore_mem>>
      %dma_start3A_1696 = tpu.memref_slice %arg8[%multiple_of3A] : memref<16384xf32, #tpu.memory_space<hbm>> -> memref<512xf32, #tpu.memory_space<hbm>>
      %dma_start3A_1697 = tpu.memref_slice %arg8[%multiple_of3A] : memref<16384xf32, #tpu.memory_space<hbm>> -> memref<512xf32, #tpu.memory_space<hbm>>
      tpu.enqueue_dma source(%arg15 : memref<512xf32, #tpu.memory_space<vmem>>) target(%dma_start3A_1697 : memref<512xf32, #tpu.memory_space<hbm>>) target_semaphore(%run_scoped3A : memref<!tpu.dma_semaphore, #tpu.memory_space<semaphore_mem>>)
      %dma_wait3A_1698 = tpu.memref_slice %arg8[%multiple_of3A] : memref<16384xf32, #tpu.memory_space<hbm>> -> memref<512xf32, #tpu.memory_space<hbm>>
      %dma_wait3A_1699 = tpu.memref_slice %arg8[%multiple_of3A] : memref<16384xf32, #tpu.memory_space<hbm>> -> memref<512xf32, #tpu.memory_space<hbm>>
      tpu.wait_dma2 semaphore(%run_scoped3A : memref<!tpu.dma_semaphore, #tpu.memory_space<semaphore_mem>>) src(%arg15 : memref<512xf32, #tpu.memory_space<vmem>>) dst(%dma_wait3A_1699 : memref<512xf32, #tpu.memory_space<hbm>>)
      tpu.yield
    }) : () -> ()
    return
  }
}

</mosaic_0001>

<sc_bundles>
// kernel: _run.3.cloned.1.call-start
scs
__scs_entry_jumppad:
0x0: {  	(pc) =	sbr.rel $0x88, $3  }
0x1: {  	(tag) =	ssettag $0x0;
	lr =	simm.s32 $0x1  }
0x2: {  	[smem:$0x3F9B] =	sst lr;
	_ =	strace $0xD0000000  }
0x3: {  	_ = 	snop  }
0x4: {  	_ = 	snop  }
0x5: {  	_ = 	snop  }
0x6: {  	_ = 	snop  }
0x7: {  	_ = 	snop  }
__scs_overlays_trampoline_lowered:
0x8: {  	[smem:$0x3FAA] =	sst s0  }
0x9: {  	[smem:$0x3FAB] =	sst s1  }
0xa: {  	[smem:$0x3FAC] =	sst s2  }
0xb: {  	[smem:$0x3FAD] =	sst s3  }
0xc: {  	[smem:$0x3FAE] =	sst s4  }
0xd: {  	[smem:$0x3FAF] =	sst s5  }
0xe: {  	[smem:$0x3FB0] =	sst s6  }
0xf: {  	[smem:$0x3FB1] =	sst s7  }
0x10: {  	[smem:$0x3FB2] =	sst s8  }
0x11: {  	[smem:$0x3FB3] =	sst s9;
	s0 =	simm.s32 @!p0 $0x0  }
0x12: {  	s1 =	sld [smem:$0x3F99];
	s0 =	simm.s32 @p0 $0x1  }
0x13: {  	[smem:$0x3FB4] =	sst s0;
	s0 =	simm.s32 @!p1 $0x0  }
0x14: {  	s2 =	sld [smem:$0x3F98];
	s0 =	simm.s32 @p1 $0x1  }
0x15: {  	[smem:$0x3FB5] =	sst s0;
	s0 =	simm.s32 @!p2 $0x0  }
0x16: {  	s3 =	sld [smem:$0x3FDB];
	s0 =	simm.s32 @p2 $0x1  }
0x17: {  	s4 =	simm.s32 $0x1BF5;
	[smem:$0x3FB7] =	sst s0  }
0x18: {  	s0 =	sld [smem:$0x3F9A];
	_ =	swait.ge [sflag:s4], $0x0  }
0x19: {  	s7 =	sld [smem:$0x3F9B]  }
0x1a: {  	s8 =	sadd.s32 $0xFFFFE003, lr  }
0x1b: {  	s9 =	sadd.s32 $0xFFFFFEF7, lr;
	s5 =	simm.s32 $0xFFFFFFFF;
	p2 =	slt.u32 s8, $0xFFFFF086  }
0x1c: {  	p1 =	slt.u32 s9, $0xF7A;
	s5 =	simm.s32 @!p2 $0x0  }
0x1d: {  	s5 =	simm.s32 @p1 $0x1;
	p0 =	seq.s32 s7, s2  }
0x1e: {  	s7 =	smul.u32 @!p0 $0xF7A, s2;
	p2 =	seq.s32 @!p0 s5, $0x0  }
0x1f: {  	s9 =	smul.u32 $0xF7A, s1;
	s8 =	simm.s32 @!p0 $0x1BF5;
	p2 =	por !p2, p0  }
0x20: {  	[sflag:s8] =	ssyncset.s32 @!p0 $0xFFFFF086;
	s6 =	sadd.s32 @!p0 s3, s7;
	s7 =	simm.s32 @!p0 $0x108  }
0x21: {  	s3 =	sadd.s32 s3, s9;
	s6 =	sadd.s32 @!p0 $0x88, s6;
	s7 =	simm.s32 @p2 $0x1082  }
0x22: {  	[simem:s7], [sflag:s8] =	dma.local @!p0 [hbm:s6], $0xF7A  }
0x23: {  	s9 =	sor.u32 $0xD0000000, s2;
	s6 =	simm.s32 $0x108;
	_ =	swait.ge @!p0 [sflag:s8], $0x0  }
0x24: {  	s3 =	sadd.s32 $0x88, s3;
	s6 =	simm.s32 @!p1 $0x1082;
	[sflag:s4] =	ssyncset.s32 $0xFFFFF086  }
0x25: {  	[simem:s6], [sflag:s4] =	dma.local [hbm:s3], $0xF7A  }
0x26: {  	[smem:$0x3F9B] =	sst s1;
	(tag) =	ssettag s2;
	_ =	strace s9  }
0x27: {  	s1 =	sld [smem:$0x3FAB]  }
0x28: {  	s2 =	sld [smem:$0x3FAC]  }
0x29: {  	s4 =	sld [smem:$0x3FAE]  }
0x2a: {  	p0 =	seq.s32 s5, $0x0;
	s5 =	sld [smem:$0x3FAF]  }
0x2b: {  	s6 =	sld [smem:$0x3FB0]  }
0x2c: {  	s7 =	sld [smem:$0x3FB1]  }
0x2d: {  	s3 =	simm.s32 $0x108;
	s8 =	sld [smem:$0x3FB2]  }
0x2e: {  	s3 =	simm.s32 @!p0 $0x1082;
	s9 =	sld [smem:$0x3FB3]  }
0x2f: {  	lr =	sadd.s32 s0, s3;
	s0 =	sld [smem:$0x3FAA]  }
0x30: {  	s3 =	sld [smem:$0x3FAD]  }
0x31: {  	[smem:$0x3FB6] =	sst s10  }
0x32: {  	s10 =	sld [smem:$0x3FB4];
	_ =	sdelay $0x3  }
0x33: {  	p0 =	seq.s32 s10, $0x1;
	s10 =	sld [smem:$0x3FB6];
	_ =	sdelay $0x3  }
0x34: {  	[smem:$0x3FB6] =	sst s10  }
0x35: {  	s10 =	sld [smem:$0x3FB5];
	_ =	sdelay $0x3  }
0x36: {  	p1 =	seq.s32 s10, $0x1;
	s10 =	sld [smem:$0x3FB6];
	_ =	sdelay $0x3  }
0x37: {  	[smem:$0x3FB6] =	sst s10  }
0x38: {  	s10 =	sld [smem:$0x3FB7]  }
0x39: {  	_ = 	snop;
	(pc) =	sbr.ind lr, $3  }
0x3a: {  	_ = 	snop  }
0x3b: {  	_ = 	snop  }
0x3c: {  	p2 =	seq.s32 s10, $0x1;
	s10 =	sld [smem:$0x3FB6]  }
0x3d: {  	_ =	shalt  }
0x3e: {  	_ =	shalt  }
0x3f: {  	_ =	shalt  }
0x40: {  	_ =	shalt  }
0x41: {  	_ =	shalt  }
0x42: {  	_ =	shalt  }
0x43: {  	_ =	shalt  }
0x44: {  	_ =	shalt  }
0x45: {  	_ =	shalt  }
0x46: {  	_ =	shalt  }
0x47: {  	_ =	shalt  }
0x48: {  	_ =	shalt  }
0x49: {  	_ =	shalt  }
0x4a: {  	_ =	shalt  }
0x4b: {  	_ =	shalt  }
0x4c: {  	_ =	shalt  }
0x4d: {  	_ =	shalt  }
0x4e: {  	_ =	shalt  }
0x4f: {  	_ =	shalt  }
0x50: {  	_ =	shalt  }
0x51: {  	_ =	shalt  }
0x52: {  	_ =	shalt  }
0x53: {  	_ =	shalt  }
0x54: {  	_ =	shalt  }
0x55: {  	_ =	shalt  }
0x56: {  	_ =	shalt  }
0x57: {  	_ =	shalt  }
0x58: {  	_ =	shalt  }
0x59: {  	_ =	shalt  }
0x5a: {  	_ =	shalt  }
0x5b: {  	_ =	shalt  }
0x5c: {  	_ =	shalt  }
0x5d: {  	_ =	shalt  }
0x5e: {  	_ =	shalt  }
0x5f: {  	_ =	shalt  }
0x60: {  	_ =	shalt  }
0x61: {  	_ =	shalt  }
0x62: {  	_ =	shalt  }
0x63: {  	_ =	shalt  }
0x64: {  	_ =	shalt  }
0x65: {  	_ =	shalt  }
0x66: {  	_ =	shalt  }
0x67: {  	_ =	shalt  }
0x68: {  	_ =	shalt  }
0x69: {  	_ =	shalt  }
0x6a: {  	_ =	shalt  }
0x6b: {  	_ =	shalt  }
0x6c: {  	_ =	shalt  }
0x6d: {  	_ =	shalt  }
0x6e: {  	_ =	shalt  }
0x6f: {  	_ =	shalt  }
0x70: {  	_ =	shalt  }
0x71: {  	_ =	shalt  }
0x72: {  	_ =	shalt  }
0x73: {  	_ =	shalt  }
0x74: {  	_ =	shalt  }
0x75: {  	_ =	shalt  }
0x76: {  	_ =	shalt  }
0x77: {  	_ =	shalt  }
0x78: {  	_ =	shalt  }
0x79: {  	_ =	shalt  }
0x7a: {  	_ =	shalt  }
0x7b: {  	_ =	shalt  }
0x7c: {  	_ =	shalt  }
0x7d: {  	_ =	shalt  }
0x7e: {  	_ =	shalt  }
0x7f: {  	_ =	shalt  }
0x80: {  	_ =	shalt  }
0x81: {  	_ =	shalt  }
0x82: {  	_ =	shalt  }
0x83: {  	_ =	shalt  }
0x84: {  	_ =	shalt  }
0x85: {  	_ =	shalt  }
0x86: {  	_ =	shalt  }
0x87: {  	_ =	shalt  }
.Lfunc_end0:
.L_simem_size_0:
called_computation_lowered:
.L_overlay_start_0:
0x88: {  	s2 =	sld [smem:$0x3FD9]  }
0x89: {  	s3 =	sld [smem:$0x3FFE];
	_ =	sdelay $0x1  }
0x8a: {  	s1 =	srdreg.scid  }
0x8b: {  	s0 =	sand.u32 $0x1, s1  }
0x8c: {  	s18 =	sshll.u32 s0, $0xA;
	s2 =	sadd.s32 s3, s2  }
0x8d: {  	s2 =	sadd.s32 s2, s18  }
0x8e: {  	[smem:$0x3FC2] =	sst s2  }
0x8f: {  	_ = 	snop  }
0x90: {  	s2 =	sld [smem:$0x3FC9]  }
0x91: {  	s19 =	sld [smem:$0x3FC8]  }
0x92: {  	s4 =	sld [smem:$0x3FC7]  }
0x93: {  	s5 =	sld [smem:$0x3FC6]  }
0x94: {  	s6 =	sld [smem:$0x3FC5]  }
0x95: {  	s7 =	sld [smem:$0x3FC4]  }
0x96: {  	s8 =	sld [smem:$0x3FD0];
	(tm) =	ssettm $0x1  }
0x97: {  	s9 =	sld [smem:$0x3FFB];
	_ =	sdelay $0x3  }
0x98: {  	_ =	strace s9  }
0x99: {  	s9 =	sld [smem:$0x3FFC];
	_ =	sdelay $0x3  }
0x9a: {  	_ =	strace s9  }
0x9b: {  	s9 =	sld [smem:$0x3FFD];
	_ =	sdelay $0x3  }
0x9c: {  	_ =	strace s9  }
0x9d: {  	_ =	strace $0x8FFFFFFF  }
0x9e: {  	s20 =	sld [smem:$0x3FDB];
	_ =	sdelay $0x1  }
0x9f: {  	s10 =	simm.s32 $_scs_section_size  }
0xa0: {  	s11 =	simm.s32 $_size__tile_overlayer_lowered;
	s12 =	simm.s32 $_tile_overlayer_lowered  }
0xa1: {  	s23 =	simm.s32 $0x1BFF;
	s22 =	sshll.u32 s12, $0x1;
	s9 =	sadd.s32 s10, s20  }
0xa2: {  	s13 =	simm.s32 $0x0;
	s21 =	sshll.u32 s11, $0x1;
	s11 =	sadd.s32 s22, s9  }
0xa3: {  	[timem:s13], [sflag:s23] =	dma.local [hbm:s11], s21  }
0xa4: {  	_ =	swait.ge [sflag:s23], s21  }
0xa5: {  	s10 =	ssub.s32 $0x0, s21;
	[sflag:s23] =	ssyncset.done $0x0  }
0xa6: {  	[sflag:s23] =	ssyncadd.s32 s10;
	_ =	sdelay $0x1  }
0xa7: {  	s24 =	simm.s32 $0x1B8B  }
0xa8: {  	_ =	swait.ge [sflag:s24], $0x1  }
0xa9: {  	[sflag:s24] =	ssyncset.done $0x0  }
0xaa: {  	s25 =	simm.s32 $0x1B8E;
	[sflag:s24] =	ssyncadd.s32 $0xFFFFFFFF  }
0xab: {  	s26 =	simm.s32 $execute0_lowered;
	[smem:$0x3FD2] =	sst s25  }
0xac: {  	s10 =	sshll.u32 s26, $0x1;
	_ =	strace $0x80000046;
	[dreg:$0x1] =	wrdreg $0xFFFFFFFF  }
0xad: {  	s28 =	simm.s32 $_size_execute0_lowered;
	s9 =	sadd.s32 s9, s10;
	[dreg:$0x0] =	wrdreg $0x0  }
0xae: {  	s10 =	sshll.u32 s28, $0x1;
	[dreg:$0x2] =	wrdreg s9  }
0xaf: {  	[dreg:$0x3] =	wrdreg s10  }
0xb0: {  	[dreg:$0x4] =	wrdreg $0xC0  }
0xb1: {  	_ =	task [dreg:s13], $0x5FFFF  }
0xb2: {  	[dreg:$0x1] =	wrdreg $0xFFFFFFFF  }
0xb3: {  	[dreg:$0x0] =	wrdreg $0x60  }
0xb4: {  	[dreg:$0x2] =	wrdreg s2  }
0xb5: {  	[dreg:$0x3] =	wrdreg s19  }
0xb6: {  	[dreg:$0x4] =	wrdreg s4  }
0xb7: {  	[dreg:$0x5] =	wrdreg s5  }
0xb8: {  	[dreg:$0x6] =	wrdreg s6  }
0xb9: {  	[dreg:$0x7] =	wrdreg s7  }
0xba: {  	[dreg:$0x8] =	wrdreg s8  }
0xbb: {  	[dreg:$0x9] =	wrdreg $0x9  }
0xbc: {  	_ =	task.clear_ibuf [dreg:s13], $0xAFFFF;
	_ =	strace $0x90000046  }
0xbd: {  	s29 =	simm.s32 $0x9;
	_ =	strace $0x80000048  }
0xbe: {  	_ =	swait.ge [sflag:s29], $0x1  }
0xbf: {  	[sflag:s29] =	ssyncadd.s32 $0xFFFFFFFF  }
0xc0: {  	_ =	strace $0x90000048  }
0xc1: {  	_ =	sfence  }
0xc2: {  	s30 =	sld [smem:$0x0];
	_ =	sdelay $0x2  }
0xc3: {  	s31 =	sshll.u32 s1, $0xD;
	s1 =	sshrl.u32 s1, $0x2  }
0xc4: {  	s3 =	sand.u32 $0x4000, s31;
	s1 =	sadd.s32 s1, s30  }
0xc5: {  	s0 =	sor.u32 s3, s0;
	s1 =	sshll.u32 s1, $0x11  }
0xc6: {  	s0 =	sor.u32 s1, s0  }
0xc7: {  	s0 =	sadd.s32 $0x8F2B, s0  }
0xc8: {  	[sflag:s0] =	ssyncadd.remote.s32 $0x1  }
0xc9: {  	_ =	sfence.sel $0xFFFF  }
0xca: {  	[dreg:$0x0] =	wrdreg $0xFFFFFFFF;
	(pc) =	sbr.abs _section_cstart, $3  }
0xcb: {  	[dreg:$0x1] =	wrdreg $0xFFFFFFFF  }
0xcc: {  	_ =	task.clear_ibuf [dreg:s13], $0x2FFFF;
	_ =	strace $0x9FFFFFFF  }
0xcd: {  	(tm) =	ssettm $0x7FFFFFFF  }
tec
execute0_lowered:
.L_overlay_start_1:
0x0: {  	(tag) =	ssettag $0x1  }
0x1: {  	v0 =	vimm.s32 $0x2380  }
0x2: {  	vm0 =	vcmask $0x300;
	vm1 =	vcmask $0x704;
	vm2 =	vcmask $0xB08  }
0x3: {  	v1 =	vimm.s32 $0x6380;
	vm3 =	vcmask $0xF0C;
	v0 =	vsel vm0, $0x0, v0  }
0x4: {  	vm15 =	vcmask $0x1310;
	v1 =	vsel vm0, $0x4000, v1;
	v0 =	vsel vm1, $0x80, v0  }
0x5: {  	vm6 =	vcmask $0x1714;
	v1 =	vsel vm1, $0x4080, v1;
	v0 =	vsel vm2, $0x100, v0  }
0x6: {  	s0 =	rddreg [dreg:$0x0];
	vm7 =	vcmask $0x1B18;
	v1 =	vsel vm2, $0x4100, v1;
	v0 =	vsel vm3, $0x180, v0  }
0x7: {  	s1 =	rddreg [dreg:$0x1];
	vm8 =	vcmask $0x1F1C;
	v1 =	vsel vm3, $0x4180, v1;
	v0 =	vsel vm15, $0x200, v0  }
0x8: {  	s2 =	rddreg [dreg:$0x6];
	s6 =	simm.s32 $0x0;
	s3 =	srdreg.scid;
	vm9 =	vcmask $0x2320;
	v1 =	vsel vm15, $0x4200, v1;
	v0 =	vsel vm6, $0x280, v0  }
0x9: {  	s5 =	stileid.u32;
	s13 =	simm.s32 $0x10400;
	s14 =	simm.s32 $0x11400;
	vm10 =	vcmask $0x2724;
	v1 =	vsel vm6, $0x4280, v1;
	v0 =	vsel vm7, $0x300, v0  }
0xa: {  	s15 =	simm.s32 $0x400;
	s19 =	simm.s32 $0x8400;
	vm11 =	vcmask $0x2B28;
	s11 =	simm.s32 $0xFC00;
	v1 =	vsel vm7, $0x4300, v1;
	v0 =	vsel vm8, $0x380, v0  }
0xb: {  	vm12 =	vcmask $0x2F2C;
	s16 =	simm.s32 $0x2000;
	s17 =	simm.s32 $0x4000;
	s18 =	simm.s32 $0x6000;
	v1 =	vsel vm8, $0x4380, v1;
	v0 =	vsel vm9, $0x2000, v0  }
0xc: {  	vm13 =	vcmask $0x3330;
	s20 =	simm.s32 $0x8000;
	s21 =	simm.s32 $0xA000;
	s22 =	simm.s32 $0xC000;
	v1 =	vsel vm9, $0x6000, v1;
	v0 =	vsel vm10, $0x2080, v0  }
0xd: {  	vm14 =	vcmask $0x3734;
	s23 =	simm.s32 $0xE000;
	s10 =	simm.s32 $0x10000;
	s12 =	simm.s32 $0x12600;
	v1 =	vsel vm10, $0x6080, v1;
	v0 =	vsel vm11, $0x2100, v0  }
0xe: {  	v3 =	vlaneseq.u32;
	s29 =	simm.s32 $0x1;
	s30 =	simm.s32 $0x2;
	s31 =	simm.s32 $0x3;
	v1 =	vsel vm11, $0x6100, v1;
	v2 =	vsel vm12, $0x2180, v0  }
0xf: {  	s28 =	simm.s32 $0x5;
	[smem:$0x7FF] =	sst s6;
	s3 =	sand.u32 $0x1, s3;
	vm15 =	vcmask $0x3B38;
	v1 =	vsel vm12, $0x6180, v1;
	v2 =	vsel vm13, $0x2200, v2  }
0x10: {  	s5 =	sshll.u32 s5, $0x7;
	s4 =	ssub.s32 $0x2, s3;
	s3 =	sshll.u32 s3, $0x6;
	v4 =	vsel vm14, $0x2280, v2;
	v2 =	vsel vm13, $0x6200, v1;
	v1 =	vmul.u32 $0x80, v3  }
0x11: {  	_ =	strace $0x80000047;
	s7 =	sshrl.u32 s4, $0x1;
	s3 =	sor.u32 s3, s5;
	v0 =	vimm.s32 $0x0;
	v5 =	vsel vm14, $0x6280, v2;
	v2 =	vmul.u32 $0x10, v3  }
0x12: {  	s5 =	simm.s32 $0x8;
	s4 =	ssub.s32 s4, s7;
	s0 =	sadd.s32 s0, s3;
	v3 =	vsel vm15, $0x2300, v4;
	v4 =	vsel vm15, $0x6300, v5;
	v5 =	vor.u32 $0x800, v1  }
0x13: {  	s24 =	sadd.s32 s1, s3;
	s25 =	sadd.s32 s2, s3;
	[dreg:$0x8] =	wrdreg s0;
	v6 =	vor.u32 $0x1, v2;
	v7 =	vor.u32 $0x2, v2;
	v8 =	vor.u32 $0x3, v2  }
0x14: {  	s7 =	simm.s32 $0x9;
	s3 =	simm.s32 $0x6;
	[dreg:$0x9] =	wrdreg s24;
	v9 =	vor.u32 $0x4, v2;
	v10 =	vor.u32 $0x5, v2;
	v11 =	vor.u32 $0x6, v2  }
0x15: {  	s2 =	simm.s32 $0x10000;
	[dreg:$0xa] =	wrdreg s25;
	s26 =	smax.u32 s4, $0x1;
	v12 =	vor.u32 $0x7, v2;
	v13 =	vor.u32 $0x8, v2;
	v14 =	vor.u32 $0x9, v2  }
0x16: {  	s25 =	simm.s32 $0xDC00;
	s0 =	simm.s32 $0x0;
	s4 =	simm.s32 $0x7;
	v15 =	vor.u32 $0xA, v2;
	v16 =	vor.u32 $0xB, v2;
	v17 =	vor.u32 $0xC, v2  }
0x17: {  	s24 =	simm.s32 $0xE000;
	[dreg:$0xb] =	wrdreg s26;
	s26 =	simm.s32 $0x4;
	v18 =	vor.u32 $0xD, v2;
	v19 =	vor.u32 $0xE, v2;
	v20 =	vor.u32 $0xF, v2  }
.LBB2_1:
0x18: {  	[dreg:$0xc] =	wrdreg s0  }
0x19: {  	s1 =	rddreg [dreg:$0x8]  }
0x1a: {  	[tilespmem:s6], [sflag:$0x9] =	stream.linear.gather [hbm4b:s1+s6], $0x200, $0x38;
	[tilespmem:$0x12700] =	vst v63  }
0x1b: {  	_ =	swait.ge [sflag:s7], $0x200  }
0x1c: {  	[sflag:s7] =	ssyncset.done $0x0  }
0x1d: {  	s8 =	simm.s32 $0x200;
	s0 =	rddreg [dreg:$0x9];
	[sflag:s7] =	ssyncadd.s32 $0xFFFFFE00  }
0x1e: {  	[tilespmem:s8], [sflag:$0x9] =	stream.linear.gather [hbm4b:s0+s6], $0x200, $0x38;
	[tilespmem:$0x12700] =	vst v63  }
0x1f: {  	_ =	swait.ge [sflag:s7], $0x200  }
0x20: {  	[sflag:s7] =	ssyncset.done $0x0  }
0x21: {  	[sflag:s7] =	ssyncadd.s32 $0xFFFFFE00  }
0x22: {  	s9 =	rddreg [dreg:$0x4]  }
0x23: {  	[tilespmem:s13], [sflag:$0x9] =	stream.linear.gather [hbm4b:s9+s6], $0x1000, $0x38;
	[tilespmem:$0x12700] =	vst v63  }
0x24: {  	_ =	swait.ge [sflag:s7], $0x1000  }
0x25: {  	[sflag:s7] =	ssyncset.done $0x0  }
0x26: {  	[sflag:s7] =	ssyncadd.s32 $0xFFFFF000  }
0x27: {  	s0 =	rddreg [dreg:$0x5]  }
0x28: {  	[tilespmem:s14], [sflag:$0x9] =	stream.linear.gather [hbm4b:s0+s6], $0x1000, $0x38;
	[tilespmem:$0x12700] =	vst v63  }
0x29: {  	_ =	swait.ge [sflag:s7], $0x1000  }
0x2a: {  	[sflag:s7] =	ssyncset.done $0x0  }
0x2b: {  	[sflag:s7] =	ssyncadd.s32 $0xFFFFF000  }
0x2c: {  	v21 =	vld [tilespmem:$0x0];
	_ =	sdelay $0x4  }
0x2d: {  	v21 =	vand.u32 $0xFFFFFF80, v21  }
0x2e: {  	vm0 =	vlt.s32 v21, $0xF4180  }
0x2f: {  	s7 =	rddreg [dreg:$0x2];
	v21 =	vnsel vm0, $0xF4180, v21  }
0x30: {  	v22 =	vld [tilespmem:$0x200];
	v21 =	vadd.s32 s7, v21  }
0x31: {  	(v2sf) =	vpush v21, $0x0;
	_ =	sdelay $0x3  }
0x32: {  	v22 =	vand.u32 $0xFFFFFF80, v22  }
0x33: {  	vm15 =	vlt.s32 v22, $0xF4180  }
0x34: {  	s8 =	rddreg [dreg:$0x3];
	v22 =	vnsel vm15, $0xF4180, v22  }
0x35: {  	v22 =	vadd.s32 s8, v22  }
0x36: {  	(v2sf) =	vpush v22, $0x0;
	_ =	sdelay $0x6  }
0x37: {  	s7 =	spop (v2sf)  }
0x38: {  	(v2sf) =	vpush v21, $0x1;
	[tilespmem:s15], [sflag:$0x1] =	stream.linear.gather [hbm4b:s7+s6], $0x400, $0x38;
	[tilespmem:$0x12700] =	vst v63  }
0x39: {  	s0 =	simm.s32 $0x2400;
	s9 =	sadd.s32 $0xF4280, s7  }
0x3a: {  	[tilespmem:s0], [sflag:$0x1] =	stream.linear.gather [hbm4b:s9+s6], $0x400, $0x38;
	[tilespmem:$0x12700] =	vst v63  }
0x3b: {  	s9 =	sadd.s32 $0x1E8500, s7;
	s0 =	simm.s32 $0x4400  }
0x3c: {  	[tilespmem:s0], [sflag:$0x1] =	stream.linear.gather [hbm4b:s9+s6], $0x400, $0x38;
	[tilespmem:$0x12700] =	vst v63  }
0x3d: {  	s8 =	simm.s32 $0x6400;
	s7 =	sadd.s32 $0x2DC780, s7  }
0x3e: {  	[tilespmem:s8], [sflag:$0x1] =	stream.linear.gather [hbm4b:s7+s6], $0x400, $0x38;
	[tilespmem:$0x12700] =	vst v63  }
0x3f: {  	s7 =	spop (v2sf)  }
0x40: {  	(v2sf) =	vpush v22, $0x1;
	[tilespmem:s19], [sflag:$0x1] =	stream.linear.gather [hbm4b:s7+s6], $0x400, $0x38;
	[tilespmem:$0x12700] =	vst v63  }
0x41: {  	s0 =	simm.s32 $0xA400;
	s9 =	sadd.s32 $0xF4280, s7  }
0x42: {  	[tilespmem:s0], [sflag:$0x1] =	stream.linear.gather [hbm4b:s9+s6], $0x400, $0x38;
	[tilespmem:$0x12700] =	vst v63  }
0x43: {  	s1 =	sadd.s32 $0x1E8500, s7;
	s9 =	simm.s32 $0xC400  }
0x44: {  	[tilespmem:s9], [sflag:$0x1] =	stream.linear.gather [hbm4b:s1+s6], $0x400, $0x38;
	[tilespmem:$0x12700] =	vst v63  }
0x45: {  	s7 =	sadd.s32 $0x2DC780, s7;
	s0 =	simm.s32 $0xE400  }
0x46: {  	[tilespmem:s0], [sflag:$0x1] =	stream.linear.gather [hbm4b:s7+s6], $0x400, $0x38;
	[tilespmem:$0x12700] =	vst v63  }
0x47: {  	s8 =	simm.s32 $0x800;
	s7 =	spop (v2sf)  }
0x48: {  	(v2sf) =	vpush v21, $0x2;
	[tilespmem:s8], [sflag:$0x2] =	stream.linear.gather [hbm4b:s7+s6], $0x400, $0x38;
	[tilespmem:$0x12700] =	vst v63  }
0x49: {  	s0 =	simm.s32 $0x2800;
	s9 =	sadd.s32 $0xF4280, s7  }
0x4a: {  	[tilespmem:s0], [sflag:$0x2] =	stream.linear.gather [hbm4b:s9+s6], $0x400, $0x38;
	[tilespmem:$0x12700] =	vst v63  }
0x4b: {  	s1 =	sadd.s32 $0x1E8500, s7;
	s9 =	simm.s32 $0x4800  }
0x4c: {  	[tilespmem:s9], [sflag:$0x2] =	stream.linear.gather [hbm4b:s1+s6], $0x400, $0x38;
	[tilespmem:$0x12700] =	vst v63  }
0x4d: {  	s7 =	sadd.s32 $0x2DC780, s7;
	s0 =	simm.s32 $0x6800  }
0x4e: {  	[tilespmem:s0], [sflag:$0x2] =	stream.linear.gather [hbm4b:s7+s6], $0x400, $0x38;
	[tilespmem:$0x12700] =	vst v63  }
0x4f: {  	s8 =	simm.s32 $0x8800;
	s7 =	spop (v2sf)  }
0x50: {  	(v2sf) =	vpush v22, $0x2;
	[tilespmem:s8], [sflag:$0x2] =	stream.linear.gather [hbm4b:s7+s6], $0x400, $0x38;
	[tilespmem:$0x12700] =	vst v63  }
0x51: {  	s0 =	simm.s32 $0xA800;
	s9 =	sadd.s32 $0xF4280, s7  }
0x52: {  	[tilespmem:s0], [sflag:$0x2] =	stream.linear.gather [hbm4b:s9+s6], $0x400, $0x38;
	[tilespmem:$0x12700] =	vst v63  }
0x53: {  	s9 =	sadd.s32 $0x1E8500, s7;
	s0 =	simm.s32 $0xC800  }
0x54: {  	[tilespmem:s0], [sflag:$0x2] =	stream.linear.gather [hbm4b:s9+s6], $0x400, $0x38;
	[tilespmem:$0x12700] =	vst v63  }
0x55: {  	s8 =	simm.s32 $0xE800;
	s7 =	sadd.s32 $0x2DC780, s7  }
0x56: {  	[tilespmem:s8], [sflag:$0x2] =	stream.linear.gather [hbm4b:s7+s6], $0x400, $0x38;
	[tilespmem:$0x12700] =	vst v63  }
0x57: {  	s9 =	simm.s32 $0xC00;
	s7 =	spop (v2sf)  }
0x58: {  	(v2sf) =	vpush v21, $0x3;
	[tilespmem:s9], [sflag:$0x3] =	stream.linear.gather [hbm4b:s7+s6], $0x400, $0x38;
	[tilespmem:$0x12700] =	vst v63  }
0x59: {  	s1 =	sadd.s32 $0xF4280, s7;
	s9 =	simm.s32 $0x2C00  }
0x5a: {  	[tilespmem:s9], [sflag:$0x3] =	stream.linear.gather [hbm4b:s1+s6], $0x400, $0x38;
	[tilespmem:$0x12700] =	vst v63  }
0x5b: {  	s0 =	sadd.s32 $0x1E8500, s7;
	s1 =	simm.s32 $0x4C00  }
0x5c: {  	[tilespmem:s1], [sflag:$0x3] =	stream.linear.gather [hbm4b:s0+s6], $0x400, $0x38;
	[tilespmem:$0x12700] =	vst v63  }
0x5d: {  	s8 =	simm.s32 $0x6C00;
	s7 =	sadd.s32 $0x2DC780, s7  }
0x5e: {  	[tilespmem:s8], [sflag:$0x3] =	stream.linear.gather [hbm4b:s7+s6], $0x400, $0x38;
	[tilespmem:$0x12700] =	vst v63  }
0x5f: {  	s9 =	simm.s32 $0x8C00;
	s7 =	spop (v2sf)  }
0x60: {  	(v2sf) =	vpush v22, $0x3;
	[tilespmem:s9], [sflag:$0x3] =	stream.linear.gather [hbm4b:s7+s6], $0x400, $0x38;
	[tilespmem:$0x12700] =	vst v63  }
0x61: {  	s1 =	sadd.s32 $0xF4280, s7;
	s9 =	simm.s32 $0xAC00  }
0x62: {  	[tilespmem:s9], [sflag:$0x3] =	stream.linear.gather [hbm4b:s1+s6], $0x400, $0x38;
	[tilespmem:$0x12700] =	vst v63  }
0x63: {  	s0 =	sadd.s32 $0x1E8500, s7;
	s1 =	simm.s32 $0xCC00  }
0x64: {  	[tilespmem:s1], [sflag:$0x3] =	stream.linear.gather [hbm4b:s0+s6], $0x400, $0x38;
	[tilespmem:$0x12700] =	vst v63  }
0x65: {  	s8 =	simm.s32 $0xEC00;
	s7 =	sadd.s32 $0x2DC780, s7  }
0x66: {  	[tilespmem:s8], [sflag:$0x3] =	stream.linear.gather [hbm4b:s7+s6], $0x400, $0x38;
	[tilespmem:$0x12700] =	vst v63  }
0x67: {  	s9 =	simm.s32 $0x1000;
	s7 =	spop (v2sf)  }
0x68: {  	(v2sf) =	vpush v21, $0x4;
	[tilespmem:s9], [sflag:$0x4] =	stream.linear.gather [hbm4b:s7+s6], $0x400, $0x38;
	[tilespmem:$0x12700] =	vst v63  }
0x69: {  	s1 =	sadd.s32 $0xF4280, s7;
	s9 =	simm.s32 $0x3000  }
0x6a: {  	[tilespmem:s9], [sflag:$0x4] =	stream.linear.gather [hbm4b:s1+s6], $0x400, $0x38;
	[tilespmem:$0x12700] =	vst v63  }
0x6b: {  	s0 =	sadd.s32 $0x1E8500, s7;
	s1 =	simm.s32 $0x5000  }
0x6c: {  	[tilespmem:s1], [sflag:$0x4] =	stream.linear.gather [hbm4b:s0+s6], $0x400, $0x38;
	[tilespmem:$0x12700] =	vst v63  }
0x6d: {  	s8 =	simm.s32 $0x7000;
	s7 =	sadd.s32 $0x2DC780, s7  }
0x6e: {  	[tilespmem:s8], [sflag:$0x4] =	stream.linear.gather [hbm4b:s7+s6], $0x400, $0x38;
	[tilespmem:$0x12700] =	vst v63  }
0x6f: {  	s9 =	simm.s32 $0x9000;
	s7 =	spop (v2sf)  }
0x70: {  	(v2sf) =	vpush v22, $0x4;
	[tilespmem:s9], [sflag:$0x4] =	stream.linear.gather [hbm4b:s7+s6], $0x400, $0x38;
	[tilespmem:$0x12700] =	vst v63  }
0x71: {  	s1 =	sadd.s32 $0xF4280, s7;
	s9 =	simm.s32 $0xB000  }
0x72: {  	[tilespmem:s9], [sflag:$0x4] =	stream.linear.gather [hbm4b:s1+s6], $0x400, $0x38;
	[tilespmem:$0x12700] =	vst v63  }
0x73: {  	s0 =	sadd.s32 $0x1E8500, s7;
	s1 =	simm.s32 $0xD000  }
0x74: {  	[tilespmem:s1], [sflag:$0x4] =	stream.linear.gather [hbm4b:s0+s6], $0x400, $0x38;
	[tilespmem:$0x12700] =	vst v63  }
0x75: {  	s8 =	simm.s32 $0xF000;
	s7 =	sadd.s32 $0x2DC780, s7  }
0x76: {  	[tilespmem:s8], [sflag:$0x4] =	stream.linear.gather [hbm4b:s7+s6], $0x400, $0x38;
	[tilespmem:$0x12700] =	vst v63  }
0x77: {  	s9 =	simm.s32 $0x1400;
	s7 =	spop (v2sf)  }
0x78: {  	(v2sf) =	vpush v21, $0x5;
	[tilespmem:s9], [sflag:$0x5] =	stream.linear.gather [hbm4b:s7+s6], $0x400, $0x38;
	[tilespmem:$0x12700] =	vst v63  }
0x79: {  	s1 =	sadd.s32 $0xF4280, s7;
	s9 =	simm.s32 $0x3400  }
0x7a: {  	[tilespmem:s9], [sflag:$0x5] =	stream.linear.gather [hbm4b:s1+s6], $0x400, $0x38;
	[tilespmem:$0x12700] =	vst v63  }
0x7b: {  	s0 =	sadd.s32 $0x1E8500, s7;
	s1 =	simm.s32 $0x5400  }
0x7c: {  	[tilespmem:s1], [sflag:$0x5] =	stream.linear.gather [hbm4b:s0+s6], $0x400, $0x38;
	[tilespmem:$0x12700] =	vst v63  }
0x7d: {  	s8 =	simm.s32 $0x7400;
	s7 =	sadd.s32 $0x2DC780, s7  }
0x7e: {  	[tilespmem:s8], [sflag:$0x5] =	stream.linear.gather [hbm4b:s7+s6], $0x400, $0x38;
	[tilespmem:$0x12700] =	vst v63  }
0x7f: {  	s9 =	simm.s32 $0x9400;
	s7 =	spop (v2sf)  }
0x80: {  	(v2sf) =	vpush v22, $0x5;
	[tilespmem:s9], [sflag:$0x5] =	stream.linear.gather [hbm4b:s7+s6], $0x400, $0x38;
	[tilespmem:$0x12700] =	vst v63  }
0x81: {  	s1 =	sadd.s32 $0xF4280, s7;
	s9 =	simm.s32 $0xB400  }
0x82: {  	[tilespmem:s9], [sflag:$0x5] =	stream.linear.gather [hbm4b:s1+s6], $0x400, $0x38;
	[tilespmem:$0x12700] =	vst v63  }
0x83: {  	s0 =	sadd.s32 $0x1E8500, s7;
	s1 =	simm.s32 $0xD400  }
0x84: {  	[tilespmem:s1], [sflag:$0x5] =	stream.linear.gather [hbm4b:s0+s6], $0x400, $0x38;
	[tilespmem:$0x12700] =	vst v63  }
0x85: {  	s8 =	simm.s32 $0xF400;
	s7 =	sadd.s32 $0x2DC780, s7  }
0x86: {  	[tilespmem:s8], [sflag:$0x5] =	stream.linear.gather [hbm4b:s7+s6], $0x400, $0x38;
	[tilespmem:$0x12700] =	vst v63  }
0x87: {  	s9 =	simm.s32 $0x1800;
	s7 =	spop (v2sf)  }
0x88: {  	(v2sf) =	vpush v21, $0x6;
	[tilespmem:s9], [sflag:$0x6] =	stream.linear.gather [hbm4b:s7+s6], $0x400, $0x38;
	[tilespmem:$0x12700] =	vst v63  }
0x89: {  	s1 =	sadd.s32 $0xF4280, s7;
	s9 =	simm.s32 $0x3800  }
0x8a: {  	[tilespmem:s9], [sflag:$0x6] =	stream.linear.gather [hbm4b:s1+s6], $0x400, $0x38;
	[tilespmem:$0x12700] =	vst v63  }
0x8b: {  	s0 =	sadd.s32 $0x1E8500, s7;
	s1 =	simm.s32 $0x5800  }
0x8c: {  	[tilespmem:s1], [sflag:$0x6] =	stream.linear.gather [hbm4b:s0+s6], $0x400, $0x38;
	[tilespmem:$0x12700] =	vst v63  }
0x8d: {  	s8 =	simm.s32 $0x7800;
	s7 =	sadd.s32 $0x2DC780, s7  }
0x8e: {  	[tilespmem:s8], [sflag:$0x6] =	stream.linear.gather [hbm4b:s7+s6], $0x400, $0x38;
	[tilespmem:$0x12700] =	vst v63  }
0x8f: {  	s9 =	simm.s32 $0x9800;
	s7 =	spop (v2sf)  }
0x90: {  	(v2sf) =	vpush v22, $0x6;
	[tilespmem:s9], [sflag:$0x6] =	stream.linear.gather [hbm4b:s7+s6], $0x400, $0x38;
	[tilespmem:$0x12700] =	vst v63  }
0x91: {  	s1 =	sadd.s32 $0xF4280, s7;
	s9 =	simm.s32 $0xB800  }
0x92: {  	[tilespmem:s9], [sflag:$0x6] =	stream.linear.gather [hbm4b:s1+s6], $0x400, $0x38;
	[tilespmem:$0x12700] =	vst v63  }
0x93: {  	s0 =	sadd.s32 $0x1E8500, s7;
	s1 =	simm.s32 $0xD800  }
0x94: {  	[tilespmem:s1], [sflag:$0x6] =	stream.linear.gather [hbm4b:s0+s6], $0x400, $0x38;
	[tilespmem:$0x12700] =	vst v63  }
0x95: {  	s8 =	simm.s32 $0xF800;
	s7 =	sadd.s32 $0x2DC780, s7  }
0x96: {  	[tilespmem:s8], [sflag:$0x6] =	stream.linear.gather [hbm4b:s7+s6], $0x400, $0x38;
	[tilespmem:$0x12700] =	vst v63  }
0x97: {  	s9 =	simm.s32 $0x1C00;
	s7 =	spop (v2sf)  }
0x98: {  	(v2sf) =	vpush v21, $0x7;
	[tilespmem:s9], [sflag:$0x7] =	stream.linear.gather [hbm4b:s7+s6], $0x400, $0x38;
	[tilespmem:$0x12700] =	vst v63  }
0x99: {  	s1 =	sadd.s32 $0xF4280, s7;
	s9 =	simm.s32 $0x3C00  }
0x9a: {  	[tilespmem:s9], [sflag:$0x7] =	stream.linear.gather [hbm4b:s1+s6], $0x400, $0x38;
	[tilespmem:$0x12700] =	vst v63  }
0x9b: {  	s0 =	sadd.s32 $0x1E8500, s7;
	s1 =	simm.s32 $0x5C00  }
0x9c: {  	[tilespmem:s1], [sflag:$0x7] =	stream.linear.gather [hbm4b:s0+s6], $0x400, $0x38;
	[tilespmem:$0x12700] =	vst v63  }
0x9d: {  	s8 =	simm.s32 $0x7C00;
	s7 =	sadd.s32 $0x2DC780, s7  }
0x9e: {  	[tilespmem:s8], [sflag:$0x7] =	stream.linear.gather [hbm4b:s7+s6], $0x400, $0x38;
	[tilespmem:$0x12700] =	vst v63  }
0x9f: {  	s9 =	simm.s32 $0x9C00;
	s7 =	spop (v2sf)  }
0xa0: {  	(v2sf) =	vpush v22, $0x7;
	[tilespmem:s9], [sflag:$0x7] =	stream.linear.gather [hbm4b:s7+s6], $0x400, $0x38;
	[tilespmem:$0x12700] =	vst v63  }
0xa1: {  	s1 =	simm.s32 $0xBC00;
	s0 =	sadd.s32 $0xF4280, s7  }
0xa2: {  	[tilespmem:s1], [sflag:$0x7] =	stream.linear.gather [hbm4b:s0+s6], $0x400, $0x38;
	[tilespmem:$0x12700] =	vst v63  }
0xa3: {  	s9 =	sadd.s32 $0x1E8500, s7  }
0xa4: {  	[tilespmem:s25], [sflag:$0x7] =	stream.linear.gather [hbm4b:s9+s6], $0x400, $0x38;
	[tilespmem:$0x12700] =	vst v63  }
0xa5: {  	s7 =	sadd.s32 $0x2DC780, s7  }
0xa6: {  	[tilespmem:s11], [sflag:$0x7] =	stream.linear.gather [hbm4b:s7+s6], $0x400, $0x38;
	[tilespmem:$0x12700] =	vst v63  }
0xa7: {  	s11 =	spop (v2sf)  }
0xa8: {  	[tilespmem:s16], [sflag:$0x8] =	stream.linear.gather [hbm4b:s11+s6], $0x400, $0x38;
	[tilespmem:$0x12700] =	vst v63  }
0xa9: {  	s16 =	sadd.s32 $0xF4280, s11  }
0xaa: {  	[tilespmem:s17], [sflag:$0x8] =	stream.linear.gather [hbm4b:s16+s6], $0x400, $0x38;
	[tilespmem:$0x12700] =	vst v63  }
0xab: {  	s17 =	sadd.s32 $0x1E8500, s11  }
0xac: {  	[tilespmem:s18], [sflag:$0x8] =	stream.linear.gather [hbm4b:s17+s6], $0x400, $0x38;
	[tilespmem:$0x12700] =	vst v63  }
0xad: {  	s7 =	sadd.s32 $0x2DC780, s11  }
0xae: {  	[tilespmem:s20], [sflag:$0x8] =	stream.linear.gather [hbm4b:s7+s6], $0x400, $0x38;
	[tilespmem:$0x12700] =	vst v63  }
0xaf: {  	s20 =	spop (v2sf)  }
0xb0: {  	[tilespmem:s21], [sflag:$0x8] =	stream.linear.gather [hbm4b:s20+s6], $0x400, $0x38;
	[tilespmem:$0x12700] =	vst v63  }
0xb1: {  	s21 =	sadd.s32 $0xF4280, s20  }
0xb2: {  	[tilespmem:s22], [sflag:$0x8] =	stream.linear.gather [hbm4b:s21+s6], $0x400, $0x38;
	[tilespmem:$0x12700] =	vst v63  }
0xb3: {  	s25 =	sadd.s32 $0x1E8500, s20  }
0xb4: {  	[tilespmem:s23], [sflag:$0x8] =	stream.linear.gather [hbm4b:s25+s6], $0x400, $0x38;
	[tilespmem:$0x12700] =	vst v63  }
0xb5: {  	s7 =	sadd.s32 $0x2DC780, s20  }
0xb6: {  	[tilespmem:s10], [sflag:$0x8] =	stream.linear.gather [hbm4b:s7+s6], $0x400, $0x38;
	[tilespmem:$0x12700] =	vst v63  }
0xb7: {  	s7 =	simm.s32 $0x0  }
.LBB2_2:
0xb8: {  	s8 =	sshra.s32 s7, $0x2  }
0xb9: {  	v23 =	vld [tilespmem:s8+$0x0];
	_ =	sdelay $0x1  }
0xba: {  	v24 =	vld [tilespmem:s8+$0x200];
	_ =	sdelay $0x2  }
0xbb: {  	v21 =	vand.u32 $0xFFFFFF80, v23  }
0xbc: {  	vm0 =	vlt.s32 v21, $0xF4180  }
0xbd: {  	v22 =	vand.u32 $0xFFFFFF80, v24;
	v21 =	vnsel vm0, $0xF4180, v21  }
0xbe: {  	vm8 =	vlt.s32 v22, $0xF4180;
	v21 =	vsub.s32 v23, v21  }
0xbf: {  	v22 =	vnsel vm8, $0xF4180, v22;
	vm1 =	vlt.s32 v21, $0x7F  }
0xc0: {  	v27 =	vadd.s32 $0xFFF0BE40, v23;
	v26 =	vnsel vm1, $0x7F, v21;
	v21 =	vsub.s32 v24, v22  }
0xc1: {  	vm10 =	vgt.s32 v27, $0x0;
	v22 =	vbroadcast v26, $0x0;
	vm9 =	vlt.s32 v21, $0x7F  }
0xc2: {  	v25 =	vnsel vm9, $0x7F, v21;
	v21 =	vnsel vm10, $0x0, v27  }
0xc3: {  	v28 =	vld [tilespmem:s8+$0x8];
	v30 =	vadd.s32 $0xFFF0BE40, v24;
	v29 =	vshll.u32 v22, $0x3;
	v33 =	vbroadcast v21, $0x0  }
0xc4: {  	v58 =	vld [tilespmem:s8+$0x208];
	_ =	swait.ge [sflag:s29], $0x1000;
	v22 =	vand.u32 $0x7F, v22;
	v31 =	vbroadcast v25, $0x0;
	v29 =	vand.u32 $0xFFFFFC00, v29  }
0xc5: {  	[sflag:s29] =	ssyncset.done $0x0;
	vm11 =	vgt.s32 v30, $0x0;
	v29 =	vor.u32 v22, v29;
	v34 =	vadd.s32 v1, v33  }
0xc6: {  	[sflag:s29] =	ssyncadd.s32 $0xFFFFF000;
	v22 =	vnsel vm11, $0x0, v30;
	v59 =	vshll.u32 v31, $0x3;
	v33 =	vadd.s32 v5, v33  }
0xc7: {  	_ =	swait.ge [sflag:s29], $0x1000;
	v31 =	vand.u32 $0x7F, v31;
	v32 =	vadd.s32 v3, v29;
	v30 =	vand.u32 $0xFFFFFC00, v59  }
0xc8: {  	[sflag:s29] =	ssyncset.done $0x0;
	v28 =	vand.u32 $0xFFFFFF80, v28;
	v29 =	vadd.s32 v4, v29;
	v30 =	vor.u32 v31, v30  }
0xc9: {  	[sflag:s29] =	ssyncadd.s32 $0xFFFFF000;
	vm12 =	vlt.s32 v28, $0xF4180;
	v35 =	vbroadcast v22, $0x0;
	v31 =	vadd.s32 v3, v30  }
0xca: {  	s11 =	rddreg [dreg:$0x2];
	v28 =	vnsel vm12, $0xF4180, v28;
	v30 =	vadd.s32 v4, v30;
	v60 =	vld.idx.msk [tilespmem:v34+s13+$0x0], $0xffff  }
0xcb: {  	v41 =	vadd.s32 s11, v28;
	v36 =	vadd.s32 v1, v35;
	v33 =	vld.idx.msk [tilespmem:v33+s13+$0x0], $0xffff  }
0xcc: {  	(v2sf) =	vpush v41, $0x0;
	v61 =	vadd.s32 v5, v35;
	v32 =	vld.idx.msk [tilespmem:v32+s15+$0x0], $0xffff  }
0xcd: {  	v29 =	vld.idx.msk [tilespmem:v29+s15+$0x0], $0xffff  }
0xce: {  	vm1 =	vgt.s32 v23, $0xF41FF;
	v31 =	vld.idx.msk [tilespmem:v31+s19+$0x0], $0xffff  }
0xcf: {  	vm0 =	vgt.s32 v24, $0xF41FF;
	vm2 =	vmneg vm1;
	v30 =	vld.idx.msk [tilespmem:v30+s19+$0x0], $0xffff  }
0xd0: {  	vm13 =	vmneg vm0;
	v23 =	vsel vm2, $0x1, v0;
	v27 =	vand.u32 $0xFFFFFF80, v58;
	v62 =	vld.idx.msk [tilespmem:v36+s14+$0x0], $0xffff  }
0xd1: {  	v24 =	vsel vm13, $0x1, v0;
	v63 =	vbroadcast v23, $0x0;
	vm14 =	vlt.s32 v27, $0xF4180;
	v34 =	vld.idx.msk [tilespmem:v61+s14+$0x0], $0xffff  }
0xd2: {  	s1 =	rddreg [dreg:$0x3];
	v37 =	vbroadcast v24, $0x0;
	v27 =	vnsel vm14, $0xF4180, v27  }
0xd3: {  	v42 =	vadd.s32 s1, v27;
	v36 =	vand.u32 $0x1, v63  }
0xd4: {  	v39 =	vand.u32 $0x1, v37;
	(v2sf) =	vpush v42, $0x0;
	vm15 =	veq.s32 v36, $0x1  }
0xd5: {  	vm3 =	veq.s32 v39, $0x1;
	v28 =	vsel vm15, v32, v60  }
0xd6: {  	v40 =	vsel vm15, v29, v33;
	v43 =	vsel vm3, v31, v62;
	v30 =	vsel vm3, v30, v34  }
0xd7: {  	v28 =	vmul.f32 v43, v28;
	v27 =	vmul.f32 v30, v40;
	_ =	sdelay $0x1  }
0xd8: {  	v27 =	vadd.f32 v27, v28;
	_ =	sdelay $0x1  }
0xd9: {  	s9 =	spop (v2sf);
	[tilespmem:$0x12600] =	vst v27  }
0xda: {  	[tilespmem:s15], [sflag:$0x1] =	stream.linear.gather [hbm4b:s9+s6], $0x400, $0x38;
	[tilespmem:$0x12700] =	vst v63  }
0xdb: {  	s0 =	simm.s32 $0x2400;
	s10 =	sadd.s32 $0xF4280, s9  }
0xdc: {  	[tilespmem:s0], [sflag:$0x1] =	stream.linear.gather [hbm4b:s10+s6], $0x400, $0x38;
	[tilespmem:$0x12700] =	vst v63  }
0xdd: {  	s23 =	simm.s32 $0x4400;
	s22 =	sadd.s32 $0x1E8500, s9  }
0xde: {  	[tilespmem:s23], [sflag:$0x1] =	stream.linear.gather [hbm4b:s22+s6], $0x400, $0x38;
	[tilespmem:$0x12700] =	vst v63  }
0xdf: {  	s25 =	simm.s32 $0x6400;
	s9 =	sadd.s32 $0x2DC780, s9  }
0xe0: {  	[tilespmem:s25], [sflag:$0x1] =	stream.linear.gather [hbm4b:s9+s6], $0x400, $0x38;
	[tilespmem:$0x12700] =	vst v63  }
0xe1: {  	s1 =	spop (v2sf)  }
0xe2: {  	[tilespmem:s19], [sflag:$0x1] =	stream.linear.gather [hbm4b:s1+s6], $0x400, $0x38;
	[tilespmem:$0x12700] =	vst v63  }
0xe3: {  	s16 =	simm.s32 $0xA400;
	s11 =	sadd.s32 $0xF4280, s1  }
0xe4: {  	v28 =	vadd.s32 $0x80, v26;
	[tilespmem:s16], [sflag:$0x1] =	stream.linear.gather [hbm4b:s11+s6], $0x400, $0x38;
	[tilespmem:$0x12700] =	vst v63  }
0xe5: {  	s18 =	simm.s32 $0xC400;
	s17 =	sadd.s32 $0x1E8500, s1;
	v44 =	vbroadcast v28, $0x1  }
0xe6: {  	[tilespmem:s18], [sflag:$0x1] =	stream.linear.gather [hbm4b:s17+s6], $0x400, $0x38;
	[tilespmem:$0x12700] =	vst v63  }
0xe7: {  	s20 =	simm.s32 $0xE400;
	v45 =	vshll.u32 v44, $0x3;
	s9 =	sadd.s32 $0x2DC780, s1  }
0xe8: {  	v27 =	vadd.s32 $0x80, v25;
	v29 =	vand.u32 $0x7F, v44;
	v30 =	vand.u32 $0xFFFFFC00, v45;
	[tilespmem:s20], [sflag:$0x1] =	stream.linear.gather [hbm4b:s9+s6], $0x400, $0x38;
	[tilespmem:$0x12700] =	vst v63  }
0xe9: {  	v46 =	vbroadcast v27, $0x1;
	v29 =	vor.u32 v29, v30;
	_ =	swait.ge [sflag:s30], $0x1000  }
0xea: {  	v47 =	vbroadcast v21, $0x1;
	v30 =	vadd.s32 v3, v29;
	[sflag:s30] =	ssyncset.done $0x0  }
0xeb: {  	v48 =	vshll.u32 v46, $0x3;
	v29 =	vadd.s32 v4, v29;
	[sflag:s30] =	ssyncadd.s32 $0xFFFFF000  }
0xec: {  	v49 =	vadd.s32 v1, v47;
	v31 =	vand.u32 $0x7F, v46;
	v33 =	vand.u32 $0xFFFFFC00, v48;
	_ =	swait.ge [sflag:s30], $0x1000  }
0xed: {  	v32 =	vadd.s32 v5, v47;
	v31 =	vor.u32 v31, v33;
	[sflag:s30] =	ssyncset.done $0x0  }
0xee: {  	v50 =	vbroadcast v22, $0x1;
	v33 =	vadd.s32 v3, v31;
	[sflag:s30] =	ssyncadd.s32 $0xFFFFF000  }
0xef: {  	v31 =	vadd.s32 v4, v31;
	v30 =	vld.idx.msk [tilespmem:v30+s15+$0x0], $0xffff  }
0xf0: {  	v51 =	vadd.s32 v1, v50;
	v29 =	vld.idx.msk [tilespmem:v29+s15+$0x0], $0xffff  }
0xf1: {  	v35 =	vadd.s32 v5, v50;
	(v2sf) =	vpush v41, $0x1;
	v34 =	vld.idx.msk [tilespmem:v49+s13+$0x0], $0xffff  }
0xf2: {  	v32 =	vld.idx.msk [tilespmem:v32+s13+$0x0], $0xffff  }
0xf3: {  	v33 =	vld.idx.msk [tilespmem:v33+s19+$0x0], $0xffff  }
0xf4: {  	v31 =	vld.idx.msk [tilespmem:v31+s19+$0x0], $0xffff  }
0xf5: {  	v36 =	vld.idx.msk [tilespmem:v51+s14+$0x0], $0xffff  }
0xf6: {  	v52 =	vbroadcast v23, $0x1;
	v35 =	vld.idx.msk [tilespmem:v35+s14+$0x0], $0xffff  }
0xf7: {  	v38 =	vbroadcast v24, $0x1  }
0xf8: {  	v37 =	vand.u32 $0x1, v52  }
0xf9: {  	v53 =	vand.u32 $0x1, v38;
	vm6 =	veq.s32 v37, $0x1;
	(v2sf) =	vpush v42, $0x1  }
0xfa: {  	vm7 =	veq.s32 v53, $0x1;
	v30 =	vsel vm6, v30, v34  }
0xfb: {  	v29 =	vsel vm6, v29, v32;
	v54 =	vsel vm7, v33, v36;
	v31 =	vsel vm7, v31, v35  }
0xfc: {  	v30 =	vmul.f32 v54, v30;
	v29 =	vmul.f32 v31, v29;
	_ =	sdelay $0x1  }
0xfd: {  	v29 =	vadd.f32 v29, v30;
	_ =	sdelay $0x1  }
0xfe: {  	s22 =	simm.s32 $0x800;
	[tilespmem:$0x12610] =	vst v29;
	s21 =	spop (v2sf)  }
0xff: {  	[tilespmem:s22], [sflag:$0x2] =	stream.linear.gather [hbm4b:s21+s6], $0x400, $0x38;
	[tilespmem:$0x12700] =	vst v63  }
0x100: {  	s25 =	simm.s32 $0x2800;
	s23 =	sadd.s32 $0xF4280, s21  }
0x101: {  	[tilespmem:s25], [sflag:$0x2] =	stream.linear.gather [hbm4b:s23+s6], $0x400, $0x38;
	[tilespmem:$0x12700] =	vst v63  }
0x102: {  	s11 =	simm.s32 $0x4800;
	s1 =	sadd.s32 $0x1E8500, s21  }
0x103: {  	[tilespmem:s11], [sflag:$0x2] =	stream.linear.gather [hbm4b:s1+s6], $0x400, $0x38;
	[tilespmem:$0x12700] =	vst v63  }
0x104: {  	s16 =	simm.s32 $0x6800;
	s9 =	sadd.s32 $0x2DC780, s21  }
0x105: {  	[tilespmem:s16], [sflag:$0x2] =	stream.linear.gather [hbm4b:s9+s6], $0x400, $0x38;
	[tilespmem:$0x12700] =	vst v63  }
0x106: {  	s18 =	simm.s32 $0x8800;
	s17 =	spop (v2sf)  }
0x107: {  	[tilespmem:s18], [sflag:$0x2] =	stream.linear.gather [hbm4b:s17+s6], $0x400, $0x38;
	[tilespmem:$0x12700] =	vst v63  }
0x108: {  	s21 =	simm.s32 $0xA800;
	s20 =	sadd.s32 $0xF4280, s17  }
0x109: {  	v30 =	vadd.s32 $0x100, v26;
	[tilespmem:s21], [sflag:$0x2] =	stream.linear.gather [hbm4b:s20+s6], $0x400, $0x38;
	[tilespmem:$0x12700] =	vst v63  }
0x10a: {  	v55 =	vbroadcast v30, $0x2;
	s22 =	sadd.s32 $0x1E8500, s17;
	s23 =	simm.s32 $0xC800  }
0x10b: {  	[tilespmem:s23], [sflag:$0x2] =	stream.linear.gather [hbm4b:s22+s6], $0x400, $0x38;
	[tilespmem:$0x12700] =	vst v63  }
0x10c: {  	v56 =	vshll.u32 v55, $0x3;
	s25 =	simm.s32 $0xE800;
	s9 =	sadd.s32 $0x2DC780, s17  }
0x10d: {  	v29 =	vadd.s32 $0x100, v25;
	v31 =	vand.u32 $0x7F, v55;
	v32 =	vand.u32 $0xFFFFFC00, v56;
	[tilespmem:s25], [sflag:$0x2] =	stream.linear.gather [hbm4b:s9+s6], $0x400, $0x38;
	[tilespmem:$0x12700] =	vst v63  }
0x10e: {  	v57 =	vbroadcast v29, $0x2;
	v31 =	vor.u32 v31, v32;
	_ =	swait.ge [sflag:s31], $0x1000  }
0x10f: {  	v58 =	vbroadcast v21, $0x2;
	v32 =	vadd.s32 v3, v31;
	[sflag:s31] =	ssyncset.done $0x0  }
0x110: {  	v59 =	vshll.u32 v57, $0x3;
	v31 =	vadd.s32 v4, v31;
	[sflag:s31] =	ssyncadd.s32 $0xFFFFF000  }
0x111: {  	v60 =	vadd.s32 v1, v58;
	v33 =	vand.u32 $0x7F, v57;
	v35 =	vand.u32 $0xFFFFFC00, v59;
	_ =	swait.ge [sflag:s31], $0x1000  }
0x112: {  	v34 =	vadd.s32 v5, v58;
	v33 =	vor.u32 v33, v35;
	[sflag:s31] =	ssyncset.done $0x0  }
0x113: {  	v61 =	vbroadcast v22, $0x2;
	v35 =	vadd.s32 v3, v33;
	[sflag:s31] =	ssyncadd.s32 $0xFFFFF000  }
0x114: {  	v33 =	vadd.s32 v4, v33;
	v32 =	vld.idx.msk [tilespmem:v32+s15+$0x0], $0xffff  }
0x115: {  	v62 =	vadd.s32 v1, v61;
	v31 =	vld.idx.msk [tilespmem:v31+s15+$0x0], $0xffff  }
0x116: {  	v37 =	vadd.s32 v5, v61;
	(v2sf) =	vpush v41, $0x2;
	v36 =	vld.idx.msk [tilespmem:v60+s13+$0x0], $0xffff  }
0x117: {  	v34 =	vld.idx.msk [tilespmem:v34+s13+$0x0], $0xffff  }
0x118: {  	v35 =	vld.idx.msk [tilespmem:v35+s19+$0x0], $0xffff  }
0x119: {  	v33 =	vld.idx.msk [tilespmem:v33+s19+$0x0], $0xffff  }
0x11a: {  	v38 =	vld.idx.msk [tilespmem:v62+s14+$0x0], $0xffff  }
0x11b: {  	v39 =	vbroadcast v23, $0x2;
	v37 =	vld.idx.msk [tilespmem:v37+s14+$0x0], $0xffff  }
0x11c: {  	v40 =	vbroadcast v24, $0x2  }
0x11d: {  	v39 =	vand.u32 $0x1, v39  }
0x11e: {  	vm8 =	veq.s32 v39, $0x1;
	v63 =	vand.u32 $0x1, v40;
	(v2sf) =	vpush v42, $0x2  }
0x11f: {  	vm9 =	veq.s32 v63, $0x1;
	v32 =	vsel vm8, v32, v36  }
0x120: {  	v31 =	vsel vm8, v31, v34;
	v38 =	vsel vm9, v35, v38;
	v33 =	vsel vm9, v33, v37  }
0x121: {  	v32 =	vmul.f32 v38, v32;
	v31 =	vmul.f32 v33, v31;
	_ =	sdelay $0x1  }
0x122: {  	v31 =	vadd.f32 v31, v32;
	_ =	sdelay $0x1  }
0x123: {  	s10 =	simm.s32 $0xC00;
	[tilespmem:$0x12620] =	vst v31;
	s1 =	spop (v2sf)  }
0x124: {  	[tilespmem:s10], [sflag:$0x3] =	stream.linear.gather [hbm4b:s1+s6], $0x400, $0x38;
	[tilespmem:$0x12700] =	vst v63  }
0x125: {  	s16 =	simm.s32 $0x2C00;
	s11 =	sadd.s32 $0xF4280, s1  }
0x126: {  	[tilespmem:s16], [sflag:$0x3] =	stream.linear.gather [hbm4b:s11+s6], $0x400, $0x38;
	[tilespmem:$0x12700] =	vst v63  }
0x127: {  	s18 =	simm.s32 $0x4C00;
	s17 =	sadd.s32 $0x1E8500, s1  }
0x128: {  	[tilespmem:s18], [sflag:$0x3] =	stream.linear.gather [hbm4b:s17+s6], $0x400, $0x38;
	[tilespmem:$0x12700] =	vst v63  }
0x129: {  	s20 =	simm.s32 $0x6C00;
	s9 =	sadd.s32 $0x2DC780, s1  }
0x12a: {  	[tilespmem:s20], [sflag:$0x3] =	stream.linear.gather [hbm4b:s9+s6], $0x400, $0x38;
	[tilespmem:$0x12700] =	vst v63  }
0x12b: {  	s22 =	simm.s32 $0x8C00;
	s21 =	spop (v2sf)  }
0x12c: {  	[tilespmem:s22], [sflag:$0x3] =	stream.linear.gather [hbm4b:s21+s6], $0x400, $0x38;
	[tilespmem:$0x12700] =	vst v63  }
0x12d: {  	s25 =	simm.s32 $0xAC00;
	s23 =	sadd.s32 $0xF4280, s21  }
0x12e: {  	v32 =	vadd.s32 $0x180, v26;
	[tilespmem:s25], [sflag:$0x3] =	stream.linear.gather [hbm4b:s23+s6], $0x400, $0x38;
	[tilespmem:$0x12700] =	vst v63  }
0x12f: {  	v39 =	vbroadcast v32, $0x3;
	s1 =	sadd.s32 $0x1E8500, s21;
	s11 =	simm.s32 $0xCC00  }
0x130: {  	[tilespmem:s11], [sflag:$0x3] =	stream.linear.gather [hbm4b:s1+s6], $0x400, $0x38;
	[tilespmem:$0x12700] =	vst v63  }
0x131: {  	v40 =	vshll.u32 v39, $0x3;
	s16 =	simm.s32 $0xEC00;
	s9 =	sadd.s32 $0x2DC780, s21  }
0x132: {  	v31 =	vadd.s32 $0x180, v25;
	v33 =	vand.u32 $0x7F, v39;
	v34 =	vand.u32 $0xFFFFFC00, v40;
	[tilespmem:s16], [sflag:$0x3] =	stream.linear.gather [hbm4b:s9+s6], $0x400, $0x38;
	[tilespmem:$0x12700] =	vst v63  }
0x133: {  	v43 =	vbroadcast v31, $0x3;
	v33 =	vor.u32 v33, v34;
	_ =	swait.ge [sflag:s26], $0x1000  }
0x134: {  	v44 =	vbroadcast v21, $0x3;
	v34 =	vadd.s32 v3, v33;
	[sflag:s26] =	ssyncset.done $0x0  }
0x135: {  	v45 =	vshll.u32 v43, $0x3;
	v33 =	vadd.s32 v4, v33;
	[sflag:s26] =	ssyncadd.s32 $0xFFFFF000  }
0x136: {  	v46 =	vadd.s32 v1, v44;
	v35 =	vand.u32 $0x7F, v43;
	v37 =	vand.u32 $0xFFFFFC00, v45;
	_ =	swait.ge [sflag:s26], $0x1000  }
0x137: {  	v36 =	vadd.s32 v5, v44;
	v35 =	vor.u32 v35, v37;
	[sflag:s26] =	ssyncset.done $0x0  }
0x138: {  	v47 =	vbroadcast v22, $0x3;
	v37 =	vadd.s32 v3, v35;
	[sflag:s26] =	ssyncadd.s32 $0xFFFFF000  }
0x139: {  	v35 =	vadd.s32 v4, v35;
	v34 =	vld.idx.msk [tilespmem:v34+s15+$0x0], $0xffff  }
0x13a: {  	v48 =	vadd.s32 v1, v47;
	v33 =	vld.idx.msk [tilespmem:v33+s15+$0x0], $0xffff  }
0x13b: {  	v39 =	vadd.s32 v5, v47;
	(v2sf) =	vpush v41, $0x3;
	v38 =	vld.idx.msk [tilespmem:v46+s13+$0x0], $0xffff  }
0x13c: {  	v36 =	vld.idx.msk [tilespmem:v36+s13+$0x0], $0xffff  }
0x13d: {  	v37 =	vld.idx.msk [tilespmem:v37+s19+$0x0], $0xffff  }
0x13e: {  	v35 =	vld.idx.msk [tilespmem:v35+s19+$0x0], $0xffff  }
0x13f: {  	v40 =	vld.idx.msk [tilespmem:v48+s14+$0x0], $0xffff  }
0x140: {  	v43 =	vbroadcast v23, $0x3;
	v39 =	vld.idx.msk [tilespmem:v39+s14+$0x0], $0xffff  }
0x141: {  	v44 =	vbroadcast v24, $0x3  }
0x142: {  	v43 =	vand.u32 $0x1, v43  }
0x143: {  	v49 =	vand.u32 $0x1, v44;
	vm10 =	veq.s32 v43, $0x1;
	(v2sf) =	vpush v42, $0x3  }
0x144: {  	vm11 =	veq.s32 v49, $0x1;
	v34 =	vsel vm10, v34, v38  }
0x145: {  	v33 =	vsel vm10, v33, v36;
	v50 =	vsel vm11, v37, v40;
	v35 =	vsel vm11, v35, v39  }
0x146: {  	v34 =	vmul.f32 v50, v34;
	v33 =	vmul.f32 v35, v33;
	_ =	sdelay $0x1  }
0x147: {  	v33 =	vadd.f32 v33, v34;
	_ =	sdelay $0x1  }
0x148: {  	s18 =	simm.s32 $0x1000;
	[tilespmem:$0x12630] =	vst v33;
	s17 =	spop (v2sf)  }
0x149: {  	[tilespmem:s18], [sflag:$0x4] =	stream.linear.gather [hbm4b:s17+s6], $0x400, $0x38;
	[tilespmem:$0x12700] =	vst v63  }
0x14a: {  	s21 =	simm.s32 $0x3000;
	s20 =	sadd.s32 $0xF4280, s17  }
0x14b: {  	[tilespmem:s21], [sflag:$0x4] =	stream.linear.gather [hbm4b:s20+s6], $0x400, $0x38;
	[tilespmem:$0x12700] =	vst v63  }
0x14c: {  	s23 =	simm.s32 $0x5000;
	s22 =	sadd.s32 $0x1E8500, s17  }
0x14d: {  	[tilespmem:s23], [sflag:$0x4] =	stream.linear.gather [hbm4b:s22+s6], $0x400, $0x38;
	[tilespmem:$0x12700] =	vst v63  }
0x14e: {  	s25 =	simm.s32 $0x7000;
	s9 =	sadd.s32 $0x2DC780, s17  }
0x14f: {  	[tilespmem:s25], [sflag:$0x4] =	stream.linear.gather [hbm4b:s9+s6], $0x400, $0x38;
	[tilespmem:$0x12700] =	vst v63  }
0x150: {  	s10 =	simm.s32 $0x9000;
	s1 =	spop (v2sf)  }
0x151: {  	[tilespmem:s10], [sflag:$0x4] =	stream.linear.gather [hbm4b:s1+s6], $0x400, $0x38;
	[tilespmem:$0x12700] =	vst v63  }
0x152: {  	s16 =	simm.s32 $0xB000;
	s11 =	sadd.s32 $0xF4280, s1  }
0x153: {  	v34 =	vadd.s32 $0x200, v26;
	[tilespmem:s16], [sflag:$0x4] =	stream.linear.gather [hbm4b:s11+s6], $0x400, $0x38;
	[tilespmem:$0x12700] =	vst v63  }
0x154: {  	v51 =	vbroadcast v34, $0x4;
	s18 =	simm.s32 $0xD000;
	s17 =	sadd.s32 $0x1E8500, s1  }
0x155: {  	[tilespmem:s18], [sflag:$0x4] =	stream.linear.gather [hbm4b:s17+s6], $0x400, $0x38;
	[tilespmem:$0x12700] =	vst v63  }
0x156: {  	v52 =	vshll.u32 v51, $0x3;
	s20 =	simm.s32 $0xF000;
	s9 =	sadd.s32 $0x2DC780, s1  }
0x157: {  	v33 =	vadd.s32 $0x200, v25;
	v35 =	vand.u32 $0x7F, v51;
	v36 =	vand.u32 $0xFFFFFC00, v52;
	[tilespmem:s20], [sflag:$0x4] =	stream.linear.gather [hbm4b:s9+s6], $0x400, $0x38;
	[tilespmem:$0x12700] =	vst v63  }
0x158: {  	v53 =	vbroadcast v33, $0x4;
	v35 =	vor.u32 v35, v36;
	_ =	swait.ge [sflag:s28], $0x1000  }
0x159: {  	v54 =	vbroadcast v21, $0x4;
	v36 =	vadd.s32 v3, v35;
	[sflag:s28] =	ssyncset.done $0x0  }
0x15a: {  	v55 =	vshll.u32 v53, $0x3;
	v35 =	vadd.s32 v4, v35;
	[sflag:s28] =	ssyncadd.s32 $0xFFFFF000  }
0x15b: {  	v56 =	vadd.s32 v1, v54;
	v37 =	vand.u32 $0x7F, v53;
	v39 =	vand.u32 $0xFFFFFC00, v55;
	_ =	swait.ge [sflag:s28], $0x1000  }
0x15c: {  	v38 =	vadd.s32 v5, v54;
	v37 =	vor.u32 v37, v39;
	[sflag:s28] =	ssyncset.done $0x0  }
0x15d: {  	v57 =	vbroadcast v22, $0x4;
	v39 =	vadd.s32 v3, v37;
	[sflag:s28] =	ssyncadd.s32 $0xFFFFF000  }
0x15e: {  	v37 =	vadd.s32 v4, v37;
	v36 =	vld.idx.msk [tilespmem:v36+s15+$0x0], $0xffff  }
0x15f: {  	v58 =	vadd.s32 v1, v57;
	v35 =	vld.idx.msk [tilespmem:v35+s15+$0x0], $0xffff  }
0x160: {  	v43 =	vadd.s32 v5, v57;
	(v2sf) =	vpush v41, $0x4;
	v40 =	vld.idx.msk [tilespmem:v56+s13+$0x0], $0xffff  }
0x161: {  	v38 =	vld.idx.msk [tilespmem:v38+s13+$0x0], $0xffff  }
0x162: {  	v39 =	vld.idx.msk [tilespmem:v39+s19+$0x0], $0xffff  }
0x163: {  	v37 =	vld.idx.msk [tilespmem:v37+s19+$0x0], $0xffff  }
0x164: {  	v44 =	vld.idx.msk [tilespmem:v58+s14+$0x0], $0xffff  }
0x165: {  	v45 =	vbroadcast v23, $0x4;
	v43 =	vld.idx.msk [tilespmem:v43+s14+$0x0], $0xffff  }
0x166: {  	v46 =	vbroadcast v24, $0x4  }
0x167: {  	v45 =	vand.u32 $0x1, v45  }
0x168: {  	vm12 =	veq.s32 v45, $0x1;
	v59 =	vand.u32 $0x1, v46;
	(v2sf) =	vpush v42, $0x4  }
0x169: {  	vm13 =	veq.s32 v59, $0x1;
	v36 =	vsel vm12, v36, v40  }
0x16a: {  	v35 =	vsel vm12, v35, v38;
	v60 =	vsel vm13, v39, v44;
	v37 =	vsel vm13, v37, v43  }
0x16b: {  	v36 =	vmul.f32 v60, v36;
	v35 =	vmul.f32 v37, v35;
	_ =	sdelay $0x1  }
0x16c: {  	v35 =	vadd.f32 v35, v36;
	_ =	sdelay $0x1  }
0x16d: {  	s22 =	simm.s32 $0x1400;
	[tilespmem:$0x12640] =	vst v35;
	s21 =	spop (v2sf)  }
0x16e: {  	[tilespmem:s22], [sflag:$0x5] =	stream.linear.gather [hbm4b:s21+s6], $0x400, $0x38;
	[tilespmem:$0x12700] =	vst v63  }
0x16f: {  	s25 =	simm.s32 $0x3400;
	s23 =	sadd.s32 $0xF4280, s21  }
0x170: {  	[tilespmem:s25], [sflag:$0x5] =	stream.linear.gather [hbm4b:s23+s6], $0x400, $0x38;
	[tilespmem:$0x12700] =	vst v63  }
0x171: {  	s11 =	simm.s32 $0x5400;
	s1 =	sadd.s32 $0x1E8500, s21  }
0x172: {  	[tilespmem:s11], [sflag:$0x5] =	stream.linear.gather [hbm4b:s1+s6], $0x400, $0x38;
	[tilespmem:$0x12700] =	vst v63  }
0x173: {  	s16 =	simm.s32 $0x7400;
	s9 =	sadd.s32 $0x2DC780, s21  }
0x174: {  	[tilespmem:s16], [sflag:$0x5] =	stream.linear.gather [hbm4b:s9+s6], $0x400, $0x38;
	[tilespmem:$0x12700] =	vst v63  }
0x175: {  	s18 =	simm.s32 $0x9400;
	s17 =	spop (v2sf)  }
0x176: {  	[tilespmem:s18], [sflag:$0x5] =	stream.linear.gather [hbm4b:s17+s6], $0x400, $0x38;
	[tilespmem:$0x12700] =	vst v63  }
0x177: {  	s21 =	simm.s32 $0xB400;
	s20 =	sadd.s32 $0xF4280, s17  }
0x178: {  	v36 =	vadd.s32 $0x280, v26;
	[tilespmem:s21], [sflag:$0x5] =	stream.linear.gather [hbm4b:s20+s6], $0x400, $0x38;
	[tilespmem:$0x12700] =	vst v63  }
0x179: {  	v61 =	vbroadcast v36, $0x5;
	s22 =	sadd.s32 $0x1E8500, s17;
	s23 =	simm.s32 $0xD400  }
0x17a: {  	[tilespmem:s23], [sflag:$0x5] =	stream.linear.gather [hbm4b:s22+s6], $0x400, $0x38;
	[tilespmem:$0x12700] =	vst v63  }
0x17b: {  	v62 =	vshll.u32 v61, $0x3;
	s25 =	simm.s32 $0xF400;
	s9 =	sadd.s32 $0x2DC780, s17  }
0x17c: {  	v35 =	vadd.s32 $0x280, v25;
	v37 =	vand.u32 $0x7F, v61;
	v38 =	vand.u32 $0xFFFFFC00, v62;
	[tilespmem:s25], [sflag:$0x5] =	stream.linear.gather [hbm4b:s9+s6], $0x400, $0x38;
	[tilespmem:$0x12700] =	vst v63  }
0x17d: {  	v63 =	vbroadcast v35, $0x5;
	v37 =	vor.u32 v37, v38;
	_ =	swait.ge [sflag:s3], $0x1000  }
0x17e: {  	v48 =	vbroadcast v21, $0x5;
	v38 =	vadd.s32 v3, v37;
	[sflag:s3] =	ssyncset.done $0x0  }
0x17f: {  	v49 =	vshll.u32 v63, $0x3;
	v37 =	vadd.s32 v4, v37;
	[sflag:s3] =	ssyncadd.s32 $0xFFFFF000  }
0x180: {  	v50 =	vadd.s32 v1, v48;
	v39 =	vand.u32 $0x7F, v63;
	v43 =	vand.u32 $0xFFFFFC00, v49;
	_ =	swait.ge [sflag:s3], $0x1000  }
0x181: {  	v40 =	vadd.s32 v5, v48;
	v39 =	vor.u32 v39, v43;
	[sflag:s3] =	ssyncset.done $0x0  }
0x182: {  	v51 =	vbroadcast v22, $0x5;
	v43 =	vadd.s32 v3, v39;
	[sflag:s3] =	ssyncadd.s32 $0xFFFFF000  }
0x183: {  	v39 =	vadd.s32 v4, v39;
	v38 =	vld.idx.msk [tilespmem:v38+s15+$0x0], $0xffff  }
0x184: {  	v52 =	vadd.s32 v1, v51;
	v37 =	vld.idx.msk [tilespmem:v37+s15+$0x0], $0xffff  }
0x185: {  	v45 =	vadd.s32 v5, v51;
	(v2sf) =	vpush v41, $0x5;
	v44 =	vld.idx.msk [tilespmem:v50+s13+$0x0], $0xffff  }
0x186: {  	v40 =	vld.idx.msk [tilespmem:v40+s13+$0x0], $0xffff  }
0x187: {  	v43 =	vld.idx.msk [tilespmem:v43+s19+$0x0], $0xffff  }
0x188: {  	v39 =	vld.idx.msk [tilespmem:v39+s19+$0x0], $0xffff  }
0x189: {  	v46 =	vld.idx.msk [tilespmem:v52+s14+$0x0], $0xffff  }
0x18a: {  	v47 =	vbroadcast v23, $0x5;
	v45 =	vld.idx.msk [tilespmem:v45+s14+$0x0], $0xffff  }
0x18b: {  	v48 =	vbroadcast v24, $0x5  }
0x18c: {  	v47 =	vand.u32 $0x1, v47  }
0x18d: {  	vm14 =	veq.s32 v47, $0x1;
	v53 =	vand.u32 $0x1, v48;
	(v2sf) =	vpush v42, $0x5  }
0x18e: {  	vm15 =	veq.s32 v53, $0x1;
	v38 =	vsel vm14, v38, v44  }
0x18f: {  	v37 =	vsel vm14, v37, v40;
	v54 =	vsel vm15, v43, v46;
	v39 =	vsel vm15, v39, v45  }
0x190: {  	v38 =	vmul.f32 v54, v38;
	v37 =	vmul.f32 v39, v37;
	_ =	sdelay $0x1  }
0x191: {  	v37 =	vadd.f32 v37, v38;
	_ =	sdelay $0x1  }
0x192: {  	s10 =	simm.s32 $0x1800;
	[tilespmem:$0x12650] =	vst v37;
	s1 =	spop (v2sf)  }
0x193: {  	[tilespmem:s10], [sflag:$0x6] =	stream.linear.gather [hbm4b:s1+s6], $0x400, $0x38;
	[tilespmem:$0x12700] =	vst v63  }
0x194: {  	s16 =	simm.s32 $0x3800;
	s11 =	sadd.s32 $0xF4280, s1  }
0x195: {  	[tilespmem:s16], [sflag:$0x6] =	stream.linear.gather [hbm4b:s11+s6], $0x400, $0x38;
	[tilespmem:$0x12700] =	vst v63  }
0x196: {  	s18 =	simm.s32 $0x5800;
	s17 =	sadd.s32 $0x1E8500, s1  }
0x197: {  	[tilespmem:s18], [sflag:$0x6] =	stream.linear.gather [hbm4b:s17+s6], $0x400, $0x38;
	[tilespmem:$0x12700] =	vst v63  }
0x198: {  	s20 =	simm.s32 $0x7800;
	s9 =	sadd.s32 $0x2DC780, s1  }
0x199: {  	[tilespmem:s20], [sflag:$0x6] =	stream.linear.gather [hbm4b:s9+s6], $0x400, $0x38;
	[tilespmem:$0x12700] =	vst v63  }
0x19a: {  	s22 =	simm.s32 $0x9800;
	s21 =	spop (v2sf)  }
0x19b: {  	[tilespmem:s22], [sflag:$0x6] =	stream.linear.gather [hbm4b:s21+s6], $0x400, $0x38;
	[tilespmem:$0x12700] =	vst v63  }
0x19c: {  	s25 =	simm.s32 $0xB800;
	s23 =	sadd.s32 $0xF4280, s21  }
0x19d: {  	v39 =	vadd.s32 $0x300, v26;
	[tilespmem:s25], [sflag:$0x6] =	stream.linear.gather [hbm4b:s23+s6], $0x400, $0x38;
	[tilespmem:$0x12700] =	vst v63  }
0x19e: {  	v55 =	vbroadcast v39, $0x6;
	s1 =	sadd.s32 $0x1E8500, s21;
	s11 =	simm.s32 $0xD800  }
0x19f: {  	[tilespmem:s11], [sflag:$0x6] =	stream.linear.gather [hbm4b:s1+s6], $0x400, $0x38;
	[tilespmem:$0x12700] =	vst v63  }
0x1a0: {  	v56 =	vshll.u32 v55, $0x3;
	s16 =	simm.s32 $0xF800;
	s9 =	sadd.s32 $0x2DC780, s21  }
0x1a1: {  	v38 =	vadd.s32 $0x300, v25;
	v37 =	vand.u32 $0x7F, v55;
	v40 =	vand.u32 $0xFFFFFC00, v56;
	[tilespmem:s16], [sflag:$0x6] =	stream.linear.gather [hbm4b:s9+s6], $0x400, $0x38;
	[tilespmem:$0x12700] =	vst v63  }
0x1a2: {  	v57 =	vbroadcast v38, $0x6;
	v37 =	vor.u32 v37, v40;
	_ =	swait.ge [sflag:s4], $0x1000  }
0x1a3: {  	v58 =	vbroadcast v21, $0x6;
	v40 =	vadd.s32 v3, v37;
	[sflag:s4] =	ssyncset.done $0x0  }
0x1a4: {  	v59 =	vshll.u32 v57, $0x3;
	v37 =	vadd.s32 v4, v37;
	[sflag:s4] =	ssyncadd.s32 $0xFFFFF000  }
0x1a5: {  	v60 =	vadd.s32 v1, v58;
	v43 =	vand.u32 $0x7F, v57;
	v45 =	vand.u32 $0xFFFFFC00, v59;
	_ =	swait.ge [sflag:s4], $0x1000  }
0x1a6: {  	v44 =	vadd.s32 v5, v58;
	v43 =	vor.u32 v43, v45;
	[sflag:s4] =	ssyncset.done $0x0  }
0x1a7: {  	v61 =	vbroadcast v22, $0x6;
	v45 =	vadd.s32 v3, v43;
	[sflag:s4] =	ssyncadd.s32 $0xFFFFF000  }
0x1a8: {  	v43 =	vadd.s32 v4, v43;
	v40 =	vld.idx.msk [tilespmem:v40+s15+$0x0], $0xffff  }
0x1a9: {  	v62 =	vadd.s32 v1, v61;
	v37 =	vld.idx.msk [tilespmem:v37+s15+$0x0], $0xffff  }
0x1aa: {  	v47 =	vadd.s32 v5, v61;
	(v2sf) =	vpush v41, $0x6;
	v46 =	vld.idx.msk [tilespmem:v60+s13+$0x0], $0xffff  }
0x1ab: {  	v44 =	vld.idx.msk [tilespmem:v44+s13+$0x0], $0xffff  }
0x1ac: {  	v45 =	vld.idx.msk [tilespmem:v45+s19+$0x0], $0xffff  }
0x1ad: {  	v43 =	vld.idx.msk [tilespmem:v43+s19+$0x0], $0xffff  }
0x1ae: {  	v48 =	vld.idx.msk [tilespmem:v62+s14+$0x0], $0xffff  }
0x1af: {  	v49 =	vbroadcast v23, $0x6;
	v47 =	vld.idx.msk [tilespmem:v47+s14+$0x0], $0xffff  }
0x1b0: {  	v50 =	vbroadcast v24, $0x6  }
0x1b1: {  	v49 =	vand.u32 $0x1, v49  }
0x1b2: {  	vm6 =	veq.s32 v49, $0x1;
	v63 =	vand.u32 $0x1, v50;
	(v2sf) =	vpush v42, $0x6  }
0x1b3: {  	vm7 =	veq.s32 v63, $0x1;
	v40 =	vsel vm6, v40, v46  }
0x1b4: {  	v37 =	vsel vm6, v37, v44;
	v52 =	vsel vm7, v45, v48;
	v43 =	vsel vm7, v43, v47  }
0x1b5: {  	v40 =	vmul.f32 v52, v40;
	v37 =	vmul.f32 v43, v37;
	_ =	sdelay $0x1  }
0x1b6: {  	v37 =	vadd.f32 v37, v40;
	_ =	sdelay $0x1  }
0x1b7: {  	s18 =	simm.s32 $0x1C00;
	[tilespmem:$0x12660] =	vst v37;
	s17 =	spop (v2sf)  }
0x1b8: {  	[tilespmem:s18], [sflag:$0x7] =	stream.linear.gather [hbm4b:s17+s6], $0x400, $0x38;
	[tilespmem:$0x12700] =	vst v63  }
0x1b9: {  	s16 =	simm.s32 $0x3C00;
	s20 =	sadd.s32 $0xF4280, s17  }
0x1ba: {  	[tilespmem:s16], [sflag:$0x7] =	stream.linear.gather [hbm4b:s20+s6], $0x400, $0x38;
	[tilespmem:$0x12700] =	vst v63  }
0x1bb: {  	s25 =	simm.s32 $0x5C00;
	s21 =	sadd.s32 $0x1E8500, s17  }
0x1bc: {  	[tilespmem:s25], [sflag:$0x7] =	stream.linear.gather [hbm4b:s21+s6], $0x400, $0x38;
	[tilespmem:$0x12700] =	vst v63  }
0x1bd: {  	s22 =	simm.s32 $0x7C00;
	s9 =	sadd.s32 $0x2DC780, s17  }
0x1be: {  	[tilespmem:s22], [sflag:$0x7] =	stream.linear.gather [hbm4b:s9+s6], $0x400, $0x38;
	[tilespmem:$0x12700] =	vst v63  }
0x1bf: {  	s11 =	simm.s32 $0x9C00;
	s23 =	spop (v2sf)  }
0x1c0: {  	[tilespmem:s11], [sflag:$0x7] =	stream.linear.gather [hbm4b:s23+s6], $0x400, $0x38;
	[tilespmem:$0x12700] =	vst v63  }
0x1c1: {  	s18 =	simm.s32 $0xBC00;
	s17 =	sadd.s32 $0xF4280, s23  }
0x1c2: {  	v37 =	vadd.s32 $0x380, v26;
	[tilespmem:s18], [sflag:$0x7] =	stream.linear.gather [hbm4b:s17+s6], $0x400, $0x38;
	[tilespmem:$0x12700] =	vst v63  }
0x1c3: {  	s1 =	simm.s32 $0xDC00;
	v53 =	vbroadcast v37, $0x7;
	s20 =	sadd.s32 $0x1E8500, s23  }
0x1c4: {  	[tilespmem:s1], [sflag:$0x7] =	stream.linear.gather [hbm4b:s20+s6], $0x400, $0x38;
	[tilespmem:$0x12700] =	vst v63  }
0x1c5: {  	s0 =	simm.s32 $0xFC00;
	v54 =	vshll.u32 v53, $0x3;
	s9 =	sadd.s32 $0x2DC780, s23  }
0x1c6: {  	v40 =	vadd.s32 $0x380, v25;
	v43 =	vand.u32 $0x7F, v53;
	v44 =	vand.u32 $0xFFFFFC00, v54;
	[tilespmem:s0], [sflag:$0x7] =	stream.linear.gather [hbm4b:s9+s6], $0x400, $0x38;
	[tilespmem:$0x12700] =	vst v63  }
0x1c7: {  	v55 =	vbroadcast v40, $0x7;
	v43 =	vor.u32 v43, v44;
	_ =	swait.ge [sflag:s5], $0x1000  }
0x1c8: {  	v56 =	vbroadcast v21, $0x7;
	v44 =	vadd.s32 v3, v43;
	[sflag:s5] =	ssyncset.done $0x0  }
0x1c9: {  	v57 =	vshll.u32 v55, $0x3;
	v43 =	vadd.s32 v4, v43;
	[sflag:s5] =	ssyncadd.s32 $0xFFFFF000  }
0x1ca: {  	v58 =	vadd.s32 v1, v56;
	v45 =	vand.u32 $0x7F, v55;
	v47 =	vand.u32 $0xFFFFFC00, v57;
	_ =	swait.ge [sflag:s5], $0x1000  }
0x1cb: {  	v46 =	vadd.s32 v5, v56;
	v45 =	vor.u32 v45, v47;
	[sflag:s5] =	ssyncset.done $0x0  }
0x1cc: {  	v59 =	vbroadcast v22, $0x7;
	v47 =	vadd.s32 v3, v45;
	[sflag:s5] =	ssyncadd.s32 $0xFFFFF000  }
0x1cd: {  	v45 =	vadd.s32 v4, v45;
	v44 =	vld.idx.msk [tilespmem:v44+s15+$0x0], $0xffff  }
0x1ce: {  	v60 =	vadd.s32 v1, v59;
	v43 =	vld.idx.msk [tilespmem:v43+s15+$0x0], $0xffff  }
0x1cf: {  	v49 =	vadd.s32 v5, v59;
	(v2sf) =	vpush v41, $0x7;
	v48 =	vld.idx.msk [tilespmem:v58+s13+$0x0], $0xffff  }
0x1d0: {  	v61 =	vld.idx.msk [tilespmem:v46+s13+$0x0], $0xffff  }
0x1d1: {  	v62 =	vld.idx.msk [tilespmem:v47+s19+$0x0], $0xffff  }
0x1d2: {  	v45 =	vld.idx.msk [tilespmem:v45+s19+$0x0], $0xffff  }
0x1d3: {  	v63 =	vld.idx.msk [tilespmem:v60+s14+$0x0], $0xffff  }
0x1d4: {  	v54 =	vbroadcast v23, $0x7;
	v49 =	vld.idx.msk [tilespmem:v49+s14+$0x0], $0xffff  }
0x1d5: {  	v51 =	vbroadcast v24, $0x7  }
0x1d6: {  	v50 =	vand.u32 $0x1, v54  }
0x1d7: {  	v55 =	vand.u32 $0x1, v51;
	vm8 =	veq.s32 v50, $0x1;
	(v2sf) =	vpush v42, $0x7  }
0x1d8: {  	vm9 =	veq.s32 v55, $0x1;
	v44 =	vsel vm8, v44, v48  }
0x1d9: {  	v41 =	vsel vm8, v43, v61;
	v42 =	vsel vm9, v62, v63;
	v56 =	vsel vm9, v45, v49  }
0x1da: {  	v42 =	vmul.f32 v42, v44;
	v41 =	vmul.f32 v56, v41;
	_ =	sdelay $0x1  }
0x1db: {  	v41 =	vadd.f32 v41, v42;
	_ =	sdelay $0x1  }
0x1dc: {  	s17 =	simm.s32 $0x2000;
	[tilespmem:$0x12670] =	vst v41;
	s21 =	spop (v2sf)  }
0x1dd: {  	[tilespmem:s17], [sflag:$0x8] =	stream.linear.gather [hbm4b:s21+s6], $0x400, $0x38;
	[tilespmem:$0x12700] =	vst v63  }
0x1de: {  	s18 =	simm.s32 $0x4000;
	s22 =	sadd.s32 $0xF4280, s21  }
0x1df: {  	[tilespmem:s18], [sflag:$0x8] =	stream.linear.gather [hbm4b:s22+s6], $0x400, $0x38;
	[tilespmem:$0x12700] =	vst v63  }
0x1e0: {  	s20 =	simm.s32 $0x6000;
	s23 =	sadd.s32 $0x1E8500, s21  }
0x1e1: {  	[tilespmem:s20], [sflag:$0x8] =	stream.linear.gather [hbm4b:s23+s6], $0x400, $0x38;
	[tilespmem:$0x12700] =	vst v63  }
0x1e2: {  	s9 =	sadd.s32 $0x2DC780, s21;
	s21 =	simm.s32 $0x8000  }
0x1e3: {  	[tilespmem:s21], [sflag:$0x8] =	stream.linear.gather [hbm4b:s9+s6], $0x400, $0x38;
	[tilespmem:$0x12700] =	vst v63  }
0x1e4: {  	s22 =	simm.s32 $0xA000;
	s9 =	spop (v2sf)  }
0x1e5: {  	[tilespmem:s22], [sflag:$0x8] =	stream.linear.gather [hbm4b:s9+s6], $0x400, $0x38;
	[tilespmem:$0x12700] =	vst v63  }
0x1e6: {  	s23 =	simm.s32 $0xC000;
	s11 =	sadd.s32 $0xF4280, s9  }
0x1e7: {  	[tilespmem:s23], [sflag:$0x8] =	stream.linear.gather [hbm4b:s11+s6], $0x400, $0x38;
	[tilespmem:$0x12700] =	vst v63  }
0x1e8: {  	s11 =	sadd.s32 $0x1E8500, s9  }
0x1e9: {  	v26 =	vbroadcast v26, $0x8;
	[tilespmem:s24], [sflag:$0x8] =	stream.linear.gather [hbm4b:s11+s6], $0x400, $0x38;
	[tilespmem:$0x12700] =	vst v63  }
0x1ea: {  	s9 =	sadd.s32 $0x2DC780, s9  }
0x1eb: {  	v57 =	vshll.u32 v26, $0x3;
	[tilespmem:s2], [sflag:$0x8] =	stream.linear.gather [hbm4b:s9+s6], $0x400, $0x38;
	[tilespmem:$0x12700] =	vst v63  }
0x1ec: {  	v26 =	vand.u32 $0x7F, v26;
	v42 =	vand.u32 $0xFFFFFC00, v57;
	v41 =	vld [tilespmem:s8+$0x10]  }
0x1ed: {  	v25 =	vbroadcast v25, $0x8;
	v26 =	vor.u32 v26, v42;
	v58 =	vld [tilespmem:s8+$0x210];
	_ =	swait.ge [sflag:s29], $0x1000  }
0x1ee: {  	v59 =	vbroadcast v21, $0x8;
	v42 =	vadd.s32 v3, v26;
	[sflag:s29] =	ssyncset.done $0x0  }
0x1ef: {  	v60 =	vshll.u32 v25, $0x3;
	v26 =	vadd.s32 v4, v26;
	[sflag:s29] =	ssyncadd.s32 $0xFFFFF000  }
0x1f0: {  	v25 =	vand.u32 $0x7F, v25;
	v61 =	vadd.s32 v1, v59;
	v45 =	vand.u32 $0xFFFFFC00, v60;
	_ =	swait.ge [sflag:s29], $0x1000  }
0x1f1: {  	v44 =	vadd.s32 v5, v59;
	v25 =	vor.u32 v25, v45;
	[sflag:s29] =	ssyncset.done $0x0;
	v41 =	vand.u32 $0xFFFFFF80, v41  }
0x1f2: {  	v62 =	vbroadcast v22, $0x8;
	v45 =	vadd.s32 v3, v25;
	[sflag:s29] =	ssyncadd.s32 $0xFFFFF000;
	vm10 =	vlt.s32 v41, $0xF4180  }
0x1f3: {  	v63 =	vadd.s32 v4, v25;
	v42 =	vld.idx.msk [tilespmem:v42+s15+$0x0], $0xffff;
	s11 =	rddreg [dreg:$0x2];
	v41 =	vnsel vm10, $0xF4180, v41  }
0x1f4: {  	v53 =	vadd.s32 v1, v62;
	v52 =	vld.idx.msk [tilespmem:v26+s15+$0x0], $0xffff;
	v25 =	vadd.s32 s11, v41  }
0x1f5: {  	v55 =	vadd.s32 v5, v62;
	v54 =	vld.idx.msk [tilespmem:v61+s13+$0x0], $0xffff;
	(v2sf) =	vpush v25, $0x0  }
0x1f6: {  	v44 =	vld.idx.msk [tilespmem:v44+s13+$0x0], $0xffff  }
0x1f7: {  	v45 =	vld.idx.msk [tilespmem:v45+s19+$0x0], $0xffff  }
0x1f8: {  	v56 =	vld.idx.msk [tilespmem:v63+s19+$0x0], $0xffff  }
0x1f9: {  	v58 =	vand.u32 $0xFFFFFF80, v58;
	v57 =	vld.idx.msk [tilespmem:v53+s14+$0x0], $0xffff  }
0x1fa: {  	v59 =	vbroadcast v23, $0x8;
	v46 =	vld.idx.msk [tilespmem:v55+s14+$0x0], $0xffff;
	vm11 =	vlt.s32 v58, $0xF4180  }
0x1fb: {  	v60 =	vbroadcast v24, $0x8;
	s10 =	rddreg [dreg:$0x3];
	v26 =	vnsel vm11, $0xF4180, v58  }
0x1fc: {  	v43 =	vand.u32 $0x1, v59;
	v26 =	vadd.s32 s10, v26  }
0x1fd: {  	vm12 =	veq.s32 v43, $0x1;
	v61 =	vand.u32 $0x1, v60;
	(v2sf) =	vpush v26, $0x0  }
0x1fe: {  	vm13 =	veq.s32 v61, $0x1;
	v41 =	vsel vm12, v42, v54  }
0x1ff: {  	v62 =	vsel vm12, v52, v44;
	v43 =	vsel vm13, v45, v57;
	v63 =	vsel vm13, v56, v46  }
0x200: {  	v41 =	vmul.f32 v43, v41;
	v42 =	vmul.f32 v63, v62;
	_ =	sdelay $0x1  }
0x201: {  	v41 =	vadd.f32 v42, v41;
	_ =	sdelay $0x1  }
0x202: {  	[tilespmem:$0x12680] =	vst v41;
	s9 =	spop (v2sf)  }
0x203: {  	[tilespmem:s15], [sflag:$0x1] =	stream.linear.gather [hbm4b:s9+s6], $0x400, $0x38;
	[tilespmem:$0x12700] =	vst v63  }
0x204: {  	s11 =	simm.s32 $0x2400;
	s10 =	sadd.s32 $0xF4280, s9  }
0x205: {  	[tilespmem:s11], [sflag:$0x1] =	stream.linear.gather [hbm4b:s10+s6], $0x400, $0x38;
	[tilespmem:$0x12700] =	vst v63  }
0x206: {  	s10 =	sadd.s32 $0x1E8500, s9;
	s11 =	simm.s32 $0x4400  }
0x207: {  	[tilespmem:s11], [sflag:$0x1] =	stream.linear.gather [hbm4b:s10+s6], $0x400, $0x38;
	[tilespmem:$0x12700] =	vst v63  }
0x208: {  	s9 =	sadd.s32 $0x2DC780, s9;
	s11 =	simm.s32 $0x6400  }
0x209: {  	[tilespmem:s11], [sflag:$0x1] =	stream.linear.gather [hbm4b:s9+s6], $0x400, $0x38;
	[tilespmem:$0x12700] =	vst v63  }
0x20a: {  	s9 =	spop (v2sf)  }
0x20b: {  	[tilespmem:s19], [sflag:$0x1] =	stream.linear.gather [hbm4b:s9+s6], $0x400, $0x38;
	[tilespmem:$0x12700] =	vst v63  }
0x20c: {  	s11 =	simm.s32 $0xA400;
	s10 =	sadd.s32 $0xF4280, s9  }
0x20d: {  	[tilespmem:s11], [sflag:$0x1] =	stream.linear.gather [hbm4b:s10+s6], $0x400, $0x38;
	[tilespmem:$0x12700] =	vst v63  }
0x20e: {  	v28 =	vbroadcast v28, $0x9;
	s10 =	sadd.s32 $0x1E8500, s9;
	s11 =	simm.s32 $0xC400  }
0x20f: {  	[tilespmem:s11], [sflag:$0x1] =	stream.linear.gather [hbm4b:s10+s6], $0x400, $0x38;
	[tilespmem:$0x12700] =	vst v63  }
0x210: {  	v48 =	vshll.u32 v28, $0x3;
	s9 =	sadd.s32 $0x2DC780, s9;
	s11 =	simm.s32 $0xE400  }
0x211: {  	v28 =	vand.u32 $0x7F, v28;
	v41 =	vand.u32 $0xFFFFFC00, v48;
	[tilespmem:s11], [sflag:$0x1] =	stream.linear.gather [hbm4b:s9+s6], $0x400, $0x38;
	[tilespmem:$0x12700] =	vst v63  }
0x212: {  	v27 =	vbroadcast v27, $0x9;
	v28 =	vor.u32 v28, v41;
	_ =	swait.ge [sflag:s30], $0x1000  }
0x213: {  	v49 =	vbroadcast v21, $0x9;
	v41 =	vadd.s32 v3, v28;
	[sflag:s30] =	ssyncset.done $0x0  }
0x214: {  	v50 =	vshll.u32 v27, $0x3;
	v28 =	vadd.s32 v4, v28;
	[sflag:s30] =	ssyncadd.s32 $0xFFFFF000  }
0x215: {  	v27 =	vand.u32 $0x7F, v27;
	v51 =	vadd.s32 v1, v49;
	v43 =	vand.u32 $0xFFFFFC00, v50;
	_ =	swait.ge [sflag:s30], $0x1000  }
0x216: {  	v27 =	vor.u32 v27, v43;
	v42 =	vadd.s32 v5, v49;
	[sflag:s30] =	ssyncset.done $0x0  }
0x217: {  	v52 =	vbroadcast v22, $0x9;
	v43 =	vadd.s32 v3, v27;
	[sflag:s30] =	ssyncadd.s32 $0xFFFFF000  }
0x218: {  	v27 =	vadd.s32 v4, v27;
	v41 =	vld.idx.msk [tilespmem:v41+s15+$0x0], $0xffff  }
0x219: {  	v53 =	vadd.s32 v1, v52;
	v28 =	vld.idx.msk [tilespmem:v28+s15+$0x0], $0xffff  }
0x21a: {  	v45 =	vadd.s32 v5, v52;
	(v2sf) =	vpush v25, $0x1;
	v44 =	vld.idx.msk [tilespmem:v51+s13+$0x0], $0xffff  }
0x21b: {  	v42 =	vld.idx.msk [tilespmem:v42+s13+$0x0], $0xffff  }
0x21c: {  	v43 =	vld.idx.msk [tilespmem:v43+s19+$0x0], $0xffff  }
0x21d: {  	v27 =	vld.idx.msk [tilespmem:v27+s19+$0x0], $0xffff  }
0x21e: {  	v46 =	vld.idx.msk [tilespmem:v53+s14+$0x0], $0xffff  }
0x21f: {  	v54 =	vbroadcast v23, $0x9;
	v45 =	vld.idx.msk [tilespmem:v45+s14+$0x0], $0xffff  }
0x220: {  	v55 =	vbroadcast v24, $0x9  }
0x221: {  	v47 =	vand.u32 $0x1, v54  }
0x222: {  	v56 =	vand.u32 $0x1, v55;
	vm14 =	veq.s32 v47, $0x1;
	(v2sf) =	vpush v26, $0x1  }
0x223: {  	vm15 =	veq.s32 v56, $0x1;
	v41 =	vsel vm14, v41, v44  }
0x224: {  	v28 =	vsel vm14, v28, v42;
	v57 =	vsel vm15, v43, v46;
	v27 =	vsel vm15, v27, v45  }
0x225: {  	v41 =	vmul.f32 v57, v41;
	v27 =	vmul.f32 v27, v28;
	_ =	sdelay $0x1  }
0x226: {  	v27 =	vadd.f32 v27, v41;
	_ =	sdelay $0x1  }
0x227: {  	s11 =	simm.s32 $0x800;
	[tilespmem:$0x12690] =	vst v27;
	s9 =	spop (v2sf)  }
0x228: {  	[tilespmem:s11], [sflag:$0x2] =	stream.linear.gather [hbm4b:s9+s6], $0x400, $0x38;
	[tilespmem:$0x12700] =	vst v63  }
0x229: {  	s10 =	sadd.s32 $0xF4280, s9;
	s11 =	simm.s32 $0x2800  }
0x22a: {  	[tilespmem:s11], [sflag:$0x2] =	stream.linear.gather [hbm4b:s10+s6], $0x400, $0x38;
	[tilespmem:$0x12700] =	vst v63  }
0x22b: {  	s10 =	sadd.s32 $0x1E8500, s9;
	s11 =	simm.s32 $0x4800  }
0x22c: {  	[tilespmem:s11], [sflag:$0x2] =	stream.linear.gather [hbm4b:s10+s6], $0x400, $0x38;
	[tilespmem:$0x12700] =	vst v63  }
0x22d: {  	s9 =	sadd.s32 $0x2DC780, s9;
	s11 =	simm.s32 $0x6800  }
0x22e: {  	[tilespmem:s11], [sflag:$0x2] =	stream.linear.gather [hbm4b:s9+s6], $0x400, $0x38;
	[tilespmem:$0x12700] =	vst v63  }
0x22f: {  	s9 =	spop (v2sf);
	s11 =	simm.s32 $0x8800  }
0x230: {  	[tilespmem:s11], [sflag:$0x2] =	stream.linear.gather [hbm4b:s9+s6], $0x400, $0x38;
	[tilespmem:$0x12700] =	vst v63  }
0x231: {  	s10 =	sadd.s32 $0xF4280, s9;
	s11 =	simm.s32 $0xA800  }
0x232: {  	[tilespmem:s11], [sflag:$0x2] =	stream.linear.gather [hbm4b:s10+s6], $0x400, $0x38;
	[tilespmem:$0x12700] =	vst v63  }
0x233: {  	v58 =	vbroadcast v30, $0xA;
	s10 =	sadd.s32 $0x1E8500, s9;
	s11 =	simm.s32 $0xC800  }
0x234: {  	[tilespmem:s11], [sflag:$0x2] =	stream.linear.gather [hbm4b:s10+s6], $0x400, $0x38;
	[tilespmem:$0x12700] =	vst v63  }
0x235: {  	v59 =	vshll.u32 v58, $0x3;
	s9 =	sadd.s32 $0x2DC780, s9;
	s11 =	simm.s32 $0xE800  }
0x236: {  	v28 =	vand.u32 $0xFFFFFC00, v59;
	v27 =	vand.u32 $0x7F, v58;
	[tilespmem:s11], [sflag:$0x2] =	stream.linear.gather [hbm4b:s9+s6], $0x400, $0x38;
	[tilespmem:$0x12700] =	vst v63  }
0x237: {  	v29 =	vbroadcast v29, $0xA;
	v27 =	vor.u32 v27, v28;
	_ =	swait.ge [sflag:s31], $0x1000  }
0x238: {  	v60 =	vbroadcast v21, $0xA;
	v28 =	vadd.s32 v3, v27;
	[sflag:s31] =	ssyncset.done $0x0  }
0x239: {  	v61 =	vshll.u32 v29, $0x3;
	v27 =	vadd.s32 v4, v27;
	[sflag:s31] =	ssyncadd.s32 $0xFFFFF000  }
0x23a: {  	v29 =	vand.u32 $0x7F, v29;
	v62 =	vadd.s32 v1, v60;
	v41 =	vand.u32 $0xFFFFFC00, v61;
	_ =	swait.ge [sflag:s31], $0x1000  }
0x23b: {  	v30 =	vadd.s32 v5, v60;
	v29 =	vor.u32 v29, v41;
	[sflag:s31] =	ssyncset.done $0x0  }
0x23c: {  	v63 =	vbroadcast v22, $0xA;
	v41 =	vadd.s32 v3, v29;
	[sflag:s31] =	ssyncadd.s32 $0xFFFFF000  }
0x23d: {  	v29 =	vadd.s32 v4, v29;
	v28 =	vld.idx.msk [tilespmem:v28+s15+$0x0], $0xffff  }
0x23e: {  	v48 =	vadd.s32 v1, v63;
	v27 =	vld.idx.msk [tilespmem:v27+s15+$0x0], $0xffff  }
0x23f: {  	v43 =	vadd.s32 v5, v63;
	(v2sf) =	vpush v25, $0x2;
	v42 =	vld.idx.msk [tilespmem:v62+s13+$0x0], $0xffff  }
0x240: {  	v30 =	vld.idx.msk [tilespmem:v30+s13+$0x0], $0xffff  }
0x241: {  	v41 =	vld.idx.msk [tilespmem:v41+s19+$0x0], $0xffff  }
0x242: {  	v29 =	vld.idx.msk [tilespmem:v29+s19+$0x0], $0xffff  }
0x243: {  	v44 =	vld.idx.msk [tilespmem:v48+s14+$0x0], $0xffff  }
0x244: {  	v49 =	vbroadcast v23, $0xA;
	v43 =	vld.idx.msk [tilespmem:v43+s14+$0x0], $0xffff  }
0x245: {  	v50 =	vbroadcast v24, $0xA  }
0x246: {  	v45 =	vand.u32 $0x1, v49  }
0x247: {  	v51 =	vand.u32 $0x1, v50;
	vm6 =	veq.s32 v45, $0x1;
	(v2sf) =	vpush v26, $0x2  }
0x248: {  	vm7 =	veq.s32 v51, $0x1;
	v28 =	vsel vm6, v28, v42  }
0x249: {  	v27 =	vsel vm6, v27, v30;
	v52 =	vsel vm7, v41, v44;
	v29 =	vsel vm7, v29, v43  }
0x24a: {  	v28 =	vmul.f32 v52, v28;
	v27 =	vmul.f32 v29, v27;
	_ =	sdelay $0x1  }
0x24b: {  	v27 =	vadd.f32 v27, v28;
	_ =	sdelay $0x1  }
0x24c: {  	s11 =	simm.s32 $0xC00;
	[tilespmem:$0x126A0] =	vst v27;
	s9 =	spop (v2sf)  }
0x24d: {  	[tilespmem:s11], [sflag:$0x3] =	stream.linear.gather [hbm4b:s9+s6], $0x400, $0x38;
	[tilespmem:$0x12700] =	vst v63  }
0x24e: {  	s10 =	sadd.s32 $0xF4280, s9;
	s11 =	simm.s32 $0x2C00  }
0x24f: {  	[tilespmem:s11], [sflag:$0x3] =	stream.linear.gather [hbm4b:s10+s6], $0x400, $0x38;
	[tilespmem:$0x12700] =	vst v63  }
0x250: {  	s10 =	sadd.s32 $0x1E8500, s9;
	s11 =	simm.s32 $0x4C00  }
0x251: {  	[tilespmem:s11], [sflag:$0x3] =	stream.linear.gather [hbm4b:s10+s6], $0x400, $0x38;
	[tilespmem:$0x12700] =	vst v63  }
0x252: {  	s9 =	sadd.s32 $0x2DC780, s9;
	s11 =	simm.s32 $0x6C00  }
0x253: {  	[tilespmem:s11], [sflag:$0x3] =	stream.linear.gather [hbm4b:s9+s6], $0x400, $0x38;
	[tilespmem:$0x12700] =	vst v63  }
0x254: {  	s9 =	spop (v2sf);
	s11 =	simm.s32 $0x8C00  }
0x255: {  	[tilespmem:s11], [sflag:$0x3] =	stream.linear.gather [hbm4b:s9+s6], $0x400, $0x38;
	[tilespmem:$0x12700] =	vst v63  }
0x256: {  	s10 =	sadd.s32 $0xF4280, s9;
	s11 =	simm.s32 $0xAC00  }
0x257: {  	[tilespmem:s11], [sflag:$0x3] =	stream.linear.gather [hbm4b:s10+s6], $0x400, $0x38;
	[tilespmem:$0x12700] =	vst v63  }
0x258: {  	v53 =	vbroadcast v32, $0xB;
	s10 =	sadd.s32 $0x1E8500, s9;
	s11 =	simm.s32 $0xCC00  }
0x259: {  	[tilespmem:s11], [sflag:$0x3] =	stream.linear.gather [hbm4b:s10+s6], $0x400, $0x38;
	[tilespmem:$0x12700] =	vst v63  }
0x25a: {  	v54 =	vshll.u32 v53, $0x3;
	s9 =	sadd.s32 $0x2DC780, s9;
	s11 =	simm.s32 $0xEC00  }
0x25b: {  	v28 =	vand.u32 $0xFFFFFC00, v54;
	v27 =	vand.u32 $0x7F, v53;
	[tilespmem:s11], [sflag:$0x3] =	stream.linear.gather [hbm4b:s9+s6], $0x400, $0x38;
	[tilespmem:$0x12700] =	vst v63  }
0x25c: {  	v55 =	vbroadcast v31, $0xB;
	v27 =	vor.u32 v27, v28;
	_ =	swait.ge [sflag:s26], $0x1000  }
0x25d: {  	v56 =	vbroadcast v21, $0xB;
	v28 =	vadd.s32 v3, v27;
	[sflag:s26] =	ssyncset.done $0x0  }
0x25e: {  	v31 =	vshll.u32 v55, $0x3;
	v27 =	vadd.s32 v4, v27;
	[sflag:s26] =	ssyncadd.s32 $0xFFFFF000  }
0x25f: {  	v31 =	vand.u32 $0xFFFFFC00, v31;
	v57 =	vadd.s32 v1, v56;
	v29 =	vand.u32 $0x7F, v55;
	_ =	swait.ge [sflag:s26], $0x1000  }
0x260: {  	v30 =	vadd.s32 v5, v56;
	v29 =	vor.u32 v29, v31;
	[sflag:s26] =	ssyncset.done $0x0  }
0x261: {  	v58 =	vbroadcast v22, $0xB;
	v31 =	vadd.s32 v3, v29;
	[sflag:s26] =	ssyncadd.s32 $0xFFFFF000  }
0x262: {  	v29 =	vadd.s32 v4, v29;
	v28 =	vld.idx.msk [tilespmem:v28+s15+$0x0], $0xffff  }
0x263: {  	v59 =	vadd.s32 v1, v58;
	v27 =	vld.idx.msk [tilespmem:v27+s15+$0x0], $0xffff  }
0x264: {  	v41 =	vadd.s32 v5, v58;
	(v2sf) =	vpush v25, $0x3;
	v32 =	vld.idx.msk [tilespmem:v57+s13+$0x0], $0xffff  }
0x265: {  	v30 =	vld.idx.msk [tilespmem:v30+s13+$0x0], $0xffff  }
0x266: {  	v31 =	vld.idx.msk [tilespmem:v31+s19+$0x0], $0xffff  }
0x267: {  	v29 =	vld.idx.msk [tilespmem:v29+s19+$0x0], $0xffff  }
0x268: {  	v42 =	vld.idx.msk [tilespmem:v59+s14+$0x0], $0xffff  }
0x269: {  	v60 =	vbroadcast v23, $0xB;
	v41 =	vld.idx.msk [tilespmem:v41+s14+$0x0], $0xffff  }
0x26a: {  	v61 =	vbroadcast v24, $0xB  }
0x26b: {  	v43 =	vand.u32 $0x1, v60  }
0x26c: {  	v62 =	vand.u32 $0x1, v61;
	vm8 =	veq.s32 v43, $0x1;
	(v2sf) =	vpush v26, $0x3  }
0x26d: {  	vm9 =	veq.s32 v62, $0x1;
	v28 =	vsel vm8, v28, v32  }
0x26e: {  	v27 =	vsel vm8, v27, v30;
	v63 =	vsel vm9, v31, v42;
	v29 =	vsel vm9, v29, v41  }
0x26f: {  	v28 =	vmul.f32 v63, v28;
	v27 =	vmul.f32 v29, v27;
	_ =	sdelay $0x1  }
0x270: {  	v27 =	vadd.f32 v27, v28;
	_ =	sdelay $0x1  }
0x271: {  	s11 =	simm.s32 $0x1000;
	[tilespmem:$0x126B0] =	vst v27;
	s9 =	spop (v2sf)  }
0x272: {  	[tilespmem:s11], [sflag:$0x4] =	stream.linear.gather [hbm4b:s9+s6], $0x400, $0x38;
	[tilespmem:$0x12700] =	vst v63  }
0x273: {  	s10 =	sadd.s32 $0xF4280, s9;
	s11 =	simm.s32 $0x3000  }
0x274: {  	[tilespmem:s11], [sflag:$0x4] =	stream.linear.gather [hbm4b:s10+s6], $0x400, $0x38;
	[tilespmem:$0x12700] =	vst v63  }
0x275: {  	s10 =	sadd.s32 $0x1E8500, s9;
	s11 =	simm.s32 $0x5000  }
0x276: {  	[tilespmem:s11], [sflag:$0x4] =	stream.linear.gather [hbm4b:s10+s6], $0x400, $0x38;
	[tilespmem:$0x12700] =	vst v63  }
0x277: {  	s9 =	sadd.s32 $0x2DC780, s9;
	s11 =	simm.s32 $0x7000  }
0x278: {  	[tilespmem:s11], [sflag:$0x4] =	stream.linear.gather [hbm4b:s9+s6], $0x400, $0x38;
	[tilespmem:$0x12700] =	vst v63  }
0x279: {  	s9 =	spop (v2sf);
	s11 =	simm.s32 $0x9000  }
0x27a: {  	[tilespmem:s11], [sflag:$0x4] =	stream.linear.gather [hbm4b:s9+s6], $0x400, $0x38;
	[tilespmem:$0x12700] =	vst v63  }
0x27b: {  	s10 =	sadd.s32 $0xF4280, s9;
	s11 =	simm.s32 $0xB000  }
0x27c: {  	[tilespmem:s11], [sflag:$0x4] =	stream.linear.gather [hbm4b:s10+s6], $0x400, $0x38;
	[tilespmem:$0x12700] =	vst v63  }
0x27d: {  	v41 =	vbroadcast v34, $0xC;
	s10 =	sadd.s32 $0x1E8500, s9;
	s11 =	simm.s32 $0xD000  }
0x27e: {  	[tilespmem:s11], [sflag:$0x4] =	stream.linear.gather [hbm4b:s10+s6], $0x400, $0x38;
	[tilespmem:$0x12700] =	vst v63  }
0x27f: {  	v42 =	vshll.u32 v41, $0x3;
	s9 =	sadd.s32 $0x2DC780, s9;
	s11 =	simm.s32 $0xF000  }
0x280: {  	v28 =	vand.u32 $0xFFFFFC00, v42;
	v27 =	vand.u32 $0x7F, v41;
	[tilespmem:s11], [sflag:$0x4] =	stream.linear.gather [hbm4b:s9+s6], $0x400, $0x38;
	[tilespmem:$0x12700] =	vst v63  }
0x281: {  	v43 =	vbroadcast v33, $0xC;
	v27 =	vor.u32 v27, v28;
	_ =	swait.ge [sflag:s28], $0x1000  }
0x282: {  	v44 =	vbroadcast v21, $0xC;
	v28 =	vadd.s32 v3, v27;
	[sflag:s28] =	ssyncset.done $0x0  }
0x283: {  	v45 =	vshll.u32 v43, $0x3;
	v27 =	vadd.s32 v4, v27;
	[sflag:s28] =	ssyncadd.s32 $0xFFFFF000  }
0x284: {  	v46 =	vadd.s32 v1, v44;
	v31 =	vand.u32 $0xFFFFFC00, v45;
	v29 =	vand.u32 $0x7F, v43;
	_ =	swait.ge [sflag:s28], $0x1000  }
0x285: {  	v30 =	vadd.s32 v5, v44;
	v29 =	vor.u32 v29, v31;
	[sflag:s28] =	ssyncset.done $0x0  }
0x286: {  	v47 =	vbroadcast v22, $0xC;
	v31 =	vadd.s32 v3, v29;
	[sflag:s28] =	ssyncadd.s32 $0xFFFFF000  }
0x287: {  	v29 =	vadd.s32 v4, v29;
	v28 =	vld.idx.msk [tilespmem:v28+s15+$0x0], $0xffff  }
0x288: {  	v48 =	vadd.s32 v1, v47;
	v27 =	vld.idx.msk [tilespmem:v27+s15+$0x0], $0xffff  }
0x289: {  	v33 =	vadd.s32 v5, v47;
	(v2sf) =	vpush v25, $0x4;
	v32 =	vld.idx.msk [tilespmem:v46+s13+$0x0], $0xffff  }
0x28a: {  	v30 =	vld.idx.msk [tilespmem:v30+s13+$0x0], $0xffff  }
0x28b: {  	v31 =	vld.idx.msk [tilespmem:v31+s19+$0x0], $0xffff  }
0x28c: {  	v29 =	vld.idx.msk [tilespmem:v29+s19+$0x0], $0xffff  }
0x28d: {  	v34 =	vld.idx.msk [tilespmem:v48+s14+$0x0], $0xffff  }
0x28e: {  	v49 =	vbroadcast v23, $0xC;
	v33 =	vld.idx.msk [tilespmem:v33+s14+$0x0], $0xffff  }
0x28f: {  	v50 =	vbroadcast v24, $0xC  }
0x290: {  	v41 =	vand.u32 $0x1, v49  }
0x291: {  	v51 =	vand.u32 $0x1, v50;
	vm10 =	veq.s32 v41, $0x1;
	(v2sf) =	vpush v26, $0x4  }
0x292: {  	vm11 =	veq.s32 v51, $0x1;
	v28 =	vsel vm10, v28, v32  }
0x293: {  	v27 =	vsel vm10, v27, v30;
	v52 =	vsel vm11, v31, v34;
	v29 =	vsel vm11, v29, v33  }
0x294: {  	v28 =	vmul.f32 v52, v28;
	v27 =	vmul.f32 v29, v27;
	_ =	sdelay $0x1  }
0x295: {  	v27 =	vadd.f32 v27, v28;
	_ =	sdelay $0x1  }
0x296: {  	s11 =	simm.s32 $0x1400;
	[tilespmem:$0x126C0] =	vst v27;
	s9 =	spop (v2sf)  }
0x297: {  	[tilespmem:s11], [sflag:$0x5] =	stream.linear.gather [hbm4b:s9+s6], $0x400, $0x38;
	[tilespmem:$0x12700] =	vst v63  }
0x298: {  	s10 =	sadd.s32 $0xF4280, s9;
	s11 =	simm.s32 $0x3400  }
0x299: {  	[tilespmem:s11], [sflag:$0x5] =	stream.linear.gather [hbm4b:s10+s6], $0x400, $0x38;
	[tilespmem:$0x12700] =	vst v63  }
0x29a: {  	s10 =	sadd.s32 $0x1E8500, s9;
	s11 =	simm.s32 $0x5400  }
0x29b: {  	[tilespmem:s11], [sflag:$0x5] =	stream.linear.gather [hbm4b:s10+s6], $0x400, $0x38;
	[tilespmem:$0x12700] =	vst v63  }
0x29c: {  	s9 =	sadd.s32 $0x2DC780, s9;
	s11 =	simm.s32 $0x7400  }
0x29d: {  	[tilespmem:s11], [sflag:$0x5] =	stream.linear.gather [hbm4b:s9+s6], $0x400, $0x38;
	[tilespmem:$0x12700] =	vst v63  }
0x29e: {  	s9 =	spop (v2sf);
	s11 =	simm.s32 $0x9400  }
0x29f: {  	[tilespmem:s11], [sflag:$0x5] =	stream.linear.gather [hbm4b:s9+s6], $0x400, $0x38;
	[tilespmem:$0x12700] =	vst v63  }
0x2a0: {  	s10 =	sadd.s32 $0xF4280, s9;
	s11 =	simm.s32 $0xB400  }
0x2a1: {  	[tilespmem:s11], [sflag:$0x5] =	stream.linear.gather [hbm4b:s10+s6], $0x400, $0x38;
	[tilespmem:$0x12700] =	vst v63  }
0x2a2: {  	v53 =	vbroadcast v36, $0xD;
	s10 =	sadd.s32 $0x1E8500, s9;
	s11 =	simm.s32 $0xD400  }
0x2a3: {  	[tilespmem:s11], [sflag:$0x5] =	stream.linear.gather [hbm4b:s10+s6], $0x400, $0x38;
	[tilespmem:$0x12700] =	vst v63  }
0x2a4: {  	v54 =	vshll.u32 v53, $0x3;
	s9 =	sadd.s32 $0x2DC780, s9;
	s11 =	simm.s32 $0xF400  }
0x2a5: {  	v28 =	vand.u32 $0xFFFFFC00, v54;
	v27 =	vand.u32 $0x7F, v53;
	[tilespmem:s11], [sflag:$0x5] =	stream.linear.gather [hbm4b:s9+s6], $0x400, $0x38;
	[tilespmem:$0x12700] =	vst v63  }
0x2a6: {  	v55 =	vbroadcast v35, $0xD;
	v27 =	vor.u32 v27, v28;
	_ =	swait.ge [sflag:s3], $0x1000  }
0x2a7: {  	v56 =	vbroadcast v21, $0xD;
	v28 =	vadd.s32 v3, v27;
	[sflag:s3] =	ssyncset.done $0x0  }
0x2a8: {  	v57 =	vshll.u32 v55, $0x3;
	v27 =	vadd.s32 v4, v27;
	[sflag:s3] =	ssyncadd.s32 $0xFFFFF000  }
0x2a9: {  	v58 =	vadd.s32 v1, v56;
	v31 =	vand.u32 $0xFFFFFC00, v57;
	v29 =	vand.u32 $0x7F, v55;
	_ =	swait.ge [sflag:s3], $0x1000  }
0x2aa: {  	v30 =	vadd.s32 v5, v56;
	v29 =	vor.u32 v29, v31;
	[sflag:s3] =	ssyncset.done $0x0  }
0x2ab: {  	v59 =	vbroadcast v22, $0xD;
	v31 =	vadd.s32 v3, v29;
	[sflag:s3] =	ssyncadd.s32 $0xFFFFF000  }
0x2ac: {  	v29 =	vadd.s32 v4, v29;
	v28 =	vld.idx.msk [tilespmem:v28+s15+$0x0], $0xffff  }
0x2ad: {  	v60 =	vadd.s32 v1, v59;
	v27 =	vld.idx.msk [tilespmem:v27+s15+$0x0], $0xffff  }
0x2ae: {  	v33 =	vadd.s32 v5, v59;
	(v2sf) =	vpush v25, $0x5;
	v32 =	vld.idx.msk [tilespmem:v58+s13+$0x0], $0xffff  }
0x2af: {  	v30 =	vld.idx.msk [tilespmem:v30+s13+$0x0], $0xffff  }
0x2b0: {  	v31 =	vld.idx.msk [tilespmem:v31+s19+$0x0], $0xffff  }
0x2b1: {  	v29 =	vld.idx.msk [tilespmem:v29+s19+$0x0], $0xffff  }
0x2b2: {  	v34 =	vld.idx.msk [tilespmem:v60+s14+$0x0], $0xffff  }
0x2b3: {  	v61 =	vbroadcast v23, $0xD;
	v33 =	vld.idx.msk [tilespmem:v33+s14+$0x0], $0xffff  }
0x2b4: {  	v62 =	vbroadcast v24, $0xD  }
0x2b5: {  	v35 =	vand.u32 $0x1, v61  }
0x2b6: {  	vm12 =	veq.s32 v35, $0x1;
	v63 =	vand.u32 $0x1, v62;
	(v2sf) =	vpush v26, $0x5  }
0x2b7: {  	vm13 =	veq.s32 v63, $0x1;
	v28 =	vsel vm12, v28, v32  }
0x2b8: {  	v27 =	vsel vm12, v27, v30;
	v34 =	vsel vm13, v31, v34;
	v29 =	vsel vm13, v29, v33  }
0x2b9: {  	v28 =	vmul.f32 v34, v28;
	v27 =	vmul.f32 v29, v27;
	_ =	sdelay $0x1  }
0x2ba: {  	v27 =	vadd.f32 v27, v28;
	_ =	sdelay $0x1  }
0x2bb: {  	s11 =	simm.s32 $0x1800;
	[tilespmem:$0x126D0] =	vst v27;
	s9 =	spop (v2sf)  }
0x2bc: {  	[tilespmem:s11], [sflag:$0x6] =	stream.linear.gather [hbm4b:s9+s6], $0x400, $0x38;
	[tilespmem:$0x12700] =	vst v63  }
0x2bd: {  	s10 =	sadd.s32 $0xF4280, s9;
	s11 =	simm.s32 $0x3800  }
0x2be: {  	[tilespmem:s11], [sflag:$0x6] =	stream.linear.gather [hbm4b:s10+s6], $0x400, $0x38;
	[tilespmem:$0x12700] =	vst v63  }
0x2bf: {  	s10 =	sadd.s32 $0x1E8500, s9;
	s11 =	simm.s32 $0x5800  }
0x2c0: {  	[tilespmem:s11], [sflag:$0x6] =	stream.linear.gather [hbm4b:s10+s6], $0x400, $0x38;
	[tilespmem:$0x12700] =	vst v63  }
0x2c1: {  	s9 =	sadd.s32 $0x2DC780, s9;
	s11 =	simm.s32 $0x7800  }
0x2c2: {  	[tilespmem:s11], [sflag:$0x6] =	stream.linear.gather [hbm4b:s9+s6], $0x400, $0x38;
	[tilespmem:$0x12700] =	vst v63  }
0x2c3: {  	s9 =	spop (v2sf);
	s11 =	simm.s32 $0x9800  }
0x2c4: {  	[tilespmem:s11], [sflag:$0x6] =	stream.linear.gather [hbm4b:s9+s6], $0x400, $0x38;
	[tilespmem:$0x12700] =	vst v63  }
0x2c5: {  	s10 =	sadd.s32 $0xF4280, s9;
	s11 =	simm.s32 $0xB800  }
0x2c6: {  	[tilespmem:s11], [sflag:$0x6] =	stream.linear.gather [hbm4b:s10+s6], $0x400, $0x38;
	[tilespmem:$0x12700] =	vst v63  }
0x2c7: {  	v35 =	vbroadcast v39, $0xE;
	s10 =	sadd.s32 $0x1E8500, s9;
	s11 =	simm.s32 $0xD800  }
0x2c8: {  	[tilespmem:s11], [sflag:$0x6] =	stream.linear.gather [hbm4b:s10+s6], $0x400, $0x38;
	[tilespmem:$0x12700] =	vst v63  }
0x2c9: {  	v36 =	vshll.u32 v35, $0x3;
	s9 =	sadd.s32 $0x2DC780, s9;
	s11 =	simm.s32 $0xF800  }
0x2ca: {  	v28 =	vand.u32 $0xFFFFFC00, v36;
	v27 =	vand.u32 $0x7F, v35;
	[tilespmem:s11], [sflag:$0x6] =	stream.linear.gather [hbm4b:s9+s6], $0x400, $0x38;
	[tilespmem:$0x12700] =	vst v63  }
0x2cb: {  	v38 =	vbroadcast v38, $0xE;
	v27 =	vor.u32 v27, v28;
	_ =	swait.ge [sflag:s4], $0x1000  }
0x2cc: {  	v39 =	vbroadcast v21, $0xE;
	v28 =	vadd.s32 v3, v27;
	[sflag:s4] =	ssyncset.done $0x0  }
0x2cd: {  	v41 =	vshll.u32 v38, $0x3;
	v27 =	vadd.s32 v4, v27;
	[sflag:s4] =	ssyncadd.s32 $0xFFFFF000  }
0x2ce: {  	v42 =	vadd.s32 v1, v39;
	v31 =	vand.u32 $0xFFFFFC00, v41;
	v29 =	vand.u32 $0x7F, v38;
	_ =	swait.ge [sflag:s4], $0x1000  }
0x2cf: {  	v30 =	vadd.s32 v5, v39;
	v29 =	vor.u32 v29, v31;
	[sflag:s4] =	ssyncset.done $0x0  }
0x2d0: {  	v43 =	vbroadcast v22, $0xE;
	v31 =	vadd.s32 v3, v29;
	[sflag:s4] =	ssyncadd.s32 $0xFFFFF000  }
0x2d1: {  	v29 =	vadd.s32 v4, v29;
	v28 =	vld.idx.msk [tilespmem:v28+s15+$0x0], $0xffff  }
0x2d2: {  	v44 =	vadd.s32 v1, v43;
	v27 =	vld.idx.msk [tilespmem:v27+s15+$0x0], $0xffff  }
0x2d3: {  	v33 =	vadd.s32 v5, v43;
	(v2sf) =	vpush v25, $0x6;
	v32 =	vld.idx.msk [tilespmem:v42+s13+$0x0], $0xffff  }
0x2d4: {  	v30 =	vld.idx.msk [tilespmem:v30+s13+$0x0], $0xffff  }
0x2d5: {  	v31 =	vld.idx.msk [tilespmem:v31+s19+$0x0], $0xffff  }
0x2d6: {  	v29 =	vld.idx.msk [tilespmem:v29+s19+$0x0], $0xffff  }
0x2d7: {  	v34 =	vld.idx.msk [tilespmem:v44+s14+$0x0], $0xffff  }
0x2d8: {  	v23 =	vbroadcast v23, $0xE;
	v33 =	vld.idx.msk [tilespmem:v33+s14+$0x0], $0xffff  }
0x2d9: {  	v24 =	vbroadcast v24, $0xE  }
0x2da: {  	v23 =	vand.u32 $0x1, v23  }
0x2db: {  	vm14 =	veq.s32 v23, $0x1;
	v23 =	vand.u32 $0x1, v24;
	(v2sf) =	vpush v26, $0x6  }
0x2dc: {  	vm15 =	veq.s32 v23, $0x1;
	v45 =	vsel vm14, v28, v32  }
0x2dd: {  	v23 =	vsel vm14, v27, v30;
	v46 =	vsel vm15, v31, v34;
	v47 =	vsel vm15, v29, v33  }
0x2de: {  	v24 =	vmul.f32 v46, v45;
	v23 =	vmul.f32 v47, v23;
	_ =	sdelay $0x1  }
0x2df: {  	v23 =	vadd.f32 v23, v24;
	_ =	sdelay $0x1  }
0x2e0: {  	s11 =	simm.s32 $0x1C00;
	[tilespmem:$0x126E0] =	vst v23;
	s9 =	spop (v2sf)  }
0x2e1: {  	[tilespmem:s11], [sflag:$0x7] =	stream.linear.gather [hbm4b:s9+s6], $0x400, $0x38;
	[tilespmem:$0x12700] =	vst v63  }
0x2e2: {  	s11 =	sadd.s32 $0xF4280, s9  }
0x2e3: {  	[tilespmem:s16], [sflag:$0x7] =	stream.linear.gather [hbm4b:s11+s6], $0x400, $0x38;
	[tilespmem:$0x12700] =	vst v63  }
0x2e4: {  	s16 =	sadd.s32 $0x1E8500, s9  }
0x2e5: {  	[tilespmem:s25], [sflag:$0x7] =	stream.linear.gather [hbm4b:s16+s6], $0x400, $0x38;
	[tilespmem:$0x12700] =	vst v63  }
0x2e6: {  	s9 =	sadd.s32 $0x2DC780, s9;
	s25 =	simm.s32 $0x7C00  }
0x2e7: {  	[tilespmem:s25], [sflag:$0x7] =	stream.linear.gather [hbm4b:s9+s6], $0x400, $0x38;
	[tilespmem:$0x12700] =	vst v63  }
0x2e8: {  	s11 =	simm.s32 $0x9C00;
	s9 =	spop (v2sf)  }
0x2e9: {  	[tilespmem:s11], [sflag:$0x7] =	stream.linear.gather [hbm4b:s9+s6], $0x400, $0x38;
	[tilespmem:$0x12700] =	vst v63  }
0x2ea: {  	s25 =	simm.s32 $0xBC00;
	s16 =	sadd.s32 $0xF4280, s9  }
0x2eb: {  	[tilespmem:s25], [sflag:$0x7] =	stream.linear.gather [hbm4b:s16+s6], $0x400, $0x38;
	[tilespmem:$0x12700] =	vst v63  }
0x2ec: {  	s16 =	sadd.s32 $0x1E8500, s9  }
0x2ed: {  	[tilespmem:s1], [sflag:$0x7] =	stream.linear.gather [hbm4b:s16+s6], $0x400, $0x38;
	[tilespmem:$0x12700] =	vst v63  }
0x2ee: {  	s9 =	sadd.s32 $0x2DC780, s9  }
0x2ef: {  	[tilespmem:s0], [sflag:$0x7] =	stream.linear.gather [hbm4b:s9+s6], $0x400, $0x38;
	[tilespmem:$0x12700] =	vst v63  }
0x2f0: {  	v23 =	vbroadcast v37, $0xF;
	_ =	swait.ge [sflag:s5], $0x1000  }
0x2f1: {  	[sflag:s5] =	ssyncset.done $0x0  }
0x2f2: {  	v50 =	vsel vm1, $0x1, v0;
	v49 =	vshll.u32 v23, $0x3;
	[sflag:s5] =	ssyncadd.s32 $0xFFFFF000  }
0x2f3: {  	v51 =	vsel vm0, $0x1, v0;
	v23 =	vand.u32 $0x7F, v23;
	v27 =	vand.u32 $0xFFFFFC00, v49;
	_ =	swait.ge [sflag:s5], $0x1000  }
0x2f4: {  	v48 =	vbroadcast v40, $0xF;
	v23 =	vor.u32 v23, v27;
	(v2sf) =	vpush v50, $0xF  }
0x2f5: {  	v21 =	vbroadcast v21, $0xF;
	v52 =	vadd.s32 v3, v23;
	(v2sf) =	vpush v51, $0xF  }
0x2f6: {  	v53 =	vshll.u32 v48, $0x3;
	v23 =	vadd.s32 v4, v23  }
0x2f7: {  	v54 =	vadd.s32 v1, v21;
	v24 =	vand.u32 $0x7F, v48;
	v27 =	vand.u32 $0xFFFFFC00, v53  }
0x2f8: {  	v21 =	vadd.s32 v5, v21;
	v24 =	vor.u32 v24, v27;
	[sflag:s5] =	ssyncset.done $0x0  }
0x2f9: {  	v22 =	vbroadcast v22, $0xF;
	v27 =	vadd.s32 v3, v24;
	[sflag:s5] =	ssyncadd.s32 $0xFFFFF000  }
0x2fa: {  	v24 =	vadd.s32 v4, v24;
	v28 =	vld.idx.msk [tilespmem:v52+s15+$0x0], $0xffff  }
0x2fb: {  	v55 =	vadd.s32 v1, v22;
	v23 =	vld.idx.msk [tilespmem:v23+s15+$0x0], $0xffff  }
0x2fc: {  	v22 =	vadd.s32 v5, v22;
	v29 =	vld.idx.msk [tilespmem:v54+s13+$0x0], $0xffff;
	(v2sf) =	vpush v25, $0x7  }
0x2fd: {  	v21 =	vld.idx.msk [tilespmem:v21+s13+$0x0], $0xffff  }
0x2fe: {  	v56 =	vld.idx.msk [tilespmem:v27+s19+$0x0], $0xffff  }
0x2ff: {  	v24 =	vld.idx.msk [tilespmem:v24+s19+$0x0], $0xffff  }
0x300: {  	v57 =	vld.idx.msk [tilespmem:v55+s14+$0x0], $0xffff  }
0x301: {  	v22 =	vld.idx.msk [tilespmem:v22+s14+$0x0], $0xffff;
	_ =	sdelay $0x1  }
0x302: {  	s10 =	spop (v2sf)  }
0x303: {  	(v2sf) =	vpush v26, $0x7;
	p0 =	sne.s32 s10, $0x0;
	s16 =	spop (v2sf)  }
0x304: {  	v58 =	vpsel p0, v29, v28;
	p1 =	sne.s32 s16, $0x0  }
0x305: {  	v21 =	vpsel p0, v21, v23;
	v23 =	vpsel p1, v57, v56;
	v22 =	vpsel p1, v22, v24  }
0x306: {  	v23 =	vmul.f32 v23, v58;
	v21 =	vmul.f32 v22, v21;
	_ =	sdelay $0x1  }
0x307: {  	v21 =	vadd.f32 v21, v23;
	_ =	sdelay $0x1  }
0x308: {  	s9 =	spop (v2sf);
	[tilespmem:$0x126F0] =	vst v21  }
0x309: {  	[tilespmem:s17], [sflag:$0x8] =	stream.linear.gather [hbm4b:s9+s6], $0x400, $0x38;
	[tilespmem:$0x12700] =	vst v63  }
0x30a: {  	s0 =	sadd.s32 $0xF4280, s9  }
0x30b: {  	[tilespmem:s18], [sflag:$0x8] =	stream.linear.gather [hbm4b:s0+s6], $0x400, $0x38;
	[tilespmem:$0x12700] =	vst v63  }
0x30c: {  	s1 =	sadd.s32 $0x1E8500, s9  }
0x30d: {  	[tilespmem:s20], [sflag:$0x8] =	stream.linear.gather [hbm4b:s1+s6], $0x400, $0x38;
	[tilespmem:$0x12700] =	vst v63  }
0x30e: {  	s9 =	sadd.s32 $0x2DC780, s9  }
0x30f: {  	[tilespmem:s21], [sflag:$0x8] =	stream.linear.gather [hbm4b:s9+s6], $0x400, $0x38;
	[tilespmem:$0x12700] =	vst v63  }
0x310: {  	s9 =	spop (v2sf)  }
0x311: {  	[tilespmem:s22], [sflag:$0x8] =	stream.linear.gather [hbm4b:s9+s6], $0x400, $0x38;
	[tilespmem:$0x12700] =	vst v63  }
0x312: {  	s0 =	sadd.s32 $0xF4280, s9  }
0x313: {  	[tilespmem:s23], [sflag:$0x8] =	stream.linear.gather [hbm4b:s0+s6], $0x400, $0x38;
	[tilespmem:$0x12700] =	vst v63  }
0x314: {  	s1 =	sadd.s32 $0x1E8500, s9  }
0x315: {  	[tilespmem:s24], [sflag:$0x8] =	stream.linear.gather [hbm4b:s1+s6], $0x400, $0x38;
	[tilespmem:$0x12700] =	vst v63  }
0x316: {  	s9 =	sadd.s32 $0x2DC780, s9  }
0x317: {  	[tilespmem:s2], [sflag:$0x8] =	stream.linear.gather [hbm4b:s9+s6], $0x400, $0x38;
	[tilespmem:$0x12700] =	vst v63  }
0x318: {  	v21 =	vld.idx.msk [tilespmem:v2+s12+$0x0], $0xffff;
	_ =	sdelay $0x1  }
0x319: {  	v22 =	vld.idx.msk [tilespmem:v6+s12+$0x0], $0xffff;
	_ =	sdelay $0x1  }
0x31a: {  	v23 =	vld.idx.msk [tilespmem:v7+s12+$0x0], $0xffff  }
0x31b: {  	v21 =	vadd.f32 $0.0e+00, v21  }
0x31c: {  	v59 =	vld.idx.msk [tilespmem:v8+s12+$0x0], $0xffff  }
0x31d: {  	v21 =	vadd.f32 v22, v21  }
0x31e: {  	v22 =	vld.idx.msk [tilespmem:v9+s12+$0x0], $0xffff  }
0x31f: {  	v21 =	vadd.f32 v23, v21  }
0x320: {  	v23 =	vld.idx.msk [tilespmem:v10+s12+$0x0], $0xffff  }
0x321: {  	v21 =	vadd.f32 v59, v21  }
0x322: {  	v60 =	vld.idx.msk [tilespmem:v11+s12+$0x0], $0xffff  }
0x323: {  	v21 =	vadd.f32 v22, v21  }
0x324: {  	v22 =	vld.idx.msk [tilespmem:v12+s12+$0x0], $0xffff  }
0x325: {  	v21 =	vadd.f32 v23, v21  }
0x326: {  	v23 =	vld.idx.msk [tilespmem:v13+s12+$0x0], $0xffff  }
0x327: {  	v21 =	vadd.f32 v60, v21  }
0x328: {  	v61 =	vld.idx.msk [tilespmem:v14+s12+$0x0], $0xffff  }
0x329: {  	v21 =	vadd.f32 v22, v21  }
0x32a: {  	v22 =	vld.idx.msk [tilespmem:v15+s12+$0x0], $0xffff  }
0x32b: {  	v21 =	vadd.f32 v23, v21  }
0x32c: {  	v23 =	vld.idx.msk [tilespmem:v16+s12+$0x0], $0xffff  }
0x32d: {  	v21 =	vadd.f32 v61, v21  }
0x32e: {  	v62 =	vld.idx.msk [tilespmem:v17+s12+$0x0], $0xffff  }
0x32f: {  	v21 =	vadd.f32 v22, v21  }
0x330: {  	v22 =	vld.idx.msk [tilespmem:v18+s12+$0x0], $0xffff  }
0x331: {  	v21 =	vadd.f32 v23, v21  }
0x332: {  	v23 =	vld.idx.msk [tilespmem:v19+s12+$0x0], $0xffff  }
0x333: {  	v21 =	vadd.f32 v62, v21  }
0x334: {  	v63 =	vld.idx.msk [tilespmem:v20+s12+$0x0], $0xffff  }
0x335: {  	v21 =	vadd.f32 v22, v21  }
0x336: {  	p0 =	sne.s32 s7, $0x780  }
.Ltmp0:
0x337: {  	v21 =	vadd.f32 v23, v21;
	(pc) =	sbr.rel @p0 .LBB2_2-.Ltmp0, $4  }
0x338: {  	s11 =	simm.s32 $0xFC00;
	s25 =	simm.s32 $0xDC00  }
0x339: {  	s10 =	simm.s32 $0x10000;
	s16 =	simm.s32 $0x2000;
	s7 =	sadd.s32 $0x40, s7;
	v21 =	vadd.f32 v63, v21  }
0x33a: {  	s17 =	simm.s32 $0x4000;
	s18 =	simm.s32 $0x6000;
	s20 =	simm.s32 $0x8000  }
0x33b: {  	s21 =	simm.s32 $0xA000;
	s22 =	simm.s32 $0xC000;
	s23 =	simm.s32 $0xE000;
	[tilespmem:s8+$0x12400] =	vst v21  }
0x33c: {  	v23 =	vld [tilespmem:$0x1F0];
	_ =	sdelay $0x2  }
0x33d: {  	v24 =	vld [tilespmem:$0x3F0];
	_ =	sdelay $0x1  }
0x33e: {  	v21 =	vand.u32 $0xFFFFFF80, v23  }
0x33f: {  	vm0 =	vlt.s32 v21, $0xF4180  }
0x340: {  	v27 =	vnsel vm0, $0xF4180, v21  }
0x341: {  	v21 =	vand.u32 $0xFFFFFF80, v24;
	v22 =	vsub.s32 v23, v27  }
0x342: {  	vm14 =	vlt.s32 v21, $0xF4180;
	vm1 =	vlt.s32 v22, $0x7F  }
0x343: {  	v28 =	vnsel vm14, $0xF4180, v21;
	v26 =	vnsel vm1, $0x7F, v22  }
0x344: {  	v21 =	vsub.s32 v24, v28;
	v22 =	vbroadcast v26, $0x0  }
0x345: {  	vm15 =	vlt.s32 v21, $0x7F  }
0x346: {  	v25 =	vnsel vm15, $0x7F, v21;
	v21 =	vadd.s32 $0xFFF0BE40, v23;
	v29 =	vshll.u32 v22, $0x3  }
0x347: {  	vm4 =	vgt.s32 v21, $0x0;
	v22 =	vand.u32 $0x7F, v22;
	v29 =	vand.u32 $0xFFFFFC00, v29  }
0x348: {  	_ =	swait.ge [sflag:s29], $0x1000;
	v30 =	vbroadcast v25, $0x0;
	v21 =	vnsel vm4, $0x0, v21;
	v22 =	vor.u32 v22, v29  }
0x349: {  	[sflag:s29] =	ssyncset.done $0x0;
	v55 =	vadd.s32 $0xFFF0BE40, v24;
	v32 =	vbroadcast v21, $0x0;
	v31 =	vadd.s32 v3, v22  }
0x34a: {  	[sflag:s29] =	ssyncadd.s32 $0xFFFFF000;
	vm5 =	vgt.s32 v55, $0x0;
	v33 =	vadd.s32 v4, v22;
	v22 =	vshll.u32 v30, $0x3  }
0x34b: {  	_ =	swait.ge [sflag:s29], $0x1000;
	v30 =	vand.u32 $0x7F, v30;
	v34 =	vadd.s32 v1, v32;
	v35 =	vand.u32 $0xFFFFFC00, v22  }
0x34c: {  	[sflag:s29] =	ssyncset.done $0x0;
	v22 =	vnsel vm5, $0x0, v55;
	v56 =	vadd.s32 v5, v32;
	v30 =	vor.u32 v30, v35  }
0x34d: {  	[sflag:s29] =	ssyncadd.s32 $0xFFFFF000;
	v58 =	vbroadcast v22, $0x0;
	v57 =	vadd.s32 v3, v30  }
0x34e: {  	s7 =	rddreg [dreg:$0x2];
	v30 =	vadd.s32 v4, v30;
	v36 =	vld.idx.msk [tilespmem:v31+s15+$0x0], $0xffff  }
0x34f: {  	v37 =	vadd.s32 v1, v58;
	v33 =	vld.idx.msk [tilespmem:v33+s15+$0x0], $0xffff;
	v31 =	vadd.s32 s7, v27  }
0x350: {  	v60 =	vadd.s32 v5, v58;
	v59 =	vld.idx.msk [tilespmem:v34+s13+$0x0], $0xffff;
	(v2sf) =	vpush v31, $0x8  }
0x351: {  	v29 =	vld.idx.msk [tilespmem:v56+s13+$0x0], $0xffff  }
0x352: {  	vm1 =	vgt.s32 v23, $0xF41FF;
	v32 =	vld.idx.msk [tilespmem:v57+s19+$0x0], $0xffff  }
0x353: {  	vm0 =	vgt.s32 v24, $0xF41FF;
	vm2 =	vmneg vm1;
	v30 =	vld.idx.msk [tilespmem:v30+s19+$0x0], $0xffff  }
0x354: {  	vm6 =	vmneg vm0;
	v23 =	vsel vm2, $0x1, v0;
	v61 =	vld.idx.msk [tilespmem:v37+s14+$0x0], $0xffff  }
0x355: {  	v24 =	vsel vm6, $0x1, v0;
	v62 =	vbroadcast v23, $0x0;
	v38 =	vld.idx.msk [tilespmem:v60+s14+$0x0], $0xffff  }
0x356: {  	s1 =	rddreg [dreg:$0x3];
	v39 =	vbroadcast v24, $0x0  }
0x357: {  	v34 =	vadd.s32 s1, v28;
	v37 =	vand.u32 $0x1, v62  }
0x358: {  	v63 =	vand.u32 $0x1, v39;
	(v2sf) =	vpush v34, $0x8;
	vm7 =	veq.s32 v37, $0x1  }
0x359: {  	vm3 =	veq.s32 v63, $0x1;
	v27 =	vsel vm7, v36, v59  }
0x35a: {  	v37 =	vsel vm7, v33, v29;
	v39 =	vsel vm3, v32, v61;
	v30 =	vsel vm3, v30, v38  }
0x35b: {  	v27 =	vmul.f32 v39, v27;
	v28 =	vmul.f32 v30, v37;
	_ =	sdelay $0x1  }
0x35c: {  	v27 =	vadd.f32 v28, v27;
	_ =	sdelay $0x1  }
0x35d: {  	[tilespmem:$0x12600] =	vst v27;
	s7 =	spop (v2sf)  }
0x35e: {  	[tilespmem:s15], [sflag:$0x1] =	stream.linear.gather [hbm4b:s7+s6], $0x400, $0x38;
	[tilespmem:$0x12700] =	vst v63  }
0x35f: {  	s0 =	simm.s32 $0x2400;
	s8 =	sadd.s32 $0xF4280, s7  }
0x360: {  	[tilespmem:s0], [sflag:$0x1] =	stream.linear.gather [hbm4b:s8+s6], $0x400, $0x38;
	[tilespmem:$0x12700] =	vst v63  }
0x361: {  	s9 =	sadd.s32 $0x1E8500, s7;
	s0 =	simm.s32 $0x4400  }
0x362: {  	[tilespmem:s0], [sflag:$0x1] =	stream.linear.gather [hbm4b:s9+s6], $0x400, $0x38;
	[tilespmem:$0x12700] =	vst v63  }
0x363: {  	s7 =	sadd.s32 $0x2DC780, s7;
	s8 =	simm.s32 $0x6400  }
0x364: {  	[tilespmem:s8], [sflag:$0x1] =	stream.linear.gather [hbm4b:s7+s6], $0x400, $0x38;
	[tilespmem:$0x12700] =	vst v63  }
0x365: {  	s7 =	spop (v2sf)  }
0x366: {  	[tilespmem:s19], [sflag:$0x1] =	stream.linear.gather [hbm4b:s7+s6], $0x400, $0x38;
	[tilespmem:$0x12700] =	vst v63  }
0x367: {  	s0 =	simm.s32 $0xA400;
	s9 =	sadd.s32 $0xF4280, s7  }
0x368: {  	v27 =	vadd.s32 $0x80, v26;
	[tilespmem:s0], [sflag:$0x1] =	stream.linear.gather [hbm4b:s9+s6], $0x400, $0x38;
	[tilespmem:$0x12700] =	vst v63  }
0x369: {  	v40 =	vbroadcast v27, $0x1;
	s1 =	sadd.s32 $0x1E8500, s7;
	s9 =	simm.s32 $0xC400  }
0x36a: {  	[tilespmem:s9], [sflag:$0x1] =	stream.linear.gather [hbm4b:s1+s6], $0x400, $0x38;
	[tilespmem:$0x12700] =	vst v63  }
0x36b: {  	v41 =	vshll.u32 v40, $0x3;
	s7 =	sadd.s32 $0x2DC780, s7;
	s0 =	simm.s32 $0xE400  }
0x36c: {  	v28 =	vadd.s32 $0x80, v25;
	v29 =	vand.u32 $0x7F, v40;
	v30 =	vand.u32 $0xFFFFFC00, v41;
	[tilespmem:s0], [sflag:$0x1] =	stream.linear.gather [hbm4b:s7+s6], $0x400, $0x38;
	[tilespmem:$0x12700] =	vst v63  }
0x36d: {  	v42 =	vbroadcast v28, $0x1;
	v29 =	vor.u32 v29, v30;
	_ =	swait.ge [sflag:s30], $0x1000  }
0x36e: {  	v43 =	vbroadcast v21, $0x1;
	v30 =	vadd.s32 v3, v29;
	[sflag:s30] =	ssyncset.done $0x0  }
0x36f: {  	v44 =	vshll.u32 v42, $0x3;
	v29 =	vadd.s32 v4, v29;
	[sflag:s30] =	ssyncadd.s32 $0xFFFFF000  }
0x370: {  	v45 =	vadd.s32 v1, v43;
	v32 =	vand.u32 $0x7F, v42;
	v35 =	vand.u32 $0xFFFFFC00, v44;
	_ =	swait.ge [sflag:s30], $0x1000  }
0x371: {  	v33 =	vadd.s32 v5, v43;
	v32 =	vor.u32 v32, v35;
	[sflag:s30] =	ssyncset.done $0x0  }
0x372: {  	v46 =	vbroadcast v22, $0x1;
	v35 =	vadd.s32 v3, v32;
	[sflag:s30] =	ssyncadd.s32 $0xFFFFF000  }
0x373: {  	v32 =	vadd.s32 v4, v32;
	v30 =	vld.idx.msk [tilespmem:v30+s15+$0x0], $0xffff  }
0x374: {  	v47 =	vadd.s32 v1, v46;
	v29 =	vld.idx.msk [tilespmem:v29+s15+$0x0], $0xffff  }
0x375: {  	v37 =	vadd.s32 v5, v46;
	(v2sf) =	vpush v31, $0x9;
	v36 =	vld.idx.msk [tilespmem:v45+s13+$0x0], $0xffff  }
0x376: {  	v33 =	vld.idx.msk [tilespmem:v33+s13+$0x0], $0xffff  }
0x377: {  	v35 =	vld.idx.msk [tilespmem:v35+s19+$0x0], $0xffff  }
0x378: {  	v32 =	vld.idx.msk [tilespmem:v32+s19+$0x0], $0xffff  }
0x379: {  	v38 =	vld.idx.msk [tilespmem:v47+s14+$0x0], $0xffff  }
0x37a: {  	v48 =	vbroadcast v23, $0x1;
	v37 =	vld.idx.msk [tilespmem:v37+s14+$0x0], $0xffff  }
0x37b: {  	v40 =	vbroadcast v24, $0x1  }
0x37c: {  	v39 =	vand.u32 $0x1, v48  }
0x37d: {  	vm8 =	veq.s32 v39, $0x1;
	v49 =	vand.u32 $0x1, v40;
	(v2sf) =	vpush v34, $0x9  }
0x37e: {  	vm9 =	veq.s32 v49, $0x1;
	v30 =	vsel vm8, v30, v36  }
0x37f: {  	v29 =	vsel vm8, v29, v33;
	v50 =	vsel vm9, v35, v38;
	v32 =	vsel vm9, v32, v37  }
0x380: {  	v30 =	vmul.f32 v50, v30;
	v29 =	vmul.f32 v32, v29;
	_ =	sdelay $0x1  }
0x381: {  	v29 =	vadd.f32 v29, v30;
	_ =	sdelay $0x1  }
0x382: {  	s8 =	simm.s32 $0x800;
	[tilespmem:$0x12610] =	vst v29;
	s7 =	spop (v2sf)  }
0x383: {  	[tilespmem:s8], [sflag:$0x2] =	stream.linear.gather [hbm4b:s7+s6], $0x400, $0x38;
	[tilespmem:$0x12700] =	vst v63  }
0x384: {  	s0 =	simm.s32 $0x2800;
	s9 =	sadd.s32 $0xF4280, s7  }
0x385: {  	[tilespmem:s0], [sflag:$0x2] =	stream.linear.gather [hbm4b:s9+s6], $0x400, $0x38;
	[tilespmem:$0x12700] =	vst v63  }
0x386: {  	s1 =	sadd.s32 $0x1E8500, s7;
	s9 =	simm.s32 $0x4800  }
0x387: {  	[tilespmem:s9], [sflag:$0x2] =	stream.linear.gather [hbm4b:s1+s6], $0x400, $0x38;
	[tilespmem:$0x12700] =	vst v63  }
0x388: {  	s7 =	sadd.s32 $0x2DC780, s7;
	s0 =	simm.s32 $0x6800  }
0x389: {  	[tilespmem:s0], [sflag:$0x2] =	stream.linear.gather [hbm4b:s7+s6], $0x400, $0x38;
	[tilespmem:$0x12700] =	vst v63  }
0x38a: {  	s8 =	simm.s32 $0x8800;
	s7 =	spop (v2sf)  }
0x38b: {  	[tilespmem:s8], [sflag:$0x2] =	stream.linear.gather [hbm4b:s7+s6], $0x400, $0x38;
	[tilespmem:$0x12700] =	vst v63  }
0x38c: {  	s0 =	simm.s32 $0xA800;
	s9 =	sadd.s32 $0xF4280, s7  }
0x38d: {  	v29 =	vadd.s32 $0x100, v26;
	[tilespmem:s0], [sflag:$0x2] =	stream.linear.gather [hbm4b:s9+s6], $0x400, $0x38;
	[tilespmem:$0x12700] =	vst v63  }
0x38e: {  	v51 =	vbroadcast v29, $0x2;
	s1 =	sadd.s32 $0x1E8500, s7;
	s9 =	simm.s32 $0xC800  }
0x38f: {  	[tilespmem:s9], [sflag:$0x2] =	stream.linear.gather [hbm4b:s1+s6], $0x400, $0x38;
	[tilespmem:$0x12700] =	vst v63  }
0x390: {  	v52 =	vshll.u32 v51, $0x3;
	s7 =	sadd.s32 $0x2DC780, s7;
	s0 =	simm.s32 $0xE800  }
0x391: {  	v30 =	vadd.s32 $0x100, v25;
	v32 =	vand.u32 $0x7F, v51;
	v33 =	vand.u32 $0xFFFFFC00, v52;
	[tilespmem:s0], [sflag:$0x2] =	stream.linear.gather [hbm4b:s7+s6], $0x400, $0x38;
	[tilespmem:$0x12700] =	vst v63  }
0x392: {  	v53 =	vbroadcast v30, $0x2;
	v32 =	vor.u32 v32, v33;
	_ =	swait.ge [sflag:s31], $0x1000  }
0x393: {  	v54 =	vbroadcast v21, $0x2;
	v33 =	vadd.s32 v3, v32;
	[sflag:s31] =	ssyncset.done $0x0  }
0x394: {  	v55 =	vshll.u32 v53, $0x3;
	v32 =	vadd.s32 v4, v32;
	[sflag:s31] =	ssyncadd.s32 $0xFFFFF000  }
0x395: {  	v56 =	vadd.s32 v1, v54;
	v35 =	vand.u32 $0x7F, v53;
	v37 =	vand.u32 $0xFFFFFC00, v55;
	_ =	swait.ge [sflag:s31], $0x1000  }
0x396: {  	v36 =	vadd.s32 v5, v54;
	v35 =	vor.u32 v35, v37;
	[sflag:s31] =	ssyncset.done $0x0  }
0x397: {  	v57 =	vbroadcast v22, $0x2;
	v37 =	vadd.s32 v3, v35;
	[sflag:s31] =	ssyncadd.s32 $0xFFFFF000  }
0x398: {  	v35 =	vadd.s32 v4, v35;
	v33 =	vld.idx.msk [tilespmem:v33+s15+$0x0], $0xffff  }
0x399: {  	v58 =	vadd.s32 v1, v57;
	v32 =	vld.idx.msk [tilespmem:v32+s15+$0x0], $0xffff  }
0x39a: {  	v39 =	vadd.s32 v5, v57;
	(v2sf) =	vpush v31, $0xA;
	v38 =	vld.idx.msk [tilespmem:v56+s13+$0x0], $0xffff  }
0x39b: {  	v36 =	vld.idx.msk [tilespmem:v36+s13+$0x0], $0xffff  }
0x39c: {  	v37 =	vld.idx.msk [tilespmem:v37+s19+$0x0], $0xffff  }
0x39d: {  	v35 =	vld.idx.msk [tilespmem:v35+s19+$0x0], $0xffff  }
0x39e: {  	v40 =	vld.idx.msk [tilespmem:v58+s14+$0x0], $0xffff  }
0x39f: {  	v41 =	vbroadcast v23, $0x2;
	v39 =	vld.idx.msk [tilespmem:v39+s14+$0x0], $0xffff  }
0x3a0: {  	v42 =	vbroadcast v24, $0x2  }
0x3a1: {  	v41 =	vand.u32 $0x1, v41  }
0x3a2: {  	v59 =	vand.u32 $0x1, v42;
	vm10 =	veq.s32 v41, $0x1;
	(v2sf) =	vpush v34, $0xA  }
0x3a3: {  	vm11 =	veq.s32 v59, $0x1;
	v33 =	vsel vm10, v33, v38  }
0x3a4: {  	v32 =	vsel vm10, v32, v36;
	v60 =	vsel vm11, v37, v40;
	v35 =	vsel vm11, v35, v39  }
0x3a5: {  	v33 =	vmul.f32 v60, v33;
	v32 =	vmul.f32 v35, v32;
	_ =	sdelay $0x1  }
0x3a6: {  	v32 =	vadd.f32 v32, v33;
	_ =	sdelay $0x1  }
0x3a7: {  	s0 =	simm.s32 $0xC00;
	[tilespmem:$0x12620] =	vst v32;
	s7 =	spop (v2sf)  }
0x3a8: {  	[tilespmem:s0], [sflag:$0x3] =	stream.linear.gather [hbm4b:s7+s6], $0x400, $0x38;
	[tilespmem:$0x12700] =	vst v63  }
0x3a9: {  	s9 =	simm.s32 $0x2C00;
	s1 =	sadd.s32 $0xF4280, s7  }
0x3aa: {  	[tilespmem:s9], [sflag:$0x3] =	stream.linear.gather [hbm4b:s1+s6], $0x400, $0x38;
	[tilespmem:$0x12700] =	vst v63  }
0x3ab: {  	s0 =	sadd.s32 $0x1E8500, s7;
	s1 =	simm.s32 $0x4C00  }
0x3ac: {  	[tilespmem:s1], [sflag:$0x3] =	stream.linear.gather [hbm4b:s0+s6], $0x400, $0x38;
	[tilespmem:$0x12700] =	vst v63  }
0x3ad: {  	s8 =	simm.s32 $0x6C00;
	s7 =	sadd.s32 $0x2DC780, s7  }
0x3ae: {  	[tilespmem:s8], [sflag:$0x3] =	stream.linear.gather [hbm4b:s7+s6], $0x400, $0x38;
	[tilespmem:$0x12700] =	vst v63  }
0x3af: {  	s9 =	simm.s32 $0x8C00;
	s7 =	spop (v2sf)  }
0x3b0: {  	[tilespmem:s9], [sflag:$0x3] =	stream.linear.gather [hbm4b:s7+s6], $0x400, $0x38;
	[tilespmem:$0x12700] =	vst v63  }
0x3b1: {  	s1 =	sadd.s32 $0xF4280, s7;
	s9 =	simm.s32 $0xAC00  }
0x3b2: {  	v32 =	vadd.s32 $0x180, v26;
	[tilespmem:s9], [sflag:$0x3] =	stream.linear.gather [hbm4b:s1+s6], $0x400, $0x38;
	[tilespmem:$0x12700] =	vst v63  }
0x3b3: {  	v61 =	vbroadcast v32, $0x3;
	s0 =	sadd.s32 $0x1E8500, s7;
	s1 =	simm.s32 $0xCC00  }
0x3b4: {  	[tilespmem:s1], [sflag:$0x3] =	stream.linear.gather [hbm4b:s0+s6], $0x400, $0x38;
	[tilespmem:$0x12700] =	vst v63  }
0x3b5: {  	v62 =	vshll.u32 v61, $0x3;
	s8 =	simm.s32 $0xEC00;
	s7 =	sadd.s32 $0x2DC780, s7  }
0x3b6: {  	v33 =	vadd.s32 $0x180, v25;
	v35 =	vand.u32 $0x7F, v61;
	v36 =	vand.u32 $0xFFFFFC00, v62;
	[tilespmem:s8], [sflag:$0x3] =	stream.linear.gather [hbm4b:s7+s6], $0x400, $0x38;
	[tilespmem:$0x12700] =	vst v63  }
0x3b7: {  	v63 =	vbroadcast v33, $0x3;
	v35 =	vor.u32 v35, v36;
	_ =	swait.ge [sflag:s26], $0x1000  }
0x3b8: {  	v44 =	vbroadcast v21, $0x3;
	v36 =	vadd.s32 v3, v35;
	[sflag:s26] =	ssyncset.done $0x0  }
0x3b9: {  	v45 =	vshll.u32 v63, $0x3;
	v35 =	vadd.s32 v4, v35;
	[sflag:s26] =	ssyncadd.s32 $0xFFFFF000  }
0x3ba: {  	v46 =	vadd.s32 v1, v44;
	v37 =	vand.u32 $0x7F, v63;
	v39 =	vand.u32 $0xFFFFFC00, v45;
	_ =	swait.ge [sflag:s26], $0x1000  }
0x3bb: {  	v38 =	vadd.s32 v5, v44;
	v37 =	vor.u32 v37, v39;
	[sflag:s26] =	ssyncset.done $0x0  }
0x3bc: {  	v47 =	vbroadcast v22, $0x3;
	v39 =	vadd.s32 v3, v37;
	[sflag:s26] =	ssyncadd.s32 $0xFFFFF000  }
0x3bd: {  	v37 =	vadd.s32 v4, v37;
	v36 =	vld.idx.msk [tilespmem:v36+s15+$0x0], $0xffff  }
0x3be: {  	v48 =	vadd.s32 v1, v47;
	v35 =	vld.idx.msk [tilespmem:v35+s15+$0x0], $0xffff  }
0x3bf: {  	v41 =	vadd.s32 v5, v47;
	(v2sf) =	vpush v31, $0xB;
	v40 =	vld.idx.msk [tilespmem:v46+s13+$0x0], $0xffff  }
0x3c0: {  	v38 =	vld.idx.msk [tilespmem:v38+s13+$0x0], $0xffff  }
0x3c1: {  	v39 =	vld.idx.msk [tilespmem:v39+s19+$0x0], $0xffff  }
0x3c2: {  	v37 =	vld.idx.msk [tilespmem:v37+s19+$0x0], $0xffff  }
0x3c3: {  	v42 =	vld.idx.msk [tilespmem:v48+s14+$0x0], $0xffff  }
0x3c4: {  	v43 =	vbroadcast v23, $0x3;
	v41 =	vld.idx.msk [tilespmem:v41+s14+$0x0], $0xffff  }
0x3c5: {  	v44 =	vbroadcast v24, $0x3  }
0x3c6: {  	v43 =	vand.u32 $0x1, v43  }
0x3c7: {  	vm12 =	veq.s32 v43, $0x1;
	v49 =	vand.u32 $0x1, v44;
	(v2sf) =	vpush v34, $0xB  }
0x3c8: {  	vm13 =	veq.s32 v49, $0x1;
	v36 =	vsel vm12, v36, v40  }
0x3c9: {  	v35 =	vsel vm12, v35, v38;
	v50 =	vsel vm13, v39, v42;
	v37 =	vsel vm13, v37, v41  }
0x3ca: {  	v36 =	vmul.f32 v50, v36;
	v35 =	vmul.f32 v37, v35;
	_ =	sdelay $0x1  }
0x3cb: {  	v35 =	vadd.f32 v35, v36;
	_ =	sdelay $0x1  }
0x3cc: {  	s9 =	simm.s32 $0x1000;
	[tilespmem:$0x12630] =	vst v35;
	s7 =	spop (v2sf)  }
0x3cd: {  	[tilespmem:s9], [sflag:$0x4] =	stream.linear.gather [hbm4b:s7+s6], $0x400, $0x38;
	[tilespmem:$0x12700] =	vst v63  }
0x3ce: {  	s1 =	sadd.s32 $0xF4280, s7;
	s9 =	simm.s32 $0x3000  }
0x3cf: {  	[tilespmem:s9], [sflag:$0x4] =	stream.linear.gather [hbm4b:s1+s6], $0x400, $0x38;
	[tilespmem:$0x12700] =	vst v63  }
0x3d0: {  	s0 =	sadd.s32 $0x1E8500, s7;
	s1 =	simm.s32 $0x5000  }
0x3d1: {  	[tilespmem:s1], [sflag:$0x4] =	stream.linear.gather [hbm4b:s0+s6], $0x400, $0x38;
	[tilespmem:$0x12700] =	vst v63  }
0x3d2: {  	s8 =	simm.s32 $0x7000;
	s7 =	sadd.s32 $0x2DC780, s7  }
0x3d3: {  	[tilespmem:s8], [sflag:$0x4] =	stream.linear.gather [hbm4b:s7+s6], $0x400, $0x38;
	[tilespmem:$0x12700] =	vst v63  }
0x3d4: {  	s9 =	simm.s32 $0x9000;
	s7 =	spop (v2sf)  }
0x3d5: {  	[tilespmem:s9], [sflag:$0x4] =	stream.linear.gather [hbm4b:s7+s6], $0x400, $0x38;
	[tilespmem:$0x12700] =	vst v63  }
0x3d6: {  	s1 =	sadd.s32 $0xF4280, s7;
	s9 =	simm.s32 $0xB000  }
0x3d7: {  	v35 =	vadd.s32 $0x200, v26;
	[tilespmem:s9], [sflag:$0x4] =	stream.linear.gather [hbm4b:s1+s6], $0x400, $0x38;
	[tilespmem:$0x12700] =	vst v63  }
0x3d8: {  	v51 =	vbroadcast v35, $0x4;
	s0 =	sadd.s32 $0x1E8500, s7;
	s1 =	simm.s32 $0xD000  }
0x3d9: {  	[tilespmem:s1], [sflag:$0x4] =	stream.linear.gather [hbm4b:s0+s6], $0x400, $0x38;
	[tilespmem:$0x12700] =	vst v63  }
0x3da: {  	v52 =	vshll.u32 v51, $0x3;
	s8 =	simm.s32 $0xF000;
	s7 =	sadd.s32 $0x2DC780, s7  }
0x3db: {  	v36 =	vadd.s32 $0x200, v25;
	v37 =	vand.u32 $0x7F, v51;
	v38 =	vand.u32 $0xFFFFFC00, v52;
	[tilespmem:s8], [sflag:$0x4] =	stream.linear.gather [hbm4b:s7+s6], $0x400, $0x38;
	[tilespmem:$0x12700] =	vst v63  }
0x3dc: {  	v53 =	vbroadcast v36, $0x4;
	v37 =	vor.u32 v37, v38;
	_ =	swait.ge [sflag:s28], $0x1000  }
0x3dd: {  	v54 =	vbroadcast v21, $0x4;
	v38 =	vadd.s32 v3, v37;
	[sflag:s28] =	ssyncset.done $0x0  }
0x3de: {  	v55 =	vshll.u32 v53, $0x3;
	v37 =	vadd.s32 v4, v37;
	[sflag:s28] =	ssyncadd.s32 $0xFFFFF000  }
0x3df: {  	v56 =	vadd.s32 v1, v54;
	v39 =	vand.u32 $0x7F, v53;
	v41 =	vand.u32 $0xFFFFFC00, v55;
	_ =	swait.ge [sflag:s28], $0x1000  }
0x3e0: {  	v40 =	vadd.s32 v5, v54;
	v39 =	vor.u32 v39, v41;
	[sflag:s28] =	ssyncset.done $0x0  }
0x3e1: {  	v57 =	vbroadcast v22, $0x4;
	v41 =	vadd.s32 v3, v39;
	[sflag:s28] =	ssyncadd.s32 $0xFFFFF000  }
0x3e2: {  	v39 =	vadd.s32 v4, v39;
	v38 =	vld.idx.msk [tilespmem:v38+s15+$0x0], $0xffff  }
0x3e3: {  	v58 =	vadd.s32 v1, v57;
	v37 =	vld.idx.msk [tilespmem:v37+s15+$0x0], $0xffff  }
0x3e4: {  	v43 =	vadd.s32 v5, v57;
	(v2sf) =	vpush v31, $0xC;
	v42 =	vld.idx.msk [tilespmem:v56+s13+$0x0], $0xffff  }
0x3e5: {  	v40 =	vld.idx.msk [tilespmem:v40+s13+$0x0], $0xffff  }
0x3e6: {  	v41 =	vld.idx.msk [tilespmem:v41+s19+$0x0], $0xffff  }
0x3e7: {  	v39 =	vld.idx.msk [tilespmem:v39+s19+$0x0], $0xffff  }
0x3e8: {  	v44 =	vld.idx.msk [tilespmem:v58+s14+$0x0], $0xffff  }
0x3e9: {  	v45 =	vbroadcast v23, $0x4;
	v43 =	vld.idx.msk [tilespmem:v43+s14+$0x0], $0xffff  }
0x3ea: {  	v46 =	vbroadcast v24, $0x4  }
0x3eb: {  	v45 =	vand.u32 $0x1, v45  }
0x3ec: {  	vm14 =	veq.s32 v45, $0x1;
	v59 =	vand.u32 $0x1, v46;
	(v2sf) =	vpush v34, $0xC  }
0x3ed: {  	vm15 =	veq.s32 v59, $0x1;
	v38 =	vsel vm14, v38, v42  }
0x3ee: {  	v37 =	vsel vm14, v37, v40;
	v60 =	vsel vm15, v41, v44;
	v39 =	vsel vm15, v39, v43  }
0x3ef: {  	v38 =	vmul.f32 v60, v38;
	v37 =	vmul.f32 v39, v37;
	_ =	sdelay $0x1  }
0x3f0: {  	v37 =	vadd.f32 v37, v38;
	_ =	sdelay $0x1  }
0x3f1: {  	s9 =	simm.s32 $0x1400;
	[tilespmem:$0x12640] =	vst v37;
	s7 =	spop (v2sf)  }
0x3f2: {  	[tilespmem:s9], [sflag:$0x5] =	stream.linear.gather [hbm4b:s7+s6], $0x400, $0x38;
	[tilespmem:$0x12700] =	vst v63  }
0x3f3: {  	s1 =	sadd.s32 $0xF4280, s7;
	s9 =	simm.s32 $0x3400  }
0x3f4: {  	[tilespmem:s9], [sflag:$0x5] =	stream.linear.gather [hbm4b:s1+s6], $0x400, $0x38;
	[tilespmem:$0x12700] =	vst v63  }
0x3f5: {  	s0 =	sadd.s32 $0x1E8500, s7;
	s1 =	simm.s32 $0x5400  }
0x3f6: {  	[tilespmem:s1], [sflag:$0x5] =	stream.linear.gather [hbm4b:s0+s6], $0x400, $0x38;
	[tilespmem:$0x12700] =	vst v63  }
0x3f7: {  	s8 =	simm.s32 $0x7400;
	s7 =	sadd.s32 $0x2DC780, s7  }
0x3f8: {  	[tilespmem:s8], [sflag:$0x5] =	stream.linear.gather [hbm4b:s7+s6], $0x400, $0x38;
	[tilespmem:$0x12700] =	vst v63  }
0x3f9: {  	s9 =	simm.s32 $0x9400;
	s7 =	spop (v2sf)  }
0x3fa: {  	[tilespmem:s9], [sflag:$0x5] =	stream.linear.gather [hbm4b:s7+s6], $0x400, $0x38;
	[tilespmem:$0x12700] =	vst v63  }
0x3fb: {  	s1 =	sadd.s32 $0xF4280, s7;
	s9 =	simm.s32 $0xB400  }
0x3fc: {  	v37 =	vadd.s32 $0x280, v26;
	[tilespmem:s9], [sflag:$0x5] =	stream.linear.gather [hbm4b:s1+s6], $0x400, $0x38;
	[tilespmem:$0x12700] =	vst v63  }
0x3fd: {  	v61 =	vbroadcast v37, $0x5;
	s0 =	sadd.s32 $0x1E8500, s7;
	s1 =	simm.s32 $0xD400  }
0x3fe: {  	[tilespmem:s1], [sflag:$0x5] =	stream.linear.gather [hbm4b:s0+s6], $0x400, $0x38;
	[tilespmem:$0x12700] =	vst v63  }
0x3ff: {  	v62 =	vshll.u32 v61, $0x3;
	s8 =	simm.s32 $0xF400;
	s7 =	sadd.s32 $0x2DC780, s7  }
0x400: {  	v38 =	vadd.s32 $0x280, v25;
	v39 =	vand.u32 $0x7F, v61;
	v40 =	vand.u32 $0xFFFFFC00, v62;
	[tilespmem:s8], [sflag:$0x5] =	stream.linear.gather [hbm4b:s7+s6], $0x400, $0x38;
	[tilespmem:$0x12700] =	vst v63  }
0x401: {  	v63 =	vbroadcast v38, $0x5;
	v39 =	vor.u32 v39, v40;
	_ =	swait.ge [sflag:s3], $0x1000  }
0x402: {  	v48 =	vbroadcast v21, $0x5;
	v40 =	vadd.s32 v3, v39;
	[sflag:s3] =	ssyncset.done $0x0  }
0x403: {  	v49 =	vshll.u32 v63, $0x3;
	v39 =	vadd.s32 v4, v39;
	[sflag:s3] =	ssyncadd.s32 $0xFFFFF000  }
0x404: {  	v50 =	vadd.s32 v1, v48;
	v41 =	vand.u32 $0x7F, v63;
	v43 =	vand.u32 $0xFFFFFC00, v49;
	_ =	swait.ge [sflag:s3], $0x1000  }
0x405: {  	v42 =	vadd.s32 v5, v48;
	v41 =	vor.u32 v41, v43;
	[sflag:s3] =	ssyncset.done $0x0  }
0x406: {  	v51 =	vbroadcast v22, $0x5;
	v43 =	vadd.s32 v3, v41;
	[sflag:s3] =	ssyncadd.s32 $0xFFFFF000  }
0x407: {  	v41 =	vadd.s32 v4, v41;
	v40 =	vld.idx.msk [tilespmem:v40+s15+$0x0], $0xffff  }
0x408: {  	v52 =	vadd.s32 v1, v51;
	v39 =	vld.idx.msk [tilespmem:v39+s15+$0x0], $0xffff  }
0x409: {  	v45 =	vadd.s32 v5, v51;
	(v2sf) =	vpush v31, $0xD;
	v44 =	vld.idx.msk [tilespmem:v50+s13+$0x0], $0xffff  }
0x40a: {  	v42 =	vld.idx.msk [tilespmem:v42+s13+$0x0], $0xffff  }
0x40b: {  	v43 =	vld.idx.msk [tilespmem:v43+s19+$0x0], $0xffff  }
0x40c: {  	v41 =	vld.idx.msk [tilespmem:v41+s19+$0x0], $0xffff  }
0x40d: {  	v46 =	vld.idx.msk [tilespmem:v52+s14+$0x0], $0xffff  }
0x40e: {  	v47 =	vbroadcast v23, $0x5;
	v45 =	vld.idx.msk [tilespmem:v45+s14+$0x0], $0xffff  }
0x40f: {  	v48 =	vbroadcast v24, $0x5  }
0x410: {  	v47 =	vand.u32 $0x1, v47  }
0x411: {  	vm6 =	veq.s32 v47, $0x1;
	v53 =	vand.u32 $0x1, v48;
	(v2sf) =	vpush v34, $0xD  }
0x412: {  	vm7 =	veq.s32 v53, $0x1;
	v40 =	vsel vm6, v40, v44  }
0x413: {  	v39 =	vsel vm6, v39, v42;
	v54 =	vsel vm7, v43, v46;
	v41 =	vsel vm7, v41, v45  }
0x414: {  	v40 =	vmul.f32 v54, v40;
	v39 =	vmul.f32 v41, v39;
	_ =	sdelay $0x1  }
0x415: {  	v39 =	vadd.f32 v39, v40;
	_ =	sdelay $0x1  }
0x416: {  	s9 =	simm.s32 $0x1800;
	[tilespmem:$0x12650] =	vst v39;
	s7 =	spop (v2sf)  }
0x417: {  	[tilespmem:s9], [sflag:$0x6] =	stream.linear.gather [hbm4b:s7+s6], $0x400, $0x38;
	[tilespmem:$0x12700] =	vst v63  }
0x418: {  	s1 =	sadd.s32 $0xF4280, s7;
	s9 =	simm.s32 $0x3800  }
0x419: {  	[tilespmem:s9], [sflag:$0x6] =	stream.linear.gather [hbm4b:s1+s6], $0x400, $0x38;
	[tilespmem:$0x12700] =	vst v63  }
0x41a: {  	s0 =	sadd.s32 $0x1E8500, s7;
	s1 =	simm.s32 $0x5800  }
0x41b: {  	[tilespmem:s1], [sflag:$0x6] =	stream.linear.gather [hbm4b:s0+s6], $0x400, $0x38;
	[tilespmem:$0x12700] =	vst v63  }
0x41c: {  	s8 =	simm.s32 $0x7800;
	s7 =	sadd.s32 $0x2DC780, s7  }
0x41d: {  	[tilespmem:s8], [sflag:$0x6] =	stream.linear.gather [hbm4b:s7+s6], $0x400, $0x38;
	[tilespmem:$0x12700] =	vst v63  }
0x41e: {  	s9 =	simm.s32 $0x9800;
	s7 =	spop (v2sf)  }
0x41f: {  	[tilespmem:s9], [sflag:$0x6] =	stream.linear.gather [hbm4b:s7+s6], $0x400, $0x38;
	[tilespmem:$0x12700] =	vst v63  }
0x420: {  	s1 =	sadd.s32 $0xF4280, s7;
	s9 =	simm.s32 $0xB800  }
0x421: {  	v39 =	vadd.s32 $0x300, v26;
	[tilespmem:s9], [sflag:$0x6] =	stream.linear.gather [hbm4b:s1+s6], $0x400, $0x38;
	[tilespmem:$0x12700] =	vst v63  }
0x422: {  	v55 =	vbroadcast v39, $0x6;
	s0 =	sadd.s32 $0x1E8500, s7;
	s1 =	simm.s32 $0xD800  }
0x423: {  	[tilespmem:s1], [sflag:$0x6] =	stream.linear.gather [hbm4b:s0+s6], $0x400, $0x38;
	[tilespmem:$0x12700] =	vst v63  }
0x424: {  	v56 =	vshll.u32 v55, $0x3;
	s8 =	simm.s32 $0xF800;
	s7 =	sadd.s32 $0x2DC780, s7  }
0x425: {  	v40 =	vadd.s32 $0x300, v25;
	v41 =	vand.u32 $0x7F, v55;
	v42 =	vand.u32 $0xFFFFFC00, v56;
	[tilespmem:s8], [sflag:$0x6] =	stream.linear.gather [hbm4b:s7+s6], $0x400, $0x38;
	[tilespmem:$0x12700] =	vst v63  }
0x426: {  	v57 =	vbroadcast v40, $0x6;
	v41 =	vor.u32 v41, v42;
	_ =	swait.ge [sflag:s4], $0x1000  }
0x427: {  	v58 =	vbroadcast v21, $0x6;
	v42 =	vadd.s32 v3, v41;
	[sflag:s4] =	ssyncset.done $0x0  }
0x428: {  	v59 =	vshll.u32 v57, $0x3;
	v41 =	vadd.s32 v4, v41;
	[sflag:s4] =	ssyncadd.s32 $0xFFFFF000  }
0x429: {  	v60 =	vadd.s32 v1, v58;
	v43 =	vand.u32 $0x7F, v57;
	v45 =	vand.u32 $0xFFFFFC00, v59;
	_ =	swait.ge [sflag:s4], $0x1000  }
0x42a: {  	v44 =	vadd.s32 v5, v58;
	v43 =	vor.u32 v43, v45;
	[sflag:s4] =	ssyncset.done $0x0  }
0x42b: {  	v61 =	vbroadcast v22, $0x6;
	v45 =	vadd.s32 v3, v43;
	[sflag:s4] =	ssyncadd.s32 $0xFFFFF000  }
0x42c: {  	v43 =	vadd.s32 v4, v43;
	v42 =	vld.idx.msk [tilespmem:v42+s15+$0x0], $0xffff  }
0x42d: {  	v62 =	vadd.s32 v1, v61;
	v41 =	vld.idx.msk [tilespmem:v41+s15+$0x0], $0xffff  }
0x42e: {  	v47 =	vadd.s32 v5, v61;
	(v2sf) =	vpush v31, $0xE;
	v46 =	vld.idx.msk [tilespmem:v60+s13+$0x0], $0xffff  }
0x42f: {  	v44 =	vld.idx.msk [tilespmem:v44+s13+$0x0], $0xffff  }
0x430: {  	v45 =	vld.idx.msk [tilespmem:v45+s19+$0x0], $0xffff  }
0x431: {  	v43 =	vld.idx.msk [tilespmem:v43+s19+$0x0], $0xffff  }
0x432: {  	v48 =	vld.idx.msk [tilespmem:v62+s14+$0x0], $0xffff  }
0x433: {  	v49 =	vbroadcast v23, $0x6;
	v47 =	vld.idx.msk [tilespmem:v47+s14+$0x0], $0xffff  }
0x434: {  	v50 =	vbroadcast v24, $0x6  }
0x435: {  	v49 =	vand.u32 $0x1, v49  }
0x436: {  	vm8 =	veq.s32 v49, $0x1;
	v63 =	vand.u32 $0x1, v50;
	(v2sf) =	vpush v34, $0xE  }
0x437: {  	vm9 =	veq.s32 v63, $0x1;
	v42 =	vsel vm8, v42, v46  }
0x438: {  	v41 =	vsel vm8, v41, v44;
	v51 =	vsel vm9, v45, v48;
	v43 =	vsel vm9, v43, v47  }
0x439: {  	v42 =	vmul.f32 v51, v42;
	v41 =	vmul.f32 v43, v41;
	_ =	sdelay $0x1  }
0x43a: {  	v41 =	vadd.f32 v41, v42;
	_ =	sdelay $0x1  }
0x43b: {  	s9 =	simm.s32 $0x1C00;
	[tilespmem:$0x12660] =	vst v41;
	s7 =	spop (v2sf)  }
0x43c: {  	[tilespmem:s9], [sflag:$0x7] =	stream.linear.gather [hbm4b:s7+s6], $0x400, $0x38;
	[tilespmem:$0x12700] =	vst v63  }
0x43d: {  	s1 =	sadd.s32 $0xF4280, s7;
	s9 =	simm.s32 $0x3C00  }
0x43e: {  	[tilespmem:s9], [sflag:$0x7] =	stream.linear.gather [hbm4b:s1+s6], $0x400, $0x38;
	[tilespmem:$0x12700] =	vst v63  }
0x43f: {  	s0 =	sadd.s32 $0x1E8500, s7;
	s1 =	simm.s32 $0x5C00  }
0x440: {  	[tilespmem:s1], [sflag:$0x7] =	stream.linear.gather [hbm4b:s0+s6], $0x400, $0x38;
	[tilespmem:$0x12700] =	vst v63  }
0x441: {  	s8 =	simm.s32 $0x7C00;
	s7 =	sadd.s32 $0x2DC780, s7  }
0x442: {  	[tilespmem:s8], [sflag:$0x7] =	stream.linear.gather [hbm4b:s7+s6], $0x400, $0x38;
	[tilespmem:$0x12700] =	vst v63  }
0x443: {  	s9 =	simm.s32 $0x9C00;
	s7 =	spop (v2sf)  }
0x444: {  	[tilespmem:s9], [sflag:$0x7] =	stream.linear.gather [hbm4b:s7+s6], $0x400, $0x38;
	[tilespmem:$0x12700] =	vst v63  }
0x445: {  	s1 =	sadd.s32 $0xF4280, s7;
	s9 =	simm.s32 $0xBC00  }
0x446: {  	v41 =	vadd.s32 $0x380, v26;
	[tilespmem:s9], [sflag:$0x7] =	stream.linear.gather [hbm4b:s1+s6], $0x400, $0x38;
	[tilespmem:$0x12700] =	vst v63  }
0x447: {  	v52 =	vbroadcast v41, $0x7;
	s1 =	sadd.s32 $0x1E8500, s7  }
0x448: {  	[tilespmem:s25], [sflag:$0x7] =	stream.linear.gather [hbm4b:s1+s6], $0x400, $0x38;
	[tilespmem:$0x12700] =	vst v63  }
0x449: {  	v53 =	vshll.u32 v52, $0x3;
	s7 =	sadd.s32 $0x2DC780, s7  }
0x44a: {  	v42 =	vadd.s32 $0x380, v25;
	v43 =	vand.u32 $0x7F, v52;
	v44 =	vand.u32 $0xFFFFFC00, v53;
	[tilespmem:s11], [sflag:$0x7] =	stream.linear.gather [hbm4b:s7+s6], $0x400, $0x38;
	[tilespmem:$0x12700] =	vst v63  }
0x44b: {  	v54 =	vbroadcast v42, $0x7;
	v43 =	vor.u32 v43, v44;
	_ =	swait.ge [sflag:s5], $0x1000  }
0x44c: {  	v55 =	vbroadcast v21, $0x7;
	v44 =	vadd.s32 v3, v43;
	[sflag:s5] =	ssyncset.done $0x0  }
0x44d: {  	v56 =	vshll.u32 v54, $0x3;
	v43 =	vadd.s32 v4, v43;
	[sflag:s5] =	ssyncadd.s32 $0xFFFFF000  }
0x44e: {  	v57 =	vadd.s32 v1, v55;
	v45 =	vand.u32 $0x7F, v54;
	v47 =	vand.u32 $0xFFFFFC00, v56;
	_ =	swait.ge [sflag:s5], $0x1000  }
0x44f: {  	v46 =	vadd.s32 v5, v55;
	v45 =	vor.u32 v45, v47;
	[sflag:s5] =	ssyncset.done $0x0  }
0x450: {  	v58 =	vbroadcast v22, $0x7;
	v47 =	vadd.s32 v3, v45;
	[sflag:s5] =	ssyncadd.s32 $0xFFFFF000  }
0x451: {  	v45 =	vadd.s32 v4, v45;
	v44 =	vld.idx.msk [tilespmem:v44+s15+$0x0], $0xffff  }
0x452: {  	v59 =	vadd.s32 v1, v58;
	v43 =	vld.idx.msk [tilespmem:v43+s15+$0x0], $0xffff  }
0x453: {  	v49 =	vadd.s32 v5, v58;
	(v2sf) =	vpush v31, $0xF;
	v48 =	vld.idx.msk [tilespmem:v57+s13+$0x0], $0xffff  }
0x454: {  	v60 =	vld.idx.msk [tilespmem:v46+s13+$0x0], $0xffff  }
0x455: {  	v61 =	vld.idx.msk [tilespmem:v47+s19+$0x0], $0xffff  }
0x456: {  	v45 =	vld.idx.msk [tilespmem:v45+s19+$0x0], $0xffff  }
0x457: {  	v62 =	vld.idx.msk [tilespmem:v59+s14+$0x0], $0xffff  }
0x458: {  	v63 =	vbroadcast v23, $0x7;
	v49 =	vld.idx.msk [tilespmem:v49+s14+$0x0], $0xffff  }
0x459: {  	v51 =	vbroadcast v24, $0x7  }
0x45a: {  	v50 =	vand.u32 $0x1, v63  }
0x45b: {  	vm10 =	veq.s32 v50, $0x1;
	v54 =	vand.u32 $0x1, v51;
	(v2sf) =	vpush v34, $0xF  }
0x45c: {  	vm11 =	veq.s32 v54, $0x1;
	v44 =	vsel vm10, v44, v48  }
0x45d: {  	v31 =	vsel vm10, v43, v60;
	v34 =	vsel vm11, v61, v62;
	v55 =	vsel vm11, v45, v49  }
0x45e: {  	v34 =	vmul.f32 v34, v44;
	v31 =	vmul.f32 v55, v31;
	_ =	sdelay $0x1  }
0x45f: {  	v31 =	vadd.f32 v31, v34;
	_ =	sdelay $0x1  }
0x460: {  	[tilespmem:$0x12670] =	vst v31;
	s9 =	spop (v2sf)  }
0x461: {  	[tilespmem:s16], [sflag:$0x8] =	stream.linear.gather [hbm4b:s9+s6], $0x400, $0x38;
	[tilespmem:$0x12700] =	vst v63  }
0x462: {  	s0 =	sadd.s32 $0xF4280, s9  }
0x463: {  	[tilespmem:s17], [sflag:$0x8] =	stream.linear.gather [hbm4b:s0+s6], $0x400, $0x38;
	[tilespmem:$0x12700] =	vst v63  }
0x464: {  	s1 =	sadd.s32 $0x1E8500, s9  }
0x465: {  	[tilespmem:s18], [sflag:$0x8] =	stream.linear.gather [hbm4b:s1+s6], $0x400, $0x38;
	[tilespmem:$0x12700] =	vst v63  }
0x466: {  	s7 =	sadd.s32 $0x2DC780, s9  }
0x467: {  	[tilespmem:s20], [sflag:$0x8] =	stream.linear.gather [hbm4b:s7+s6], $0x400, $0x38;
	[tilespmem:$0x12700] =	vst v63  }
0x468: {  	s9 =	spop (v2sf)  }
0x469: {  	[tilespmem:s21], [sflag:$0x8] =	stream.linear.gather [hbm4b:s9+s6], $0x400, $0x38;
	[tilespmem:$0x12700] =	vst v63  }
0x46a: {  	s0 =	sadd.s32 $0xF4280, s9  }
0x46b: {  	[tilespmem:s22], [sflag:$0x8] =	stream.linear.gather [hbm4b:s0+s6], $0x400, $0x38;
	[tilespmem:$0x12700] =	vst v63  }
0x46c: {  	v26 =	vbroadcast v26, $0x8;
	s1 =	sadd.s32 $0x1E8500, s9  }
0x46d: {  	[tilespmem:s23], [sflag:$0x8] =	stream.linear.gather [hbm4b:s1+s6], $0x400, $0x38;
	[tilespmem:$0x12700] =	vst v63  }
0x46e: {  	v56 =	vshll.u32 v26, $0x3;
	s7 =	sadd.s32 $0x2DC780, s9  }
0x46f: {  	v26 =	vand.u32 $0x7F, v26;
	v31 =	vand.u32 $0xFFFFFC00, v56;
	[tilespmem:s10], [sflag:$0x8] =	stream.linear.gather [hbm4b:s7+s6], $0x400, $0x38;
	[tilespmem:$0x12700] =	vst v63  }
0x470: {  	v25 =	vbroadcast v25, $0x8;
	v26 =	vor.u32 v26, v31;
	_ =	swait.ge [sflag:s29], $0x1000  }
0x471: {  	v57 =	vbroadcast v21, $0x8;
	v31 =	vadd.s32 v3, v26;
	[sflag:s29] =	ssyncset.done $0x0  }
0x472: {  	v58 =	vshll.u32 v25, $0x3;
	v26 =	vadd.s32 v4, v26;
	[sflag:s29] =	ssyncadd.s32 $0xFFFFF000  }
0x473: {  	v25 =	vand.u32 $0x7F, v25;
	v59 =	vadd.s32 v1, v57;
	v43 =	vand.u32 $0xFFFFFC00, v58;
	_ =	swait.ge [sflag:s29], $0x1000  }
0x474: {  	v25 =	vor.u32 v25, v43;
	v34 =	vadd.s32 v5, v57;
	[sflag:s29] =	ssyncset.done $0x0  }
0x475: {  	v60 =	vbroadcast v22, $0x8;
	v43 =	vadd.s32 v3, v25;
	[sflag:s29] =	ssyncadd.s32 $0xFFFFF000  }
0x476: {  	v25 =	vadd.s32 v4, v25;
	v31 =	vld.idx.msk [tilespmem:v31+s15+$0x0], $0xffff  }
0x477: {  	v61 =	vadd.s32 v1, v60;
	v26 =	vld.idx.msk [tilespmem:v26+s15+$0x0], $0xffff  }
0x478: {  	v45 =	vadd.s32 v5, v60;
	v44 =	vld.idx.msk [tilespmem:v59+s13+$0x0], $0xffff  }
0x479: {  	v34 =	vld.idx.msk [tilespmem:v34+s13+$0x0], $0xffff  }
0x47a: {  	v43 =	vld.idx.msk [tilespmem:v43+s19+$0x0], $0xffff  }
0x47b: {  	v25 =	vld.idx.msk [tilespmem:v25+s19+$0x0], $0xffff  }
0x47c: {  	v46 =	vld.idx.msk [tilespmem:v61+s14+$0x0], $0xffff  }
0x47d: {  	v62 =	vbroadcast v23, $0x8;
	v45 =	vld.idx.msk [tilespmem:v45+s14+$0x0], $0xffff  }
0x47e: {  	v63 =	vbroadcast v24, $0x8  }
0x47f: {  	v47 =	vand.u32 $0x1, v62  }
0x480: {  	v48 =	vand.u32 $0x1, v63;
	vm12 =	veq.s32 v47, $0x1  }
0x481: {  	vm13 =	veq.s32 v48, $0x1;
	v31 =	vsel vm12, v31, v44  }
0x482: {  	v26 =	vsel vm12, v26, v34;
	v49 =	vsel vm13, v43, v46;
	v25 =	vsel vm13, v25, v45  }
0x483: {  	v31 =	vmul.f32 v49, v31;
	v25 =	vmul.f32 v25, v26  }
0x484: {  	v50 =	vbroadcast v27, $0x9  }
0x485: {  	v25 =	vadd.f32 v25, v31  }
0x486: {  	v27 =	vshll.u32 v50, $0x3  }
0x487: {  	v51 =	vand.u32 $0x7F, v50;
	v52 =	vand.u32 $0xFFFFFC00, v27;
	[tilespmem:$0x12680] =	vst v25  }
0x488: {  	v53 =	vbroadcast v28, $0x9;
	v25 =	vor.u32 v51, v52;
	_ =	swait.ge [sflag:s30], $0x1000  }
0x489: {  	v54 =	vbroadcast v21, $0x9;
	v26 =	vadd.s32 v3, v25;
	[sflag:s30] =	ssyncset.done $0x0  }
0x48a: {  	v55 =	vshll.u32 v53, $0x3;
	v25 =	vadd.s32 v4, v25;
	[sflag:s30] =	ssyncadd.s32 $0xFFFFF000  }
0x48b: {  	v27 =	vand.u32 $0x7F, v53;
	v56 =	vadd.s32 v1, v54;
	v31 =	vand.u32 $0xFFFFFC00, v55;
	_ =	swait.ge [sflag:s30], $0x1000  }
0x48c: {  	v28 =	vadd.s32 v5, v54;
	v27 =	vor.u32 v27, v31;
	[sflag:s30] =	ssyncset.done $0x0  }
0x48d: {  	v57 =	vbroadcast v22, $0x9;
	v31 =	vadd.s32 v3, v27;
	[sflag:s30] =	ssyncadd.s32 $0xFFFFF000  }
0x48e: {  	v27 =	vadd.s32 v4, v27;
	v26 =	vld.idx.msk [tilespmem:v26+s15+$0x0], $0xffff  }
0x48f: {  	v58 =	vadd.s32 v1, v57;
	v25 =	vld.idx.msk [tilespmem:v25+s15+$0x0], $0xffff  }
0x490: {  	v43 =	vadd.s32 v5, v57;
	v34 =	vld.idx.msk [tilespmem:v56+s13+$0x0], $0xffff  }
0x491: {  	v28 =	vld.idx.msk [tilespmem:v28+s13+$0x0], $0xffff  }
0x492: {  	v31 =	vld.idx.msk [tilespmem:v31+s19+$0x0], $0xffff  }
0x493: {  	v27 =	vld.idx.msk [tilespmem:v27+s19+$0x0], $0xffff  }
0x494: {  	v44 =	vld.idx.msk [tilespmem:v58+s14+$0x0], $0xffff  }
0x495: {  	v59 =	vbroadcast v23, $0x9;
	v43 =	vld.idx.msk [tilespmem:v43+s14+$0x0], $0xffff  }
0x496: {  	v60 =	vbroadcast v24, $0x9  }
0x497: {  	v45 =	vand.u32 $0x1, v59  }
0x498: {  	v61 =	vand.u32 $0x1, v60;
	vm14 =	veq.s32 v45, $0x1  }
0x499: {  	vm15 =	veq.s32 v61, $0x1;
	v26 =	vsel vm14, v26, v34  }
0x49a: {  	v25 =	vsel vm14, v25, v28;
	v62 =	vsel vm15, v31, v44;
	v27 =	vsel vm15, v27, v43  }
0x49b: {  	v26 =	vmul.f32 v62, v26;
	v25 =	vmul.f32 v27, v25  }
0x49c: {  	v63 =	vbroadcast v29, $0xA  }
0x49d: {  	v25 =	vadd.f32 v25, v26  }
0x49e: {  	v29 =	vshll.u32 v63, $0x3  }
0x49f: {  	v31 =	vand.u32 $0x7F, v63;
	v26 =	vand.u32 $0xFFFFFC00, v29;
	[tilespmem:$0x12690] =	vst v25  }
0x4a0: {  	v34 =	vbroadcast v30, $0xA;
	v25 =	vor.u32 v31, v26;
	_ =	swait.ge [sflag:s31], $0x1000  }
0x4a1: {  	v43 =	vbroadcast v21, $0xA;
	v26 =	vadd.s32 v3, v25;
	[sflag:s31] =	ssyncset.done $0x0  }
0x4a2: {  	v44 =	vshll.u32 v34, $0x3;
	v25 =	vadd.s32 v4, v25;
	[sflag:s31] =	ssyncadd.s32 $0xFFFFF000  }
0x4a3: {  	v45 =	vadd.s32 v1, v43;
	v27 =	vand.u32 $0x7F, v34;
	v29 =	vand.u32 $0xFFFFFC00, v44;
	_ =	swait.ge [sflag:s31], $0x1000  }
0x4a4: {  	v28 =	vadd.s32 v5, v43;
	v27 =	vor.u32 v27, v29;
	[sflag:s31] =	ssyncset.done $0x0  }
0x4a5: {  	v46 =	vbroadcast v22, $0xA;
	v29 =	vadd.s32 v3, v27;
	[sflag:s31] =	ssyncadd.s32 $0xFFFFF000  }
0x4a6: {  	v27 =	vadd.s32 v4, v27;
	v26 =	vld.idx.msk [tilespmem:v26+s15+$0x0], $0xffff  }
0x4a7: {  	v47 =	vadd.s32 v1, v46;
	v25 =	vld.idx.msk [tilespmem:v25+s15+$0x0], $0xffff  }
0x4a8: {  	v31 =	vadd.s32 v5, v46;
	v30 =	vld.idx.msk [tilespmem:v45+s13+$0x0], $0xffff  }
0x4a9: {  	v28 =	vld.idx.msk [tilespmem:v28+s13+$0x0], $0xffff  }
0x4aa: {  	v29 =	vld.idx.msk [tilespmem:v29+s19+$0x0], $0xffff  }
0x4ab: {  	v27 =	vld.idx.msk [tilespmem:v27+s19+$0x0], $0xffff  }
0x4ac: {  	v34 =	vld.idx.msk [tilespmem:v47+s14+$0x0], $0xffff  }
0x4ad: {  	v48 =	vbroadcast v23, $0xA;
	v31 =	vld.idx.msk [tilespmem:v31+s14+$0x0], $0xffff  }
0x4ae: {  	v49 =	vbroadcast v24, $0xA  }
0x4af: {  	v43 =	vand.u32 $0x1, v48  }
0x4b0: {  	v50 =	vand.u32 $0x1, v49;
	vm6 =	veq.s32 v43, $0x1  }
0x4b1: {  	vm7 =	veq.s32 v50, $0x1;
	v26 =	vsel vm6, v26, v30  }
0x4b2: {  	v25 =	vsel vm6, v25, v28;
	v51 =	vsel vm7, v29, v34;
	v27 =	vsel vm7, v27, v31  }
0x4b3: {  	v26 =	vmul.f32 v51, v26;
	v25 =	vmul.f32 v27, v25  }
0x4b4: {  	v52 =	vbroadcast v32, $0xB  }
0x4b5: {  	v25 =	vadd.f32 v25, v26  }
0x4b6: {  	v53 =	vshll.u32 v52, $0x3  }
0x4b7: {  	v54 =	vand.u32 $0x7F, v52;
	v26 =	vand.u32 $0xFFFFFC00, v53;
	[tilespmem:$0x126A0] =	vst v25  }
0x4b8: {  	v55 =	vbroadcast v33, $0xB;
	v25 =	vor.u32 v54, v26;
	_ =	swait.ge [sflag:s26], $0x1000  }
0x4b9: {  	v56 =	vbroadcast v21, $0xB;
	v26 =	vadd.s32 v3, v25;
	[sflag:s26] =	ssyncset.done $0x0  }
0x4ba: {  	v57 =	vshll.u32 v55, $0x3;
	v25 =	vadd.s32 v4, v25;
	[sflag:s26] =	ssyncadd.s32 $0xFFFFF000  }
0x4bb: {  	v58 =	vadd.s32 v1, v56;
	v29 =	vand.u32 $0xFFFFFC00, v57;
	v27 =	vand.u32 $0x7F, v55;
	_ =	swait.ge [sflag:s26], $0x1000  }
0x4bc: {  	v28 =	vadd.s32 v5, v56;
	v27 =	vor.u32 v27, v29;
	[sflag:s26] =	ssyncset.done $0x0  }
0x4bd: {  	v59 =	vbroadcast v22, $0xB;
	v29 =	vadd.s32 v3, v27;
	[sflag:s26] =	ssyncadd.s32 $0xFFFFF000  }
0x4be: {  	v27 =	vadd.s32 v4, v27;
	v26 =	vld.idx.msk [tilespmem:v26+s15+$0x0], $0xffff  }
0x4bf: {  	v60 =	vadd.s32 v1, v59;
	v25 =	vld.idx.msk [tilespmem:v25+s15+$0x0], $0xffff  }
0x4c0: {  	v31 =	vadd.s32 v5, v59;
	v30 =	vld.idx.msk [tilespmem:v58+s13+$0x0], $0xffff  }
0x4c1: {  	v28 =	vld.idx.msk [tilespmem:v28+s13+$0x0], $0xffff  }
0x4c2: {  	v29 =	vld.idx.msk [tilespmem:v29+s19+$0x0], $0xffff  }
0x4c3: {  	v27 =	vld.idx.msk [tilespmem:v27+s19+$0x0], $0xffff  }
0x4c4: {  	v32 =	vld.idx.msk [tilespmem:v60+s14+$0x0], $0xffff  }
0x4c5: {  	v61 =	vbroadcast v23, $0xB;
	v31 =	vld.idx.msk [tilespmem:v31+s14+$0x0], $0xffff  }
0x4c6: {  	v62 =	vbroadcast v24, $0xB  }
0x4c7: {  	v33 =	vand.u32 $0x1, v61  }
0x4c8: {  	vm8 =	veq.s32 v33, $0x1;
	v63 =	vand.u32 $0x1, v62  }
0x4c9: {  	vm9 =	veq.s32 v63, $0x1;
	v26 =	vsel vm8, v26, v30  }
0x4ca: {  	v25 =	vsel vm8, v25, v28;
	v32 =	vsel vm9, v29, v32;
	v27 =	vsel vm9, v27, v31  }
0x4cb: {  	v26 =	vmul.f32 v32, v26;
	v25 =	vmul.f32 v27, v25  }
0x4cc: {  	v33 =	vbroadcast v35, $0xC  }
0x4cd: {  	v25 =	vadd.f32 v25, v26  }
0x4ce: {  	v34 =	vshll.u32 v33, $0x3  }
0x4cf: {  	v35 =	vand.u32 $0x7F, v33;
	v26 =	vand.u32 $0xFFFFFC00, v34;
	[tilespmem:$0x126B0] =	vst v25  }
0x4d0: {  	v36 =	vbroadcast v36, $0xC;
	v25 =	vor.u32 v35, v26;
	_ =	swait.ge [sflag:s28], $0x1000  }
0x4d1: {  	v43 =	vbroadcast v21, $0xC;
	v26 =	vadd.s32 v3, v25;
	[sflag:s28] =	ssyncset.done $0x0  }
0x4d2: {  	v44 =	vshll.u32 v36, $0x3;
	v25 =	vadd.s32 v4, v25;
	[sflag:s28] =	ssyncadd.s32 $0xFFFFF000  }
0x4d3: {  	v45 =	vadd.s32 v1, v43;
	v29 =	vand.u32 $0xFFFFFC00, v44;
	v27 =	vand.u32 $0x7F, v36;
	_ =	swait.ge [sflag:s28], $0x1000  }
0x4d4: {  	v28 =	vadd.s32 v5, v43;
	v27 =	vor.u32 v27, v29;
	[sflag:s28] =	ssyncset.done $0x0  }
0x4d5: {  	v46 =	vbroadcast v22, $0xC;
	v29 =	vadd.s32 v3, v27;
	[sflag:s28] =	ssyncadd.s32 $0xFFFFF000  }
0x4d6: {  	v27 =	vadd.s32 v4, v27;
	v26 =	vld.idx.msk [tilespmem:v26+s15+$0x0], $0xffff  }
0x4d7: {  	v47 =	vadd.s32 v1, v46;
	v25 =	vld.idx.msk [tilespmem:v25+s15+$0x0], $0xffff  }
0x4d8: {  	v31 =	vadd.s32 v5, v46;
	v30 =	vld.idx.msk [tilespmem:v45+s13+$0x0], $0xffff  }
0x4d9: {  	v28 =	vld.idx.msk [tilespmem:v28+s13+$0x0], $0xffff  }
0x4da: {  	v29 =	vld.idx.msk [tilespmem:v29+s19+$0x0], $0xffff  }
0x4db: {  	v27 =	vld.idx.msk [tilespmem:v27+s19+$0x0], $0xffff  }
0x4dc: {  	v32 =	vld.idx.msk [tilespmem:v47+s14+$0x0], $0xffff  }
0x4dd: {  	v48 =	vbroadcast v23, $0xC;
	v31 =	vld.idx.msk [tilespmem:v31+s14+$0x0], $0xffff  }
0x4de: {  	v49 =	vbroadcast v24, $0xC  }
0x4df: {  	v33 =	vand.u32 $0x1, v48  }
0x4e0: {  	v50 =	vand.u32 $0x1, v49;
	vm10 =	veq.s32 v33, $0x1  }
0x4e1: {  	vm11 =	veq.s32 v50, $0x1;
	v26 =	vsel vm10, v26, v30  }
0x4e2: {  	v25 =	vsel vm10, v25, v28;
	v51 =	vsel vm11, v29, v32;
	v27 =	vsel vm11, v27, v31  }
0x4e3: {  	v26 =	vmul.f32 v51, v26;
	v25 =	vmul.f32 v27, v25  }
0x4e4: {  	v52 =	vbroadcast v37, $0xD  }
0x4e5: {  	v25 =	vadd.f32 v25, v26  }
0x4e6: {  	v53 =	vshll.u32 v52, $0x3  }
0x4e7: {  	v54 =	vand.u32 $0x7F, v52;
	v26 =	vand.u32 $0xFFFFFC00, v53;
	[tilespmem:$0x126C0] =	vst v25  }
0x4e8: {  	v55 =	vbroadcast v38, $0xD;
	v25 =	vor.u32 v54, v26;
	_ =	swait.ge [sflag:s3], $0x1000  }
0x4e9: {  	v56 =	vbroadcast v21, $0xD;
	v26 =	vadd.s32 v3, v25;
	[sflag:s3] =	ssyncset.done $0x0  }
0x4ea: {  	v57 =	vshll.u32 v55, $0x3;
	v25 =	vadd.s32 v4, v25;
	[sflag:s3] =	ssyncadd.s32 $0xFFFFF000  }
0x4eb: {  	v58 =	vadd.s32 v1, v56;
	v29 =	vand.u32 $0xFFFFFC00, v57;
	v27 =	vand.u32 $0x7F, v55;
	_ =	swait.ge [sflag:s3], $0x1000  }
0x4ec: {  	v28 =	vadd.s32 v5, v56;
	v27 =	vor.u32 v27, v29;
	[sflag:s3] =	ssyncset.done $0x0  }
0x4ed: {  	v59 =	vbroadcast v22, $0xD;
	v29 =	vadd.s32 v3, v27;
	[sflag:s3] =	ssyncadd.s32 $0xFFFFF000  }
0x4ee: {  	v27 =	vadd.s32 v4, v27;
	v26 =	vld.idx.msk [tilespmem:v26+s15+$0x0], $0xffff  }
0x4ef: {  	v60 =	vadd.s32 v1, v59;
	v25 =	vld.idx.msk [tilespmem:v25+s15+$0x0], $0xffff  }
0x4f0: {  	v31 =	vadd.s32 v5, v59;
	v30 =	vld.idx.msk [tilespmem:v58+s13+$0x0], $0xffff  }
0x4f1: {  	v28 =	vld.idx.msk [tilespmem:v28+s13+$0x0], $0xffff  }
0x4f2: {  	v29 =	vld.idx.msk [tilespmem:v29+s19+$0x0], $0xffff  }
0x4f3: {  	v27 =	vld.idx.msk [tilespmem:v27+s19+$0x0], $0xffff  }
0x4f4: {  	v32 =	vld.idx.msk [tilespmem:v60+s14+$0x0], $0xffff  }
0x4f5: {  	v61 =	vbroadcast v23, $0xD;
	v31 =	vld.idx.msk [tilespmem:v31+s14+$0x0], $0xffff  }
0x4f6: {  	v62 =	vbroadcast v24, $0xD  }
0x4f7: {  	v33 =	vand.u32 $0x1, v61  }
0x4f8: {  	v63 =	vand.u32 $0x1, v62;
	vm12 =	veq.s32 v33, $0x1  }
0x4f9: {  	vm13 =	veq.s32 v63, $0x1;
	v26 =	vsel vm12, v26, v30  }
0x4fa: {  	v25 =	vsel vm12, v25, v28;
	v36 =	vsel vm13, v29, v32;
	v27 =	vsel vm13, v27, v31  }
0x4fb: {  	v26 =	vmul.f32 v36, v26;
	v25 =	vmul.f32 v27, v25  }
0x4fc: {  	v37 =	vbroadcast v39, $0xE  }
0x4fd: {  	v25 =	vadd.f32 v25, v26  }
0x4fe: {  	v38 =	vshll.u32 v37, $0x3  }
0x4ff: {  	v39 =	vand.u32 $0x7F, v37;
	v26 =	vand.u32 $0xFFFFFC00, v38;
	[tilespmem:$0x126D0] =	vst v25  }
0x500: {  	v40 =	vbroadcast v40, $0xE;
	v25 =	vor.u32 v39, v26;
	_ =	swait.ge [sflag:s4], $0x1000  }
0x501: {  	v43 =	vbroadcast v21, $0xE;
	v26 =	vadd.s32 v3, v25;
	[sflag:s4] =	ssyncset.done $0x0  }
0x502: {  	v44 =	vshll.u32 v40, $0x3;
	v25 =	vadd.s32 v4, v25;
	[sflag:s4] =	ssyncadd.s32 $0xFFFFF000  }
0x503: {  	v45 =	vadd.s32 v1, v43;
	v29 =	vand.u32 $0xFFFFFC00, v44;
	v27 =	vand.u32 $0x7F, v40;
	_ =	swait.ge [sflag:s4], $0x1000  }
0x504: {  	v28 =	vadd.s32 v5, v43;
	v27 =	vor.u32 v27, v29;
	[sflag:s4] =	ssyncset.done $0x0  }
0x505: {  	v46 =	vbroadcast v22, $0xE;
	v29 =	vadd.s32 v3, v27;
	[sflag:s4] =	ssyncadd.s32 $0xFFFFF000  }
0x506: {  	v27 =	vadd.s32 v4, v27;
	v26 =	vld.idx.msk [tilespmem:v26+s15+$0x0], $0xffff  }
0x507: {  	v47 =	vadd.s32 v1, v46;
	v25 =	vld.idx.msk [tilespmem:v25+s15+$0x0], $0xffff  }
0x508: {  	v31 =	vadd.s32 v5, v46;
	v30 =	vld.idx.msk [tilespmem:v45+s13+$0x0], $0xffff  }
0x509: {  	v28 =	vld.idx.msk [tilespmem:v28+s13+$0x0], $0xffff  }
0x50a: {  	v29 =	vld.idx.msk [tilespmem:v29+s19+$0x0], $0xffff  }
0x50b: {  	v27 =	vld.idx.msk [tilespmem:v27+s19+$0x0], $0xffff  }
0x50c: {  	v32 =	vld.idx.msk [tilespmem:v47+s14+$0x0], $0xffff  }
0x50d: {  	v23 =	vbroadcast v23, $0xE;
	v31 =	vld.idx.msk [tilespmem:v31+s14+$0x0], $0xffff  }
0x50e: {  	v24 =	vbroadcast v24, $0xE  }
0x50f: {  	v23 =	vand.u32 $0x1, v23  }
0x510: {  	vm14 =	veq.s32 v23, $0x1;
	v23 =	vand.u32 $0x1, v24  }
0x511: {  	vm15 =	veq.s32 v23, $0x1;
	v48 =	vsel vm14, v26, v30  }
0x512: {  	v23 =	vsel vm14, v25, v28;
	v49 =	vsel vm15, v29, v32;
	v50 =	vsel vm15, v27, v31  }
0x513: {  	v24 =	vmul.f32 v49, v48;
	v23 =	vmul.f32 v50, v23;
	_ =	sdelay $0x1  }
0x514: {  	v23 =	vadd.f32 v23, v24;
	_ =	sdelay $0x1  }
0x515: {  	[tilespmem:$0x126E0] =	vst v23  }
0x516: {  	_ =	swait.ge [sflag:s5], $0x1000  }
0x517: {  	[sflag:s5] =	ssyncset.done $0x0  }
0x518: {  	[sflag:s5] =	ssyncadd.s32 $0xFFFFF000  }
0x519: {  	v21 =	vbroadcast v21, $0xF;
	v53 =	vsel vm1, $0x1, v0;
	_ =	swait.ge [sflag:s5], $0x1000  }
0x51a: {  	v54 =	vsel vm0, $0x1, v0;
	v23 =	vbroadcast v41, $0xF;
	(v2sf) =	vpush v53, $0xF  }
0x51b: {  	v22 =	vbroadcast v22, $0xF;
	v57 =	vadd.s32 v1, v21;
	(v2sf) =	vpush v54, $0xF  }
0x51c: {  	v21 =	vadd.s32 v5, v21;
	v51 =	vbroadcast v42, $0xF;
	v52 =	vshll.u32 v23, $0x3  }
0x51d: {  	v58 =	vadd.s32 v1, v22;
	v23 =	vand.u32 $0x7F, v23;
	v25 =	vand.u32 $0xFFFFFC00, v52  }
0x51e: {  	v56 =	vshll.u32 v51, $0x3;
	v22 =	vadd.s32 v5, v22;
	v23 =	vor.u32 v23, v25;
	[sflag:s5] =	ssyncset.done $0x0  }
0x51f: {  	v24 =	vand.u32 $0x7F, v51;
	v25 =	vand.u32 $0xFFFFFC00, v56;
	v55 =	vadd.s32 v3, v23;
	[sflag:s5] =	ssyncadd.s32 $0xFFFFF000  }
0x520: {  	v23 =	vadd.s32 v4, v23;
	v24 =	vor.u32 v24, v25;
	v27 =	vld.idx.msk [tilespmem:v57+s13+$0x0], $0xffff  }
0x521: {  	v25 =	vadd.s32 v3, v24;
	v21 =	vld.idx.msk [tilespmem:v21+s13+$0x0], $0xffff  }
0x522: {  	v24 =	vadd.s32 v4, v24;
	v28 =	vld.idx.msk [tilespmem:v58+s14+$0x0], $0xffff  }
0x523: {  	v22 =	vld.idx.msk [tilespmem:v22+s14+$0x0], $0xffff  }
0x524: {  	v26 =	vld.idx.msk [tilespmem:v55+s15+$0x0], $0xffff  }
0x525: {  	v23 =	vld.idx.msk [tilespmem:v23+s15+$0x0], $0xffff  }
0x526: {  	v25 =	vld.idx.msk [tilespmem:v25+s19+$0x0], $0xffff  }
0x527: {  	v24 =	vld.idx.msk [tilespmem:v24+s19+$0x0], $0xffff;
	_ =	sdelay $0x1  }
0x528: {  	s8 =	spop (v2sf)  }
0x529: {  	p0 =	sne.s32 s8, $0x0;
	s9 =	spop (v2sf)  }
0x52a: {  	p1 =	sne.s32 s9, $0x0;
	v26 =	vpsel p0, v27, v26  }
0x52b: {  	v21 =	vpsel p0, v21, v23;
	v23 =	vpsel p1, v28, v25;
	v22 =	vpsel p1, v22, v24  }
0x52c: {  	v23 =	vmul.f32 v23, v26;
	v21 =	vmul.f32 v22, v21;
	_ =	sdelay $0x1  }
0x52d: {  	v21 =	vadd.f32 v21, v23;
	_ =	sdelay $0x1  }
0x52e: {  	[tilespmem:$0x126F0] =	vst v21  }
0x52f: {  	v21 =	vld.idx.msk [tilespmem:v2+s12+$0x0], $0xffff;
	_ =	sdelay $0x1  }
0x530: {  	v22 =	vld.idx.msk [tilespmem:v6+s12+$0x0], $0xffff;
	_ =	sdelay $0x1  }
0x531: {  	v23 =	vld.idx.msk [tilespmem:v7+s12+$0x0], $0xffff  }
0x532: {  	v21 =	vadd.f32 $0.0e+00, v21  }
0x533: {  	v59 =	vld.idx.msk [tilespmem:v8+s12+$0x0], $0xffff  }
0x534: {  	v21 =	vadd.f32 v22, v21  }
0x535: {  	v22 =	vld.idx.msk [tilespmem:v9+s12+$0x0], $0xffff  }
0x536: {  	v21 =	vadd.f32 v23, v21  }
0x537: {  	v23 =	vld.idx.msk [tilespmem:v10+s12+$0x0], $0xffff  }
0x538: {  	v21 =	vadd.f32 v59, v21  }
0x539: {  	v60 =	vld.idx.msk [tilespmem:v11+s12+$0x0], $0xffff  }
0x53a: {  	v21 =	vadd.f32 v22, v21  }
0x53b: {  	v22 =	vld.idx.msk [tilespmem:v12+s12+$0x0], $0xffff  }
0x53c: {  	v21 =	vadd.f32 v23, v21  }
0x53d: {  	v23 =	vld.idx.msk [tilespmem:v13+s12+$0x0], $0xffff  }
0x53e: {  	v21 =	vadd.f32 v60, v21  }
0x53f: {  	v61 =	vld.idx.msk [tilespmem:v14+s12+$0x0], $0xffff  }
0x540: {  	v21 =	vadd.f32 v22, v21  }
0x541: {  	v22 =	vld.idx.msk [tilespmem:v15+s12+$0x0], $0xffff  }
0x542: {  	v21 =	vadd.f32 v23, v21  }
0x543: {  	v23 =	vld.idx.msk [tilespmem:v16+s12+$0x0], $0xffff  }
0x544: {  	v21 =	vadd.f32 v61, v21  }
0x545: {  	v62 =	vld.idx.msk [tilespmem:v17+s12+$0x0], $0xffff  }
0x546: {  	v21 =	vadd.f32 v22, v21  }
0x547: {  	v22 =	vld.idx.msk [tilespmem:v18+s12+$0x0], $0xffff  }
0x548: {  	v21 =	vadd.f32 v23, v21  }
0x549: {  	v23 =	vld.idx.msk [tilespmem:v19+s12+$0x0], $0xffff  }
0x54a: {  	v21 =	vadd.f32 v62, v21  }
0x54b: {  	v63 =	vld.idx.msk [tilespmem:v20+s12+$0x0], $0xffff  }
0x54c: {  	v21 =	vadd.f32 v22, v21;
	_ =	sdelay $0x1  }
0x54d: {  	v21 =	vadd.f32 v23, v21;
	_ =	sdelay $0x1  }
0x54e: {  	v21 =	vadd.f32 v63, v21;
	_ =	sdelay $0x1  }
0x54f: {  	s7 =	simm.s32 $0x12400;
	s0 =	rddreg [dreg:$0xa];
	[tilespmem:$0x125F0] =	vst v21  }
0x550: {  	[hbm4b:s0+s6] =	stream.linear.scatter [tilespmem:s7], [sflag:$0x9], $0x200, $0x38;
	[tilespmem:$0x12700] =	vst v63  }
0x551: {  	s7 =	simm.s32 $0x9  }
0x552: {  	_ =	swait.ge [sflag:s7], $0x200  }
0x553: {  	s8 =	rddreg [dreg:$0xc]  }
0x554: {  	s9 =	rddreg [dreg:$0xb];
	s0 =	sadd.s32 $0x1, s8  }
0x555: {  	p0 =	sne.s32 s0, s9  }
.Ltmp1:
0x556: {  	_ = 	snop;
	(pc) =	sbr.rel @p0 .LBB2_1-.Ltmp1, $3  }
0x557: {  	_ =	sdelay $0x1  }
0x558: {  	[sflag:s7] =	ssyncset.done $0x0  }
0x559: {  	[sflag:s7] =	ssyncadd.s32 $0xFFFFFE00  }
0x55a: {  	_ =	sfence.sel $0x180000  }
0x55b: {  	[bflag:$0x0] =	sbarrier.arrive $0xFFFF  }
0x55c: {  	_ =	strace $0x90000047  }
0x55d: {  	s0 =	stileid.u32;
	[bflag:$0x2] =	sbarrier.arrive $0xFFFF  }
0x55e: {  	p0 =	sne.s32 s0, $0x0;
	s0 =	rddreg [dreg:$0x7]  }
0x55f: {  	s0 =	sadd.s32 @!p0 $0x100000, s0  }
0x560: {  	[sflag:s0] =	ssyncadd.tile.s32 @!p0 $0x1;
	_ =	shalt  }
.Lfunc_end2:
_tile_overlayer_lowered:
.L_overlay_start_2:
0x561: {  	(tag) =	ssettag $0x2  }
0x562: {  	s0 =	rddreg [dreg:$0x0];
	s2 =	stileid.u32  }
0x563: {  	s1 =	rddreg [dreg:$0x1];
	p0 =	sne.s32 s2, $0x0  }
0x564: {  	s3 =	rddreg [dreg:$0x2];
	[bflag:$0x3] =	sbarrier.arrive $0xFFFF;
	s2 =	simm.s32 @!p0 $0x1C09  }
0x565: {  	[timem:s3], [sflag:s2] =	dma.local @!p0 [hbm:s0], s1  }
0x566: {  	s0 =	simm.s32 @!p0 $0x9  }
0x567: {  	_ =	swait.ge @!p0 [sflag:s0], s1  }
0x568: {  	s1 =	ssub.s32 @!p0 $0x0, s1;
	[sflag:s0] =	ssyncset.done @!p0 $0x0  }
0x569: {  	[sflag:s0] =	ssyncadd.s32 @!p0 s1  }
0x56a: {  	[bflag:$0x3] =	sbarrier.arrive $0xFFFF  }
0x56b: {  	_ =	shalt  }

</sc_bundles>
